<compile_context>
chip_gen: v7x
topology: tpu7x:2x2x1
jax: 0.10.2.dev20260603
libtpu: 0.0.44.dev20260713+nightly
codegen_flags: <defaults>
</compile_context>

<pallas_src>
import jax
import jax.numpy as jnp
from jax import lax
from jax.experimental import pallas as pl
from jax.experimental.pallas import tpu as pltpu
from jax.experimental.pallas import tpu_sc as plsc

_NUM_PRE = 100000
_EMBED_DIM = 64
_BATCH = 16384

_L = 16
_NC, _NS = 2, 16
_NW = _NC * _NS
_BW = 128
_NBLK1 = (_NUM_PRE + _BW - 1) // _BW
_PARTIAL_W = _NUM_PRE - (_NBLK1 - 1) * _BW
_NBLK = 2 * _NBLK1
_BPW = (_NBLK + _NW - 1) // _NW
_NVR = _BATCH // _L
_RING = 8
_DEPTH = 8
_OUTW = 128


def _body(idx_hbm, w_pre_hbm, w_new_hbm, out_hbm,
          idxs, pk, hist, off, bbuf, stage, posr,
          sem_blk, sem_sc):
    s_pk = idxs
    wid = lax.axis_index("s") * _NC + lax.axis_index("c")
    b0 = wid * _BPW
    b1 = jnp.minimum(b0 + _BPW, _NBLK)
    nb = b1 - b0
    dump = _BATCH + wid
    lane = lax.iota(jnp.int32, _L)
    ones = jnp.ones((_L,), jnp.int32)

    def _fire(b, buf):
        is_new = b >= _NBLK1
        bt = jnp.where(is_new, b - _NBLK1, b)
        col = bt * _BW

        def full_pre():
            pltpu.async_copy(w_pre_hbm.at[:, pl.ds(col, _BW)],
                             bbuf.at[buf], sem_blk.at[buf])
        def full_new():
            pltpu.async_copy(w_new_hbm.at[:, pl.ds(col, _BW)],
                             bbuf.at[buf], sem_blk.at[buf])

        lax.cond(is_new, full_new, full_pre)

    def _wait_block(buf):
        pltpu.make_async_copy(w_pre_hbm.at[:, pl.ds(0, _BW)],
                              bbuf.at[0], sem_blk.at[buf]).wait()

    for k in range(_DEPTH):
        @pl.when(k < nb)
        def _():
            _fire(b0 + k, k)

    pltpu.sync_copy(idx_hbm, idxs)

    for i in range(4):
        hist[pl.ds(i * _L, _L)] = jnp.zeros((_L,), jnp.int32)

    def scanA(r2, o_vec):
        for u in range(2):
            r = r2 * 2 + u
            v = idxs[pl.ds(r * _L, _L)]
            m_pre = v < _NUM_PRE
            vloc = jnp.where(m_pre, v, v - _NUM_PRE)
            blk = jnp.where(m_pre, 0, _NBLK1) + (vloc >> 7)
            mine = jnp.logical_and(blk >= b0, blk < b1)
            brel = jnp.where(mine, blk - b0, 0)
            packed = ((brel << 21) | ((vloc & (_BW - 1)) << 14)
                      | (r * _L + lane))
            mi = jnp.where(mine, 1, 0).astype(jnp.int32)
            slots = o_vec + plsc.cumsum(mi) - mi
            plsc.store_scatter(pk, [slots], packed, mask=mine)
            plsc.addupdate_scatter(hist, [brel], ones, mask=mine)
            o_vec = o_vec + plsc.all_reduce_population_count(mine)
        return o_vec
    o_vec = lax.fori_loop(0, _NVR // 2, scanA, jnp.zeros((_L,), jnp.int32))
    n_mine = jnp.sum(o_vec) // _L

    carry = jnp.int32(0)
    for i in range(4):
        h = hist[pl.ds(i * _L, _L)]
        off[pl.ds(i * _L, _L)] = plsc.cumsum(h) - h + carry
        carry = carry + jnp.sum(h)

    def scanB(g, _):
        valid = g * _L + lane < n_mine
        p = pk[pl.ds(g * _L, _L)]
        brel = jnp.where(valid, lax.shift_right_logical(p, 21), 0)
        occ, _last = plsc.scan_count(brel, mask=valid)
        gofs = plsc.load_gather(off, [brel], mask=valid)
        slot = gofs + occ - 1
        plsc.store_scatter(s_pk, [slot], p, mask=valid)
        plsc.addupdate_scatter(off, [brel], ones, mask=valid)
        return 0
    lax.fori_loop(0, (n_mine + _L - 1) // _L, scanB, 0)

    def bloop(j, carry):
        start, gc = carry
        buf = lax.rem(j, _DEPTH)
        _wait_block(buf)

        jvec = jnp.full((_L,), j, jnp.int32)
        cnt = jnp.max(plsc.load_gather(hist, [jvec]))

        def gloop(g, gc):
            s0 = start + g * _L
            p = s_pk[pl.ds(s0, _L)]
            valid = g * _L + lane < cnt
            vi = jnp.where(valid,
                           lax.shift_right_logical(p, 14) & (_BW - 1), 0)
            pos = jnp.where(valid, p & (_BATCH - 1), dump)
            rs = gc & (_RING - 1)

            @pl.when(gc >= _RING)
            def _():
                pltpu.make_async_copy(stage.at[0],
                                      out_hbm.at[posr.at[0]],
                                      sem_sc.at[rs]).wait()

            bvec = jnp.full((_L,), buf, jnp.int32)
            rvec = jnp.full((_L,), rs, jnp.int32)
            for c in range(_EMBED_DIM):
                cvec = jnp.full((_L,), c, jnp.int32)
                x = plsc.load_gather(bbuf, [bvec, cvec, vi])
                plsc.store_scatter(stage, [rvec, lane, cvec], x)
            plsc.store_scatter(posr, [rvec, lane], pos)
            pltpu.async_copy(stage.at[rs], out_hbm.at[posr.at[rs]],
                             sem_sc.at[rs])
            return gc + 1

        n_g = (cnt + _L - 1) // _L
        gc = lax.fori_loop(0, n_g, gloop, gc)

        @pl.when(j + _DEPTH < nb)
        def _():
            _fire(b0 + j + _DEPTH, buf)
        return start + cnt, gc

    _, gc_end = lax.fori_loop(0, nb, bloop, (jnp.int32(0), jnp.int32(0)))

    def drain(k, _):
        @pl.when(k < jnp.minimum(gc_end, _RING))
        def _():
            pltpu.make_async_copy(stage.at[0], out_hbm.at[posr.at[0]],
                                  sem_sc.at[k]).wait()
        return 0
    lax.fori_loop(0, _RING, drain, 0)


@jax.jit
def _combined_lookup(indices, w_pre, w_new):
    run = pl.kernel(
        _body,
        out_type=jax.ShapeDtypeStruct((_BATCH + _NW, _OUTW), jnp.float32),
        mesh=plsc.VectorSubcoreMesh(core_axis_name="c", subcore_axis_name="s",
                                    num_cores=_NC, num_subcores=_NS),
        scratch_types=[
            pltpu.VMEM((_BATCH,), jnp.int32),
            pltpu.VMEM((_BATCH,), jnp.int32),
            pltpu.VMEM((64,), jnp.int32),
            pltpu.VMEM((64,), jnp.int32),
            pltpu.VMEM((_DEPTH, _EMBED_DIM, _BW), jnp.float32),
            pltpu.VMEM((_RING, _L, _OUTW), jnp.float32),
            pltpu.VMEM((_RING, _L), jnp.int32),
            pltpu.SemaphoreType.DMA((_DEPTH,)),
            pltpu.SemaphoreType.DMA((_RING,)),
        ],
        compiler_params=pltpu.CompilerParams(use_tc_tiling_on_sc=True,
                                             needs_layout_passes=False),
    )
    return run(indices, w_pre.T, w_new.T)


def kernel(indices, W_pre, W_new):
    out = _combined_lookup(indices.astype(jnp.int32), W_pre, W_new)
    return out[:_BATCH, :_EMBED_DIM]

# --- scband reference (transcript-rebuilt; emitter-appended) ---
"""Pipeline reference for scband-combined-embedding-69526930588071 (READ-ONLY COPY).

The authoritative reference and input builder live on the scoring server;
editing this copy changes nothing except your own understanding.
"""

import jax, jax.numpy as jnp
import numpy as np

NUM_PRE = 100000
NUM_NEW = 100000
EMBED_DIM = 64
BATCH = 16384


def setup_inputs(seed: int = 0) -> dict:
    key = jax.random.key(seed)
    k1, k2, k3 = jax.random.split(key, 3)
    indices = jax.random.randint(k1, (BATCH,), 0, NUM_PRE + NUM_NEW)
    W_pre = jax.random.normal(k2, (NUM_PRE, EMBED_DIM), dtype=jnp.float32)
    W_new = jax.random.normal(k3, (NUM_NEW, EMBED_DIM), dtype=jnp.float32)
    return {"indices": indices, "W_pre": W_pre, "W_new": W_new}


def reference(indices, W_pre, W_new):
    pivot = W_pre.shape[0]
    # branch 1: pretrained table, masked to indices < pivot
    mask_lo = (indices < pivot).astype(jnp.float32)
    idx_lo = jnp.clip(indices, 0, pivot - 1)
    out_lo = jnp.take(W_pre, idx_lo, axis=0) * mask_lo[:, None]
    # branch 2: trainable table, masked to indices >= pivot
    mask_hi = (indices >= pivot).astype(jnp.float32)
    idx_hi = jnp.maximum(indices, pivot) - pivot
    out_hi = jnp.take(W_new, idx_hi, axis=0) * mask_hi[:, None]
    return out_lo + out_hi

if __name__ == "__main__":
    import jax
    _d = setup_inputs()
    print(jax.jit(kernel)(*tuple(_d.values())))

</pallas_src>

<mosaic_0001>
#map = affine_map<(d0, d1) -> (0)>
#map1 = affine_map<(d0, d1) -> (0, 0)>
module attributes {stable_mosaic.version = 14 : i64} {
  func.func @_body(%arg0: i32, %arg1: i32, %arg2: memref<16384xi32, #tpu.memory_space<hbm>>, %arg3: memref<64x100000xf32, #tpu.memory_space<hbm>>, %arg4: memref<64x100000xf32, #tpu.memory_space<hbm>>, %arg5: memref<16416x128xf32, #tpu.memory_space<hbm>>, %arg6: memref<16384xi32, #tpu.memory_space<vmem>>, %arg7: memref<16384xi32, #tpu.memory_space<vmem>>, %arg8: memref<64xi32, #tpu.memory_space<vmem>>, %arg9: memref<64xi32, #tpu.memory_space<vmem>>, %arg10: memref<8x64x128xf32, #tpu.memory_space<vmem>>, %arg11: memref<8x16x128xf32, #tpu.memory_space<vmem>>, %arg12: memref<8x16xi32, #tpu.memory_space<vmem>>, %arg13: memref<8x!tpu.dma_semaphore, #tpu.memory_space<semaphore_mem>>, %arg14: memref<8x!tpu.dma_semaphore, #tpu.memory_space<semaphore_mem>>) attributes {dimension_semantics = [#tpu.dimension_semantics<core_parallel>, #tpu.dimension_semantics<subcore_parallel>], iteration_bounds = array<i64: 2, 16>, scalar_prefetch = 0 : i64, scratch_operands = 9 : i64, tpu.core_type = #tpu.core_type<sc_vector_subcore>, window_params = [{transform_indices = #map}, {transform_indices = #map1}, {transform_indices = #map1}, {transform_indices = #map1}]} {
    %mul3A = arith.constant 2 : i32
    %mul3A_0 = arith.muli %arg1, %mul3A : i32
    %add3A = arith.addi %mul3A_0, %arg0 : i32
    %mul3A_1 = arith.constant 49 : i32
    %mul3A_2 = arith.muli %add3A, %mul3A_1 : i32
    %add3A_3 = arith.constant 49 : i32
    %add3A_4 = arith.addi %mul3A_2, %add3A_3 : i32
    %min3A = arith.constant 1564 : i32
    %min3A_5 = arith.minsi %add3A_4, %min3A : i32
    %sub3A = arith.subi %min3A_5, %mul3A_2 : i32
    %add3A_6 = arith.constant 16384 : i32
    %add3A_7 = arith.addi %add3A_6, %add3A : i32
    %iota3A = tpu.iota {dimensions = array<i32: 0>} : vector<16xi32>
    %broadcast_in_dim3A = arith.constant 1 : i32
    %broadcast_in_dim3A_8 = vector.broadcast %broadcast_in_dim3A : i32 to vector<16xi32>
    %gt3A = arith.constant 0 : i32
    %gt3A_9 = arith.cmpi sgt, %sub3A, %gt3A : i32
    %convert_element_type3A = arith.extui %gt3A_9 : i1 to i32
    %cond3A = arith.constant 0 : i32
    %cond3A_10 = arith.cmpi ne, %convert_element_type3A, %cond3A : i32
    scf.if %cond3A_10 {
      %add3A_207 = arith.constant 0 : i32
      %add3A_208 = arith.addi %mul3A_2, %add3A_207 : i32
      %ge3A = arith.constant 782 : i32
      %ge3A_209 = arith.cmpi sge, %add3A_208, %ge3A : i32
      %sub3A_210 = arith.constant 782 : i32
      %sub3A_211 = arith.subi %add3A_208, %sub3A_210 : i32
      %select_n3A_212 = arith.select %ge3A_209, %sub3A_211, %add3A_208 : i32
      %mul3A_213 = arith.constant 128 : i32
      %mul3A_214 = arith.muli %select_n3A_212, %mul3A_213 : i32
      %convert_element_type3A_215 = arith.extui %ge3A_209 : i1 to i32
      %cond3A_216 = arith.constant 0 : i32
      %cond3A_217 = arith.cmpi ne, %convert_element_type3A_215, %cond3A_216 : i32
      scf.if %cond3A_217 {
        %dma_start3A = arith.constant 0 : i32
        %dma_start3A_218 = arith.constant 0 : i32
        %dma_start3A_219 = arith.constant 0 : i32
        %dma_start3A_220 = arith.constant 0 : i32
        %dma_start3A_221 = tpu.memref_slice %arg10[%dma_start3A, %dma_start3A_219, %dma_start3A_220] : memref<8x64x128xf32, #tpu.memory_space<vmem>> -> memref<1x64x128xf32, #tpu.memory_space<vmem>>
        %dma_start3A_222 = tpu.memref_squeeze %dma_start3A_221 : memref<1x64x128xf32, #tpu.memory_space<vmem>> -> memref<64x128xf32, #tpu.memory_space<vmem>>
        %dma_start3A_223 = arith.constant 0 : i32
        %dma_start3A_224 = tpu.memref_slice %arg4[%dma_start3A_223, %mul3A_214] : memref<64x100000xf32, #tpu.memory_space<hbm>> -> memref<64x128xf32, #tpu.memory_space<hbm>>
        %dma_start3A_225 = tpu.memref_slice %arg13[%dma_start3A_218] : memref<8x!tpu.dma_semaphore, #tpu.memory_space<semaphore_mem>> -> memref<1x!tpu.dma_semaphore, #tpu.memory_space<semaphore_mem>>
        %dma_start3A_226 = tpu.memref_squeeze %dma_start3A_225 : memref<1x!tpu.dma_semaphore, #tpu.memory_space<semaphore_mem>> -> memref<!tpu.dma_semaphore, #tpu.memory_space<semaphore_mem>>
        %dma_start3A_227 = arith.constant 0 : i32
        %dma_start3A_228 = arith.constant 0 : i32
        %dma_start3A_229 = tpu.memref_slice %arg10[%dma_start3A, %dma_start3A_227, %dma_start3A_228] : memref<8x64x128xf32, #tpu.memory_space<vmem>> -> memref<1x64x128xf32, #tpu.memory_space<vmem>>
        %dma_start3A_230 = tpu.memref_squeeze %dma_start3A_229 : memref<1x64x128xf32, #tpu.memory_space<vmem>> -> memref<64x128xf32, #tpu.memory_space<vmem>>
        %dma_start3A_231 = arith.constant 0 : i32
        %dma_start3A_232 = tpu.memref_slice %arg4[%dma_start3A_231, %mul3A_214] : memref<64x100000xf32, #tpu.memory_space<hbm>> -> memref<64x128xf32, #tpu.memory_space<hbm>>
        tpu.enqueue_dma source(%dma_start3A_232 : memref<64x128xf32, #tpu.memory_space<hbm>>) target(%dma_start3A_230 : memref<64x128xf32, #tpu.memory_space<vmem>>) target_semaphore(%dma_start3A_226 : memref<!tpu.dma_semaphore, #tpu.memory_space<semaphore_mem>>)
      } else {
        %dma_start3A = arith.constant 0 : i32
        %dma_start3A_218 = arith.constant 0 : i32
        %dma_start3A_219 = arith.constant 0 : i32
        %dma_start3A_220 = arith.constant 0 : i32
        %dma_start3A_221 = tpu.memref_slice %arg10[%dma_start3A, %dma_start3A_219, %dma_start3A_220] : memref<8x64x128xf32, #tpu.memory_space<vmem>> -> memref<1x64x128xf32, #tpu.memory_space<vmem>>
        %dma_start3A_222 = tpu.memref_squeeze %dma_start3A_221 : memref<1x64x128xf32, #tpu.memory_space<vmem>> -> memref<64x128xf32, #tpu.memory_space<vmem>>
        %dma_start3A_223 = arith.constant 0 : i32
        %dma_start3A_224 = tpu.memref_slice %arg3[%dma_start3A_223, %mul3A_214] : memref<64x100000xf32, #tpu.memory_space<hbm>> -> memref<64x128xf32, #tpu.memory_space<hbm>>
        %dma_start3A_225 = tpu.memref_slice %arg13[%dma_start3A_218] : memref<8x!tpu.dma_semaphore, #tpu.memory_space<semaphore_mem>> -> memref<1x!tpu.dma_semaphore, #tpu.memory_space<semaphore_mem>>
        %dma_start3A_226 = tpu.memref_squeeze %dma_start3A_225 : memref<1x!tpu.dma_semaphore, #tpu.memory_space<semaphore_mem>> -> memref<!tpu.dma_semaphore, #tpu.memory_space<semaphore_mem>>
        %dma_start3A_227 = arith.constant 0 : i32
        %dma_start3A_228 = arith.constant 0 : i32
        %dma_start3A_229 = tpu.memref_slice %arg10[%dma_start3A, %dma_start3A_227, %dma_start3A_228] : memref<8x64x128xf32, #tpu.memory_space<vmem>> -> memref<1x64x128xf32, #tpu.memory_space<vmem>>
        %dma_start3A_230 = tpu.memref_squeeze %dma_start3A_229 : memref<1x64x128xf32, #tpu.memory_space<vmem>> -> memref<64x128xf32, #tpu.memory_space<vmem>>
        %dma_start3A_231 = arith.constant 0 : i32
        %dma_start3A_232 = tpu.memref_slice %arg3[%dma_start3A_231, %mul3A_214] : memref<64x100000xf32, #tpu.memory_space<hbm>> -> memref<64x128xf32, #tpu.memory_space<hbm>>
        tpu.enqueue_dma source(%dma_start3A_232 : memref<64x128xf32, #tpu.memory_space<hbm>>) target(%dma_start3A_230 : memref<64x128xf32, #tpu.memory_space<vmem>>) target_semaphore(%dma_start3A_226 : memref<!tpu.dma_semaphore, #tpu.memory_space<semaphore_mem>>)
      }
    } else {
    }
    %gt3A_11 = arith.constant 1 : i32
    %gt3A_12 = arith.cmpi sgt, %sub3A, %gt3A_11 : i32
    %convert_element_type3A_13 = arith.extui %gt3A_12 : i1 to i32
    %cond3A_14 = arith.constant 0 : i32
    %cond3A_15 = arith.cmpi ne, %convert_element_type3A_13, %cond3A_14 : i32
    scf.if %cond3A_15 {
      %add3A_207 = arith.constant 1 : i32
      %add3A_208 = arith.addi %mul3A_2, %add3A_207 : i32
      %ge3A = arith.constant 782 : i32
      %ge3A_209 = arith.cmpi sge, %add3A_208, %ge3A : i32
      %sub3A_210 = arith.constant 782 : i32
      %sub3A_211 = arith.subi %add3A_208, %sub3A_210 : i32
      %select_n3A_212 = arith.select %ge3A_209, %sub3A_211, %add3A_208 : i32
      %mul3A_213 = arith.constant 128 : i32
      %mul3A_214 = arith.muli %select_n3A_212, %mul3A_213 : i32
      %convert_element_type3A_215 = arith.extui %ge3A_209 : i1 to i32
      %cond3A_216 = arith.constant 0 : i32
      %cond3A_217 = arith.cmpi ne, %convert_element_type3A_215, %cond3A_216 : i32
      scf.if %cond3A_217 {
        %dma_start3A = arith.constant 1 : i32
        %dma_start3A_218 = arith.constant 1 : i32
        %dma_start3A_219 = arith.constant 0 : i32
        %dma_start3A_220 = arith.constant 0 : i32
        %dma_start3A_221 = tpu.memref_slice %arg10[%dma_start3A, %dma_start3A_219, %dma_start3A_220] : memref<8x64x128xf32, #tpu.memory_space<vmem>> -> memref<1x64x128xf32, #tpu.memory_space<vmem>>
        %dma_start3A_222 = tpu.memref_squeeze %dma_start3A_221 : memref<1x64x128xf32, #tpu.memory_space<vmem>> -> memref<64x128xf32, #tpu.memory_space<vmem>>
        %dma_start3A_223 = arith.constant 0 : i32
        %dma_start3A_224 = tpu.memref_slice %arg4[%dma_start3A_223, %mul3A_214] : memref<64x100000xf32, #tpu.memory_space<hbm>> -> memref<64x128xf32, #tpu.memory_space<hbm>>
        %dma_start3A_225 = tpu.memref_slice %arg13[%dma_start3A_218] : memref<8x!tpu.dma_semaphore, #tpu.memory_space<semaphore_mem>> -> memref<1x!tpu.dma_semaphore, #tpu.memory_space<semaphore_mem>>
        %dma_start3A_226 = tpu.memref_squeeze %dma_start3A_225 : memref<1x!tpu.dma_semaphore, #tpu.memory_space<semaphore_mem>> -> memref<!tpu.dma_semaphore, #tpu.memory_space<semaphore_mem>>
        %dma_start3A_227 = arith.constant 0 : i32
        %dma_start3A_228 = arith.constant 0 : i32
        %dma_start3A_229 = tpu.memref_slice %arg10[%dma_start3A, %dma_start3A_227, %dma_start3A_228] : memref<8x64x128xf32, #tpu.memory_space<vmem>> -> memref<1x64x128xf32, #tpu.memory_space<vmem>>
        %dma_start3A_230 = tpu.memref_squeeze %dma_start3A_229 : memref<1x64x128xf32, #tpu.memory_space<vmem>> -> memref<64x128xf32, #tpu.memory_space<vmem>>
        %dma_start3A_231 = arith.constant 0 : i32
        %dma_start3A_232 = tpu.memref_slice %arg4[%dma_start3A_231, %mul3A_214] : memref<64x100000xf32, #tpu.memory_space<hbm>> -> memref<64x128xf32, #tpu.memory_space<hbm>>
        tpu.enqueue_dma source(%dma_start3A_232 : memref<64x128xf32, #tpu.memory_space<hbm>>) target(%dma_start3A_230 : memref<64x128xf32, #tpu.memory_space<vmem>>) target_semaphore(%dma_start3A_226 : memref<!tpu.dma_semaphore, #tpu.memory_space<semaphore_mem>>)
      } else {
        %dma_start3A = arith.constant 1 : i32
        %dma_start3A_218 = arith.constant 1 : i32
        %dma_start3A_219 = arith.constant 0 : i32
        %dma_start3A_220 = arith.constant 0 : i32
        %dma_start3A_221 = tpu.memref_slice %arg10[%dma_start3A, %dma_start3A_219, %dma_start3A_220] : memref<8x64x128xf32, #tpu.memory_space<vmem>> -> memref<1x64x128xf32, #tpu.memory_space<vmem>>
        %dma_start3A_222 = tpu.memref_squeeze %dma_start3A_221 : memref<1x64x128xf32, #tpu.memory_space<vmem>> -> memref<64x128xf32, #tpu.memory_space<vmem>>
        %dma_start3A_223 = arith.constant 0 : i32
        %dma_start3A_224 = tpu.memref_slice %arg3[%dma_start3A_223, %mul3A_214] : memref<64x100000xf32, #tpu.memory_space<hbm>> -> memref<64x128xf32, #tpu.memory_space<hbm>>
        %dma_start3A_225 = tpu.memref_slice %arg13[%dma_start3A_218] : memref<8x!tpu.dma_semaphore, #tpu.memory_space<semaphore_mem>> -> memref<1x!tpu.dma_semaphore, #tpu.memory_space<semaphore_mem>>
        %dma_start3A_226 = tpu.memref_squeeze %dma_start3A_225 : memref<1x!tpu.dma_semaphore, #tpu.memory_space<semaphore_mem>> -> memref<!tpu.dma_semaphore, #tpu.memory_space<semaphore_mem>>
        %dma_start3A_227 = arith.constant 0 : i32
        %dma_start3A_228 = arith.constant 0 : i32
        %dma_start3A_229 = tpu.memref_slice %arg10[%dma_start3A, %dma_start3A_227, %dma_start3A_228] : memref<8x64x128xf32, #tpu.memory_space<vmem>> -> memref<1x64x128xf32, #tpu.memory_space<vmem>>
        %dma_start3A_230 = tpu.memref_squeeze %dma_start3A_229 : memref<1x64x128xf32, #tpu.memory_space<vmem>> -> memref<64x128xf32, #tpu.memory_space<vmem>>
        %dma_start3A_231 = arith.constant 0 : i32
        %dma_start3A_232 = tpu.memref_slice %arg3[%dma_start3A_231, %mul3A_214] : memref<64x100000xf32, #tpu.memory_space<hbm>> -> memref<64x128xf32, #tpu.memory_space<hbm>>
        tpu.enqueue_dma source(%dma_start3A_232 : memref<64x128xf32, #tpu.memory_space<hbm>>) target(%dma_start3A_230 : memref<64x128xf32, #tpu.memory_space<vmem>>) target_semaphore(%dma_start3A_226 : memref<!tpu.dma_semaphore, #tpu.memory_space<semaphore_mem>>)
      }
    } else {
    }
    %gt3A_16 = arith.constant 2 : i32
    %gt3A_17 = arith.cmpi sgt, %sub3A, %gt3A_16 : i32
    %convert_element_type3A_18 = arith.extui %gt3A_17 : i1 to i32
    %cond3A_19 = arith.constant 0 : i32
    %cond3A_20 = arith.cmpi ne, %convert_element_type3A_18, %cond3A_19 : i32
    scf.if %cond3A_20 {
      %add3A_207 = arith.constant 2 : i32
      %add3A_208 = arith.addi %mul3A_2, %add3A_207 : i32
      %ge3A = arith.constant 782 : i32
      %ge3A_209 = arith.cmpi sge, %add3A_208, %ge3A : i32
      %sub3A_210 = arith.constant 782 : i32
      %sub3A_211 = arith.subi %add3A_208, %sub3A_210 : i32
      %select_n3A_212 = arith.select %ge3A_209, %sub3A_211, %add3A_208 : i32
      %mul3A_213 = arith.constant 128 : i32
      %mul3A_214 = arith.muli %select_n3A_212, %mul3A_213 : i32
      %convert_element_type3A_215 = arith.extui %ge3A_209 : i1 to i32
      %cond3A_216 = arith.constant 0 : i32
      %cond3A_217 = arith.cmpi ne, %convert_element_type3A_215, %cond3A_216 : i32
      scf.if %cond3A_217 {
        %dma_start3A = arith.constant 2 : i32
        %dma_start3A_218 = arith.constant 2 : i32
        %dma_start3A_219 = arith.constant 0 : i32
        %dma_start3A_220 = arith.constant 0 : i32
        %dma_start3A_221 = tpu.memref_slice %arg10[%dma_start3A, %dma_start3A_219, %dma_start3A_220] : memref<8x64x128xf32, #tpu.memory_space<vmem>> -> memref<1x64x128xf32, #tpu.memory_space<vmem>>
        %dma_start3A_222 = tpu.memref_squeeze %dma_start3A_221 : memref<1x64x128xf32, #tpu.memory_space<vmem>> -> memref<64x128xf32, #tpu.memory_space<vmem>>
        %dma_start3A_223 = arith.constant 0 : i32
        %dma_start3A_224 = tpu.memref_slice %arg4[%dma_start3A_223, %mul3A_214] : memref<64x100000xf32, #tpu.memory_space<hbm>> -> memref<64x128xf32, #tpu.memory_space<hbm>>
        %dma_start3A_225 = tpu.memref_slice %arg13[%dma_start3A_218] : memref<8x!tpu.dma_semaphore, #tpu.memory_space<semaphore_mem>> -> memref<1x!tpu.dma_semaphore, #tpu.memory_space<semaphore_mem>>
        %dma_start3A_226 = tpu.memref_squeeze %dma_start3A_225 : memref<1x!tpu.dma_semaphore, #tpu.memory_space<semaphore_mem>> -> memref<!tpu.dma_semaphore, #tpu.memory_space<semaphore_mem>>
        %dma_start3A_227 = arith.constant 0 : i32
        %dma_start3A_228 = arith.constant 0 : i32
        %dma_start3A_229 = tpu.memref_slice %arg10[%dma_start3A, %dma_start3A_227, %dma_start3A_228] : memref<8x64x128xf32, #tpu.memory_space<vmem>> -> memref<1x64x128xf32, #tpu.memory_space<vmem>>
        %dma_start3A_230 = tpu.memref_squeeze %dma_start3A_229 : memref<1x64x128xf32, #tpu.memory_space<vmem>> -> memref<64x128xf32, #tpu.memory_space<vmem>>
        %dma_start3A_231 = arith.constant 0 : i32
        %dma_start3A_232 = tpu.memref_slice %arg4[%dma_start3A_231, %mul3A_214] : memref<64x100000xf32, #tpu.memory_space<hbm>> -> memref<64x128xf32, #tpu.memory_space<hbm>>
        tpu.enqueue_dma source(%dma_start3A_232 : memref<64x128xf32, #tpu.memory_space<hbm>>) target(%dma_start3A_230 : memref<64x128xf32, #tpu.memory_space<vmem>>) target_semaphore(%dma_start3A_226 : memref<!tpu.dma_semaphore, #tpu.memory_space<semaphore_mem>>)
      } else {
        %dma_start3A = arith.constant 2 : i32
        %dma_start3A_218 = arith.constant 2 : i32
        %dma_start3A_219 = arith.constant 0 : i32
        %dma_start3A_220 = arith.constant 0 : i32
        %dma_start3A_221 = tpu.memref_slice %arg10[%dma_start3A, %dma_start3A_219, %dma_start3A_220] : memref<8x64x128xf32, #tpu.memory_space<vmem>> -> memref<1x64x128xf32, #tpu.memory_space<vmem>>
        %dma_start3A_222 = tpu.memref_squeeze %dma_start3A_221 : memref<1x64x128xf32, #tpu.memory_space<vmem>> -> memref<64x128xf32, #tpu.memory_space<vmem>>
        %dma_start3A_223 = arith.constant 0 : i32
        %dma_start3A_224 = tpu.memref_slice %arg3[%dma_start3A_223, %mul3A_214] : memref<64x100000xf32, #tpu.memory_space<hbm>> -> memref<64x128xf32, #tpu.memory_space<hbm>>
        %dma_start3A_225 = tpu.memref_slice %arg13[%dma_start3A_218] : memref<8x!tpu.dma_semaphore, #tpu.memory_space<semaphore_mem>> -> memref<1x!tpu.dma_semaphore, #tpu.memory_space<semaphore_mem>>
        %dma_start3A_226 = tpu.memref_squeeze %dma_start3A_225 : memref<1x!tpu.dma_semaphore, #tpu.memory_space<semaphore_mem>> -> memref<!tpu.dma_semaphore, #tpu.memory_space<semaphore_mem>>
        %dma_start3A_227 = arith.constant 0 : i32
        %dma_start3A_228 = arith.constant 0 : i32
        %dma_start3A_229 = tpu.memref_slice %arg10[%dma_start3A, %dma_start3A_227, %dma_start3A_228] : memref<8x64x128xf32, #tpu.memory_space<vmem>> -> memref<1x64x128xf32, #tpu.memory_space<vmem>>
        %dma_start3A_230 = tpu.memref_squeeze %dma_start3A_229 : memref<1x64x128xf32, #tpu.memory_space<vmem>> -> memref<64x128xf32, #tpu.memory_space<vmem>>
        %dma_start3A_231 = arith.constant 0 : i32
        %dma_start3A_232 = tpu.memref_slice %arg3[%dma_start3A_231, %mul3A_214] : memref<64x100000xf32, #tpu.memory_space<hbm>> -> memref<64x128xf32, #tpu.memory_space<hbm>>
        tpu.enqueue_dma source(%dma_start3A_232 : memref<64x128xf32, #tpu.memory_space<hbm>>) target(%dma_start3A_230 : memref<64x128xf32, #tpu.memory_space<vmem>>) target_semaphore(%dma_start3A_226 : memref<!tpu.dma_semaphore, #tpu.memory_space<semaphore_mem>>)
      }
    } else {
    }
    %gt3A_21 = arith.constant 3 : i32
    %gt3A_22 = arith.cmpi sgt, %sub3A, %gt3A_21 : i32
    %convert_element_type3A_23 = arith.extui %gt3A_22 : i1 to i32
    %cond3A_24 = arith.constant 0 : i32
    %cond3A_25 = arith.cmpi ne, %convert_element_type3A_23, %cond3A_24 : i32
    scf.if %cond3A_25 {
      %add3A_207 = arith.constant 3 : i32
      %add3A_208 = arith.addi %mul3A_2, %add3A_207 : i32
      %ge3A = arith.constant 782 : i32
      %ge3A_209 = arith.cmpi sge, %add3A_208, %ge3A : i32
      %sub3A_210 = arith.constant 782 : i32
      %sub3A_211 = arith.subi %add3A_208, %sub3A_210 : i32
      %select_n3A_212 = arith.select %ge3A_209, %sub3A_211, %add3A_208 : i32
      %mul3A_213 = arith.constant 128 : i32
      %mul3A_214 = arith.muli %select_n3A_212, %mul3A_213 : i32
      %convert_element_type3A_215 = arith.extui %ge3A_209 : i1 to i32
      %cond3A_216 = arith.constant 0 : i32
      %cond3A_217 = arith.cmpi ne, %convert_element_type3A_215, %cond3A_216 : i32
      scf.if %cond3A_217 {
        %dma_start3A = arith.constant 3 : i32
        %dma_start3A_218 = arith.constant 3 : i32
        %dma_start3A_219 = arith.constant 0 : i32
        %dma_start3A_220 = arith.constant 0 : i32
        %dma_start3A_221 = tpu.memref_slice %arg10[%dma_start3A, %dma_start3A_219, %dma_start3A_220] : memref<8x64x128xf32, #tpu.memory_space<vmem>> -> memref<1x64x128xf32, #tpu.memory_space<vmem>>
        %dma_start3A_222 = tpu.memref_squeeze %dma_start3A_221 : memref<1x64x128xf32, #tpu.memory_space<vmem>> -> memref<64x128xf32, #tpu.memory_space<vmem>>
        %dma_start3A_223 = arith.constant 0 : i32
        %dma_start3A_224 = tpu.memref_slice %arg4[%dma_start3A_223, %mul3A_214] : memref<64x100000xf32, #tpu.memory_space<hbm>> -> memref<64x128xf32, #tpu.memory_space<hbm>>
        %dma_start3A_225 = tpu.memref_slice %arg13[%dma_start3A_218] : memref<8x!tpu.dma_semaphore, #tpu.memory_space<semaphore_mem>> -> memref<1x!tpu.dma_semaphore, #tpu.memory_space<semaphore_mem>>
        %dma_start3A_226 = tpu.memref_squeeze %dma_start3A_225 : memref<1x!tpu.dma_semaphore, #tpu.memory_space<semaphore_mem>> -> memref<!tpu.dma_semaphore, #tpu.memory_space<semaphore_mem>>
        %dma_start3A_227 = arith.constant 0 : i32
        %dma_start3A_228 = arith.constant 0 : i32
        %dma_start3A_229 = tpu.memref_slice %arg10[%dma_start3A, %dma_start3A_227, %dma_start3A_228] : memref<8x64x128xf32, #tpu.memory_space<vmem>> -> memref<1x64x128xf32, #tpu.memory_space<vmem>>
        %dma_start3A_230 = tpu.memref_squeeze %dma_start3A_229 : memref<1x64x128xf32, #tpu.memory_space<vmem>> -> memref<64x128xf32, #tpu.memory_space<vmem>>
        %dma_start3A_231 = arith.constant 0 : i32
        %dma_start3A_232 = tpu.memref_slice %arg4[%dma_start3A_231, %mul3A_214] : memref<64x100000xf32, #tpu.memory_space<hbm>> -> memref<64x128xf32, #tpu.memory_space<hbm>>
        tpu.enqueue_dma source(%dma_start3A_232 : memref<64x128xf32, #tpu.memory_space<hbm>>) target(%dma_start3A_230 : memref<64x128xf32, #tpu.memory_space<vmem>>) target_semaphore(%dma_start3A_226 : memref<!tpu.dma_semaphore, #tpu.memory_space<semaphore_mem>>)
      } else {
        %dma_start3A = arith.constant 3 : i32
        %dma_start3A_218 = arith.constant 3 : i32
        %dma_start3A_219 = arith.constant 0 : i32
        %dma_start3A_220 = arith.constant 0 : i32
        %dma_start3A_221 = tpu.memref_slice %arg10[%dma_start3A, %dma_start3A_219, %dma_start3A_220] : memref<8x64x128xf32, #tpu.memory_space<vmem>> -> memref<1x64x128xf32, #tpu.memory_space<vmem>>
        %dma_start3A_222 = tpu.memref_squeeze %dma_start3A_221 : memref<1x64x128xf32, #tpu.memory_space<vmem>> -> memref<64x128xf32, #tpu.memory_space<vmem>>
        %dma_start3A_223 = arith.constant 0 : i32
        %dma_start3A_224 = tpu.memref_slice %arg3[%dma_start3A_223, %mul3A_214] : memref<64x100000xf32, #tpu.memory_space<hbm>> -> memref<64x128xf32, #tpu.memory_space<hbm>>
        %dma_start3A_225 = tpu.memref_slice %arg13[%dma_start3A_218] : memref<8x!tpu.dma_semaphore, #tpu.memory_space<semaphore_mem>> -> memref<1x!tpu.dma_semaphore, #tpu.memory_space<semaphore_mem>>
        %dma_start3A_226 = tpu.memref_squeeze %dma_start3A_225 : memref<1x!tpu.dma_semaphore, #tpu.memory_space<semaphore_mem>> -> memref<!tpu.dma_semaphore, #tpu.memory_space<semaphore_mem>>
        %dma_start3A_227 = arith.constant 0 : i32
        %dma_start3A_228 = arith.constant 0 : i32
        %dma_start3A_229 = tpu.memref_slice %arg10[%dma_start3A, %dma_start3A_227, %dma_start3A_228] : memref<8x64x128xf32, #tpu.memory_space<vmem>> -> memref<1x64x128xf32, #tpu.memory_space<vmem>>
        %dma_start3A_230 = tpu.memref_squeeze %dma_start3A_229 : memref<1x64x128xf32, #tpu.memory_space<vmem>> -> memref<64x128xf32, #tpu.memory_space<vmem>>
        %dma_start3A_231 = arith.constant 0 : i32
        %dma_start3A_232 = tpu.memref_slice %arg3[%dma_start3A_231, %mul3A_214] : memref<64x100000xf32, #tpu.memory_space<hbm>> -> memref<64x128xf32, #tpu.memory_space<hbm>>
        tpu.enqueue_dma source(%dma_start3A_232 : memref<64x128xf32, #tpu.memory_space<hbm>>) target(%dma_start3A_230 : memref<64x128xf32, #tpu.memory_space<vmem>>) target_semaphore(%dma_start3A_226 : memref<!tpu.dma_semaphore, #tpu.memory_space<semaphore_mem>>)
      }
    } else {
    }
    %gt3A_26 = arith.constant 4 : i32
    %gt3A_27 = arith.cmpi sgt, %sub3A, %gt3A_26 : i32
    %convert_element_type3A_28 = arith.extui %gt3A_27 : i1 to i32
    %cond3A_29 = arith.constant 0 : i32
    %cond3A_30 = arith.cmpi ne, %convert_element_type3A_28, %cond3A_29 : i32
    scf.if %cond3A_30 {
      %add3A_207 = arith.constant 4 : i32
      %add3A_208 = arith.addi %mul3A_2, %add3A_207 : i32
      %ge3A = arith.constant 782 : i32
      %ge3A_209 = arith.cmpi sge, %add3A_208, %ge3A : i32
      %sub3A_210 = arith.constant 782 : i32
      %sub3A_211 = arith.subi %add3A_208, %sub3A_210 : i32
      %select_n3A_212 = arith.select %ge3A_209, %sub3A_211, %add3A_208 : i32
      %mul3A_213 = arith.constant 128 : i32
      %mul3A_214 = arith.muli %select_n3A_212, %mul3A_213 : i32
      %convert_element_type3A_215 = arith.extui %ge3A_209 : i1 to i32
      %cond3A_216 = arith.constant 0 : i32
      %cond3A_217 = arith.cmpi ne, %convert_element_type3A_215, %cond3A_216 : i32
      scf.if %cond3A_217 {
        %dma_start3A = arith.constant 4 : i32
        %dma_start3A_218 = arith.constant 4 : i32
        %dma_start3A_219 = arith.constant 0 : i32
        %dma_start3A_220 = arith.constant 0 : i32
        %dma_start3A_221 = tpu.memref_slice %arg10[%dma_start3A, %dma_start3A_219, %dma_start3A_220] : memref<8x64x128xf32, #tpu.memory_space<vmem>> -> memref<1x64x128xf32, #tpu.memory_space<vmem>>
        %dma_start3A_222 = tpu.memref_squeeze %dma_start3A_221 : memref<1x64x128xf32, #tpu.memory_space<vmem>> -> memref<64x128xf32, #tpu.memory_space<vmem>>
        %dma_start3A_223 = arith.constant 0 : i32
        %dma_start3A_224 = tpu.memref_slice %arg4[%dma_start3A_223, %mul3A_214] : memref<64x100000xf32, #tpu.memory_space<hbm>> -> memref<64x128xf32, #tpu.memory_space<hbm>>
        %dma_start3A_225 = tpu.memref_slice %arg13[%dma_start3A_218] : memref<8x!tpu.dma_semaphore, #tpu.memory_space<semaphore_mem>> -> memref<1x!tpu.dma_semaphore, #tpu.memory_space<semaphore_mem>>
        %dma_start3A_226 = tpu.memref_squeeze %dma_start3A_225 : memref<1x!tpu.dma_semaphore, #tpu.memory_space<semaphore_mem>> -> memref<!tpu.dma_semaphore, #tpu.memory_space<semaphore_mem>>
        %dma_start3A_227 = arith.constant 0 : i32
        %dma_start3A_228 = arith.constant 0 : i32
        %dma_start3A_229 = tpu.memref_slice %arg10[%dma_start3A, %dma_start3A_227, %dma_start3A_228] : memref<8x64x128xf32, #tpu.memory_space<vmem>> -> memref<1x64x128xf32, #tpu.memory_space<vmem>>
        %dma_start3A_230 = tpu.memref_squeeze %dma_start3A_229 : memref<1x64x128xf32, #tpu.memory_space<vmem>> -> memref<64x128xf32, #tpu.memory_space<vmem>>
        %dma_start3A_231 = arith.constant 0 : i32
        %dma_start3A_232 = tpu.memref_slice %arg4[%dma_start3A_231, %mul3A_214] : memref<64x100000xf32, #tpu.memory_space<hbm>> -> memref<64x128xf32, #tpu.memory_space<hbm>>
        tpu.enqueue_dma source(%dma_start3A_232 : memref<64x128xf32, #tpu.memory_space<hbm>>) target(%dma_start3A_230 : memref<64x128xf32, #tpu.memory_space<vmem>>) target_semaphore(%dma_start3A_226 : memref<!tpu.dma_semaphore, #tpu.memory_space<semaphore_mem>>)
      } else {
        %dma_start3A = arith.constant 4 : i32
        %dma_start3A_218 = arith.constant 4 : i32
        %dma_start3A_219 = arith.constant 0 : i32
        %dma_start3A_220 = arith.constant 0 : i32
        %dma_start3A_221 = tpu.memref_slice %arg10[%dma_start3A, %dma_start3A_219, %dma_start3A_220] : memref<8x64x128xf32, #tpu.memory_space<vmem>> -> memref<1x64x128xf32, #tpu.memory_space<vmem>>
        %dma_start3A_222 = tpu.memref_squeeze %dma_start3A_221 : memref<1x64x128xf32, #tpu.memory_space<vmem>> -> memref<64x128xf32, #tpu.memory_space<vmem>>
        %dma_start3A_223 = arith.constant 0 : i32
        %dma_start3A_224 = tpu.memref_slice %arg3[%dma_start3A_223, %mul3A_214] : memref<64x100000xf32, #tpu.memory_space<hbm>> -> memref<64x128xf32, #tpu.memory_space<hbm>>
        %dma_start3A_225 = tpu.memref_slice %arg13[%dma_start3A_218] : memref<8x!tpu.dma_semaphore, #tpu.memory_space<semaphore_mem>> -> memref<1x!tpu.dma_semaphore, #tpu.memory_space<semaphore_mem>>
        %dma_start3A_226 = tpu.memref_squeeze %dma_start3A_225 : memref<1x!tpu.dma_semaphore, #tpu.memory_space<semaphore_mem>> -> memref<!tpu.dma_semaphore, #tpu.memory_space<semaphore_mem>>
        %dma_start3A_227 = arith.constant 0 : i32
        %dma_start3A_228 = arith.constant 0 : i32
        %dma_start3A_229 = tpu.memref_slice %arg10[%dma_start3A, %dma_start3A_227, %dma_start3A_228] : memref<8x64x128xf32, #tpu.memory_space<vmem>> -> memref<1x64x128xf32, #tpu.memory_space<vmem>>
        %dma_start3A_230 = tpu.memref_squeeze %dma_start3A_229 : memref<1x64x128xf32, #tpu.memory_space<vmem>> -> memref<64x128xf32, #tpu.memory_space<vmem>>
        %dma_start3A_231 = arith.constant 0 : i32
        %dma_start3A_232 = tpu.memref_slice %arg3[%dma_start3A_231, %mul3A_214] : memref<64x100000xf32, #tpu.memory_space<hbm>> -> memref<64x128xf32, #tpu.memory_space<hbm>>
        tpu.enqueue_dma source(%dma_start3A_232 : memref<64x128xf32, #tpu.memory_space<hbm>>) target(%dma_start3A_230 : memref<64x128xf32, #tpu.memory_space<vmem>>) target_semaphore(%dma_start3A_226 : memref<!tpu.dma_semaphore, #tpu.memory_space<semaphore_mem>>)
      }
    } else {
    }
    %gt3A_31 = arith.constant 5 : i32
    %gt3A_32 = arith.cmpi sgt, %sub3A, %gt3A_31 : i32
    %convert_element_type3A_33 = arith.extui %gt3A_32 : i1 to i32
    %cond3A_34 = arith.constant 0 : i32
    %cond3A_35 = arith.cmpi ne, %convert_element_type3A_33, %cond3A_34 : i32
    scf.if %cond3A_35 {
      %add3A_207 = arith.constant 5 : i32
      %add3A_208 = arith.addi %mul3A_2, %add3A_207 : i32
      %ge3A = arith.constant 782 : i32
      %ge3A_209 = arith.cmpi sge, %add3A_208, %ge3A : i32
      %sub3A_210 = arith.constant 782 : i32
      %sub3A_211 = arith.subi %add3A_208, %sub3A_210 : i32
      %select_n3A_212 = arith.select %ge3A_209, %sub3A_211, %add3A_208 : i32
      %mul3A_213 = arith.constant 128 : i32
      %mul3A_214 = arith.muli %select_n3A_212, %mul3A_213 : i32
      %convert_element_type3A_215 = arith.extui %ge3A_209 : i1 to i32
      %cond3A_216 = arith.constant 0 : i32
      %cond3A_217 = arith.cmpi ne, %convert_element_type3A_215, %cond3A_216 : i32
      scf.if %cond3A_217 {
        %dma_start3A = arith.constant 5 : i32
        %dma_start3A_218 = arith.constant 5 : i32
        %dma_start3A_219 = arith.constant 0 : i32
        %dma_start3A_220 = arith.constant 0 : i32
        %dma_start3A_221 = tpu.memref_slice %arg10[%dma_start3A, %dma_start3A_219, %dma_start3A_220] : memref<8x64x128xf32, #tpu.memory_space<vmem>> -> memref<1x64x128xf32, #tpu.memory_space<vmem>>
        %dma_start3A_222 = tpu.memref_squeeze %dma_start3A_221 : memref<1x64x128xf32, #tpu.memory_space<vmem>> -> memref<64x128xf32, #tpu.memory_space<vmem>>
        %dma_start3A_223 = arith.constant 0 : i32
        %dma_start3A_224 = tpu.memref_slice %arg4[%dma_start3A_223, %mul3A_214] : memref<64x100000xf32, #tpu.memory_space<hbm>> -> memref<64x128xf32, #tpu.memory_space<hbm>>
        %dma_start3A_225 = tpu.memref_slice %arg13[%dma_start3A_218] : memref<8x!tpu.dma_semaphore, #tpu.memory_space<semaphore_mem>> -> memref<1x!tpu.dma_semaphore, #tpu.memory_space<semaphore_mem>>
        %dma_start3A_226 = tpu.memref_squeeze %dma_start3A_225 : memref<1x!tpu.dma_semaphore, #tpu.memory_space<semaphore_mem>> -> memref<!tpu.dma_semaphore, #tpu.memory_space<semaphore_mem>>
        %dma_start3A_227 = arith.constant 0 : i32
        %dma_start3A_228 = arith.constant 0 : i32
        %dma_start3A_229 = tpu.memref_slice %arg10[%dma_start3A, %dma_start3A_227, %dma_start3A_228] : memref<8x64x128xf32, #tpu.memory_space<vmem>> -> memref<1x64x128xf32, #tpu.memory_space<vmem>>
        %dma_start3A_230 = tpu.memref_squeeze %dma_start3A_229 : memref<1x64x128xf32, #tpu.memory_space<vmem>> -> memref<64x128xf32, #tpu.memory_space<vmem>>
        %dma_start3A_231 = arith.constant 0 : i32
        %dma_start3A_232 = tpu.memref_slice %arg4[%dma_start3A_231, %mul3A_214] : memref<64x100000xf32, #tpu.memory_space<hbm>> -> memref<64x128xf32, #tpu.memory_space<hbm>>
        tpu.enqueue_dma source(%dma_start3A_232 : memref<64x128xf32, #tpu.memory_space<hbm>>) target(%dma_start3A_230 : memref<64x128xf32, #tpu.memory_space<vmem>>) target_semaphore(%dma_start3A_226 : memref<!tpu.dma_semaphore, #tpu.memory_space<semaphore_mem>>)
      } else {
        %dma_start3A = arith.constant 5 : i32
        %dma_start3A_218 = arith.constant 5 : i32
        %dma_start3A_219 = arith.constant 0 : i32
        %dma_start3A_220 = arith.constant 0 : i32
        %dma_start3A_221 = tpu.memref_slice %arg10[%dma_start3A, %dma_start3A_219, %dma_start3A_220] : memref<8x64x128xf32, #tpu.memory_space<vmem>> -> memref<1x64x128xf32, #tpu.memory_space<vmem>>
        %dma_start3A_222 = tpu.memref_squeeze %dma_start3A_221 : memref<1x64x128xf32, #tpu.memory_space<vmem>> -> memref<64x128xf32, #tpu.memory_space<vmem>>
        %dma_start3A_223 = arith.constant 0 : i32
        %dma_start3A_224 = tpu.memref_slice %arg3[%dma_start3A_223, %mul3A_214] : memref<64x100000xf32, #tpu.memory_space<hbm>> -> memref<64x128xf32, #tpu.memory_space<hbm>>
        %dma_start3A_225 = tpu.memref_slice %arg13[%dma_start3A_218] : memref<8x!tpu.dma_semaphore, #tpu.memory_space<semaphore_mem>> -> memref<1x!tpu.dma_semaphore, #tpu.memory_space<semaphore_mem>>
        %dma_start3A_226 = tpu.memref_squeeze %dma_start3A_225 : memref<1x!tpu.dma_semaphore, #tpu.memory_space<semaphore_mem>> -> memref<!tpu.dma_semaphore, #tpu.memory_space<semaphore_mem>>
        %dma_start3A_227 = arith.constant 0 : i32
        %dma_start3A_228 = arith.constant 0 : i32
        %dma_start3A_229 = tpu.memref_slice %arg10[%dma_start3A, %dma_start3A_227, %dma_start3A_228] : memref<8x64x128xf32, #tpu.memory_space<vmem>> -> memref<1x64x128xf32, #tpu.memory_space<vmem>>
        %dma_start3A_230 = tpu.memref_squeeze %dma_start3A_229 : memref<1x64x128xf32, #tpu.memory_space<vmem>> -> memref<64x128xf32, #tpu.memory_space<vmem>>
        %dma_start3A_231 = arith.constant 0 : i32
        %dma_start3A_232 = tpu.memref_slice %arg3[%dma_start3A_231, %mul3A_214] : memref<64x100000xf32, #tpu.memory_space<hbm>> -> memref<64x128xf32, #tpu.memory_space<hbm>>
        tpu.enqueue_dma source(%dma_start3A_232 : memref<64x128xf32, #tpu.memory_space<hbm>>) target(%dma_start3A_230 : memref<64x128xf32, #tpu.memory_space<vmem>>) target_semaphore(%dma_start3A_226 : memref<!tpu.dma_semaphore, #tpu.memory_space<semaphore_mem>>)
      }
    } else {
    }
    %gt3A_36 = arith.constant 6 : i32
    %gt3A_37 = arith.cmpi sgt, %sub3A, %gt3A_36 : i32
    %convert_element_type3A_38 = arith.extui %gt3A_37 : i1 to i32
    %cond3A_39 = arith.constant 0 : i32
    %cond3A_40 = arith.cmpi ne, %convert_element_type3A_38, %cond3A_39 : i32
    scf.if %cond3A_40 {
      %add3A_207 = arith.constant 6 : i32
      %add3A_208 = arith.addi %mul3A_2, %add3A_207 : i32
      %ge3A = arith.constant 782 : i32
      %ge3A_209 = arith.cmpi sge, %add3A_208, %ge3A : i32
      %sub3A_210 = arith.constant 782 : i32
      %sub3A_211 = arith.subi %add3A_208, %sub3A_210 : i32
      %select_n3A_212 = arith.select %ge3A_209, %sub3A_211, %add3A_208 : i32
      %mul3A_213 = arith.constant 128 : i32
      %mul3A_214 = arith.muli %select_n3A_212, %mul3A_213 : i32
      %convert_element_type3A_215 = arith.extui %ge3A_209 : i1 to i32
      %cond3A_216 = arith.constant 0 : i32
      %cond3A_217 = arith.cmpi ne, %convert_element_type3A_215, %cond3A_216 : i32
      scf.if %cond3A_217 {
        %dma_start3A = arith.constant 6 : i32
        %dma_start3A_218 = arith.constant 6 : i32
        %dma_start3A_219 = arith.constant 0 : i32
        %dma_start3A_220 = arith.constant 0 : i32
        %dma_start3A_221 = tpu.memref_slice %arg10[%dma_start3A, %dma_start3A_219, %dma_start3A_220] : memref<8x64x128xf32, #tpu.memory_space<vmem>> -> memref<1x64x128xf32, #tpu.memory_space<vmem>>
        %dma_start3A_222 = tpu.memref_squeeze %dma_start3A_221 : memref<1x64x128xf32, #tpu.memory_space<vmem>> -> memref<64x128xf32, #tpu.memory_space<vmem>>
        %dma_start3A_223 = arith.constant 0 : i32
        %dma_start3A_224 = tpu.memref_slice %arg4[%dma_start3A_223, %mul3A_214] : memref<64x100000xf32, #tpu.memory_space<hbm>> -> memref<64x128xf32, #tpu.memory_space<hbm>>
        %dma_start3A_225 = tpu.memref_slice %arg13[%dma_start3A_218] : memref<8x!tpu.dma_semaphore, #tpu.memory_space<semaphore_mem>> -> memref<1x!tpu.dma_semaphore, #tpu.memory_space<semaphore_mem>>
        %dma_start3A_226 = tpu.memref_squeeze %dma_start3A_225 : memref<1x!tpu.dma_semaphore, #tpu.memory_space<semaphore_mem>> -> memref<!tpu.dma_semaphore, #tpu.memory_space<semaphore_mem>>
        %dma_start3A_227 = arith.constant 0 : i32
        %dma_start3A_228 = arith.constant 0 : i32
        %dma_start3A_229 = tpu.memref_slice %arg10[%dma_start3A, %dma_start3A_227, %dma_start3A_228] : memref<8x64x128xf32, #tpu.memory_space<vmem>> -> memref<1x64x128xf32, #tpu.memory_space<vmem>>
        %dma_start3A_230 = tpu.memref_squeeze %dma_start3A_229 : memref<1x64x128xf32, #tpu.memory_space<vmem>> -> memref<64x128xf32, #tpu.memory_space<vmem>>
        %dma_start3A_231 = arith.constant 0 : i32
        %dma_start3A_232 = tpu.memref_slice %arg4[%dma_start3A_231, %mul3A_214] : memref<64x100000xf32, #tpu.memory_space<hbm>> -> memref<64x128xf32, #tpu.memory_space<hbm>>
        tpu.enqueue_dma source(%dma_start3A_232 : memref<64x128xf32, #tpu.memory_space<hbm>>) target(%dma_start3A_230 : memref<64x128xf32, #tpu.memory_space<vmem>>) target_semaphore(%dma_start3A_226 : memref<!tpu.dma_semaphore, #tpu.memory_space<semaphore_mem>>)
      } else {
        %dma_start3A = arith.constant 6 : i32
        %dma_start3A_218 = arith.constant 6 : i32
        %dma_start3A_219 = arith.constant 0 : i32
        %dma_start3A_220 = arith.constant 0 : i32
        %dma_start3A_221 = tpu.memref_slice %arg10[%dma_start3A, %dma_start3A_219, %dma_start3A_220] : memref<8x64x128xf32, #tpu.memory_space<vmem>> -> memref<1x64x128xf32, #tpu.memory_space<vmem>>
        %dma_start3A_222 = tpu.memref_squeeze %dma_start3A_221 : memref<1x64x128xf32, #tpu.memory_space<vmem>> -> memref<64x128xf32, #tpu.memory_space<vmem>>
        %dma_start3A_223 = arith.constant 0 : i32
        %dma_start3A_224 = tpu.memref_slice %arg3[%dma_start3A_223, %mul3A_214] : memref<64x100000xf32, #tpu.memory_space<hbm>> -> memref<64x128xf32, #tpu.memory_space<hbm>>
        %dma_start3A_225 = tpu.memref_slice %arg13[%dma_start3A_218] : memref<8x!tpu.dma_semaphore, #tpu.memory_space<semaphore_mem>> -> memref<1x!tpu.dma_semaphore, #tpu.memory_space<semaphore_mem>>
        %dma_start3A_226 = tpu.memref_squeeze %dma_start3A_225 : memref<1x!tpu.dma_semaphore, #tpu.memory_space<semaphore_mem>> -> memref<!tpu.dma_semaphore, #tpu.memory_space<semaphore_mem>>
        %dma_start3A_227 = arith.constant 0 : i32
        %dma_start3A_228 = arith.constant 0 : i32
        %dma_start3A_229 = tpu.memref_slice %arg10[%dma_start3A, %dma_start3A_227, %dma_start3A_228] : memref<8x64x128xf32, #tpu.memory_space<vmem>> -> memref<1x64x128xf32, #tpu.memory_space<vmem>>
        %dma_start3A_230 = tpu.memref_squeeze %dma_start3A_229 : memref<1x64x128xf32, #tpu.memory_space<vmem>> -> memref<64x128xf32, #tpu.memory_space<vmem>>
        %dma_start3A_231 = arith.constant 0 : i32
        %dma_start3A_232 = tpu.memref_slice %arg3[%dma_start3A_231, %mul3A_214] : memref<64x100000xf32, #tpu.memory_space<hbm>> -> memref<64x128xf32, #tpu.memory_space<hbm>>
        tpu.enqueue_dma source(%dma_start3A_232 : memref<64x128xf32, #tpu.memory_space<hbm>>) target(%dma_start3A_230 : memref<64x128xf32, #tpu.memory_space<vmem>>) target_semaphore(%dma_start3A_226 : memref<!tpu.dma_semaphore, #tpu.memory_space<semaphore_mem>>)
      }
    } else {
    }
    %gt3A_41 = arith.constant 7 : i32
    %gt3A_42 = arith.cmpi sgt, %sub3A, %gt3A_41 : i32
    %convert_element_type3A_43 = arith.extui %gt3A_42 : i1 to i32
    %cond3A_44 = arith.constant 0 : i32
    %cond3A_45 = arith.cmpi ne, %convert_element_type3A_43, %cond3A_44 : i32
    scf.if %cond3A_45 {
      %add3A_207 = arith.constant 7 : i32
      %add3A_208 = arith.addi %mul3A_2, %add3A_207 : i32
      %ge3A = arith.constant 782 : i32
      %ge3A_209 = arith.cmpi sge, %add3A_208, %ge3A : i32
      %sub3A_210 = arith.constant 782 : i32
      %sub3A_211 = arith.subi %add3A_208, %sub3A_210 : i32
      %select_n3A_212 = arith.select %ge3A_209, %sub3A_211, %add3A_208 : i32
      %mul3A_213 = arith.constant 128 : i32
      %mul3A_214 = arith.muli %select_n3A_212, %mul3A_213 : i32
      %convert_element_type3A_215 = arith.extui %ge3A_209 : i1 to i32
      %cond3A_216 = arith.constant 0 : i32
      %cond3A_217 = arith.cmpi ne, %convert_element_type3A_215, %cond3A_216 : i32
      scf.if %cond3A_217 {
        %dma_start3A = arith.constant 7 : i32
        %dma_start3A_218 = arith.constant 7 : i32
        %dma_start3A_219 = arith.constant 0 : i32
        %dma_start3A_220 = arith.constant 0 : i32
        %dma_start3A_221 = tpu.memref_slice %arg10[%dma_start3A, %dma_start3A_219, %dma_start3A_220] : memref<8x64x128xf32, #tpu.memory_space<vmem>> -> memref<1x64x128xf32, #tpu.memory_space<vmem>>
        %dma_start3A_222 = tpu.memref_squeeze %dma_start3A_221 : memref<1x64x128xf32, #tpu.memory_space<vmem>> -> memref<64x128xf32, #tpu.memory_space<vmem>>
        %dma_start3A_223 = arith.constant 0 : i32
        %dma_start3A_224 = tpu.memref_slice %arg4[%dma_start3A_223, %mul3A_214] : memref<64x100000xf32, #tpu.memory_space<hbm>> -> memref<64x128xf32, #tpu.memory_space<hbm>>
        %dma_start3A_225 = tpu.memref_slice %arg13[%dma_start3A_218] : memref<8x!tpu.dma_semaphore, #tpu.memory_space<semaphore_mem>> -> memref<1x!tpu.dma_semaphore, #tpu.memory_space<semaphore_mem>>
        %dma_start3A_226 = tpu.memref_squeeze %dma_start3A_225 : memref<1x!tpu.dma_semaphore, #tpu.memory_space<semaphore_mem>> -> memref<!tpu.dma_semaphore, #tpu.memory_space<semaphore_mem>>
        %dma_start3A_227 = arith.constant 0 : i32
        %dma_start3A_228 = arith.constant 0 : i32
        %dma_start3A_229 = tpu.memref_slice %arg10[%dma_start3A, %dma_start3A_227, %dma_start3A_228] : memref<8x64x128xf32, #tpu.memory_space<vmem>> -> memref<1x64x128xf32, #tpu.memory_space<vmem>>
        %dma_start3A_230 = tpu.memref_squeeze %dma_start3A_229 : memref<1x64x128xf32, #tpu.memory_space<vmem>> -> memref<64x128xf32, #tpu.memory_space<vmem>>
        %dma_start3A_231 = arith.constant 0 : i32
        %dma_start3A_232 = tpu.memref_slice %arg4[%dma_start3A_231, %mul3A_214] : memref<64x100000xf32, #tpu.memory_space<hbm>> -> memref<64x128xf32, #tpu.memory_space<hbm>>
        tpu.enqueue_dma source(%dma_start3A_232 : memref<64x128xf32, #tpu.memory_space<hbm>>) target(%dma_start3A_230 : memref<64x128xf32, #tpu.memory_space<vmem>>) target_semaphore(%dma_start3A_226 : memref<!tpu.dma_semaphore, #tpu.memory_space<semaphore_mem>>)
      } else {
        %dma_start3A = arith.constant 7 : i32
        %dma_start3A_218 = arith.constant 7 : i32
        %dma_start3A_219 = arith.constant 0 : i32
        %dma_start3A_220 = arith.constant 0 : i32
        %dma_start3A_221 = tpu.memref_slice %arg10[%dma_start3A, %dma_start3A_219, %dma_start3A_220] : memref<8x64x128xf32, #tpu.memory_space<vmem>> -> memref<1x64x128xf32, #tpu.memory_space<vmem>>
        %dma_start3A_222 = tpu.memref_squeeze %dma_start3A_221 : memref<1x64x128xf32, #tpu.memory_space<vmem>> -> memref<64x128xf32, #tpu.memory_space<vmem>>
        %dma_start3A_223 = arith.constant 0 : i32
        %dma_start3A_224 = tpu.memref_slice %arg3[%dma_start3A_223, %mul3A_214] : memref<64x100000xf32, #tpu.memory_space<hbm>> -> memref<64x128xf32, #tpu.memory_space<hbm>>
        %dma_start3A_225 = tpu.memref_slice %arg13[%dma_start3A_218] : memref<8x!tpu.dma_semaphore, #tpu.memory_space<semaphore_mem>> -> memref<1x!tpu.dma_semaphore, #tpu.memory_space<semaphore_mem>>
        %dma_start3A_226 = tpu.memref_squeeze %dma_start3A_225 : memref<1x!tpu.dma_semaphore, #tpu.memory_space<semaphore_mem>> -> memref<!tpu.dma_semaphore, #tpu.memory_space<semaphore_mem>>
        %dma_start3A_227 = arith.constant 0 : i32
        %dma_start3A_228 = arith.constant 0 : i32
        %dma_start3A_229 = tpu.memref_slice %arg10[%dma_start3A, %dma_start3A_227, %dma_start3A_228] : memref<8x64x128xf32, #tpu.memory_space<vmem>> -> memref<1x64x128xf32, #tpu.memory_space<vmem>>
        %dma_start3A_230 = tpu.memref_squeeze %dma_start3A_229 : memref<1x64x128xf32, #tpu.memory_space<vmem>> -> memref<64x128xf32, #tpu.memory_space<vmem>>
        %dma_start3A_231 = arith.constant 0 : i32
        %dma_start3A_232 = tpu.memref_slice %arg3[%dma_start3A_231, %mul3A_214] : memref<64x100000xf32, #tpu.memory_space<hbm>> -> memref<64x128xf32, #tpu.memory_space<hbm>>
        tpu.enqueue_dma source(%dma_start3A_232 : memref<64x128xf32, #tpu.memory_space<hbm>>) target(%dma_start3A_230 : memref<64x128xf32, #tpu.memory_space<vmem>>) target_semaphore(%dma_start3A_226 : memref<!tpu.dma_semaphore, #tpu.memory_space<semaphore_mem>>)
      }
    } else {
    }
    "tpu.region"() ({
      %run_scoped3A = tpu.sem_alloc : memref<!tpu.dma_semaphore, #tpu.memory_space<semaphore_mem>>
      tpu.enqueue_dma source(%arg2 : memref<16384xi32, #tpu.memory_space<hbm>>) target(%arg6 : memref<16384xi32, #tpu.memory_space<vmem>>) target_semaphore(%run_scoped3A : memref<!tpu.dma_semaphore, #tpu.memory_space<semaphore_mem>>)
      tpu.wait_dma2 semaphore(%run_scoped3A : memref<!tpu.dma_semaphore, #tpu.memory_space<semaphore_mem>>) src(%arg2 : memref<16384xi32, #tpu.memory_space<hbm>>) dst(%arg6 : memref<16384xi32, #tpu.memory_space<vmem>>)
      tpu.yield
    }) : () -> ()
    %broadcast_in_dim3A_46 = arith.constant 0 : i32
    %broadcast_in_dim3A_47 = vector.broadcast %broadcast_in_dim3A_46 : i32 to vector<16xi32>
    %swap3A = arith.constant 0 : index
    %swap3A_48 = tpu.vector_load %arg8[%swap3A] {strides = array<i32>} : memref<64xi32, #tpu.memory_space<vmem>>, vector<16xi32>,
    tpu.vector_store %arg8[%swap3A], %broadcast_in_dim3A_47 {strides = array<i32>} : memref<64xi32, #tpu.memory_space<vmem>>, vector<16xi32>,
    %broadcast_in_dim3A_49 = arith.constant 0 : i32
    %broadcast_in_dim3A_50 = vector.broadcast %broadcast_in_dim3A_49 : i32 to vector<16xi32>
    %swap3A_51 = arith.constant 16 : index
    %swap3A_52 = tpu.vector_load %arg8[%swap3A_51] {strides = array<i32>} : memref<64xi32, #tpu.memory_space<vmem>>, vector<16xi32>,
    tpu.vector_store %arg8[%swap3A_51], %broadcast_in_dim3A_50 {strides = array<i32>} : memref<64xi32, #tpu.memory_space<vmem>>, vector<16xi32>,
    %broadcast_in_dim3A_53 = arith.constant 0 : i32
    %broadcast_in_dim3A_54 = vector.broadcast %broadcast_in_dim3A_53 : i32 to vector<16xi32>
    %swap3A_55 = arith.constant 32 : index
    %swap3A_56 = tpu.vector_load %arg8[%swap3A_55] {strides = array<i32>} : memref<64xi32, #tpu.memory_space<vmem>>, vector<16xi32>,
    tpu.vector_store %arg8[%swap3A_55], %broadcast_in_dim3A_54 {strides = array<i32>} : memref<64xi32, #tpu.memory_space<vmem>>, vector<16xi32>,
    %broadcast_in_dim3A_57 = arith.constant 0 : i32
    %broadcast_in_dim3A_58 = vector.broadcast %broadcast_in_dim3A_57 : i32 to vector<16xi32>
    %swap3A_59 = arith.constant 48 : index
    %swap3A_60 = tpu.vector_load %arg8[%swap3A_59] {strides = array<i32>} : memref<64xi32, #tpu.memory_space<vmem>>, vector<16xi32>,
    tpu.vector_store %arg8[%swap3A_59], %broadcast_in_dim3A_58 {strides = array<i32>} : memref<64xi32, #tpu.memory_space<vmem>>, vector<16xi32>,
    %broadcast_in_dim3A_61 = arith.constant 0 : i32
    %broadcast_in_dim3A_62 = vector.broadcast %broadcast_in_dim3A_61 : i32 to vector<16xi32>
    %scan3A = arith.constant 0 : i32
    %scan3A_63 = arith.constant 512 : i32
    %scan3A_64 = arith.addi %scan3A, %scan3A_63 : i32
    %scan3A_65 = arith.constant 1 : i32
    %scan3A_66 = scf.for %scan3A_207 = %scan3A to %scan3A_64 step %scan3A_65 iter_args(%scan3A_208 = %broadcast_in_dim3A_62) -> (vector<16xi32>)  : i32 {
      %mul3A_209 = arith.constant 2 : i32
      %mul3A_210 = arith.muli %scan3A_207, %mul3A_209 : i32
      %add3A_211 = arith.constant 0 : i32
      %add3A_212 = arith.addi %mul3A_210, %add3A_211 : i32
      %mul3A_213 = arith.constant 16 : i32
      %mul3A_214 = arith.muli %add3A_212, %mul3A_213 : i32
      %get3A_215 = arith.index_cast %mul3A_214 : i32 to index
      %get3A_216 = tpu.vector_load %arg6[%get3A_215] {strides = array<i32>} : memref<16384xi32, #tpu.memory_space<vmem>>, vector<16xi32>,
      %lt3A = arith.constant 100000 : i32
      %lt3A_217 = vector.broadcast %lt3A : i32 to vector<16xi32>
      %lt3A_218 = arith.cmpi slt, %get3A_216, %lt3A_217 : vector<16xi32>
      %sub3A_219 = arith.constant 100000 : i32
      %sub3A_220 = vector.broadcast %sub3A_219 : i32 to vector<16xi32>
      %sub3A_221 = arith.subi %get3A_216, %sub3A_220 : vector<16xi32>
      %select_n3A_222 = arith.select %lt3A_218, %get3A_216, %sub3A_221 : vector<16xi1>, vector<16xi32>
      %jit3A_223 = arith.constant 0 : i32
      %jit3A_224 = arith.constant 782 : i32
      %broadcast_in_dim3A_225 = vector.broadcast %jit3A_223 : i32 to vector<16xi32>
      %broadcast_in_dim3A_226 = vector.broadcast %jit3A_224 : i32 to vector<16xi32>
      %select_n3A_227 = arith.select %lt3A_218, %broadcast_in_dim3A_225, %broadcast_in_dim3A_226 : vector<16xi1>, vector<16xi32>
      %shift_right_arithmetic3A = arith.constant 7 : i32
      %shift_right_arithmetic3A_228 = vector.broadcast %shift_right_arithmetic3A : i32 to vector<16xi32>
      %shift_right_arithmetic3A_229 = arith.shrsi %select_n3A_222, %shift_right_arithmetic3A_228 : vector<16xi32>
      %add3A_230 = arith.addi %select_n3A_227, %shift_right_arithmetic3A_229 : vector<16xi32>
      %ge3A = vector.broadcast %mul3A_2 : i32 to vector<16xi32>
      %ge3A_231 = arith.cmpi sge, %add3A_230, %ge3A : vector<16xi32>
      %lt3A_232 = vector.broadcast %min3A_5 : i32 to vector<16xi32>
      %lt3A_233 = arith.cmpi slt, %add3A_230, %lt3A_232 : vector<16xi32>
      %and3A_234 = arith.andi %ge3A_231, %lt3A_233 : vector<16xi1>
      %sub3A_235 = vector.broadcast %mul3A_2 : i32 to vector<16xi32>
      %sub3A_236 = arith.subi %add3A_230, %sub3A_235 : vector<16xi32>
      %jit3A_237 = arith.constant 0 : i32
      %broadcast_in_dim3A_238 = vector.broadcast %jit3A_237 : i32 to vector<16xi32>
      %select_n3A_239 = arith.select %and3A_234, %sub3A_236, %broadcast_in_dim3A_238 : vector<16xi1>, vector<16xi32>
      %shift_left3A = arith.constant 21 : i32
      %shift_left3A_240 = vector.broadcast %shift_left3A : i32 to vector<16xi32>
      %shift_left3A_241 = arith.shli %select_n3A_239, %shift_left3A_240 : vector<16xi32>
      %and3A_242 = arith.constant 127 : i32
      %and3A_243 = vector.broadcast %and3A_242 : i32 to vector<16xi32>
      %and3A_244 = arith.andi %select_n3A_222, %and3A_243 : vector<16xi32>
      %shift_left3A_245 = arith.constant 14 : i32
      %shift_left3A_246 = vector.broadcast %shift_left3A_245 : i32 to vector<16xi32>
      %shift_left3A_247 = arith.shli %and3A_244, %shift_left3A_246 : vector<16xi32>
      %or3A = arith.ori %shift_left3A_241, %shift_left3A_247 : vector<16xi32>
      %mul3A_248 = arith.constant 16 : i32
      %mul3A_249 = arith.muli %add3A_212, %mul3A_248 : i32
      %add3A_250 = vector.broadcast %mul3A_249 : i32 to vector<16xi32>
      %add3A_251 = arith.addi %add3A_250, %iota3A : vector<16xi32>
      %or3A_252 = arith.ori %or3A, %add3A_251 : vector<16xi32>
      %jit3A_253 = arith.constant 1 : i32
      %jit3A_254 = arith.constant 0 : i32
      %broadcast_in_dim3A_255 = vector.broadcast %jit3A_253 : i32 to vector<16xi32>
      %broadcast_in_dim3A_256 = vector.broadcast %jit3A_254 : i32 to vector<16xi32>
      %select_n3A_257 = arith.select %and3A_234, %broadcast_in_dim3A_255, %broadcast_in_dim3A_256 : vector<16xi1>, vector<16xi32>
      %broadcast_in_dim3A_258 = arith.constant true
      %broadcast_in_dim3A_259 = vector.broadcast %broadcast_in_dim3A_258 : i1 to vector<16xi1>
      %masked_cumsum3A_260 = tpu.scan <sum>, %select_n3A_257 masked %broadcast_in_dim3A_259 : vector<16xi32>, vector<16xi1> -> vector<16xi32>
      %add3A_261 = arith.addi %scan3A_208, %masked_cumsum3A_260 : vector<16xi32>
      %sub3A_262 = arith.subi %add3A_261, %select_n3A_257 : vector<16xi32>
      tpu.vector_store_idx %arg7[%sub3A_262], %or3A_252 masked %and3A_234 : memref<16384xi32, #tpu.memory_space<vmem>>[vector<16xi32>], vector<16xi32>, vector<16xi1>
      tpu.vector_store_idx %arg8[%select_n3A_239], %broadcast_in_dim3A_8 masked %and3A_234 {add = true} : memref<64xi32, #tpu.memory_space<vmem>>[vector<16xi32>], vector<16xi32>, vector<16xi1>
      %all_reduce_population_count3A = tpu.all_reduce %and3A_234 {dim = 0 : i64, kind = #tpu.reduction_kind<sum>} : vector<16xi1> -> vector<16xi32>
      %add3A_263 = arith.addi %scan3A_208, %all_reduce_population_count3A : vector<16xi32>
      %mul3A_264 = arith.constant 2 : i32
      %mul3A_265 = arith.muli %scan3A_207, %mul3A_264 : i32
      %add3A_266 = arith.constant 1 : i32
      %add3A_267 = arith.addi %mul3A_265, %add3A_266 : i32
      %mul3A_268 = arith.constant 16 : i32
      %mul3A_269 = arith.muli %add3A_267, %mul3A_268 : i32
      %get3A_270 = arith.index_cast %mul3A_269 : i32 to index
      %get3A_271 = tpu.vector_load %arg6[%get3A_270] {strides = array<i32>} : memref<16384xi32, #tpu.memory_space<vmem>>, vector<16xi32>,
      %lt3A_272 = arith.constant 100000 : i32
      %lt3A_273 = vector.broadcast %lt3A_272 : i32 to vector<16xi32>
      %lt3A_274 = arith.cmpi slt, %get3A_271, %lt3A_273 : vector<16xi32>
      %sub3A_275 = arith.constant 100000 : i32
      %sub3A_276 = vector.broadcast %sub3A_275 : i32 to vector<16xi32>
      %sub3A_277 = arith.subi %get3A_271, %sub3A_276 : vector<16xi32>
      %select_n3A_278 = arith.select %lt3A_274, %get3A_271, %sub3A_277 : vector<16xi1>, vector<16xi32>
      %jit3A_279 = arith.constant 0 : i32
      %jit3A_280 = arith.constant 782 : i32
      %broadcast_in_dim3A_281 = vector.broadcast %jit3A_279 : i32 to vector<16xi32>
      %broadcast_in_dim3A_282 = vector.broadcast %jit3A_280 : i32 to vector<16xi32>
      %select_n3A_283 = arith.select %lt3A_274, %broadcast_in_dim3A_281, %broadcast_in_dim3A_282 : vector<16xi1>, vector<16xi32>
      %shift_right_arithmetic3A_284 = arith.constant 7 : i32
      %shift_right_arithmetic3A_285 = vector.broadcast %shift_right_arithmetic3A_284 : i32 to vector<16xi32>
      %shift_right_arithmetic3A_286 = arith.shrsi %select_n3A_278, %shift_right_arithmetic3A_285 : vector<16xi32>
      %add3A_287 = arith.addi %select_n3A_283, %shift_right_arithmetic3A_286 : vector<16xi32>
      %ge3A_288 = vector.broadcast %mul3A_2 : i32 to vector<16xi32>
      %ge3A_289 = arith.cmpi sge, %add3A_287, %ge3A_288 : vector<16xi32>
      %lt3A_290 = vector.broadcast %min3A_5 : i32 to vector<16xi32>
      %lt3A_291 = arith.cmpi slt, %add3A_287, %lt3A_290 : vector<16xi32>
      %and3A_292 = arith.andi %ge3A_289, %lt3A_291 : vector<16xi1>
      %sub3A_293 = vector.broadcast %mul3A_2 : i32 to vector<16xi32>
      %sub3A_294 = arith.subi %add3A_287, %sub3A_293 : vector<16xi32>
      %jit3A_295 = arith.constant 0 : i32
      %broadcast_in_dim3A_296 = vector.broadcast %jit3A_295 : i32 to vector<16xi32>
      %select_n3A_297 = arith.select %and3A_292, %sub3A_294, %broadcast_in_dim3A_296 : vector<16xi1>, vector<16xi32>
      %shift_left3A_298 = arith.constant 21 : i32
      %shift_left3A_299 = vector.broadcast %shift_left3A_298 : i32 to vector<16xi32>
      %shift_left3A_300 = arith.shli %select_n3A_297, %shift_left3A_299 : vector<16xi32>
      %and3A_301 = arith.constant 127 : i32
      %and3A_302 = vector.broadcast %and3A_301 : i32 to vector<16xi32>
      %and3A_303 = arith.andi %select_n3A_278, %and3A_302 : vector<16xi32>
      %shift_left3A_304 = arith.constant 14 : i32
      %shift_left3A_305 = vector.broadcast %shift_left3A_304 : i32 to vector<16xi32>
      %shift_left3A_306 = arith.shli %and3A_303, %shift_left3A_305 : vector<16xi32>
      %or3A_307 = arith.ori %shift_left3A_300, %shift_left3A_306 : vector<16xi32>
      %mul3A_308 = arith.constant 16 : i32
      %mul3A_309 = arith.muli %add3A_267, %mul3A_308 : i32
      %add3A_310 = vector.broadcast %mul3A_309 : i32 to vector<16xi32>
      %add3A_311 = arith.addi %add3A_310, %iota3A : vector<16xi32>
      %or3A_312 = arith.ori %or3A_307, %add3A_311 : vector<16xi32>
      %jit3A_313 = arith.constant 1 : i32
      %jit3A_314 = arith.constant 0 : i32
      %broadcast_in_dim3A_315 = vector.broadcast %jit3A_313 : i32 to vector<16xi32>
      %broadcast_in_dim3A_316 = vector.broadcast %jit3A_314 : i32 to vector<16xi32>
      %select_n3A_317 = arith.select %and3A_292, %broadcast_in_dim3A_315, %broadcast_in_dim3A_316 : vector<16xi1>, vector<16xi32>
      %broadcast_in_dim3A_318 = arith.constant true
      %broadcast_in_dim3A_319 = vector.broadcast %broadcast_in_dim3A_318 : i1 to vector<16xi1>
      %masked_cumsum3A_320 = tpu.scan <sum>, %select_n3A_317 masked %broadcast_in_dim3A_319 : vector<16xi32>, vector<16xi1> -> vector<16xi32>
      %add3A_321 = arith.addi %add3A_263, %masked_cumsum3A_320 : vector<16xi32>
      %sub3A_322 = arith.subi %add3A_321, %select_n3A_317 : vector<16xi32>
      tpu.vector_store_idx %arg7[%sub3A_322], %or3A_312 masked %and3A_292 : memref<16384xi32, #tpu.memory_space<vmem>>[vector<16xi32>], vector<16xi32>, vector<16xi1>
      tpu.vector_store_idx %arg8[%select_n3A_297], %broadcast_in_dim3A_8 masked %and3A_292 {add = true} : memref<64xi32, #tpu.memory_space<vmem>>[vector<16xi32>], vector<16xi32>, vector<16xi1>
      %all_reduce_population_count3A_323 = tpu.all_reduce %and3A_292 {dim = 0 : i64, kind = #tpu.reduction_kind<sum>} : vector<16xi1> -> vector<16xi32>
      %add3A_324 = arith.addi %add3A_263, %all_reduce_population_count3A_323 : vector<16xi32>
      scf.yield %add3A_324 : vector<16xi32>
    }
    %scan3A_67 = arith.constant 512 : i32
    %reduce_sum3A = arith.constant true
    %reduce_sum3A_68 = vector.broadcast %reduce_sum3A : i1 to vector<16xi1>
    %reduce_sum3A_69 = tpu.scan <sum>, %scan3A_66 masked %reduce_sum3A_68 : vector<16xi32>, vector<16xi1> -> vector<16xi32>
    %reduce_sum3A_70 = vector.extract %reduce_sum3A_69[15] : i32 from vector<16xi32>
    %jit3A = arith.constant 16 : i32
    %div3A = arith.divsi %reduce_sum3A_70, %jit3A : i32
    %sign3A = arith.constant 0 : i32
    %sign3A_71 = arith.cmpi sgt, %reduce_sum3A_70, %sign3A : i32
    %sign3A_72 = arith.extui %sign3A_71 : i1 to i32
    %sign3A_73 = arith.constant 0 : i32
    %sign3A_74 = arith.cmpi slt, %reduce_sum3A_70, %sign3A_73 : i32
    %sign3A_75 = arith.extui %sign3A_74 : i1 to i32
    %sign3A_76 = arith.subi %sign3A_72, %sign3A_75 : i32
    %sign3A_77 = arith.constant 0 : i32
    %sign3A_78 = arith.cmpi sgt, %jit3A, %sign3A_77 : i32
    %sign3A_79 = arith.extui %sign3A_78 : i1 to i32
    %sign3A_80 = arith.constant 0 : i32
    %sign3A_81 = arith.cmpi slt, %jit3A, %sign3A_80 : i32
    %sign3A_82 = arith.extui %sign3A_81 : i1 to i32
    %sign3A_83 = arith.subi %sign3A_79, %sign3A_82 : i32
    %ne3A = arith.cmpi ne, %sign3A_76, %sign3A_83 : i32
    %rem3A = arith.remsi %reduce_sum3A_70, %jit3A : i32
    %ne3A_84 = arith.constant 0 : i32
    %ne3A_85 = arith.cmpi ne, %rem3A, %ne3A_84 : i32
    %and3A = arith.andi %ne3A, %ne3A_85 : i1
    %sub3A_86 = arith.constant 1 : i32
    %sub3A_87 = arith.subi %div3A, %sub3A_86 : i32
    %select_n3A = arith.select %and3A, %sub3A_87, %div3A : i32
    %get3A = arith.constant 0 : index
    %get3A_88 = tpu.vector_load %arg8[%get3A] {strides = array<i32>} : memref<64xi32, #tpu.memory_space<vmem>>, vector<16xi32>,
    %broadcast_in_dim3A_89 = arith.constant true
    %broadcast_in_dim3A_90 = vector.broadcast %broadcast_in_dim3A_89 : i1 to vector<16xi1>
    %masked_cumsum3A = tpu.scan <sum>, %get3A_88 masked %broadcast_in_dim3A_90 : vector<16xi32>, vector<16xi1> -> vector<16xi32>
    %sub3A_91 = arith.subi %masked_cumsum3A, %get3A_88 : vector<16xi32>
    %add3A_92 = arith.constant 0 : i32
    %add3A_93 = vector.broadcast %add3A_92 : i32 to vector<16xi32>
    %add3A_94 = arith.addi %sub3A_91, %add3A_93 : vector<16xi32>
    %swap3A_95 = arith.constant 0 : index
    %swap3A_96 = tpu.vector_load %arg9[%swap3A_95] {strides = array<i32>} : memref<64xi32, #tpu.memory_space<vmem>>, vector<16xi32>,
    tpu.vector_store %arg9[%swap3A_95], %add3A_94 {strides = array<i32>} : memref<64xi32, #tpu.memory_space<vmem>>, vector<16xi32>,
    %reduce_sum3A_97 = arith.constant true
    %reduce_sum3A_98 = vector.broadcast %reduce_sum3A_97 : i1 to vector<16xi1>
    %reduce_sum3A_99 = tpu.scan <sum>, %get3A_88 masked %reduce_sum3A_98 : vector<16xi32>, vector<16xi1> -> vector<16xi32>
    %reduce_sum3A_100 = vector.extract %reduce_sum3A_99[15] : i32 from vector<16xi32>
    %add3A_101 = arith.constant 0 : i32
    %add3A_102 = arith.addi %add3A_101, %reduce_sum3A_100 : i32
    %get3A_103 = arith.constant 16 : index
    %get3A_104 = tpu.vector_load %arg8[%get3A_103] {strides = array<i32>} : memref<64xi32, #tpu.memory_space<vmem>>, vector<16xi32>,
    %broadcast_in_dim3A_105 = arith.constant true
    %broadcast_in_dim3A_106 = vector.broadcast %broadcast_in_dim3A_105 : i1 to vector<16xi1>
    %masked_cumsum3A_107 = tpu.scan <sum>, %get3A_104 masked %broadcast_in_dim3A_106 : vector<16xi32>, vector<16xi1> -> vector<16xi32>
    %sub3A_108 = arith.subi %masked_cumsum3A_107, %get3A_104 : vector<16xi32>
    %add3A_109 = vector.broadcast %add3A_102 : i32 to vector<16xi32>
    %add3A_110 = arith.addi %sub3A_108, %add3A_109 : vector<16xi32>
    %swap3A_111 = arith.constant 16 : index
    %swap3A_112 = tpu.vector_load %arg9[%swap3A_111] {strides = array<i32>} : memref<64xi32, #tpu.memory_space<vmem>>, vector<16xi32>,
    tpu.vector_store %arg9[%swap3A_111], %add3A_110 {strides = array<i32>} : memref<64xi32, #tpu.memory_space<vmem>>, vector<16xi32>,
    %reduce_sum3A_113 = arith.constant true
    %reduce_sum3A_114 = vector.broadcast %reduce_sum3A_113 : i1 to vector<16xi1>
    %reduce_sum3A_115 = tpu.scan <sum>, %get3A_104 masked %reduce_sum3A_114 : vector<16xi32>, vector<16xi1> -> vector<16xi32>
    %reduce_sum3A_116 = vector.extract %reduce_sum3A_115[15] : i32 from vector<16xi32>
    %add3A_117 = arith.addi %add3A_102, %reduce_sum3A_116 : i32
    %get3A_118 = arith.constant 32 : index
    %get3A_119 = tpu.vector_load %arg8[%get3A_118] {strides = array<i32>} : memref<64xi32, #tpu.memory_space<vmem>>, vector<16xi32>,
    %broadcast_in_dim3A_120 = arith.constant true
    %broadcast_in_dim3A_121 = vector.broadcast %broadcast_in_dim3A_120 : i1 to vector<16xi1>
    %masked_cumsum3A_122 = tpu.scan <sum>, %get3A_119 masked %broadcast_in_dim3A_121 : vector<16xi32>, vector<16xi1> -> vector<16xi32>
    %sub3A_123 = arith.subi %masked_cumsum3A_122, %get3A_119 : vector<16xi32>
    %add3A_124 = vector.broadcast %add3A_117 : i32 to vector<16xi32>
    %add3A_125 = arith.addi %sub3A_123, %add3A_124 : vector<16xi32>
    %swap3A_126 = arith.constant 32 : index
    %swap3A_127 = tpu.vector_load %arg9[%swap3A_126] {strides = array<i32>} : memref<64xi32, #tpu.memory_space<vmem>>, vector<16xi32>,
    tpu.vector_store %arg9[%swap3A_126], %add3A_125 {strides = array<i32>} : memref<64xi32, #tpu.memory_space<vmem>>, vector<16xi32>,
    %reduce_sum3A_128 = arith.constant true
    %reduce_sum3A_129 = vector.broadcast %reduce_sum3A_128 : i1 to vector<16xi1>
    %reduce_sum3A_130 = tpu.scan <sum>, %get3A_119 masked %reduce_sum3A_129 : vector<16xi32>, vector<16xi1> -> vector<16xi32>
    %reduce_sum3A_131 = vector.extract %reduce_sum3A_130[15] : i32 from vector<16xi32>
    %add3A_132 = arith.addi %add3A_117, %reduce_sum3A_131 : i32
    %get3A_133 = arith.constant 48 : index
    %get3A_134 = tpu.vector_load %arg8[%get3A_133] {strides = array<i32>} : memref<64xi32, #tpu.memory_space<vmem>>, vector<16xi32>,
    %broadcast_in_dim3A_135 = arith.constant true
    %broadcast_in_dim3A_136 = vector.broadcast %broadcast_in_dim3A_135 : i1 to vector<16xi1>
    %masked_cumsum3A_137 = tpu.scan <sum>, %get3A_134 masked %broadcast_in_dim3A_136 : vector<16xi32>, vector<16xi1> -> vector<16xi32>
    %sub3A_138 = arith.subi %masked_cumsum3A_137, %get3A_134 : vector<16xi32>
    %add3A_139 = vector.broadcast %add3A_132 : i32 to vector<16xi32>
    %add3A_140 = arith.addi %sub3A_138, %add3A_139 : vector<16xi32>
    %swap3A_141 = arith.constant 48 : index
    %swap3A_142 = tpu.vector_load %arg9[%swap3A_141] {strides = array<i32>} : memref<64xi32, #tpu.memory_space<vmem>>, vector<16xi32>,
    tpu.vector_store %arg9[%swap3A_141], %add3A_140 {strides = array<i32>} : memref<64xi32, #tpu.memory_space<vmem>>, vector<16xi32>,
    %reduce_sum3A_143 = arith.constant true
    %reduce_sum3A_144 = vector.broadcast %reduce_sum3A_143 : i1 to vector<16xi1>
    %reduce_sum3A_145 = tpu.scan <sum>, %get3A_134 masked %reduce_sum3A_144 : vector<16xi32>, vector<16xi1> -> vector<16xi32>
    %reduce_sum3A_146 = vector.extract %reduce_sum3A_145[15] : i32 from vector<16xi32>
    %add3A_147 = arith.addi %add3A_132, %reduce_sum3A_146 : i32
    %add3A_148 = arith.constant 16 : i32
    %add3A_149 = arith.addi %select_n3A, %add3A_148 : i32
    %sub3A_150 = arith.constant 1 : i32
    %sub3A_151 = arith.subi %add3A_149, %sub3A_150 : i32
    %jit3A_152 = arith.constant 16 : i32
    %div3A_153 = arith.divsi %sub3A_151, %jit3A_152 : i32
    %sign3A_154 = arith.constant 0 : i32
    %sign3A_155 = arith.cmpi sgt, %sub3A_151, %sign3A_154 : i32
    %sign3A_156 = arith.extui %sign3A_155 : i1 to i32
    %sign3A_157 = arith.constant 0 : i32
    %sign3A_158 = arith.cmpi slt, %sub3A_151, %sign3A_157 : i32
    %sign3A_159 = arith.extui %sign3A_158 : i1 to i32
    %sign3A_160 = arith.subi %sign3A_156, %sign3A_159 : i32
    %sign3A_161 = arith.constant 0 : i32
    %sign3A_162 = arith.cmpi sgt, %jit3A_152, %sign3A_161 : i32
    %sign3A_163 = arith.extui %sign3A_162 : i1 to i32
    %sign3A_164 = arith.constant 0 : i32
    %sign3A_165 = arith.cmpi slt, %jit3A_152, %sign3A_164 : i32
    %sign3A_166 = arith.extui %sign3A_165 : i1 to i32
    %sign3A_167 = arith.subi %sign3A_163, %sign3A_166 : i32
    %ne3A_168 = arith.cmpi ne, %sign3A_160, %sign3A_167 : i32
    %rem3A_169 = arith.remsi %sub3A_151, %jit3A_152 : i32
    %ne3A_170 = arith.constant 0 : i32
    %ne3A_171 = arith.cmpi ne, %rem3A_169, %ne3A_170 : i32
    %and3A_172 = arith.andi %ne3A_168, %ne3A_171 : i1
    %sub3A_173 = arith.constant 1 : i32
    %sub3A_174 = arith.subi %div3A_153, %sub3A_173 : i32
    %select_n3A_175 = arith.select %and3A_172, %sub3A_174, %div3A_153 : i32
    %while3A = arith.constant 0 : i32
    %while3A_176 = arith.constant 0 : i32
    %while3A_177 = arith.subi %select_n3A_175, %while3A : i32
    %while3A_178 = arith.addi %while3A, %while3A_177 : i32
    %while3A_179 = arith.constant 1 : i32
    %while3A_180 = arith.divsi %while3A_177, %while3A_179 : i32
    %while3A_181 = arith.muli %while3A_180, %while3A_179 : i32
    %while3A_182 = arith.addi %while3A, %while3A_181 : i32
    %while3A_183 = arith.constant 1 : i32
    %while3A_184 = scf.for %while3A_207 = %while3A to %while3A_182 step %while3A_183 iter_args(%while3A_208 = %while3A_176) -> (i32)  : i32 {
      %mul3A_209 = arith.constant 16 : i32
      %mul3A_210 = arith.muli %while3A_207, %mul3A_209 : i32
      %add3A_211 = vector.broadcast %mul3A_210 : i32 to vector<16xi32>
      %add3A_212 = arith.addi %add3A_211, %iota3A : vector<16xi32>
      %lt3A = vector.broadcast %select_n3A : i32 to vector<16xi32>
      %lt3A_213 = arith.cmpi slt, %add3A_212, %lt3A : vector<16xi32>
      %mul3A_214 = arith.constant 16 : i32
      %mul3A_215 = arith.muli %while3A_207, %mul3A_214 : i32
      %get3A_216 = arith.index_cast %mul3A_215 : i32 to index
      %get3A_217 = tpu.vector_load %arg7[%get3A_216] {strides = array<i32>} : memref<16384xi32, #tpu.memory_space<vmem>>, vector<16xi32>,
      %shift_right_logical3A = arith.constant 21 : i32
      %shift_right_logical3A_218 = vector.broadcast %shift_right_logical3A : i32 to vector<16xi32>
      %shift_right_logical3A_219 = arith.shrui %get3A_217, %shift_right_logical3A_218 : vector<16xi32>
      %jit3A_220 = arith.constant 0 : i32
      %broadcast_in_dim3A_221 = vector.broadcast %jit3A_220 : i32 to vector<16xi32>
      %select_n3A_222 = arith.select %lt3A_213, %shift_right_logical3A_219, %broadcast_in_dim3A_221 : vector<16xi1>, vector<16xi32>
      %unique3A, %unique3A_223 = tpu.scan_count mask(%lt3A_213 : vector<16xi1>) value(%select_n3A_222 : vector<16xi32>) : vector<16xi1>, vector<16xi32>
      %gather3A = tpu.vector_load_idx %arg9[%select_n3A_222] masked %lt3A_213 : memref<64xi32, #tpu.memory_space<vmem>>[vector<16xi32>], vector<16xi32>, vector<16xi1>
      %add3A_224 = arith.addi %gather3A, %unique3A_223 : vector<16xi32>
      %sub3A_225 = arith.constant 1 : i32
      %sub3A_226 = vector.broadcast %sub3A_225 : i32 to vector<16xi32>
      %sub3A_227 = arith.subi %add3A_224, %sub3A_226 : vector<16xi32>
      tpu.vector_store_idx %arg6[%sub3A_227], %get3A_217 masked %lt3A_213 : memref<16384xi32, #tpu.memory_space<vmem>>[vector<16xi32>], vector<16xi32>, vector<16xi1>
      tpu.vector_store_idx %arg9[%select_n3A_222], %broadcast_in_dim3A_8 masked %lt3A_213 {add = true} : memref<64xi32, #tpu.memory_space<vmem>>[vector<16xi32>], vector<16xi32>, vector<16xi1>
      %while3A_228 = arith.constant 0 : i32
      scf.yield %while3A_228 : i32
    }
    %while3A_185 = arith.constant 1 : i32
    %while3A_186 = scf.for %while3A_207 = %while3A_182 to %while3A_178 step %while3A_185 iter_args(%while3A_208 = %while3A_184) -> (i32)  : i32 {
      %mul3A_209 = arith.constant 16 : i32
      %mul3A_210 = arith.muli %while3A_207, %mul3A_209 : i32
      %add3A_211 = vector.broadcast %mul3A_210 : i32 to vector<16xi32>
      %add3A_212 = arith.addi %add3A_211, %iota3A : vector<16xi32>
      %lt3A = vector.broadcast %select_n3A : i32 to vector<16xi32>
      %lt3A_213 = arith.cmpi slt, %add3A_212, %lt3A : vector<16xi32>
      %mul3A_214 = arith.constant 16 : i32
      %mul3A_215 = arith.muli %while3A_207, %mul3A_214 : i32
      %get3A_216 = arith.index_cast %mul3A_215 : i32 to index
      %get3A_217 = tpu.vector_load %arg7[%get3A_216] {strides = array<i32>} : memref<16384xi32, #tpu.memory_space<vmem>>, vector<16xi32>,
      %shift_right_logical3A = arith.constant 21 : i32
      %shift_right_logical3A_218 = vector.broadcast %shift_right_logical3A : i32 to vector<16xi32>
      %shift_right_logical3A_219 = arith.shrui %get3A_217, %shift_right_logical3A_218 : vector<16xi32>
      %jit3A_220 = arith.constant 0 : i32
      %broadcast_in_dim3A_221 = vector.broadcast %jit3A_220 : i32 to vector<16xi32>
      %select_n3A_222 = arith.select %lt3A_213, %shift_right_logical3A_219, %broadcast_in_dim3A_221 : vector<16xi1>, vector<16xi32>
      %unique3A, %unique3A_223 = tpu.scan_count mask(%lt3A_213 : vector<16xi1>) value(%select_n3A_222 : vector<16xi32>) : vector<16xi1>, vector<16xi32>
      %gather3A = tpu.vector_load_idx %arg9[%select_n3A_222] masked %lt3A_213 : memref<64xi32, #tpu.memory_space<vmem>>[vector<16xi32>], vector<16xi32>, vector<16xi1>
      %add3A_224 = arith.addi %gather3A, %unique3A_223 : vector<16xi32>
      %sub3A_225 = arith.constant 1 : i32
      %sub3A_226 = vector.broadcast %sub3A_225 : i32 to vector<16xi32>
      %sub3A_227 = arith.subi %add3A_224, %sub3A_226 : vector<16xi32>
      tpu.vector_store_idx %arg6[%sub3A_227], %get3A_217 masked %lt3A_213 : memref<16384xi32, #tpu.memory_space<vmem>>[vector<16xi32>], vector<16xi32>, vector<16xi1>
      tpu.vector_store_idx %arg9[%select_n3A_222], %broadcast_in_dim3A_8 masked %lt3A_213 {add = true} : memref<64xi32, #tpu.memory_space<vmem>>[vector<16xi32>], vector<16xi32>, vector<16xi1>
      %while3A_228 = arith.constant 0 : i32
      scf.yield %while3A_228 : i32
    }
    %while3A_187 = arith.constant 0 : i32
    %while3A_188 = arith.constant 0 : i32
    %while3A_189 = arith.constant 0 : i32
    %while3A_190 = arith.subi %sub3A, %while3A_187 : i32
    %while3A_191 = arith.addi %while3A_187, %while3A_190 : i32
    %while3A_192 = arith.constant 1 : i32
    %while3A_193 = arith.divsi %while3A_190, %while3A_192 : i32
    %while3A_194 = arith.muli %while3A_193, %while3A_192 : i32
    %while3A_195 = arith.addi %while3A_187, %while3A_194 : i32
    %while3A_196 = arith.constant 1 : i32
    %while3A_197:2 = scf.for %while3A_207 = %while3A_187 to %while3A_195 step %while3A_196 iter_args(%while3A_208 = %while3A_188, %while3A_209 = %while3A_189) -> (i32, i32)  : i32 {
      %rem3A_210 = arith.constant 8 : i32
      %rem3A_211 = arith.remsi %while3A_207, %rem3A_210 : i32
      %dma_wait3A = arith.constant 0 : i32
      %dma_wait3A_212 = arith.constant 0 : i32
      %dma_wait3A_213 = arith.constant 0 : i32
      %dma_wait3A_214 = tpu.memref_slice %arg10[%dma_wait3A, %dma_wait3A_212, %dma_wait3A_213] : memref<8x64x128xf32, #tpu.memory_space<vmem>> -> memref<1x64x128xf32, #tpu.memory_space<vmem>>
      %dma_wait3A_215 = tpu.memref_squeeze %dma_wait3A_214 : memref<1x64x128xf32, #tpu.memory_space<vmem>> -> memref<64x128xf32, #tpu.memory_space<vmem>>
      %dma_wait3A_216 = arith.constant 0 : i32
      %dma_wait3A_217 = arith.constant 0 : i32
      %dma_wait3A_218 = tpu.memref_slice %arg3[%dma_wait3A_216, %dma_wait3A_217] : memref<64x100000xf32, #tpu.memory_space<hbm>> -> memref<64x128xf32, #tpu.memory_space<hbm>>
      %dma_wait3A_219 = tpu.memref_slice %arg13[%rem3A_211] : memref<8x!tpu.dma_semaphore, #tpu.memory_space<semaphore_mem>> -> memref<1x!tpu.dma_semaphore, #tpu.memory_space<semaphore_mem>>
      %dma_wait3A_220 = tpu.memref_squeeze %dma_wait3A_219 : memref<1x!tpu.dma_semaphore, #tpu.memory_space<semaphore_mem>> -> memref<!tpu.dma_semaphore, #tpu.memory_space<semaphore_mem>>
      %dma_wait3A_221 = arith.constant 0 : i32
      %dma_wait3A_222 = arith.constant 0 : i32
      %dma_wait3A_223 = tpu.memref_slice %arg10[%dma_wait3A, %dma_wait3A_221, %dma_wait3A_222] : memref<8x64x128xf32, #tpu.memory_space<vmem>> -> memref<1x64x128xf32, #tpu.memory_space<vmem>>
      %dma_wait3A_224 = tpu.memref_squeeze %dma_wait3A_223 : memref<1x64x128xf32, #tpu.memory_space<vmem>> -> memref<64x128xf32, #tpu.memory_space<vmem>>
      %dma_wait3A_225 = arith.constant 0 : i32
      %dma_wait3A_226 = arith.constant 0 : i32
      %dma_wait3A_227 = tpu.memref_slice %arg3[%dma_wait3A_225, %dma_wait3A_226] : memref<64x100000xf32, #tpu.memory_space<hbm>> -> memref<64x128xf32, #tpu.memory_space<hbm>>
      tpu.wait_dma2 semaphore(%dma_wait3A_220 : memref<!tpu.dma_semaphore, #tpu.memory_space<semaphore_mem>>) src(%dma_wait3A_227 : memref<64x128xf32, #tpu.memory_space<hbm>>) dst(%dma_wait3A_224 : memref<64x128xf32, #tpu.memory_space<vmem>>)
      %broadcast_in_dim3A_228 = vector.broadcast %while3A_207 : i32 to vector<16xi32>
      %gather3A = tpu.vector_load_idx %arg8[%broadcast_in_dim3A_228] : memref<64xi32, #tpu.memory_space<vmem>>[vector<16xi32>], vector<16xi32>,
      %reduce_max3A = arith.constant true
      %reduce_max3A_229 = vector.broadcast %reduce_max3A : i1 to vector<16xi1>
      %reduce_max3A_230 = arith.constant -2147483648 : i32
      %reduce_max3A_231 = vector.broadcast %reduce_max3A_230 : i32 to vector<16xi32>
      %reduce_max3A_232 = arith.xori %gather3A, %reduce_max3A_231 : vector<16xi32>
      %reduce_max3A_233 = tpu.scan <max>, %reduce_max3A_232 masked %reduce_max3A_229 : vector<16xi32>, vector<16xi1> -> vector<16xi32>
      %reduce_max3A_234 = arith.xori %reduce_max3A_233, %reduce_max3A_231 : vector<16xi32>
      %reduce_max3A_235 = vector.extract %reduce_max3A_234[15] : i32 from vector<16xi32>
      %add3A_236 = arith.constant 16 : i32
      %add3A_237 = arith.addi %reduce_max3A_235, %add3A_236 : i32
      %sub3A_238 = arith.constant 1 : i32
      %sub3A_239 = arith.subi %add3A_237, %sub3A_238 : i32
      %jit3A_240 = arith.constant 16 : i32
      %div3A_241 = arith.divsi %sub3A_239, %jit3A_240 : i32
      %sign3A_242 = arith.constant 0 : i32
      %sign3A_243 = arith.cmpi sgt, %sub3A_239, %sign3A_242 : i32
      %sign3A_244 = arith.extui %sign3A_243 : i1 to i32
      %sign3A_245 = arith.constant 0 : i32
      %sign3A_246 = arith.cmpi slt, %sub3A_239, %sign3A_245 : i32
      %sign3A_247 = arith.extui %sign3A_246 : i1 to i32
      %sign3A_248 = arith.subi %sign3A_244, %sign3A_247 : i32
      %sign3A_249 = arith.constant 0 : i32
      %sign3A_250 = arith.cmpi sgt, %jit3A_240, %sign3A_249 : i32
      %sign3A_251 = arith.extui %sign3A_250 : i1 to i32
      %sign3A_252 = arith.constant 0 : i32
      %sign3A_253 = arith.cmpi slt, %jit3A_240, %sign3A_252 : i32
      %sign3A_254 = arith.extui %sign3A_253 : i1 to i32
      %sign3A_255 = arith.subi %sign3A_251, %sign3A_254 : i32
      %ne3A_256 = arith.cmpi ne, %sign3A_248, %sign3A_255 : i32
      %rem3A_257 = arith.remsi %sub3A_239, %jit3A_240 : i32
      %ne3A_258 = arith.constant 0 : i32
      %ne3A_259 = arith.cmpi ne, %rem3A_257, %ne3A_258 : i32
      %and3A_260 = arith.andi %ne3A_256, %ne3A_259 : i1
      %sub3A_261 = arith.constant 1 : i32
      %sub3A_262 = arith.subi %div3A_241, %sub3A_261 : i32
      %select_n3A_263 = arith.select %and3A_260, %sub3A_262, %div3A_241 : i32
      %while3A_264 = arith.constant 0 : i32
      %while3A_265 = arith.subi %select_n3A_263, %while3A_264 : i32
      %while3A_266 = arith.addi %while3A_264, %while3A_265 : i32
      %while3A_267 = arith.constant 1 : i32
      %while3A_268 = arith.divsi %while3A_265, %while3A_267 : i32
      %while3A_269 = arith.muli %while3A_268, %while3A_267 : i32
      %while3A_270 = arith.addi %while3A_264, %while3A_269 : i32
      %while3A_271 = arith.constant 1 : i32
      %while3A_272 = scf.for %while3A_281 = %while3A_264 to %while3A_270 step %while3A_271 iter_args(%while3A_282 = %while3A_209) -> (i32)  : i32 {
        %mul3A_283 = arith.constant 16 : i32
        %mul3A_284 = arith.muli %while3A_281, %mul3A_283 : i32
        %add3A_285 = arith.addi %while3A_208, %mul3A_284 : i32
        %get3A_286 = arith.index_cast %add3A_285 : i32 to index
        %get3A_287 = tpu.vector_load %arg6[%get3A_286] {strides = array<i32>} : memref<16384xi32, #tpu.memory_space<vmem>>, vector<16xi32>,
        %mul3A_288 = arith.constant 16 : i32
        %mul3A_289 = arith.muli %while3A_281, %mul3A_288 : i32
        %add3A_290 = vector.broadcast %mul3A_289 : i32 to vector<16xi32>
        %add3A_291 = arith.addi %add3A_290, %iota3A : vector<16xi32>
        %lt3A_292 = vector.broadcast %reduce_max3A_235 : i32 to vector<16xi32>
        %lt3A_293 = arith.cmpi slt, %add3A_291, %lt3A_292 : vector<16xi32>
        %shift_right_logical3A = arith.constant 14 : i32
        %shift_right_logical3A_294 = vector.broadcast %shift_right_logical3A : i32 to vector<16xi32>
        %shift_right_logical3A_295 = arith.shrui %get3A_287, %shift_right_logical3A_294 : vector<16xi32>
        %and3A_296 = arith.constant 127 : i32
        %and3A_297 = vector.broadcast %and3A_296 : i32 to vector<16xi32>
        %and3A_298 = arith.andi %shift_right_logical3A_295, %and3A_297 : vector<16xi32>
        %jit3A_299 = arith.constant 0 : i32
        %broadcast_in_dim3A_300 = vector.broadcast %jit3A_299 : i32 to vector<16xi32>
        %select_n3A_301 = arith.select %lt3A_293, %and3A_298, %broadcast_in_dim3A_300 : vector<16xi1>, vector<16xi32>
        %and3A_302 = arith.constant 16383 : i32
        %and3A_303 = vector.broadcast %and3A_302 : i32 to vector<16xi32>
        %and3A_304 = arith.andi %get3A_287, %and3A_303 : vector<16xi32>
        %broadcast_in_dim3A_305 = vector.broadcast %add3A_7 : i32 to vector<16xi32>
        %select_n3A_306 = arith.select %lt3A_293, %and3A_304, %broadcast_in_dim3A_305 : vector<16xi1>, vector<16xi32>
        %and3A_307 = arith.constant 7 : i32
        %and3A_308 = arith.andi %while3A_282, %and3A_307 : i32
        %ge3A = arith.constant 8 : i32
        %ge3A_309 = arith.cmpi sge, %while3A_282, %ge3A : i32
        %convert_element_type3A_310 = arith.extui %ge3A_309 : i1 to i32
        %cond3A_311 = arith.constant 0 : i32
        %cond3A_312 = arith.cmpi ne, %convert_element_type3A_310, %cond3A_311 : i32
        scf.if %cond3A_312 {
          %dma_wait3A_520 = arith.constant 0 : i32
          %dma_wait3A_521 = arith.constant 0 : i32
          %dma_wait3A_522 = arith.constant 0 : i32
          %dma_wait3A_523 = arith.constant 0 : i32
          %dma_wait3A_524 = tpu.memref_slice %arg11[%dma_wait3A_520, %dma_wait3A_522, %dma_wait3A_523] : memref<8x16x128xf32, #tpu.memory_space<vmem>> -> memref<1x16x128xf32, #tpu.memory_space<vmem>>
          %dma_wait3A_525 = tpu.memref_squeeze %dma_wait3A_524 : memref<1x16x128xf32, #tpu.memory_space<vmem>> -> memref<16x128xf32, #tpu.memory_space<vmem>>
          %dma_wait3A_526 = arith.constant 0 : i32
          %dma_wait3A_527 = tpu.memref_slice %arg12[%dma_wait3A_521, %dma_wait3A_526] : memref<8x16xi32, #tpu.memory_space<vmem>> -> memref<1x16xi32, #tpu.memory_space<vmem>>
          %dma_wait3A_528 = tpu.memref_squeeze %dma_wait3A_527 : memref<1x16xi32, #tpu.memory_space<vmem>> -> memref<16xi32, #tpu.memory_space<vmem>>
          %dma_wait3A_529 = arith.constant 0 : i32
          %dma_wait3A_530 = arith.constant 0 : i32
          %dma_wait3A_531 = tpu.memref_slice %arg5[%dma_wait3A_529, %dma_wait3A_530] : memref<16416x128xf32, #tpu.memory_space<hbm>> -> memref<16416x128xf32, #tpu.memory_space<hbm>>
          %dma_wait3A_532 = tpu.memref_slice %arg14[%and3A_308] : memref<8x!tpu.dma_semaphore, #tpu.memory_space<semaphore_mem>> -> memref<1x!tpu.dma_semaphore, #tpu.memory_space<semaphore_mem>>
          %dma_wait3A_533 = tpu.memref_squeeze %dma_wait3A_532 : memref<1x!tpu.dma_semaphore, #tpu.memory_space<semaphore_mem>> -> memref<!tpu.dma_semaphore, #tpu.memory_space<semaphore_mem>>
          tpu.wait_indirect_dma semaphore(%dma_wait3A_533 : memref<!tpu.dma_semaphore, #tpu.memory_space<semaphore_mem>>) src(%dma_wait3A_525 : memref<16x128xf32, #tpu.memory_space<vmem>>) dst(%dma_wait3A_531 : memref<16416x128xf32, #tpu.memory_space<hbm>>)
        } else {
        }
        %broadcast_in_dim3A_313 = vector.broadcast %rem3A_211 : i32 to vector<16xi32>
        %broadcast_in_dim3A_314 = vector.broadcast %and3A_308 : i32 to vector<16xi32>
        %broadcast_in_dim3A_315 = arith.constant 0 : i32
        %broadcast_in_dim3A_316 = vector.broadcast %broadcast_in_dim3A_315 : i32 to vector<16xi32>
        %gather3A_317 = tpu.vector_load_idx %arg10[%broadcast_in_dim3A_313, %broadcast_in_dim3A_316, %select_n3A_301] : memref<8x64x128xf32, #tpu.memory_space<vmem>>[vector<16xi32>, vector<16xi32>, vector<16xi32>], vector<16xf32>,
        tpu.vector_store_idx %arg11[%broadcast_in_dim3A_314, %iota3A, %broadcast_in_dim3A_316], %gather3A_317 : memref<8x16x128xf32, #tpu.memory_space<vmem>>[vector<16xi32>, vector<16xi32>, vector<16xi32>], vector<16xf32>,
        %broadcast_in_dim3A_318 = arith.constant 1 : i32
        %broadcast_in_dim3A_319 = vector.broadcast %broadcast_in_dim3A_318 : i32 to vector<16xi32>
        %gather3A_320 = tpu.vector_load_idx %arg10[%broadcast_in_dim3A_313, %broadcast_in_dim3A_319, %select_n3A_301] : memref<8x64x128xf32, #tpu.memory_space<vmem>>[vector<16xi32>, vector<16xi32>, vector<16xi32>], vector<16xf32>,
        tpu.vector_store_idx %arg11[%broadcast_in_dim3A_314, %iota3A, %broadcast_in_dim3A_319], %gather3A_320 : memref<8x16x128xf32, #tpu.memory_space<vmem>>[vector<16xi32>, vector<16xi32>, vector<16xi32>], vector<16xf32>,
        %broadcast_in_dim3A_321 = arith.constant 2 : i32
        %broadcast_in_dim3A_322 = vector.broadcast %broadcast_in_dim3A_321 : i32 to vector<16xi32>
        %gather3A_323 = tpu.vector_load_idx %arg10[%broadcast_in_dim3A_313, %broadcast_in_dim3A_322, %select_n3A_301] : memref<8x64x128xf32, #tpu.memory_space<vmem>>[vector<16xi32>, vector<16xi32>, vector<16xi32>], vector<16xf32>,
        tpu.vector_store_idx %arg11[%broadcast_in_dim3A_314, %iota3A, %broadcast_in_dim3A_322], %gather3A_323 : memref<8x16x128xf32, #tpu.memory_space<vmem>>[vector<16xi32>, vector<16xi32>, vector<16xi32>], vector<16xf32>,
        %broadcast_in_dim3A_324 = arith.constant 3 : i32
        %broadcast_in_dim3A_325 = vector.broadcast %broadcast_in_dim3A_324 : i32 to vector<16xi32>
        %gather3A_326 = tpu.vector_load_idx %arg10[%broadcast_in_dim3A_313, %broadcast_in_dim3A_325, %select_n3A_301] : memref<8x64x128xf32, #tpu.memory_space<vmem>>[vector<16xi32>, vector<16xi32>, vector<16xi32>], vector<16xf32>,
        tpu.vector_store_idx %arg11[%broadcast_in_dim3A_314, %iota3A, %broadcast_in_dim3A_325], %gather3A_326 : memref<8x16x128xf32, #tpu.memory_space<vmem>>[vector<16xi32>, vector<16xi32>, vector<16xi32>], vector<16xf32>,
        %broadcast_in_dim3A_327 = arith.constant 4 : i32
        %broadcast_in_dim3A_328 = vector.broadcast %broadcast_in_dim3A_327 : i32 to vector<16xi32>
        %gather3A_329 = tpu.vector_load_idx %arg10[%broadcast_in_dim3A_313, %broadcast_in_dim3A_328, %select_n3A_301] : memref<8x64x128xf32, #tpu.memory_space<vmem>>[vector<16xi32>, vector<16xi32>, vector<16xi32>], vector<16xf32>,
        tpu.vector_store_idx %arg11[%broadcast_in_dim3A_314, %iota3A, %broadcast_in_dim3A_328], %gather3A_329 : memref<8x16x128xf32, #tpu.memory_space<vmem>>[vector<16xi32>, vector<16xi32>, vector<16xi32>], vector<16xf32>,
        %broadcast_in_dim3A_330 = arith.constant 5 : i32
        %broadcast_in_dim3A_331 = vector.broadcast %broadcast_in_dim3A_330 : i32 to vector<16xi32>
        %gather3A_332 = tpu.vector_load_idx %arg10[%broadcast_in_dim3A_313, %broadcast_in_dim3A_331, %select_n3A_301] : memref<8x64x128xf32, #tpu.memory_space<vmem>>[vector<16xi32>, vector<16xi32>, vector<16xi32>], vector<16xf32>,
        tpu.vector_store_idx %arg11[%broadcast_in_dim3A_314, %iota3A, %broadcast_in_dim3A_331], %gather3A_332 : memref<8x16x128xf32, #tpu.memory_space<vmem>>[vector<16xi32>, vector<16xi32>, vector<16xi32>], vector<16xf32>,
        %broadcast_in_dim3A_333 = arith.constant 6 : i32
        %broadcast_in_dim3A_334 = vector.broadcast %broadcast_in_dim3A_333 : i32 to vector<16xi32>
        %gather3A_335 = tpu.vector_load_idx %arg10[%broadcast_in_dim3A_313, %broadcast_in_dim3A_334, %select_n3A_301] : memref<8x64x128xf32, #tpu.memory_space<vmem>>[vector<16xi32>, vector<16xi32>, vector<16xi32>], vector<16xf32>,
        tpu.vector_store_idx %arg11[%broadcast_in_dim3A_314, %iota3A, %broadcast_in_dim3A_334], %gather3A_335 : memref<8x16x128xf32, #tpu.memory_space<vmem>>[vector<16xi32>, vector<16xi32>, vector<16xi32>], vector<16xf32>,
        %broadcast_in_dim3A_336 = arith.constant 7 : i32
        %broadcast_in_dim3A_337 = vector.broadcast %broadcast_in_dim3A_336 : i32 to vector<16xi32>
        %gather3A_338 = tpu.vector_load_idx %arg10[%broadcast_in_dim3A_313, %broadcast_in_dim3A_337, %select_n3A_301] : memref<8x64x128xf32, #tpu.memory_space<vmem>>[vector<16xi32>, vector<16xi32>, vector<16xi32>], vector<16xf32>,
        tpu.vector_store_idx %arg11[%broadcast_in_dim3A_314, %iota3A, %broadcast_in_dim3A_337], %gather3A_338 : memref<8x16x128xf32, #tpu.memory_space<vmem>>[vector<16xi32>, vector<16xi32>, vector<16xi32>], vector<16xf32>,
        %broadcast_in_dim3A_339 = arith.constant 8 : i32
        %broadcast_in_dim3A_340 = vector.broadcast %broadcast_in_dim3A_339 : i32 to vector<16xi32>
        %gather3A_341 = tpu.vector_load_idx %arg10[%broadcast_in_dim3A_313, %broadcast_in_dim3A_340, %select_n3A_301] : memref<8x64x128xf32, #tpu.memory_space<vmem>>[vector<16xi32>, vector<16xi32>, vector<16xi32>], vector<16xf32>,
        tpu.vector_store_idx %arg11[%broadcast_in_dim3A_314, %iota3A, %broadcast_in_dim3A_340], %gather3A_341 : memref<8x16x128xf32, #tpu.memory_space<vmem>>[vector<16xi32>, vector<16xi32>, vector<16xi32>], vector<16xf32>,
        %broadcast_in_dim3A_342 = arith.constant 9 : i32
        %broadcast_in_dim3A_343 = vector.broadcast %broadcast_in_dim3A_342 : i32 to vector<16xi32>
        %gather3A_344 = tpu.vector_load_idx %arg10[%broadcast_in_dim3A_313, %broadcast_in_dim3A_343, %select_n3A_301] : memref<8x64x128xf32, #tpu.memory_space<vmem>>[vector<16xi32>, vector<16xi32>, vector<16xi32>], vector<16xf32>,
        tpu.vector_store_idx %arg11[%broadcast_in_dim3A_314, %iota3A, %broadcast_in_dim3A_343], %gather3A_344 : memref<8x16x128xf32, #tpu.memory_space<vmem>>[vector<16xi32>, vector<16xi32>, vector<16xi32>], vector<16xf32>,
        %broadcast_in_dim3A_345 = arith.constant 10 : i32
        %broadcast_in_dim3A_346 = vector.broadcast %broadcast_in_dim3A_345 : i32 to vector<16xi32>
        %gather3A_347 = tpu.vector_load_idx %arg10[%broadcast_in_dim3A_313, %broadcast_in_dim3A_346, %select_n3A_301] : memref<8x64x128xf32, #tpu.memory_space<vmem>>[vector<16xi32>, vector<16xi32>, vector<16xi32>], vector<16xf32>,
        tpu.vector_store_idx %arg11[%broadcast_in_dim3A_314, %iota3A, %broadcast_in_dim3A_346], %gather3A_347 : memref<8x16x128xf32, #tpu.memory_space<vmem>>[vector<16xi32>, vector<16xi32>, vector<16xi32>], vector<16xf32>,
        %broadcast_in_dim3A_348 = arith.constant 11 : i32
        %broadcast_in_dim3A_349 = vector.broadcast %broadcast_in_dim3A_348 : i32 to vector<16xi32>
        %gather3A_350 = tpu.vector_load_idx %arg10[%broadcast_in_dim3A_313, %broadcast_in_dim3A_349, %select_n3A_301] : memref<8x64x128xf32, #tpu.memory_space<vmem>>[vector<16xi32>, vector<16xi32>, vector<16xi32>], vector<16xf32>,
        tpu.vector_store_idx %arg11[%broadcast_in_dim3A_314, %iota3A, %broadcast_in_dim3A_349], %gather3A_350 : memref<8x16x128xf32, #tpu.memory_space<vmem>>[vector<16xi32>, vector<16xi32>, vector<16xi32>], vector<16xf32>,
        %broadcast_in_dim3A_351 = arith.constant 12 : i32
        %broadcast_in_dim3A_352 = vector.broadcast %broadcast_in_dim3A_351 : i32 to vector<16xi32>
        %gather3A_353 = tpu.vector_load_idx %arg10[%broadcast_in_dim3A_313, %broadcast_in_dim3A_352, %select_n3A_301] : memref<8x64x128xf32, #tpu.memory_space<vmem>>[vector<16xi32>, vector<16xi32>, vector<16xi32>], vector<16xf32>,
        tpu.vector_store_idx %arg11[%broadcast_in_dim3A_314, %iota3A, %broadcast_in_dim3A_352], %gather3A_353 : memref<8x16x128xf32, #tpu.memory_space<vmem>>[vector<16xi32>, vector<16xi32>, vector<16xi32>], vector<16xf32>,
        %broadcast_in_dim3A_354 = arith.constant 13 : i32
        %broadcast_in_dim3A_355 = vector.broadcast %broadcast_in_dim3A_354 : i32 to vector<16xi32>
        %gather3A_356 = tpu.vector_load_idx %arg10[%broadcast_in_dim3A_313, %broadcast_in_dim3A_355, %select_n3A_301] : memref<8x64x128xf32, #tpu.memory_space<vmem>>[vector<16xi32>, vector<16xi32>, vector<16xi32>], vector<16xf32>,
        tpu.vector_store_idx %arg11[%broadcast_in_dim3A_314, %iota3A, %broadcast_in_dim3A_355], %gather3A_356 : memref<8x16x128xf32, #tpu.memory_space<vmem>>[vector<16xi32>, vector<16xi32>, vector<16xi32>], vector<16xf32>,
        %broadcast_in_dim3A_357 = arith.constant 14 : i32
        %broadcast_in_dim3A_358 = vector.broadcast %broadcast_in_dim3A_357 : i32 to vector<16xi32>
        %gather3A_359 = tpu.vector_load_idx %arg10[%broadcast_in_dim3A_313, %broadcast_in_dim3A_358, %select_n3A_301] : memref<8x64x128xf32, #tpu.memory_space<vmem>>[vector<16xi32>, vector<16xi32>, vector<16xi32>], vector<16xf32>,
        tpu.vector_store_idx %arg11[%broadcast_in_dim3A_314, %iota3A, %broadcast_in_dim3A_358], %gather3A_359 : memref<8x16x128xf32, #tpu.memory_space<vmem>>[vector<16xi32>, vector<16xi32>, vector<16xi32>], vector<16xf32>,
        %broadcast_in_dim3A_360 = arith.constant 15 : i32
        %broadcast_in_dim3A_361 = vector.broadcast %broadcast_in_dim3A_360 : i32 to vector<16xi32>
        %gather3A_362 = tpu.vector_load_idx %arg10[%broadcast_in_dim3A_313, %broadcast_in_dim3A_361, %select_n3A_301] : memref<8x64x128xf32, #tpu.memory_space<vmem>>[vector<16xi32>, vector<16xi32>, vector<16xi32>], vector<16xf32>,
        tpu.vector_store_idx %arg11[%broadcast_in_dim3A_314, %iota3A, %broadcast_in_dim3A_361], %gather3A_362 : memref<8x16x128xf32, #tpu.memory_space<vmem>>[vector<16xi32>, vector<16xi32>, vector<16xi32>], vector<16xf32>,
        %broadcast_in_dim3A_363 = arith.constant 16 : i32
        %broadcast_in_dim3A_364 = vector.broadcast %broadcast_in_dim3A_363 : i32 to vector<16xi32>
        %gather3A_365 = tpu.vector_load_idx %arg10[%broadcast_in_dim3A_313, %broadcast_in_dim3A_364, %select_n3A_301] : memref<8x64x128xf32, #tpu.memory_space<vmem>>[vector<16xi32>, vector<16xi32>, vector<16xi32>], vector<16xf32>,
        tpu.vector_store_idx %arg11[%broadcast_in_dim3A_314, %iota3A, %broadcast_in_dim3A_364], %gather3A_365 : memref<8x16x128xf32, #tpu.memory_space<vmem>>[vector<16xi32>, vector<16xi32>, vector<16xi32>], vector<16xf32>,
        %broadcast_in_dim3A_366 = arith.constant 17 : i32
        %broadcast_in_dim3A_367 = vector.broadcast %broadcast_in_dim3A_366 : i32 to vector<16xi32>
        %gather3A_368 = tpu.vector_load_idx %arg10[%broadcast_in_dim3A_313, %broadcast_in_dim3A_367, %select_n3A_301] : memref<8x64x128xf32, #tpu.memory_space<vmem>>[vector<16xi32>, vector<16xi32>, vector<16xi32>], vector<16xf32>,
        tpu.vector_store_idx %arg11[%broadcast_in_dim3A_314, %iota3A, %broadcast_in_dim3A_367], %gather3A_368 : memref<8x16x128xf32, #tpu.memory_space<vmem>>[vector<16xi32>, vector<16xi32>, vector<16xi32>], vector<16xf32>,
        %broadcast_in_dim3A_369 = arith.constant 18 : i32
        %broadcast_in_dim3A_370 = vector.broadcast %broadcast_in_dim3A_369 : i32 to vector<16xi32>
        %gather3A_371 = tpu.vector_load_idx %arg10[%broadcast_in_dim3A_313, %broadcast_in_dim3A_370, %select_n3A_301] : memref<8x64x128xf32, #tpu.memory_space<vmem>>[vector<16xi32>, vector<16xi32>, vector<16xi32>], vector<16xf32>,
        tpu.vector_store_idx %arg11[%broadcast_in_dim3A_314, %iota3A, %broadcast_in_dim3A_370], %gather3A_371 : memref<8x16x128xf32, #tpu.memory_space<vmem>>[vector<16xi32>, vector<16xi32>, vector<16xi32>], vector<16xf32>,
        %broadcast_in_dim3A_372 = arith.constant 19 : i32
        %broadcast_in_dim3A_373 = vector.broadcast %broadcast_in_dim3A_372 : i32 to vector<16xi32>
        %gather3A_374 = tpu.vector_load_idx %arg10[%broadcast_in_dim3A_313, %broadcast_in_dim3A_373, %select_n3A_301] : memref<8x64x128xf32, #tpu.memory_space<vmem>>[vector<16xi32>, vector<16xi32>, vector<16xi32>], vector<16xf32>,
        tpu.vector_store_idx %arg11[%broadcast_in_dim3A_314, %iota3A, %broadcast_in_dim3A_373], %gather3A_374 : memref<8x16x128xf32, #tpu.memory_space<vmem>>[vector<16xi32>, vector<16xi32>, vector<16xi32>], vector<16xf32>,
        %broadcast_in_dim3A_375 = arith.constant 20 : i32
        %broadcast_in_dim3A_376 = vector.broadcast %broadcast_in_dim3A_375 : i32 to vector<16xi32>
        %gather3A_377 = tpu.vector_load_idx %arg10[%broadcast_in_dim3A_313, %broadcast_in_dim3A_376, %select_n3A_301] : memref<8x64x128xf32, #tpu.memory_space<vmem>>[vector<16xi32>, vector<16xi32>, vector<16xi32>], vector<16xf32>,
        tpu.vector_store_idx %arg11[%broadcast_in_dim3A_314, %iota3A, %broadcast_in_dim3A_376], %gather3A_377 : memref<8x16x128xf32, #tpu.memory_space<vmem>>[vector<16xi32>, vector<16xi32>, vector<16xi32>], vector<16xf32>,
        %broadcast_in_dim3A_378 = arith.constant 21 : i32
        %broadcast_in_dim3A_379 = vector.broadcast %broadcast_in_dim3A_378 : i32 to vector<16xi32>
        %gather3A_380 = tpu.vector_load_idx %arg10[%broadcast_in_dim3A_313, %broadcast_in_dim3A_379, %select_n3A_301] : memref<8x64x128xf32, #tpu.memory_space<vmem>>[vector<16xi32>, vector<16xi32>, vector<16xi32>], vector<16xf32>,
        tpu.vector_store_idx %arg11[%broadcast_in_dim3A_314, %iota3A, %broadcast_in_dim3A_379], %gather3A_380 : memref<8x16x128xf32, #tpu.memory_space<vmem>>[vector<16xi32>, vector<16xi32>, vector<16xi32>], vector<16xf32>,
        %broadcast_in_dim3A_381 = arith.constant 22 : i32
        %broadcast_in_dim3A_382 = vector.broadcast %broadcast_in_dim3A_381 : i32 to vector<16xi32>
        %gather3A_383 = tpu.vector_load_idx %arg10[%broadcast_in_dim3A_313, %broadcast_in_dim3A_382, %select_n3A_301] : memref<8x64x128xf32, #tpu.memory_space<vmem>>[vector<16xi32>, vector<16xi32>, vector<16xi32>], vector<16xf32>,
        tpu.vector_store_idx %arg11[%broadcast_in_dim3A_314, %iota3A, %broadcast_in_dim3A_382], %gather3A_383 : memref<8x16x128xf32, #tpu.memory_space<vmem>>[vector<16xi32>, vector<16xi32>, vector<16xi32>], vector<16xf32>,
        %broadcast_in_dim3A_384 = arith.constant 23 : i32
        %broadcast_in_dim3A_385 = vector.broadcast %broadcast_in_dim3A_384 : i32 to vector<16xi32>
        %gather3A_386 = tpu.vector_load_idx %arg10[%broadcast_in_dim3A_313, %broadcast_in_dim3A_385, %select_n3A_301] : memref<8x64x128xf32, #tpu.memory_space<vmem>>[vector<16xi32>, vector<16xi32>, vector<16xi32>], vector<16xf32>,
        tpu.vector_store_idx %arg11[%broadcast_in_dim3A_314, %iota3A, %broadcast_in_dim3A_385], %gather3A_386 : memref<8x16x128xf32, #tpu.memory_space<vmem>>[vector<16xi32>, vector<16xi32>, vector<16xi32>], vector<16xf32>,
        %broadcast_in_dim3A_387 = arith.constant 24 : i32
        %broadcast_in_dim3A_388 = vector.broadcast %broadcast_in_dim3A_387 : i32 to vector<16xi32>
        %gather3A_389 = tpu.vector_load_idx %arg10[%broadcast_in_dim3A_313, %broadcast_in_dim3A_388, %select_n3A_301] : memref<8x64x128xf32, #tpu.memory_space<vmem>>[vector<16xi32>, vector<16xi32>, vector<16xi32>], vector<16xf32>,
        tpu.vector_store_idx %arg11[%broadcast_in_dim3A_314, %iota3A, %broadcast_in_dim3A_388], %gather3A_389 : memref<8x16x128xf32, #tpu.memory_space<vmem>>[vector<16xi32>, vector<16xi32>, vector<16xi32>], vector<16xf32>,
        %broadcast_in_dim3A_390 = arith.constant 25 : i32
        %broadcast_in_dim3A_391 = vector.broadcast %broadcast_in_dim3A_390 : i32 to vector<16xi32>
        %gather3A_392 = tpu.vector_load_idx %arg10[%broadcast_in_dim3A_313, %broadcast_in_dim3A_391, %select_n3A_301] : memref<8x64x128xf32, #tpu.memory_space<vmem>>[vector<16xi32>, vector<16xi32>, vector<16xi32>], vector<16xf32>,
        tpu.vector_store_idx %arg11[%broadcast_in_dim3A_314, %iota3A, %broadcast_in_dim3A_391], %gather3A_392 : memref<8x16x128xf32, #tpu.memory_space<vmem>>[vector<16xi32>, vector<16xi32>, vector<16xi32>], vector<16xf32>,
        %broadcast_in_dim3A_393 = arith.constant 26 : i32
        %broadcast_in_dim3A_394 = vector.broadcast %broadcast_in_dim3A_393 : i32 to vector<16xi32>
        %gather3A_395 = tpu.vector_load_idx %arg10[%broadcast_in_dim3A_313, %broadcast_in_dim3A_394, %select_n3A_301] : memref<8x64x128xf32, #tpu.memory_space<vmem>>[vector<16xi32>, vector<16xi32>, vector<16xi32>], vector<16xf32>,
        tpu.vector_store_idx %arg11[%broadcast_in_dim3A_314, %iota3A, %broadcast_in_dim3A_394], %gather3A_395 : memref<8x16x128xf32, #tpu.memory_space<vmem>>[vector<16xi32>, vector<16xi32>, vector<16xi32>], vector<16xf32>,
        %broadcast_in_dim3A_396 = arith.constant 27 : i32
        %broadcast_in_dim3A_397 = vector.broadcast %broadcast_in_dim3A_396 : i32 to vector<16xi32>
        %gather3A_398 = tpu.vector_load_idx %arg10[%broadcast_in_dim3A_313, %broadcast_in_dim3A_397, %select_n3A_301] : memref<8x64x128xf32, #tpu.memory_space<vmem>>[vector<16xi32>, vector<16xi32>, vector<16xi32>], vector<16xf32>,
        tpu.vector_store_idx %arg11[%broadcast_in_dim3A_314, %iota3A, %broadcast_in_dim3A_397], %gather3A_398 : memref<8x16x128xf32, #tpu.memory_space<vmem>>[vector<16xi32>, vector<16xi32>, vector<16xi32>], vector<16xf32>,
        %broadcast_in_dim3A_399 = arith.constant 28 : i32
        %broadcast_in_dim3A_400 = vector.broadcast %broadcast_in_dim3A_399 : i32 to vector<16xi32>
        %gather3A_401 = tpu.vector_load_idx %arg10[%broadcast_in_dim3A_313, %broadcast_in_dim3A_400, %select_n3A_301] : memref<8x64x128xf32, #tpu.memory_space<vmem>>[vector<16xi32>, vector<16xi32>, vector<16xi32>], vector<16xf32>,
        tpu.vector_store_idx %arg11[%broadcast_in_dim3A_314, %iota3A, %broadcast_in_dim3A_400], %gather3A_401 : memref<8x16x128xf32, #tpu.memory_space<vmem>>[vector<16xi32>, vector<16xi32>, vector<16xi32>], vector<16xf32>,
        %broadcast_in_dim3A_402 = arith.constant 29 : i32
        %broadcast_in_dim3A_403 = vector.broadcast %broadcast_in_dim3A_402 : i32 to vector<16xi32>
        %gather3A_404 = tpu.vector_load_idx %arg10[%broadcast_in_dim3A_313, %broadcast_in_dim3A_403, %select_n3A_301] : memref<8x64x128xf32, #tpu.memory_space<vmem>>[vector<16xi32>, vector<16xi32>, vector<16xi32>], vector<16xf32>,
        tpu.vector_store_idx %arg11[%broadcast_in_dim3A_314, %iota3A, %broadcast_in_dim3A_403], %gather3A_404 : memref<8x16x128xf32, #tpu.memory_space<vmem>>[vector<16xi32>, vector<16xi32>, vector<16xi32>], vector<16xf32>,
        %broadcast_in_dim3A_405 = arith.constant 30 : i32
        %broadcast_in_dim3A_406 = vector.broadcast %broadcast_in_dim3A_405 : i32 to vector<16xi32>
        %gather3A_407 = tpu.vector_load_idx %arg10[%broadcast_in_dim3A_313, %broadcast_in_dim3A_406, %select_n3A_301] : memref<8x64x128xf32, #tpu.memory_space<vmem>>[vector<16xi32>, vector<16xi32>, vector<16xi32>], vector<16xf32>,
        tpu.vector_store_idx %arg11[%broadcast_in_dim3A_314, %iota3A, %broadcast_in_dim3A_406], %gather3A_407 : memref<8x16x128xf32, #tpu.memory_space<vmem>>[vector<16xi32>, vector<16xi32>, vector<16xi32>], vector<16xf32>,
        %broadcast_in_dim3A_408 = arith.constant 31 : i32
        %broadcast_in_dim3A_409 = vector.broadcast %broadcast_in_dim3A_408 : i32 to vector<16xi32>
        %gather3A_410 = tpu.vector_load_idx %arg10[%broadcast_in_dim3A_313, %broadcast_in_dim3A_409, %select_n3A_301] : memref<8x64x128xf32, #tpu.memory_space<vmem>>[vector<16xi32>, vector<16xi32>, vector<16xi32>], vector<16xf32>,
        tpu.vector_store_idx %arg11[%broadcast_in_dim3A_314, %iota3A, %broadcast_in_dim3A_409], %gather3A_410 : memref<8x16x128xf32, #tpu.memory_space<vmem>>[vector<16xi32>, vector<16xi32>, vector<16xi32>], vector<16xf32>,
        %broadcast_in_dim3A_411 = arith.constant 32 : i32
        %broadcast_in_dim3A_412 = vector.broadcast %broadcast_in_dim3A_411 : i32 to vector<16xi32>
        %gather3A_413 = tpu.vector_load_idx %arg10[%broadcast_in_dim3A_313, %broadcast_in_dim3A_412, %select_n3A_301] : memref<8x64x128xf32, #tpu.memory_space<vmem>>[vector<16xi32>, vector<16xi32>, vector<16xi32>], vector<16xf32>,
        tpu.vector_store_idx %arg11[%broadcast_in_dim3A_314, %iota3A, %broadcast_in_dim3A_412], %gather3A_413 : memref<8x16x128xf32, #tpu.memory_space<vmem>>[vector<16xi32>, vector<16xi32>, vector<16xi32>], vector<16xf32>,
        %broadcast_in_dim3A_414 = arith.constant 33 : i32
        %broadcast_in_dim3A_415 = vector.broadcast %broadcast_in_dim3A_414 : i32 to vector<16xi32>
        %gather3A_416 = tpu.vector_load_idx %arg10[%broadcast_in_dim3A_313, %broadcast_in_dim3A_415, %select_n3A_301] : memref<8x64x128xf32, #tpu.memory_space<vmem>>[vector<16xi32>, vector<16xi32>, vector<16xi32>], vector<16xf32>,
        tpu.vector_store_idx %arg11[%broadcast_in_dim3A_314, %iota3A, %broadcast_in_dim3A_415], %gather3A_416 : memref<8x16x128xf32, #tpu.memory_space<vmem>>[vector<16xi32>, vector<16xi32>, vector<16xi32>], vector<16xf32>,
        %broadcast_in_dim3A_417 = arith.constant 34 : i32
        %broadcast_in_dim3A_418 = vector.broadcast %broadcast_in_dim3A_417 : i32 to vector<16xi32>
        %gather3A_419 = tpu.vector_load_idx %arg10[%broadcast_in_dim3A_313, %broadcast_in_dim3A_418, %select_n3A_301] : memref<8x64x128xf32, #tpu.memory_space<vmem>>[vector<16xi32>, vector<16xi32>, vector<16xi32>], vector<16xf32>,
        tpu.vector_store_idx %arg11[%broadcast_in_dim3A_314, %iota3A, %broadcast_in_dim3A_418], %gather3A_419 : memref<8x16x128xf32, #tpu.memory_space<vmem>>[vector<16xi32>, vector<16xi32>, vector<16xi32>], vector<16xf32>,
        %broadcast_in_dim3A_420 = arith.constant 35 : i32
        %broadcast_in_dim3A_421 = vector.broadcast %broadcast_in_dim3A_420 : i32 to vector<16xi32>
        %gather3A_422 = tpu.vector_load_idx %arg10[%broadcast_in_dim3A_313, %broadcast_in_dim3A_421, %select_n3A_301] : memref<8x64x128xf32, #tpu.memory_space<vmem>>[vector<16xi32>, vector<16xi32>, vector<16xi32>], vector<16xf32>,
        tpu.vector_store_idx %arg11[%broadcast_in_dim3A_314, %iota3A, %broadcast_in_dim3A_421], %gather3A_422 : memref<8x16x128xf32, #tpu.memory_space<vmem>>[vector<16xi32>, vector<16xi32>, vector<16xi32>], vector<16xf32>,
        %broadcast_in_dim3A_423 = arith.constant 36 : i32
        %broadcast_in_dim3A_424 = vector.broadcast %broadcast_in_dim3A_423 : i32 to vector<16xi32>
        %gather3A_425 = tpu.vector_load_idx %arg10[%broadcast_in_dim3A_313, %broadcast_in_dim3A_424, %select_n3A_301] : memref<8x64x128xf32, #tpu.memory_space<vmem>>[vector<16xi32>, vector<16xi32>, vector<16xi32>], vector<16xf32>,
        tpu.vector_store_idx %arg11[%broadcast_in_dim3A_314, %iota3A, %broadcast_in_dim3A_424], %gather3A_425 : memref<8x16x128xf32, #tpu.memory_space<vmem>>[vector<16xi32>, vector<16xi32>, vector<16xi32>], vector<16xf32>,
        %broadcast_in_dim3A_426 = arith.constant 37 : i32
        %broadcast_in_dim3A_427 = vector.broadcast %broadcast_in_dim3A_426 : i32 to vector<16xi32>
        %gather3A_428 = tpu.vector_load_idx %arg10[%broadcast_in_dim3A_313, %broadcast_in_dim3A_427, %select_n3A_301] : memref<8x64x128xf32, #tpu.memory_space<vmem>>[vector<16xi32>, vector<16xi32>, vector<16xi32>], vector<16xf32>,
        tpu.vector_store_idx %arg11[%broadcast_in_dim3A_314, %iota3A, %broadcast_in_dim3A_427], %gather3A_428 : memref<8x16x128xf32, #tpu.memory_space<vmem>>[vector<16xi32>, vector<16xi32>, vector<16xi32>], vector<16xf32>,
        %broadcast_in_dim3A_429 = arith.constant 38 : i32
        %broadcast_in_dim3A_430 = vector.broadcast %broadcast_in_dim3A_429 : i32 to vector<16xi32>
        %gather3A_431 = tpu.vector_load_idx %arg10[%broadcast_in_dim3A_313, %broadcast_in_dim3A_430, %select_n3A_301] : memref<8x64x128xf32, #tpu.memory_space<vmem>>[vector<16xi32>, vector<16xi32>, vector<16xi32>], vector<16xf32>,
        tpu.vector_store_idx %arg11[%broadcast_in_dim3A_314, %iota3A, %broadcast_in_dim3A_430], %gather3A_431 : memref<8x16x128xf32, #tpu.memory_space<vmem>>[vector<16xi32>, vector<16xi32>, vector<16xi32>], vector<16xf32>,
        %broadcast_in_dim3A_432 = arith.constant 39 : i32
        %broadcast_in_dim3A_433 = vector.broadcast %broadcast_in_dim3A_432 : i32 to vector<16xi32>
        %gather3A_434 = tpu.vector_load_idx %arg10[%broadcast_in_dim3A_313, %broadcast_in_dim3A_433, %select_n3A_301] : memref<8x64x128xf32, #tpu.memory_space<vmem>>[vector<16xi32>, vector<16xi32>, vector<16xi32>], vector<16xf32>,
        tpu.vector_store_idx %arg11[%broadcast_in_dim3A_314, %iota3A, %broadcast_in_dim3A_433], %gather3A_434 : memref<8x16x128xf32, #tpu.memory_space<vmem>>[vector<16xi32>, vector<16xi32>, vector<16xi32>], vector<16xf32>,
        %broadcast_in_dim3A_435 = arith.constant 40 : i32
        %broadcast_in_dim3A_436 = vector.broadcast %broadcast_in_dim3A_435 : i32 to vector<16xi32>
        %gather3A_437 = tpu.vector_load_idx %arg10[%broadcast_in_dim3A_313, %broadcast_in_dim3A_436, %select_n3A_301] : memref<8x64x128xf32, #tpu.memory_space<vmem>>[vector<16xi32>, vector<16xi32>, vector<16xi32>], vector<16xf32>,
        tpu.vector_store_idx %arg11[%broadcast_in_dim3A_314, %iota3A, %broadcast_in_dim3A_436], %gather3A_437 : memref<8x16x128xf32, #tpu.memory_space<vmem>>[vector<16xi32>, vector<16xi32>, vector<16xi32>], vector<16xf32>,
        %broadcast_in_dim3A_438 = arith.constant 41 : i32
        %broadcast_in_dim3A_439 = vector.broadcast %broadcast_in_dim3A_438 : i32 to vector<16xi32>
        %gather3A_440 = tpu.vector_load_idx %arg10[%broadcast_in_dim3A_313, %broadcast_in_dim3A_439, %select_n3A_301] : memref<8x64x128xf32, #tpu.memory_space<vmem>>[vector<16xi32>, vector<16xi32>, vector<16xi32>], vector<16xf32>,
        tpu.vector_store_idx %arg11[%broadcast_in_dim3A_314, %iota3A, %broadcast_in_dim3A_439], %gather3A_440 : memref<8x16x128xf32, #tpu.memory_space<vmem>>[vector<16xi32>, vector<16xi32>, vector<16xi32>], vector<16xf32>,
        %broadcast_in_dim3A_441 = arith.constant 42 : i32
        %broadcast_in_dim3A_442 = vector.broadcast %broadcast_in_dim3A_441 : i32 to vector<16xi32>
        %gather3A_443 = tpu.vector_load_idx %arg10[%broadcast_in_dim3A_313, %broadcast_in_dim3A_442, %select_n3A_301] : memref<8x64x128xf32, #tpu.memory_space<vmem>>[vector<16xi32>, vector<16xi32>, vector<16xi32>], vector<16xf32>,
        tpu.vector_store_idx %arg11[%broadcast_in_dim3A_314, %iota3A, %broadcast_in_dim3A_442], %gather3A_443 : memref<8x16x128xf32, #tpu.memory_space<vmem>>[vector<16xi32>, vector<16xi32>, vector<16xi32>], vector<16xf32>,
        %broadcast_in_dim3A_444 = arith.constant 43 : i32
        %broadcast_in_dim3A_445 = vector.broadcast %broadcast_in_dim3A_444 : i32 to vector<16xi32>
        %gather3A_446 = tpu.vector_load_idx %arg10[%broadcast_in_dim3A_313, %broadcast_in_dim3A_445, %select_n3A_301] : memref<8x64x128xf32, #tpu.memory_space<vmem>>[vector<16xi32>, vector<16xi32>, vector<16xi32>], vector<16xf32>,
        tpu.vector_store_idx %arg11[%broadcast_in_dim3A_314, %iota3A, %broadcast_in_dim3A_445], %gather3A_446 : memref<8x16x128xf32, #tpu.memory_space<vmem>>[vector<16xi32>, vector<16xi32>, vector<16xi32>], vector<16xf32>,
        %broadcast_in_dim3A_447 = arith.constant 44 : i32
        %broadcast_in_dim3A_448 = vector.broadcast %broadcast_in_dim3A_447 : i32 to vector<16xi32>
        %gather3A_449 = tpu.vector_load_idx %arg10[%broadcast_in_dim3A_313, %broadcast_in_dim3A_448, %select_n3A_301] : memref<8x64x128xf32, #tpu.memory_space<vmem>>[vector<16xi32>, vector<16xi32>, vector<16xi32>], vector<16xf32>,
        tpu.vector_store_idx %arg11[%broadcast_in_dim3A_314, %iota3A, %broadcast_in_dim3A_448], %gather3A_449 : memref<8x16x128xf32, #tpu.memory_space<vmem>>[vector<16xi32>, vector<16xi32>, vector<16xi32>], vector<16xf32>,
        %broadcast_in_dim3A_450 = arith.constant 45 : i32
        %broadcast_in_dim3A_451 = vector.broadcast %broadcast_in_dim3A_450 : i32 to vector<16xi32>
        %gather3A_452 = tpu.vector_load_idx %arg10[%broadcast_in_dim3A_313, %broadcast_in_dim3A_451, %select_n3A_301] : memref<8x64x128xf32, #tpu.memory_space<vmem>>[vector<16xi32>, vector<16xi32>, vector<16xi32>], vector<16xf32>,
        tpu.vector_store_idx %arg11[%broadcast_in_dim3A_314, %iota3A, %broadcast_in_dim3A_451], %gather3A_452 : memref<8x16x128xf32, #tpu.memory_space<vmem>>[vector<16xi32>, vector<16xi32>, vector<16xi32>], vector<16xf32>,
        %broadcast_in_dim3A_453 = arith.constant 46 : i32
        %broadcast_in_dim3A_454 = vector.broadcast %broadcast_in_dim3A_453 : i32 to vector<16xi32>
        %gather3A_455 = tpu.vector_load_idx %arg10[%broadcast_in_dim3A_313, %broadcast_in_dim3A_454, %select_n3A_301] : memref<8x64x128xf32, #tpu.memory_space<vmem>>[vector<16xi32>, vector<16xi32>, vector<16xi32>], vector<16xf32>,
        tpu.vector_store_idx %arg11[%broadcast_in_dim3A_314, %iota3A, %broadcast_in_dim3A_454], %gather3A_455 : memref<8x16x128xf32, #tpu.memory_space<vmem>>[vector<16xi32>, vector<16xi32>, vector<16xi32>], vector<16xf32>,
        %broadcast_in_dim3A_456 = arith.constant 47 : i32
        %broadcast_in_dim3A_457 = vector.broadcast %broadcast_in_dim3A_456 : i32 to vector<16xi32>
        %gather3A_458 = tpu.vector_load_idx %arg10[%broadcast_in_dim3A_313, %broadcast_in_dim3A_457, %select_n3A_301] : memref<8x64x128xf32, #tpu.memory_space<vmem>>[vector<16xi32>, vector<16xi32>, vector<16xi32>], vector<16xf32>,
        tpu.vector_store_idx %arg11[%broadcast_in_dim3A_314, %iota3A, %broadcast_in_dim3A_457], %gather3A_458 : memref<8x16x128xf32, #tpu.memory_space<vmem>>[vector<16xi32>, vector<16xi32>, vector<16xi32>], vector<16xf32>,
        %broadcast_in_dim3A_459 = arith.constant 48 : i32
        %broadcast_in_dim3A_460 = vector.broadcast %broadcast_in_dim3A_459 : i32 to vector<16xi32>
        %gather3A_461 = tpu.vector_load_idx %arg10[%broadcast_in_dim3A_313, %broadcast_in_dim3A_460, %select_n3A_301] : memref<8x64x128xf32, #tpu.memory_space<vmem>>[vector<16xi32>, vector<16xi32>, vector<16xi32>], vector<16xf32>,
        tpu.vector_store_idx %arg11[%broadcast_in_dim3A_314, %iota3A, %broadcast_in_dim3A_460], %gather3A_461 : memref<8x16x128xf32, #tpu.memory_space<vmem>>[vector<16xi32>, vector<16xi32>, vector<16xi32>], vector<16xf32>,
        %broadcast_in_dim3A_462 = arith.constant 49 : i32
        %broadcast_in_dim3A_463 = vector.broadcast %broadcast_in_dim3A_462 : i32 to vector<16xi32>
        %gather3A_464 = tpu.vector_load_idx %arg10[%broadcast_in_dim3A_313, %broadcast_in_dim3A_463, %select_n3A_301] : memref<8x64x128xf32, #tpu.memory_space<vmem>>[vector<16xi32>, vector<16xi32>, vector<16xi32>], vector<16xf32>,
        tpu.vector_store_idx %arg11[%broadcast_in_dim3A_314, %iota3A, %broadcast_in_dim3A_463], %gather3A_464 : memref<8x16x128xf32, #tpu.memory_space<vmem>>[vector<16xi32>, vector<16xi32>, vector<16xi32>], vector<16xf32>,
        %broadcast_in_dim3A_465 = arith.constant 50 : i32
        %broadcast_in_dim3A_466 = vector.broadcast %broadcast_in_dim3A_465 : i32 to vector<16xi32>
        %gather3A_467 = tpu.vector_load_idx %arg10[%broadcast_in_dim3A_313, %broadcast_in_dim3A_466, %select_n3A_301] : memref<8x64x128xf32, #tpu.memory_space<vmem>>[vector<16xi32>, vector<16xi32>, vector<16xi32>], vector<16xf32>,
        tpu.vector_store_idx %arg11[%broadcast_in_dim3A_314, %iota3A, %broadcast_in_dim3A_466], %gather3A_467 : memref<8x16x128xf32, #tpu.memory_space<vmem>>[vector<16xi32>, vector<16xi32>, vector<16xi32>], vector<16xf32>,
        %broadcast_in_dim3A_468 = arith.constant 51 : i32
        %broadcast_in_dim3A_469 = vector.broadcast %broadcast_in_dim3A_468 : i32 to vector<16xi32>
        %gather3A_470 = tpu.vector_load_idx %arg10[%broadcast_in_dim3A_313, %broadcast_in_dim3A_469, %select_n3A_301] : memref<8x64x128xf32, #tpu.memory_space<vmem>>[vector<16xi32>, vector<16xi32>, vector<16xi32>], vector<16xf32>,
        tpu.vector_store_idx %arg11[%broadcast_in_dim3A_314, %iota3A, %broadcast_in_dim3A_469], %gather3A_470 : memref<8x16x128xf32, #tpu.memory_space<vmem>>[vector<16xi32>, vector<16xi32>, vector<16xi32>], vector<16xf32>,
        %broadcast_in_dim3A_471 = arith.constant 52 : i32
        %broadcast_in_dim3A_472 = vector.broadcast %broadcast_in_dim3A_471 : i32 to vector<16xi32>
        %gather3A_473 = tpu.vector_load_idx %arg10[%broadcast_in_dim3A_313, %broadcast_in_dim3A_472, %select_n3A_301] : memref<8x64x128xf32, #tpu.memory_space<vmem>>[vector<16xi32>, vector<16xi32>, vector<16xi32>], vector<16xf32>,
        tpu.vector_store_idx %arg11[%broadcast_in_dim3A_314, %iota3A, %broadcast_in_dim3A_472], %gather3A_473 : memref<8x16x128xf32, #tpu.memory_space<vmem>>[vector<16xi32>, vector<16xi32>, vector<16xi32>], vector<16xf32>,
        %broadcast_in_dim3A_474 = arith.constant 53 : i32
        %broadcast_in_dim3A_475 = vector.broadcast %broadcast_in_dim3A_474 : i32 to vector<16xi32>
        %gather3A_476 = tpu.vector_load_idx %arg10[%broadcast_in_dim3A_313, %broadcast_in_dim3A_475, %select_n3A_301] : memref<8x64x128xf32, #tpu.memory_space<vmem>>[vector<16xi32>, vector<16xi32>, vector<16xi32>], vector<16xf32>,
        tpu.vector_store_idx %arg11[%broadcast_in_dim3A_314, %iota3A, %broadcast_in_dim3A_475], %gather3A_476 : memref<8x16x128xf32, #tpu.memory_space<vmem>>[vector<16xi32>, vector<16xi32>, vector<16xi32>], vector<16xf32>,
        %broadcast_in_dim3A_477 = arith.constant 54 : i32
        %broadcast_in_dim3A_478 = vector.broadcast %broadcast_in_dim3A_477 : i32 to vector<16xi32>
        %gather3A_479 = tpu.vector_load_idx %arg10[%broadcast_in_dim3A_313, %broadcast_in_dim3A_478, %select_n3A_301] : memref<8x64x128xf32, #tpu.memory_space<vmem>>[vector<16xi32>, vector<16xi32>, vector<16xi32>], vector<16xf32>,
        tpu.vector_store_idx %arg11[%broadcast_in_dim3A_314, %iota3A, %broadcast_in_dim3A_478], %gather3A_479 : memref<8x16x128xf32, #tpu.memory_space<vmem>>[vector<16xi32>, vector<16xi32>, vector<16xi32>], vector<16xf32>,
        %broadcast_in_dim3A_480 = arith.constant 55 : i32
        %broadcast_in_dim3A_481 = vector.broadcast %broadcast_in_dim3A_480 : i32 to vector<16xi32>
        %gather3A_482 = tpu.vector_load_idx %arg10[%broadcast_in_dim3A_313, %broadcast_in_dim3A_481, %select_n3A_301] : memref<8x64x128xf32, #tpu.memory_space<vmem>>[vector<16xi32>, vector<16xi32>, vector<16xi32>], vector<16xf32>,
        tpu.vector_store_idx %arg11[%broadcast_in_dim3A_314, %iota3A, %broadcast_in_dim3A_481], %gather3A_482 : memref<8x16x128xf32, #tpu.memory_space<vmem>>[vector<16xi32>, vector<16xi32>, vector<16xi32>], vector<16xf32>,
        %broadcast_in_dim3A_483 = arith.constant 56 : i32
        %broadcast_in_dim3A_484 = vector.broadcast %broadcast_in_dim3A_483 : i32 to vector<16xi32>
        %gather3A_485 = tpu.vector_load_idx %arg10[%broadcast_in_dim3A_313, %broadcast_in_dim3A_484, %select_n3A_301] : memref<8x64x128xf32, #tpu.memory_space<vmem>>[vector<16xi32>, vector<16xi32>, vector<16xi32>], vector<16xf32>,
        tpu.vector_store_idx %arg11[%broadcast_in_dim3A_314, %iota3A, %broadcast_in_dim3A_484], %gather3A_485 : memref<8x16x128xf32, #tpu.memory_space<vmem>>[vector<16xi32>, vector<16xi32>, vector<16xi32>], vector<16xf32>,
        %broadcast_in_dim3A_486 = arith.constant 57 : i32
        %broadcast_in_dim3A_487 = vector.broadcast %broadcast_in_dim3A_486 : i32 to vector<16xi32>
        %gather3A_488 = tpu.vector_load_idx %arg10[%broadcast_in_dim3A_313, %broadcast_in_dim3A_487, %select_n3A_301] : memref<8x64x128xf32, #tpu.memory_space<vmem>>[vector<16xi32>, vector<16xi32>, vector<16xi32>], vector<16xf32>,
        tpu.vector_store_idx %arg11[%broadcast_in_dim3A_314, %iota3A, %broadcast_in_dim3A_487], %gather3A_488 : memref<8x16x128xf32, #tpu.memory_space<vmem>>[vector<16xi32>, vector<16xi32>, vector<16xi32>], vector<16xf32>,
        %broadcast_in_dim3A_489 = arith.constant 58 : i32
        %broadcast_in_dim3A_490 = vector.broadcast %broadcast_in_dim3A_489 : i32 to vector<16xi32>
        %gather3A_491 = tpu.vector_load_idx %arg10[%broadcast_in_dim3A_313, %broadcast_in_dim3A_490, %select_n3A_301] : memref<8x64x128xf32, #tpu.memory_space<vmem>>[vector<16xi32>, vector<16xi32>, vector<16xi32>], vector<16xf32>,
        tpu.vector_store_idx %arg11[%broadcast_in_dim3A_314, %iota3A, %broadcast_in_dim3A_490], %gather3A_491 : memref<8x16x128xf32, #tpu.memory_space<vmem>>[vector<16xi32>, vector<16xi32>, vector<16xi32>], vector<16xf32>,
        %broadcast_in_dim3A_492 = arith.constant 59 : i32
        %broadcast_in_dim3A_493 = vector.broadcast %broadcast_in_dim3A_492 : i32 to vector<16xi32>
        %gather3A_494 = tpu.vector_load_idx %arg10[%broadcast_in_dim3A_313, %broadcast_in_dim3A_493, %select_n3A_301] : memref<8x64x128xf32, #tpu.memory_space<vmem>>[vector<16xi32>, vector<16xi32>, vector<16xi32>], vector<16xf32>,
        tpu.vector_store_idx %arg11[%broadcast_in_dim3A_314, %iota3A, %broadcast_in_dim3A_493], %gather3A_494 : memref<8x16x128xf32, #tpu.memory_space<vmem>>[vector<16xi32>, vector<16xi32>, vector<16xi32>], vector<16xf32>,
        %broadcast_in_dim3A_495 = arith.constant 60 : i32
        %broadcast_in_dim3A_496 = vector.broadcast %broadcast_in_dim3A_495 : i32 to vector<16xi32>
        %gather3A_497 = tpu.vector_load_idx %arg10[%broadcast_in_dim3A_313, %broadcast_in_dim3A_496, %select_n3A_301] : memref<8x64x128xf32, #tpu.memory_space<vmem>>[vector<16xi32>, vector<16xi32>, vector<16xi32>], vector<16xf32>,
        tpu.vector_store_idx %arg11[%broadcast_in_dim3A_314, %iota3A, %broadcast_in_dim3A_496], %gather3A_497 : memref<8x16x128xf32, #tpu.memory_space<vmem>>[vector<16xi32>, vector<16xi32>, vector<16xi32>], vector<16xf32>,
        %broadcast_in_dim3A_498 = arith.constant 61 : i32
        %broadcast_in_dim3A_499 = vector.broadcast %broadcast_in_dim3A_498 : i32 to vector<16xi32>
        %gather3A_500 = tpu.vector_load_idx %arg10[%broadcast_in_dim3A_313, %broadcast_in_dim3A_499, %select_n3A_301] : memref<8x64x128xf32, #tpu.memory_space<vmem>>[vector<16xi32>, vector<16xi32>, vector<16xi32>], vector<16xf32>,
        tpu.vector_store_idx %arg11[%broadcast_in_dim3A_314, %iota3A, %broadcast_in_dim3A_499], %gather3A_500 : memref<8x16x128xf32, #tpu.memory_space<vmem>>[vector<16xi32>, vector<16xi32>, vector<16xi32>], vector<16xf32>,
        %broadcast_in_dim3A_501 = arith.constant 62 : i32
        %broadcast_in_dim3A_502 = vector.broadcast %broadcast_in_dim3A_501 : i32 to vector<16xi32>
        %gather3A_503 = tpu.vector_load_idx %arg10[%broadcast_in_dim3A_313, %broadcast_in_dim3A_502, %select_n3A_301] : memref<8x64x128xf32, #tpu.memory_space<vmem>>[vector<16xi32>, vector<16xi32>, vector<16xi32>], vector<16xf32>,
        tpu.vector_store_idx %arg11[%broadcast_in_dim3A_314, %iota3A, %broadcast_in_dim3A_502], %gather3A_503 : memref<8x16x128xf32, #tpu.memory_space<vmem>>[vector<16xi32>, vector<16xi32>, vector<16xi32>], vector<16xf32>,
        %broadcast_in_dim3A_504 = arith.constant 63 : i32
        %broadcast_in_dim3A_505 = vector.broadcast %broadcast_in_dim3A_504 : i32 to vector<16xi32>
        %gather3A_506 = tpu.vector_load_idx %arg10[%broadcast_in_dim3A_313, %broadcast_in_dim3A_505, %select_n3A_301] : memref<8x64x128xf32, #tpu.memory_space<vmem>>[vector<16xi32>, vector<16xi32>, vector<16xi32>], vector<16xf32>,
        tpu.vector_store_idx %arg11[%broadcast_in_dim3A_314, %iota3A, %broadcast_in_dim3A_505], %gather3A_506 : memref<8x16x128xf32, #tpu.memory_space<vmem>>[vector<16xi32>, vector<16xi32>, vector<16xi32>], vector<16xf32>,
        tpu.vector_store_idx %arg12[%broadcast_in_dim3A_314, %iota3A], %select_n3A_306 : memref<8x16xi32, #tpu.memory_space<vmem>>[vector<16xi32>, vector<16xi32>], vector<16xi32>,
        %dma_start3A = arith.constant 0 : i32
        %dma_start3A_507 = arith.constant 0 : i32
        %dma_start3A_508 = tpu.memref_slice %arg11[%and3A_308, %dma_start3A, %dma_start3A_507] : memref<8x16x128xf32, #tpu.memory_space<vmem>> -> memref<1x16x128xf32, #tpu.memory_space<vmem>>
        %dma_start3A_509 = tpu.memref_squeeze %dma_start3A_508 : memref<1x16x128xf32, #tpu.memory_space<vmem>> -> memref<16x128xf32, #tpu.memory_space<vmem>>
        %dma_start3A_510 = arith.constant 0 : i32
        %dma_start3A_511 = tpu.memref_slice %arg12[%and3A_308, %dma_start3A_510] : memref<8x16xi32, #tpu.memory_space<vmem>> -> memref<1x16xi32, #tpu.memory_space<vmem>>
        %dma_start3A_512 = tpu.memref_squeeze %dma_start3A_511 : memref<1x16xi32, #tpu.memory_space<vmem>> -> memref<16xi32, #tpu.memory_space<vmem>>
        %dma_start3A_513 = arith.constant 0 : i32
        %dma_start3A_514 = arith.constant 0 : i32
        %dma_start3A_515 = tpu.memref_slice %arg5[%dma_start3A_513, %dma_start3A_514] : memref<16416x128xf32, #tpu.memory_space<hbm>> -> memref<16416x128xf32, #tpu.memory_space<hbm>>
        %dma_start3A_516 = tpu.memref_slice %arg14[%and3A_308] : memref<8x!tpu.dma_semaphore, #tpu.memory_space<semaphore_mem>> -> memref<1x!tpu.dma_semaphore, #tpu.memory_space<semaphore_mem>>
        %dma_start3A_517 = tpu.memref_squeeze %dma_start3A_516 : memref<1x!tpu.dma_semaphore, #tpu.memory_space<semaphore_mem>> -> memref<!tpu.dma_semaphore, #tpu.memory_space<semaphore_mem>>
        tpu.enqueue_indirect_dma source(%dma_start3A_509 : memref<16x128xf32, #tpu.memory_space<vmem>>) target(%dma_start3A_515 : memref<16416x128xf32, #tpu.memory_space<hbm>>) offsets(%dma_start3A_512 : memref<16xi32, #tpu.memory_space<vmem>>) semaphore(%dma_start3A_517 : memref<!tpu.dma_semaphore, #tpu.memory_space<semaphore_mem>>)
        %add3A_518 = arith.constant 1 : i32
        %add3A_519 = arith.addi %while3A_282, %add3A_518 : i32
        scf.yield %add3A_519 : i32
      }
      %while3A_273 = arith.constant 1 : i32
      %while3A_274 = scf.for %while3A_281 = %while3A_270 to %while3A_266 step %while3A_273 iter_args(%while3A_282 = %while3A_272) -> (i32)  : i32 {
        %mul3A_283 = arith.constant 16 : i32
        %mul3A_284 = arith.muli %while3A_281, %mul3A_283 : i32
        %add3A_285 = arith.addi %while3A_208, %mul3A_284 : i32
        %get3A_286 = arith.index_cast %add3A_285 : i32 to index
        %get3A_287 = tpu.vector_load %arg6[%get3A_286] {strides = array<i32>} : memref<16384xi32, #tpu.memory_space<vmem>>, vector<16xi32>,
        %mul3A_288 = arith.constant 16 : i32
        %mul3A_289 = arith.muli %while3A_281, %mul3A_288 : i32
        %add3A_290 = vector.broadcast %mul3A_289 : i32 to vector<16xi32>
        %add3A_291 = arith.addi %add3A_290, %iota3A : vector<16xi32>
        %lt3A_292 = vector.broadcast %reduce_max3A_235 : i32 to vector<16xi32>
        %lt3A_293 = arith.cmpi slt, %add3A_291, %lt3A_292 : vector<16xi32>
        %shift_right_logical3A = arith.constant 14 : i32
        %shift_right_logical3A_294 = vector.broadcast %shift_right_logical3A : i32 to vector<16xi32>
        %shift_right_logical3A_295 = arith.shrui %get3A_287, %shift_right_logical3A_294 : vector<16xi32>
        %and3A_296 = arith.constant 127 : i32
        %and3A_297 = vector.broadcast %and3A_296 : i32 to vector<16xi32>
        %and3A_298 = arith.andi %shift_right_logical3A_295, %and3A_297 : vector<16xi32>
        %jit3A_299 = arith.constant 0 : i32
        %broadcast_in_dim3A_300 = vector.broadcast %jit3A_299 : i32 to vector<16xi32>
        %select_n3A_301 = arith.select %lt3A_293, %and3A_298, %broadcast_in_dim3A_300 : vector<16xi1>, vector<16xi32>
        %and3A_302 = arith.constant 16383 : i32
        %and3A_303 = vector.broadcast %and3A_302 : i32 to vector<16xi32>
        %and3A_304 = arith.andi %get3A_287, %and3A_303 : vector<16xi32>
        %broadcast_in_dim3A_305 = vector.broadcast %add3A_7 : i32 to vector<16xi32>
        %select_n3A_306 = arith.select %lt3A_293, %and3A_304, %broadcast_in_dim3A_305 : vector<16xi1>, vector<16xi32>
        %and3A_307 = arith.constant 7 : i32
        %and3A_308 = arith.andi %while3A_282, %and3A_307 : i32
        %ge3A = arith.constant 8 : i32
        %ge3A_309 = arith.cmpi sge, %while3A_282, %ge3A : i32
        %convert_element_type3A_310 = arith.extui %ge3A_309 : i1 to i32
        %cond3A_311 = arith.constant 0 : i32
        %cond3A_312 = arith.cmpi ne, %convert_element_type3A_310, %cond3A_311 : i32
        scf.if %cond3A_312 {
          %dma_wait3A_520 = arith.constant 0 : i32
          %dma_wait3A_521 = arith.constant 0 : i32
          %dma_wait3A_522 = arith.constant 0 : i32
          %dma_wait3A_523 = arith.constant 0 : i32
          %dma_wait3A_524 = tpu.memref_slice %arg11[%dma_wait3A_520, %dma_wait3A_522, %dma_wait3A_523] : memref<8x16x128xf32, #tpu.memory_space<vmem>> -> memref<1x16x128xf32, #tpu.memory_space<vmem>>
          %dma_wait3A_525 = tpu.memref_squeeze %dma_wait3A_524 : memref<1x16x128xf32, #tpu.memory_space<vmem>> -> memref<16x128xf32, #tpu.memory_space<vmem>>
          %dma_wait3A_526 = arith.constant 0 : i32
          %dma_wait3A_527 = tpu.memref_slice %arg12[%dma_wait3A_521, %dma_wait3A_526] : memref<8x16xi32, #tpu.memory_space<vmem>> -> memref<1x16xi32, #tpu.memory_space<vmem>>
          %dma_wait3A_528 = tpu.memref_squeeze %dma_wait3A_527 : memref<1x16xi32, #tpu.memory_space<vmem>> -> memref<16xi32, #tpu.memory_space<vmem>>
          %dma_wait3A_529 = arith.constant 0 : i32
          %dma_wait3A_530 = arith.constant 0 : i32
          %dma_wait3A_531 = tpu.memref_slice %arg5[%dma_wait3A_529, %dma_wait3A_530] : memref<16416x128xf32, #tpu.memory_space<hbm>> -> memref<16416x128xf32, #tpu.memory_space<hbm>>
          %dma_wait3A_532 = tpu.memref_slice %arg14[%and3A_308] : memref<8x!tpu.dma_semaphore, #tpu.memory_space<semaphore_mem>> -> memref<1x!tpu.dma_semaphore, #tpu.memory_space<semaphore_mem>>
          %dma_wait3A_533 = tpu.memref_squeeze %dma_wait3A_532 : memref<1x!tpu.dma_semaphore, #tpu.memory_space<semaphore_mem>> -> memref<!tpu.dma_semaphore, #tpu.memory_space<semaphore_mem>>
          tpu.wait_indirect_dma semaphore(%dma_wait3A_533 : memref<!tpu.dma_semaphore, #tpu.memory_space<semaphore_mem>>) src(%dma_wait3A_525 : memref<16x128xf32, #tpu.memory_space<vmem>>) dst(%dma_wait3A_531 : memref<16416x128xf32, #tpu.memory_space<hbm>>)
        } else {
        }
        %broadcast_in_dim3A_313 = vector.broadcast %rem3A_211 : i32 to vector<16xi32>
        %broadcast_in_dim3A_314 = vector.broadcast %and3A_308 : i32 to vector<16xi32>
        %broadcast_in_dim3A_315 = arith.constant 0 : i32
        %broadcast_in_dim3A_316 = vector.broadcast %broadcast_in_dim3A_315 : i32 to vector<16xi32>
        %gather3A_317 = tpu.vector_load_idx %arg10[%broadcast_in_dim3A_313, %broadcast_in_dim3A_316, %select_n3A_301] : memref<8x64x128xf32, #tpu.memory_space<vmem>>[vector<16xi32>, vector<16xi32>, vector<16xi32>], vector<16xf32>,
        tpu.vector_store_idx %arg11[%broadcast_in_dim3A_314, %iota3A, %broadcast_in_dim3A_316], %gather3A_317 : memref<8x16x128xf32, #tpu.memory_space<vmem>>[vector<16xi32>, vector<16xi32>, vector<16xi32>], vector<16xf32>,
        %broadcast_in_dim3A_318 = arith.constant 1 : i32
        %broadcast_in_dim3A_319 = vector.broadcast %broadcast_in_dim3A_318 : i32 to vector<16xi32>
        %gather3A_320 = tpu.vector_load_idx %arg10[%broadcast_in_dim3A_313, %broadcast_in_dim3A_319, %select_n3A_301] : memref<8x64x128xf32, #tpu.memory_space<vmem>>[vector<16xi32>, vector<16xi32>, vector<16xi32>], vector<16xf32>,
        tpu.vector_store_idx %arg11[%broadcast_in_dim3A_314, %iota3A, %broadcast_in_dim3A_319], %gather3A_320 : memref<8x16x128xf32, #tpu.memory_space<vmem>>[vector<16xi32>, vector<16xi32>, vector<16xi32>], vector<16xf32>,
        %broadcast_in_dim3A_321 = arith.constant 2 : i32
        %broadcast_in_dim3A_322 = vector.broadcast %broadcast_in_dim3A_321 : i32 to vector<16xi32>
        %gather3A_323 = tpu.vector_load_idx %arg10[%broadcast_in_dim3A_313, %broadcast_in_dim3A_322, %select_n3A_301] : memref<8x64x128xf32, #tpu.memory_space<vmem>>[vector<16xi32>, vector<16xi32>, vector<16xi32>], vector<16xf32>,
        tpu.vector_store_idx %arg11[%broadcast_in_dim3A_314, %iota3A, %broadcast_in_dim3A_322], %gather3A_323 : memref<8x16x128xf32, #tpu.memory_space<vmem>>[vector<16xi32>, vector<16xi32>, vector<16xi32>], vector<16xf32>,
        %broadcast_in_dim3A_324 = arith.constant 3 : i32
        %broadcast_in_dim3A_325 = vector.broadcast %broadcast_in_dim3A_324 : i32 to vector<16xi32>
        %gather3A_326 = tpu.vector_load_idx %arg10[%broadcast_in_dim3A_313, %broadcast_in_dim3A_325, %select_n3A_301] : memref<8x64x128xf32, #tpu.memory_space<vmem>>[vector<16xi32>, vector<16xi32>, vector<16xi32>], vector<16xf32>,
        tpu.vector_store_idx %arg11[%broadcast_in_dim3A_314, %iota3A, %broadcast_in_dim3A_325], %gather3A_326 : memref<8x16x128xf32, #tpu.memory_space<vmem>>[vector<16xi32>, vector<16xi32>, vector<16xi32>], vector<16xf32>,
        %broadcast_in_dim3A_327 = arith.constant 4 : i32
        %broadcast_in_dim3A_328 = vector.broadcast %broadcast_in_dim3A_327 : i32 to vector<16xi32>
        %gather3A_329 = tpu.vector_load_idx %arg10[%broadcast_in_dim3A_313, %broadcast_in_dim3A_328, %select_n3A_301] : memref<8x64x128xf32, #tpu.memory_space<vmem>>[vector<16xi32>, vector<16xi32>, vector<16xi32>], vector<16xf32>,
        tpu.vector_store_idx %arg11[%broadcast_in_dim3A_314, %iota3A, %broadcast_in_dim3A_328], %gather3A_329 : memref<8x16x128xf32, #tpu.memory_space<vmem>>[vector<16xi32>, vector<16xi32>, vector<16xi32>], vector<16xf32>,
        %broadcast_in_dim3A_330 = arith.constant 5 : i32
        %broadcast_in_dim3A_331 = vector.broadcast %broadcast_in_dim3A_330 : i32 to vector<16xi32>
        %gather3A_332 = tpu.vector_load_idx %arg10[%broadcast_in_dim3A_313, %broadcast_in_dim3A_331, %select_n3A_301] : memref<8x64x128xf32, #tpu.memory_space<vmem>>[vector<16xi32>, vector<16xi32>, vector<16xi32>], vector<16xf32>,
        tpu.vector_store_idx %arg11[%broadcast_in_dim3A_314, %iota3A, %broadcast_in_dim3A_331], %gather3A_332 : memref<8x16x128xf32, #tpu.memory_space<vmem>>[vector<16xi32>, vector<16xi32>, vector<16xi32>], vector<16xf32>,
        %broadcast_in_dim3A_333 = arith.constant 6 : i32
        %broadcast_in_dim3A_334 = vector.broadcast %broadcast_in_dim3A_333 : i32 to vector<16xi32>
        %gather3A_335 = tpu.vector_load_idx %arg10[%broadcast_in_dim3A_313, %broadcast_in_dim3A_334, %select_n3A_301] : memref<8x64x128xf32, #tpu.memory_space<vmem>>[vector<16xi32>, vector<16xi32>, vector<16xi32>], vector<16xf32>,
        tpu.vector_store_idx %arg11[%broadcast_in_dim3A_314, %iota3A, %broadcast_in_dim3A_334], %gather3A_335 : memref<8x16x128xf32, #tpu.memory_space<vmem>>[vector<16xi32>, vector<16xi32>, vector<16xi32>], vector<16xf32>,
        %broadcast_in_dim3A_336 = arith.constant 7 : i32
        %broadcast_in_dim3A_337 = vector.broadcast %broadcast_in_dim3A_336 : i32 to vector<16xi32>
        %gather3A_338 = tpu.vector_load_idx %arg10[%broadcast_in_dim3A_313, %broadcast_in_dim3A_337, %select_n3A_301] : memref<8x64x128xf32, #tpu.memory_space<vmem>>[vector<16xi32>, vector<16xi32>, vector<16xi32>], vector<16xf32>,
        tpu.vector_store_idx %arg11[%broadcast_in_dim3A_314, %iota3A, %broadcast_in_dim3A_337], %gather3A_338 : memref<8x16x128xf32, #tpu.memory_space<vmem>>[vector<16xi32>, vector<16xi32>, vector<16xi32>], vector<16xf32>,
        %broadcast_in_dim3A_339 = arith.constant 8 : i32
        %broadcast_in_dim3A_340 = vector.broadcast %broadcast_in_dim3A_339 : i32 to vector<16xi32>
        %gather3A_341 = tpu.vector_load_idx %arg10[%broadcast_in_dim3A_313, %broadcast_in_dim3A_340, %select_n3A_301] : memref<8x64x128xf32, #tpu.memory_space<vmem>>[vector<16xi32>, vector<16xi32>, vector<16xi32>], vector<16xf32>,
        tpu.vector_store_idx %arg11[%broadcast_in_dim3A_314, %iota3A, %broadcast_in_dim3A_340], %gather3A_341 : memref<8x16x128xf32, #tpu.memory_space<vmem>>[vector<16xi32>, vector<16xi32>, vector<16xi32>], vector<16xf32>,
        %broadcast_in_dim3A_342 = arith.constant 9 : i32
        %broadcast_in_dim3A_343 = vector.broadcast %broadcast_in_dim3A_342 : i32 to vector<16xi32>
        %gather3A_344 = tpu.vector_load_idx %arg10[%broadcast_in_dim3A_313, %broadcast_in_dim3A_343, %select_n3A_301] : memref<8x64x128xf32, #tpu.memory_space<vmem>>[vector<16xi32>, vector<16xi32>, vector<16xi32>], vector<16xf32>,
        tpu.vector_store_idx %arg11[%broadcast_in_dim3A_314, %iota3A, %broadcast_in_dim3A_343], %gather3A_344 : memref<8x16x128xf32, #tpu.memory_space<vmem>>[vector<16xi32>, vector<16xi32>, vector<16xi32>], vector<16xf32>,
        %broadcast_in_dim3A_345 = arith.constant 10 : i32
        %broadcast_in_dim3A_346 = vector.broadcast %broadcast_in_dim3A_345 : i32 to vector<16xi32>
        %gather3A_347 = tpu.vector_load_idx %arg10[%broadcast_in_dim3A_313, %broadcast_in_dim3A_346, %select_n3A_301] : memref<8x64x128xf32, #tpu.memory_space<vmem>>[vector<16xi32>, vector<16xi32>, vector<16xi32>], vector<16xf32>,
        tpu.vector_store_idx %arg11[%broadcast_in_dim3A_314, %iota3A, %broadcast_in_dim3A_346], %gather3A_347 : memref<8x16x128xf32, #tpu.memory_space<vmem>>[vector<16xi32>, vector<16xi32>, vector<16xi32>], vector<16xf32>,
        %broadcast_in_dim3A_348 = arith.constant 11 : i32
        %broadcast_in_dim3A_349 = vector.broadcast %broadcast_in_dim3A_348 : i32 to vector<16xi32>
        %gather3A_350 = tpu.vector_load_idx %arg10[%broadcast_in_dim3A_313, %broadcast_in_dim3A_349, %select_n3A_301] : memref<8x64x128xf32, #tpu.memory_space<vmem>>[vector<16xi32>, vector<16xi32>, vector<16xi32>], vector<16xf32>,
        tpu.vector_store_idx %arg11[%broadcast_in_dim3A_314, %iota3A, %broadcast_in_dim3A_349], %gather3A_350 : memref<8x16x128xf32, #tpu.memory_space<vmem>>[vector<16xi32>, vector<16xi32>, vector<16xi32>], vector<16xf32>,
        %broadcast_in_dim3A_351 = arith.constant 12 : i32
        %broadcast_in_dim3A_352 = vector.broadcast %broadcast_in_dim3A_351 : i32 to vector<16xi32>
        %gather3A_353 = tpu.vector_load_idx %arg10[%broadcast_in_dim3A_313, %broadcast_in_dim3A_352, %select_n3A_301] : memref<8x64x128xf32, #tpu.memory_space<vmem>>[vector<16xi32>, vector<16xi32>, vector<16xi32>], vector<16xf32>,
        tpu.vector_store_idx %arg11[%broadcast_in_dim3A_314, %iota3A, %broadcast_in_dim3A_352], %gather3A_353 : memref<8x16x128xf32, #tpu.memory_space<vmem>>[vector<16xi32>, vector<16xi32>, vector<16xi32>], vector<16xf32>,
        %broadcast_in_dim3A_354 = arith.constant 13 : i32
        %broadcast_in_dim3A_355 = vector.broadcast %broadcast_in_dim3A_354 : i32 to vector<16xi32>
        %gather3A_356 = tpu.vector_load_idx %arg10[%broadcast_in_dim3A_313, %broadcast_in_dim3A_355, %select_n3A_301] : memref<8x64x128xf32, #tpu.memory_space<vmem>>[vector<16xi32>, vector<16xi32>, vector<16xi32>], vector<16xf32>,
        tpu.vector_store_idx %arg11[%broadcast_in_dim3A_314, %iota3A, %broadcast_in_dim3A_355], %gather3A_356 : memref<8x16x128xf32, #tpu.memory_space<vmem>>[vector<16xi32>, vector<16xi32>, vector<16xi32>], vector<16xf32>,
        %broadcast_in_dim3A_357 = arith.constant 14 : i32
        %broadcast_in_dim3A_358 = vector.broadcast %broadcast_in_dim3A_357 : i32 to vector<16xi32>
        %gather3A_359 = tpu.vector_load_idx %arg10[%broadcast_in_dim3A_313, %broadcast_in_dim3A_358, %select_n3A_301] : memref<8x64x128xf32, #tpu.memory_space<vmem>>[vector<16xi32>, vector<16xi32>, vector<16xi32>], vector<16xf32>,
        tpu.vector_store_idx %arg11[%broadcast_in_dim3A_314, %iota3A, %broadcast_in_dim3A_358], %gather3A_359 : memref<8x16x128xf32, #tpu.memory_space<vmem>>[vector<16xi32>, vector<16xi32>, vector<16xi32>], vector<16xf32>,
        %broadcast_in_dim3A_360 = arith.constant 15 : i32
        %broadcast_in_dim3A_361 = vector.broadcast %broadcast_in_dim3A_360 : i32 to vector<16xi32>
        %gather3A_362 = tpu.vector_load_idx %arg10[%broadcast_in_dim3A_313, %broadcast_in_dim3A_361, %select_n3A_301] : memref<8x64x128xf32, #tpu.memory_space<vmem>>[vector<16xi32>, vector<16xi32>, vector<16xi32>], vector<16xf32>,
        tpu.vector_store_idx %arg11[%broadcast_in_dim3A_314, %iota3A, %broadcast_in_dim3A_361], %gather3A_362 : memref<8x16x128xf32, #tpu.memory_space<vmem>>[vector<16xi32>, vector<16xi32>, vector<16xi32>], vector<16xf32>,
        %broadcast_in_dim3A_363 = arith.constant 16 : i32
        %broadcast_in_dim3A_364 = vector.broadcast %broadcast_in_dim3A_363 : i32 to vector<16xi32>
        %gather3A_365 = tpu.vector_load_idx %arg10[%broadcast_in_dim3A_313, %broadcast_in_dim3A_364, %select_n3A_301] : memref<8x64x128xf32, #tpu.memory_space<vmem>>[vector<16xi32>, vector<16xi32>, vector<16xi32>], vector<16xf32>,
        tpu.vector_store_idx %arg11[%broadcast_in_dim3A_314, %iota3A, %broadcast_in_dim3A_364], %gather3A_365 : memref<8x16x128xf32, #tpu.memory_space<vmem>>[vector<16xi32>, vector<16xi32>, vector<16xi32>], vector<16xf32>,
        %broadcast_in_dim3A_366 = arith.constant 17 : i32
        %broadcast_in_dim3A_367 = vector.broadcast %broadcast_in_dim3A_366 : i32 to vector<16xi32>
        %gather3A_368 = tpu.vector_load_idx %arg10[%broadcast_in_dim3A_313, %broadcast_in_dim3A_367, %select_n3A_301] : memref<8x64x128xf32, #tpu.memory_space<vmem>>[vector<16xi32>, vector<16xi32>, vector<16xi32>], vector<16xf32>,
        tpu.vector_store_idx %arg11[%broadcast_in_dim3A_314, %iota3A, %broadcast_in_dim3A_367], %gather3A_368 : memref<8x16x128xf32, #tpu.memory_space<vmem>>[vector<16xi32>, vector<16xi32>, vector<16xi32>], vector<16xf32>,
        %broadcast_in_dim3A_369 = arith.constant 18 : i32
        %broadcast_in_dim3A_370 = vector.broadcast %broadcast_in_dim3A_369 : i32 to vector<16xi32>
        %gather3A_371 = tpu.vector_load_idx %arg10[%broadcast_in_dim3A_313, %broadcast_in_dim3A_370, %select_n3A_301] : memref<8x64x128xf32, #tpu.memory_space<vmem>>[vector<16xi32>, vector<16xi32>, vector<16xi32>], vector<16xf32>,
        tpu.vector_store_idx %arg11[%broadcast_in_dim3A_314, %iota3A, %broadcast_in_dim3A_370], %gather3A_371 : memref<8x16x128xf32, #tpu.memory_space<vmem>>[vector<16xi32>, vector<16xi32>, vector<16xi32>], vector<16xf32>,
        %broadcast_in_dim3A_372 = arith.constant 19 : i32
        %broadcast_in_dim3A_373 = vector.broadcast %broadcast_in_dim3A_372 : i32 to vector<16xi32>
        %gather3A_374 = tpu.vector_load_idx %arg10[%broadcast_in_dim3A_313, %broadcast_in_dim3A_373, %select_n3A_301] : memref<8x64x128xf32, #tpu.memory_space<vmem>>[vector<16xi32>, vector<16xi32>, vector<16xi32>], vector<16xf32>,
        tpu.vector_store_idx %arg11[%broadcast_in_dim3A_314, %iota3A, %broadcast_in_dim3A_373], %gather3A_374 : memref<8x16x128xf32, #tpu.memory_space<vmem>>[vector<16xi32>, vector<16xi32>, vector<16xi32>], vector<16xf32>,
        %broadcast_in_dim3A_375 = arith.constant 20 : i32
        %broadcast_in_dim3A_376 = vector.broadcast %broadcast_in_dim3A_375 : i32 to vector<16xi32>
        %gather3A_377 = tpu.vector_load_idx %arg10[%broadcast_in_dim3A_313, %broadcast_in_dim3A_376, %select_n3A_301] : memref<8x64x128xf32, #tpu.memory_space<vmem>>[vector<16xi32>, vector<16xi32>, vector<16xi32>], vector<16xf32>,
        tpu.vector_store_idx %arg11[%broadcast_in_dim3A_314, %iota3A, %broadcast_in_dim3A_376], %gather3A_377 : memref<8x16x128xf32, #tpu.memory_space<vmem>>[vector<16xi32>, vector<16xi32>, vector<16xi32>], vector<16xf32>,
        %broadcast_in_dim3A_378 = arith.constant 21 : i32
        %broadcast_in_dim3A_379 = vector.broadcast %broadcast_in_dim3A_378 : i32 to vector<16xi32>
        %gather3A_380 = tpu.vector_load_idx %arg10[%broadcast_in_dim3A_313, %broadcast_in_dim3A_379, %select_n3A_301] : memref<8x64x128xf32, #tpu.memory_space<vmem>>[vector<16xi32>, vector<16xi32>, vector<16xi32>], vector<16xf32>,
        tpu.vector_store_idx %arg11[%broadcast_in_dim3A_314, %iota3A, %broadcast_in_dim3A_379], %gather3A_380 : memref<8x16x128xf32, #tpu.memory_space<vmem>>[vector<16xi32>, vector<16xi32>, vector<16xi32>], vector<16xf32>,
        %broadcast_in_dim3A_381 = arith.constant 22 : i32
        %broadcast_in_dim3A_382 = vector.broadcast %broadcast_in_dim3A_381 : i32 to vector<16xi32>
        %gather3A_383 = tpu.vector_load_idx %arg10[%broadcast_in_dim3A_313, %broadcast_in_dim3A_382, %select_n3A_301] : memref<8x64x128xf32, #tpu.memory_space<vmem>>[vector<16xi32>, vector<16xi32>, vector<16xi32>], vector<16xf32>,
        tpu.vector_store_idx %arg11[%broadcast_in_dim3A_314, %iota3A, %broadcast_in_dim3A_382], %gather3A_383 : memref<8x16x128xf32, #tpu.memory_space<vmem>>[vector<16xi32>, vector<16xi32>, vector<16xi32>], vector<16xf32>,
        %broadcast_in_dim3A_384 = arith.constant 23 : i32
        %broadcast_in_dim3A_385 = vector.broadcast %broadcast_in_dim3A_384 : i32 to vector<16xi32>
        %gather3A_386 = tpu.vector_load_idx %arg10[%broadcast_in_dim3A_313, %broadcast_in_dim3A_385, %select_n3A_301] : memref<8x64x128xf32, #tpu.memory_space<vmem>>[vector<16xi32>, vector<16xi32>, vector<16xi32>], vector<16xf32>,
        tpu.vector_store_idx %arg11[%broadcast_in_dim3A_314, %iota3A, %broadcast_in_dim3A_385], %gather3A_386 : memref<8x16x128xf32, #tpu.memory_space<vmem>>[vector<16xi32>, vector<16xi32>, vector<16xi32>], vector<16xf32>,
        %broadcast_in_dim3A_387 = arith.constant 24 : i32
        %broadcast_in_dim3A_388 = vector.broadcast %broadcast_in_dim3A_387 : i32 to vector<16xi32>
        %gather3A_389 = tpu.vector_load_idx %arg10[%broadcast_in_dim3A_313, %broadcast_in_dim3A_388, %select_n3A_301] : memref<8x64x128xf32, #tpu.memory_space<vmem>>[vector<16xi32>, vector<16xi32>, vector<16xi32>], vector<16xf32>,
        tpu.vector_store_idx %arg11[%broadcast_in_dim3A_314, %iota3A, %broadcast_in_dim3A_388], %gather3A_389 : memref<8x16x128xf32, #tpu.memory_space<vmem>>[vector<16xi32>, vector<16xi32>, vector<16xi32>], vector<16xf32>,
        %broadcast_in_dim3A_390 = arith.constant 25 : i32
        %broadcast_in_dim3A_391 = vector.broadcast %broadcast_in_dim3A_390 : i32 to vector<16xi32>
        %gather3A_392 = tpu.vector_load_idx %arg10[%broadcast_in_dim3A_313, %broadcast_in_dim3A_391, %select_n3A_301] : memref<8x64x128xf32, #tpu.memory_space<vmem>>[vector<16xi32>, vector<16xi32>, vector<16xi32>], vector<16xf32>,
        tpu.vector_store_idx %arg11[%broadcast_in_dim3A_314, %iota3A, %broadcast_in_dim3A_391], %gather3A_392 : memref<8x16x128xf32, #tpu.memory_space<vmem>>[vector<16xi32>, vector<16xi32>, vector<16xi32>], vector<16xf32>,
        %broadcast_in_dim3A_393 = arith.constant 26 : i32
        %broadcast_in_dim3A_394 = vector.broadcast %broadcast_in_dim3A_393 : i32 to vector<16xi32>
        %gather3A_395 = tpu.vector_load_idx %arg10[%broadcast_in_dim3A_313, %broadcast_in_dim3A_394, %select_n3A_301] : memref<8x64x128xf32, #tpu.memory_space<vmem>>[vector<16xi32>, vector<16xi32>, vector<16xi32>], vector<16xf32>,
        tpu.vector_store_idx %arg11[%broadcast_in_dim3A_314, %iota3A, %broadcast_in_dim3A_394], %gather3A_395 : memref<8x16x128xf32, #tpu.memory_space<vmem>>[vector<16xi32>, vector<16xi32>, vector<16xi32>], vector<16xf32>,
        %broadcast_in_dim3A_396 = arith.constant 27 : i32
        %broadcast_in_dim3A_397 = vector.broadcast %broadcast_in_dim3A_396 : i32 to vector<16xi32>
        %gather3A_398 = tpu.vector_load_idx %arg10[%broadcast_in_dim3A_313, %broadcast_in_dim3A_397, %select_n3A_301] : memref<8x64x128xf32, #tpu.memory_space<vmem>>[vector<16xi32>, vector<16xi32>, vector<16xi32>], vector<16xf32>,
        tpu.vector_store_idx %arg11[%broadcast_in_dim3A_314, %iota3A, %broadcast_in_dim3A_397], %gather3A_398 : memref<8x16x128xf32, #tpu.memory_space<vmem>>[vector<16xi32>, vector<16xi32>, vector<16xi32>], vector<16xf32>,
        %broadcast_in_dim3A_399 = arith.constant 28 : i32
        %broadcast_in_dim3A_400 = vector.broadcast %broadcast_in_dim3A_399 : i32 to vector<16xi32>
        %gather3A_401 = tpu.vector_load_idx %arg10[%broadcast_in_dim3A_313, %broadcast_in_dim3A_400, %select_n3A_301] : memref<8x64x128xf32, #tpu.memory_space<vmem>>[vector<16xi32>, vector<16xi32>, vector<16xi32>], vector<16xf32>,
        tpu.vector_store_idx %arg11[%broadcast_in_dim3A_314, %iota3A, %broadcast_in_dim3A_400], %gather3A_401 : memref<8x16x128xf32, #tpu.memory_space<vmem>>[vector<16xi32>, vector<16xi32>, vector<16xi32>], vector<16xf32>,
        %broadcast_in_dim3A_402 = arith.constant 29 : i32
        %broadcast_in_dim3A_403 = vector.broadcast %broadcast_in_dim3A_402 : i32 to vector<16xi32>
        %gather3A_404 = tpu.vector_load_idx %arg10[%broadcast_in_dim3A_313, %broadcast_in_dim3A_403, %select_n3A_301] : memref<8x64x128xf32, #tpu.memory_space<vmem>>[vector<16xi32>, vector<16xi32>, vector<16xi32>], vector<16xf32>,
        tpu.vector_store_idx %arg11[%broadcast_in_dim3A_314, %iota3A, %broadcast_in_dim3A_403], %gather3A_404 : memref<8x16x128xf32, #tpu.memory_space<vmem>>[vector<16xi32>, vector<16xi32>, vector<16xi32>], vector<16xf32>,
        %broadcast_in_dim3A_405 = arith.constant 30 : i32
        %broadcast_in_dim3A_406 = vector.broadcast %broadcast_in_dim3A_405 : i32 to vector<16xi32>
        %gather3A_407 = tpu.vector_load_idx %arg10[%broadcast_in_dim3A_313, %broadcast_in_dim3A_406, %select_n3A_301] : memref<8x64x128xf32, #tpu.memory_space<vmem>>[vector<16xi32>, vector<16xi32>, vector<16xi32>], vector<16xf32>,
        tpu.vector_store_idx %arg11[%broadcast_in_dim3A_314, %iota3A, %broadcast_in_dim3A_406], %gather3A_407 : memref<8x16x128xf32, #tpu.memory_space<vmem>>[vector<16xi32>, vector<16xi32>, vector<16xi32>], vector<16xf32>,
        %broadcast_in_dim3A_408 = arith.constant 31 : i32
        %broadcast_in_dim3A_409 = vector.broadcast %broadcast_in_dim3A_408 : i32 to vector<16xi32>
        %gather3A_410 = tpu.vector_load_idx %arg10[%broadcast_in_dim3A_313, %broadcast_in_dim3A_409, %select_n3A_301] : memref<8x64x128xf32, #tpu.memory_space<vmem>>[vector<16xi32>, vector<16xi32>, vector<16xi32>], vector<16xf32>,
        tpu.vector_store_idx %arg11[%broadcast_in_dim3A_314, %iota3A, %broadcast_in_dim3A_409], %gather3A_410 : memref<8x16x128xf32, #tpu.memory_space<vmem>>[vector<16xi32>, vector<16xi32>, vector<16xi32>], vector<16xf32>,
        %broadcast_in_dim3A_411 = arith.constant 32 : i32
        %broadcast_in_dim3A_412 = vector.broadcast %broadcast_in_dim3A_411 : i32 to vector<16xi32>
        %gather3A_413 = tpu.vector_load_idx %arg10[%broadcast_in_dim3A_313, %broadcast_in_dim3A_412, %select_n3A_301] : memref<8x64x128xf32, #tpu.memory_space<vmem>>[vector<16xi32>, vector<16xi32>, vector<16xi32>], vector<16xf32>,
        tpu.vector_store_idx %arg11[%broadcast_in_dim3A_314, %iota3A, %broadcast_in_dim3A_412], %gather3A_413 : memref<8x16x128xf32, #tpu.memory_space<vmem>>[vector<16xi32>, vector<16xi32>, vector<16xi32>], vector<16xf32>,
        %broadcast_in_dim3A_414 = arith.constant 33 : i32
        %broadcast_in_dim3A_415 = vector.broadcast %broadcast_in_dim3A_414 : i32 to vector<16xi32>
        %gather3A_416 = tpu.vector_load_idx %arg10[%broadcast_in_dim3A_313, %broadcast_in_dim3A_415, %select_n3A_301] : memref<8x64x128xf32, #tpu.memory_space<vmem>>[vector<16xi32>, vector<16xi32>, vector<16xi32>], vector<16xf32>,
        tpu.vector_store_idx %arg11[%broadcast_in_dim3A_314, %iota3A, %broadcast_in_dim3A_415], %gather3A_416 : memref<8x16x128xf32, #tpu.memory_space<vmem>>[vector<16xi32>, vector<16xi32>, vector<16xi32>], vector<16xf32>,
        %broadcast_in_dim3A_417 = arith.constant 34 : i32
        %broadcast_in_dim3A_418 = vector.broadcast %broadcast_in_dim3A_417 : i32 to vector<16xi32>
        %gather3A_419 = tpu.vector_load_idx %arg10[%broadcast_in_dim3A_313, %broadcast_in_dim3A_418, %select_n3A_301] : memref<8x64x128xf32, #tpu.memory_space<vmem>>[vector<16xi32>, vector<16xi32>, vector<16xi32>], vector<16xf32>,
        tpu.vector_store_idx %arg11[%broadcast_in_dim3A_314, %iota3A, %broadcast_in_dim3A_418], %gather3A_419 : memref<8x16x128xf32, #tpu.memory_space<vmem>>[vector<16xi32>, vector<16xi32>, vector<16xi32>], vector<16xf32>,
        %broadcast_in_dim3A_420 = arith.constant 35 : i32
        %broadcast_in_dim3A_421 = vector.broadcast %broadcast_in_dim3A_420 : i32 to vector<16xi32>
        %gather3A_422 = tpu.vector_load_idx %arg10[%broadcast_in_dim3A_313, %broadcast_in_dim3A_421, %select_n3A_301] : memref<8x64x128xf32, #tpu.memory_space<vmem>>[vector<16xi32>, vector<16xi32>, vector<16xi32>], vector<16xf32>,
        tpu.vector_store_idx %arg11[%broadcast_in_dim3A_314, %iota3A, %broadcast_in_dim3A_421], %gather3A_422 : memref<8x16x128xf32, #tpu.memory_space<vmem>>[vector<16xi32>, vector<16xi32>, vector<16xi32>], vector<16xf32>,
        %broadcast_in_dim3A_423 = arith.constant 36 : i32
        %broadcast_in_dim3A_424 = vector.broadcast %broadcast_in_dim3A_423 : i32 to vector<16xi32>
        %gather3A_425 = tpu.vector_load_idx %arg10[%broadcast_in_dim3A_313, %broadcast_in_dim3A_424, %select_n3A_301] : memref<8x64x128xf32, #tpu.memory_space<vmem>>[vector<16xi32>, vector<16xi32>, vector<16xi32>], vector<16xf32>,
        tpu.vector_store_idx %arg11[%broadcast_in_dim3A_314, %iota3A, %broadcast_in_dim3A_424], %gather3A_425 : memref<8x16x128xf32, #tpu.memory_space<vmem>>[vector<16xi32>, vector<16xi32>, vector<16xi32>], vector<16xf32>,
        %broadcast_in_dim3A_426 = arith.constant 37 : i32
        %broadcast_in_dim3A_427 = vector.broadcast %broadcast_in_dim3A_426 : i32 to vector<16xi32>
        %gather3A_428 = tpu.vector_load_idx %arg10[%broadcast_in_dim3A_313, %broadcast_in_dim3A_427, %select_n3A_301] : memref<8x64x128xf32, #tpu.memory_space<vmem>>[vector<16xi32>, vector<16xi32>, vector<16xi32>], vector<16xf32>,
        tpu.vector_store_idx %arg11[%broadcast_in_dim3A_314, %iota3A, %broadcast_in_dim3A_427], %gather3A_428 : memref<8x16x128xf32, #tpu.memory_space<vmem>>[vector<16xi32>, vector<16xi32>, vector<16xi32>], vector<16xf32>,
        %broadcast_in_dim3A_429 = arith.constant 38 : i32
        %broadcast_in_dim3A_430 = vector.broadcast %broadcast_in_dim3A_429 : i32 to vector<16xi32>
        %gather3A_431 = tpu.vector_load_idx %arg10[%broadcast_in_dim3A_313, %broadcast_in_dim3A_430, %select_n3A_301] : memref<8x64x128xf32, #tpu.memory_space<vmem>>[vector<16xi32>, vector<16xi32>, vector<16xi32>], vector<16xf32>,
        tpu.vector_store_idx %arg11[%broadcast_in_dim3A_314, %iota3A, %broadcast_in_dim3A_430], %gather3A_431 : memref<8x16x128xf32, #tpu.memory_space<vmem>>[vector<16xi32>, vector<16xi32>, vector<16xi32>], vector<16xf32>,
        %broadcast_in_dim3A_432 = arith.constant 39 : i32
        %broadcast_in_dim3A_433 = vector.broadcast %broadcast_in_dim3A_432 : i32 to vector<16xi32>
        %gather3A_434 = tpu.vector_load_idx %arg10[%broadcast_in_dim3A_313, %broadcast_in_dim3A_433, %select_n3A_301] : memref<8x64x128xf32, #tpu.memory_space<vmem>>[vector<16xi32>, vector<16xi32>, vector<16xi32>], vector<16xf32>,
        tpu.vector_store_idx %arg11[%broadcast_in_dim3A_314, %iota3A, %broadcast_in_dim3A_433], %gather3A_434 : memref<8x16x128xf32, #tpu.memory_space<vmem>>[vector<16xi32>, vector<16xi32>, vector<16xi32>], vector<16xf32>,
        %broadcast_in_dim3A_435 = arith.constant 40 : i32
        %broadcast_in_dim3A_436 = vector.broadcast %broadcast_in_dim3A_435 : i32 to vector<16xi32>
        %gather3A_437 = tpu.vector_load_idx %arg10[%broadcast_in_dim3A_313, %broadcast_in_dim3A_436, %select_n3A_301] : memref<8x64x128xf32, #tpu.memory_space<vmem>>[vector<16xi32>, vector<16xi32>, vector<16xi32>], vector<16xf32>,
        tpu.vector_store_idx %arg11[%broadcast_in_dim3A_314, %iota3A, %broadcast_in_dim3A_436], %gather3A_437 : memref<8x16x128xf32, #tpu.memory_space<vmem>>[vector<16xi32>, vector<16xi32>, vector<16xi32>], vector<16xf32>,
        %broadcast_in_dim3A_438 = arith.constant 41 : i32
        %broadcast_in_dim3A_439 = vector.broadcast %broadcast_in_dim3A_438 : i32 to vector<16xi32>
        %gather3A_440 = tpu.vector_load_idx %arg10[%broadcast_in_dim3A_313, %broadcast_in_dim3A_439, %select_n3A_301] : memref<8x64x128xf32, #tpu.memory_space<vmem>>[vector<16xi32>, vector<16xi32>, vector<16xi32>], vector<16xf32>,
        tpu.vector_store_idx %arg11[%broadcast_in_dim3A_314, %iota3A, %broadcast_in_dim3A_439], %gather3A_440 : memref<8x16x128xf32, #tpu.memory_space<vmem>>[vector<16xi32>, vector<16xi32>, vector<16xi32>], vector<16xf32>,
        %broadcast_in_dim3A_441 = arith.constant 42 : i32
        %broadcast_in_dim3A_442 = vector.broadcast %broadcast_in_dim3A_441 : i32 to vector<16xi32>
        %gather3A_443 = tpu.vector_load_idx %arg10[%broadcast_in_dim3A_313, %broadcast_in_dim3A_442, %select_n3A_301] : memref<8x64x128xf32, #tpu.memory_space<vmem>>[vector<16xi32>, vector<16xi32>, vector<16xi32>], vector<16xf32>,
        tpu.vector_store_idx %arg11[%broadcast_in_dim3A_314, %iota3A, %broadcast_in_dim3A_442], %gather3A_443 : memref<8x16x128xf32, #tpu.memory_space<vmem>>[vector<16xi32>, vector<16xi32>, vector<16xi32>], vector<16xf32>,
        %broadcast_in_dim3A_444 = arith.constant 43 : i32
        %broadcast_in_dim3A_445 = vector.broadcast %broadcast_in_dim3A_444 : i32 to vector<16xi32>
        %gather3A_446 = tpu.vector_load_idx %arg10[%broadcast_in_dim3A_313, %broadcast_in_dim3A_445, %select_n3A_301] : memref<8x64x128xf32, #tpu.memory_space<vmem>>[vector<16xi32>, vector<16xi32>, vector<16xi32>], vector<16xf32>,
        tpu.vector_store_idx %arg11[%broadcast_in_dim3A_314, %iota3A, %broadcast_in_dim3A_445], %gather3A_446 : memref<8x16x128xf32, #tpu.memory_space<vmem>>[vector<16xi32>, vector<16xi32>, vector<16xi32>], vector<16xf32>,
        %broadcast_in_dim3A_447 = arith.constant 44 : i32
        %broadcast_in_dim3A_448 = vector.broadcast %broadcast_in_dim3A_447 : i32 to vector<16xi32>
        %gather3A_449 = tpu.vector_load_idx %arg10[%broadcast_in_dim3A_313, %broadcast_in_dim3A_448, %select_n3A_301] : memref<8x64x128xf32, #tpu.memory_space<vmem>>[vector<16xi32>, vector<16xi32>, vector<16xi32>], vector<16xf32>,
        tpu.vector_store_idx %arg11[%broadcast_in_dim3A_314, %iota3A, %broadcast_in_dim3A_448], %gather3A_449 : memref<8x16x128xf32, #tpu.memory_space<vmem>>[vector<16xi32>, vector<16xi32>, vector<16xi32>], vector<16xf32>,
        %broadcast_in_dim3A_450 = arith.constant 45 : i32
        %broadcast_in_dim3A_451 = vector.broadcast %broadcast_in_dim3A_450 : i32 to vector<16xi32>
        %gather3A_452 = tpu.vector_load_idx %arg10[%broadcast_in_dim3A_313, %broadcast_in_dim3A_451, %select_n3A_301] : memref<8x64x128xf32, #tpu.memory_space<vmem>>[vector<16xi32>, vector<16xi32>, vector<16xi32>], vector<16xf32>,
        tpu.vector_store_idx %arg11[%broadcast_in_dim3A_314, %iota3A, %broadcast_in_dim3A_451], %gather3A_452 : memref<8x16x128xf32, #tpu.memory_space<vmem>>[vector<16xi32>, vector<16xi32>, vector<16xi32>], vector<16xf32>,
        %broadcast_in_dim3A_453 = arith.constant 46 : i32
        %broadcast_in_dim3A_454 = vector.broadcast %broadcast_in_dim3A_453 : i32 to vector<16xi32>
        %gather3A_455 = tpu.vector_load_idx %arg10[%broadcast_in_dim3A_313, %broadcast_in_dim3A_454, %select_n3A_301] : memref<8x64x128xf32, #tpu.memory_space<vmem>>[vector<16xi32>, vector<16xi32>, vector<16xi32>], vector<16xf32>,
        tpu.vector_store_idx %arg11[%broadcast_in_dim3A_314, %iota3A, %broadcast_in_dim3A_454], %gather3A_455 : memref<8x16x128xf32, #tpu.memory_space<vmem>>[vector<16xi32>, vector<16xi32>, vector<16xi32>], vector<16xf32>,
        %broadcast_in_dim3A_456 = arith.constant 47 : i32
        %broadcast_in_dim3A_457 = vector.broadcast %broadcast_in_dim3A_456 : i32 to vector<16xi32>
        %gather3A_458 = tpu.vector_load_idx %arg10[%broadcast_in_dim3A_313, %broadcast_in_dim3A_457, %select_n3A_301] : memref<8x64x128xf32, #tpu.memory_space<vmem>>[vector<16xi32>, vector<16xi32>, vector<16xi32>], vector<16xf32>,
        tpu.vector_store_idx %arg11[%broadcast_in_dim3A_314, %iota3A, %broadcast_in_dim3A_457], %gather3A_458 : memref<8x16x128xf32, #tpu.memory_space<vmem>>[vector<16xi32>, vector<16xi32>, vector<16xi32>], vector<16xf32>,
        %broadcast_in_dim3A_459 = arith.constant 48 : i32
        %broadcast_in_dim3A_460 = vector.broadcast %broadcast_in_dim3A_459 : i32 to vector<16xi32>
        %gather3A_461 = tpu.vector_load_idx %arg10[%broadcast_in_dim3A_313, %broadcast_in_dim3A_460, %select_n3A_301] : memref<8x64x128xf32, #tpu.memory_space<vmem>>[vector<16xi32>, vector<16xi32>, vector<16xi32>], vector<16xf32>,
        tpu.vector_store_idx %arg11[%broadcast_in_dim3A_314, %iota3A, %broadcast_in_dim3A_460], %gather3A_461 : memref<8x16x128xf32, #tpu.memory_space<vmem>>[vector<16xi32>, vector<16xi32>, vector<16xi32>], vector<16xf32>,
        %broadcast_in_dim3A_462 = arith.constant 49 : i32
        %broadcast_in_dim3A_463 = vector.broadcast %broadcast_in_dim3A_462 : i32 to vector<16xi32>
        %gather3A_464 = tpu.vector_load_idx %arg10[%broadcast_in_dim3A_313, %broadcast_in_dim3A_463, %select_n3A_301] : memref<8x64x128xf32, #tpu.memory_space<vmem>>[vector<16xi32>, vector<16xi32>, vector<16xi32>], vector<16xf32>,
        tpu.vector_store_idx %arg11[%broadcast_in_dim3A_314, %iota3A, %broadcast_in_dim3A_463], %gather3A_464 : memref<8x16x128xf32, #tpu.memory_space<vmem>>[vector<16xi32>, vector<16xi32>, vector<16xi32>], vector<16xf32>,
        %broadcast_in_dim3A_465 = arith.constant 50 : i32
        %broadcast_in_dim3A_466 = vector.broadcast %broadcast_in_dim3A_465 : i32 to vector<16xi32>
        %gather3A_467 = tpu.vector_load_idx %arg10[%broadcast_in_dim3A_313, %broadcast_in_dim3A_466, %select_n3A_301] : memref<8x64x128xf32, #tpu.memory_space<vmem>>[vector<16xi32>, vector<16xi32>, vector<16xi32>], vector<16xf32>,
        tpu.vector_store_idx %arg11[%broadcast_in_dim3A_314, %iota3A, %broadcast_in_dim3A_466], %gather3A_467 : memref<8x16x128xf32, #tpu.memory_space<vmem>>[vector<16xi32>, vector<16xi32>, vector<16xi32>], vector<16xf32>,
        %broadcast_in_dim3A_468 = arith.constant 51 : i32
        %broadcast_in_dim3A_469 = vector.broadcast %broadcast_in_dim3A_468 : i32 to vector<16xi32>
        %gather3A_470 = tpu.vector_load_idx %arg10[%broadcast_in_dim3A_313, %broadcast_in_dim3A_469, %select_n3A_301] : memref<8x64x128xf32, #tpu.memory_space<vmem>>[vector<16xi32>, vector<16xi32>, vector<16xi32>], vector<16xf32>,
        tpu.vector_store_idx %arg11[%broadcast_in_dim3A_314, %iota3A, %broadcast_in_dim3A_469], %gather3A_470 : memref<8x16x128xf32, #tpu.memory_space<vmem>>[vector<16xi32>, vector<16xi32>, vector<16xi32>], vector<16xf32>,
        %broadcast_in_dim3A_471 = arith.constant 52 : i32
        %broadcast_in_dim3A_472 = vector.broadcast %broadcast_in_dim3A_471 : i32 to vector<16xi32>
        %gather3A_473 = tpu.vector_load_idx %arg10[%broadcast_in_dim3A_313, %broadcast_in_dim3A_472, %select_n3A_301] : memref<8x64x128xf32, #tpu.memory_space<vmem>>[vector<16xi32>, vector<16xi32>, vector<16xi32>], vector<16xf32>,
        tpu.vector_store_idx %arg11[%broadcast_in_dim3A_314, %iota3A, %broadcast_in_dim3A_472], %gather3A_473 : memref<8x16x128xf32, #tpu.memory_space<vmem>>[vector<16xi32>, vector<16xi32>, vector<16xi32>], vector<16xf32>,
        %broadcast_in_dim3A_474 = arith.constant 53 : i32
        %broadcast_in_dim3A_475 = vector.broadcast %broadcast_in_dim3A_474 : i32 to vector<16xi32>
        %gather3A_476 = tpu.vector_load_idx %arg10[%broadcast_in_dim3A_313, %broadcast_in_dim3A_475, %select_n3A_301] : memref<8x64x128xf32, #tpu.memory_space<vmem>>[vector<16xi32>, vector<16xi32>, vector<16xi32>], vector<16xf32>,
        tpu.vector_store_idx %arg11[%broadcast_in_dim3A_314, %iota3A, %broadcast_in_dim3A_475], %gather3A_476 : memref<8x16x128xf32, #tpu.memory_space<vmem>>[vector<16xi32>, vector<16xi32>, vector<16xi32>], vector<16xf32>,
        %broadcast_in_dim3A_477 = arith.constant 54 : i32
        %broadcast_in_dim3A_478 = vector.broadcast %broadcast_in_dim3A_477 : i32 to vector<16xi32>
        %gather3A_479 = tpu.vector_load_idx %arg10[%broadcast_in_dim3A_313, %broadcast_in_dim3A_478, %select_n3A_301] : memref<8x64x128xf32, #tpu.memory_space<vmem>>[vector<16xi32>, vector<16xi32>, vector<16xi32>], vector<16xf32>,
        tpu.vector_store_idx %arg11[%broadcast_in_dim3A_314, %iota3A, %broadcast_in_dim3A_478], %gather3A_479 : memref<8x16x128xf32, #tpu.memory_space<vmem>>[vector<16xi32>, vector<16xi32>, vector<16xi32>], vector<16xf32>,
        %broadcast_in_dim3A_480 = arith.constant 55 : i32
        %broadcast_in_dim3A_481 = vector.broadcast %broadcast_in_dim3A_480 : i32 to vector<16xi32>
        %gather3A_482 = tpu.vector_load_idx %arg10[%broadcast_in_dim3A_313, %broadcast_in_dim3A_481, %select_n3A_301] : memref<8x64x128xf32, #tpu.memory_space<vmem>>[vector<16xi32>, vector<16xi32>, vector<16xi32>], vector<16xf32>,
        tpu.vector_store_idx %arg11[%broadcast_in_dim3A_314, %iota3A, %broadcast_in_dim3A_481], %gather3A_482 : memref<8x16x128xf32, #tpu.memory_space<vmem>>[vector<16xi32>, vector<16xi32>, vector<16xi32>], vector<16xf32>,
        %broadcast_in_dim3A_483 = arith.constant 56 : i32
        %broadcast_in_dim3A_484 = vector.broadcast %broadcast_in_dim3A_483 : i32 to vector<16xi32>
        %gather3A_485 = tpu.vector_load_idx %arg10[%broadcast_in_dim3A_313, %broadcast_in_dim3A_484, %select_n3A_301] : memref<8x64x128xf32, #tpu.memory_space<vmem>>[vector<16xi32>, vector<16xi32>, vector<16xi32>], vector<16xf32>,
        tpu.vector_store_idx %arg11[%broadcast_in_dim3A_314, %iota3A, %broadcast_in_dim3A_484], %gather3A_485 : memref<8x16x128xf32, #tpu.memory_space<vmem>>[vector<16xi32>, vector<16xi32>, vector<16xi32>], vector<16xf32>,
        %broadcast_in_dim3A_486 = arith.constant 57 : i32
        %broadcast_in_dim3A_487 = vector.broadcast %broadcast_in_dim3A_486 : i32 to vector<16xi32>
        %gather3A_488 = tpu.vector_load_idx %arg10[%broadcast_in_dim3A_313, %broadcast_in_dim3A_487, %select_n3A_301] : memref<8x64x128xf32, #tpu.memory_space<vmem>>[vector<16xi32>, vector<16xi32>, vector<16xi32>], vector<16xf32>,
        tpu.vector_store_idx %arg11[%broadcast_in_dim3A_314, %iota3A, %broadcast_in_dim3A_487], %gather3A_488 : memref<8x16x128xf32, #tpu.memory_space<vmem>>[vector<16xi32>, vector<16xi32>, vector<16xi32>], vector<16xf32>,
        %broadcast_in_dim3A_489 = arith.constant 58 : i32
        %broadcast_in_dim3A_490 = vector.broadcast %broadcast_in_dim3A_489 : i32 to vector<16xi32>
        %gather3A_491 = tpu.vector_load_idx %arg10[%broadcast_in_dim3A_313, %broadcast_in_dim3A_490, %select_n3A_301] : memref<8x64x128xf32, #tpu.memory_space<vmem>>[vector<16xi32>, vector<16xi32>, vector<16xi32>], vector<16xf32>,
        tpu.vector_store_idx %arg11[%broadcast_in_dim3A_314, %iota3A, %broadcast_in_dim3A_490], %gather3A_491 : memref<8x16x128xf32, #tpu.memory_space<vmem>>[vector<16xi32>, vector<16xi32>, vector<16xi32>], vector<16xf32>,
        %broadcast_in_dim3A_492 = arith.constant 59 : i32
        %broadcast_in_dim3A_493 = vector.broadcast %broadcast_in_dim3A_492 : i32 to vector<16xi32>
        %gather3A_494 = tpu.vector_load_idx %arg10[%broadcast_in_dim3A_313, %broadcast_in_dim3A_493, %select_n3A_301] : memref<8x64x128xf32, #tpu.memory_space<vmem>>[vector<16xi32>, vector<16xi32>, vector<16xi32>], vector<16xf32>,
        tpu.vector_store_idx %arg11[%broadcast_in_dim3A_314, %iota3A, %broadcast_in_dim3A_493], %gather3A_494 : memref<8x16x128xf32, #tpu.memory_space<vmem>>[vector<16xi32>, vector<16xi32>, vector<16xi32>], vector<16xf32>,
        %broadcast_in_dim3A_495 = arith.constant 60 : i32
        %broadcast_in_dim3A_496 = vector.broadcast %broadcast_in_dim3A_495 : i32 to vector<16xi32>
        %gather3A_497 = tpu.vector_load_idx %arg10[%broadcast_in_dim3A_313, %broadcast_in_dim3A_496, %select_n3A_301] : memref<8x64x128xf32, #tpu.memory_space<vmem>>[vector<16xi32>, vector<16xi32>, vector<16xi32>], vector<16xf32>,
        tpu.vector_store_idx %arg11[%broadcast_in_dim3A_314, %iota3A, %broadcast_in_dim3A_496], %gather3A_497 : memref<8x16x128xf32, #tpu.memory_space<vmem>>[vector<16xi32>, vector<16xi32>, vector<16xi32>], vector<16xf32>,
        %broadcast_in_dim3A_498 = arith.constant 61 : i32
        %broadcast_in_dim3A_499 = vector.broadcast %broadcast_in_dim3A_498 : i32 to vector<16xi32>
        %gather3A_500 = tpu.vector_load_idx %arg10[%broadcast_in_dim3A_313, %broadcast_in_dim3A_499, %select_n3A_301] : memref<8x64x128xf32, #tpu.memory_space<vmem>>[vector<16xi32>, vector<16xi32>, vector<16xi32>], vector<16xf32>,
        tpu.vector_store_idx %arg11[%broadcast_in_dim3A_314, %iota3A, %broadcast_in_dim3A_499], %gather3A_500 : memref<8x16x128xf32, #tpu.memory_space<vmem>>[vector<16xi32>, vector<16xi32>, vector<16xi32>], vector<16xf32>,
        %broadcast_in_dim3A_501 = arith.constant 62 : i32
        %broadcast_in_dim3A_502 = vector.broadcast %broadcast_in_dim3A_501 : i32 to vector<16xi32>
        %gather3A_503 = tpu.vector_load_idx %arg10[%broadcast_in_dim3A_313, %broadcast_in_dim3A_502, %select_n3A_301] : memref<8x64x128xf32, #tpu.memory_space<vmem>>[vector<16xi32>, vector<16xi32>, vector<16xi32>], vector<16xf32>,
        tpu.vector_store_idx %arg11[%broadcast_in_dim3A_314, %iota3A, %broadcast_in_dim3A_502], %gather3A_503 : memref<8x16x128xf32, #tpu.memory_space<vmem>>[vector<16xi32>, vector<16xi32>, vector<16xi32>], vector<16xf32>,
        %broadcast_in_dim3A_504 = arith.constant 63 : i32
        %broadcast_in_dim3A_505 = vector.broadcast %broadcast_in_dim3A_504 : i32 to vector<16xi32>
        %gather3A_506 = tpu.vector_load_idx %arg10[%broadcast_in_dim3A_313, %broadcast_in_dim3A_505, %select_n3A_301] : memref<8x64x128xf32, #tpu.memory_space<vmem>>[vector<16xi32>, vector<16xi32>, vector<16xi32>], vector<16xf32>,
        tpu.vector_store_idx %arg11[%broadcast_in_dim3A_314, %iota3A, %broadcast_in_dim3A_505], %gather3A_506 : memref<8x16x128xf32, #tpu.memory_space<vmem>>[vector<16xi32>, vector<16xi32>, vector<16xi32>], vector<16xf32>,
        tpu.vector_store_idx %arg12[%broadcast_in_dim3A_314, %iota3A], %select_n3A_306 : memref<8x16xi32, #tpu.memory_space<vmem>>[vector<16xi32>, vector<16xi32>], vector<16xi32>,
        %dma_start3A = arith.constant 0 : i32
        %dma_start3A_507 = arith.constant 0 : i32
        %dma_start3A_508 = tpu.memref_slice %arg11[%and3A_308, %dma_start3A, %dma_start3A_507] : memref<8x16x128xf32, #tpu.memory_space<vmem>> -> memref<1x16x128xf32, #tpu.memory_space<vmem>>
        %dma_start3A_509 = tpu.memref_squeeze %dma_start3A_508 : memref<1x16x128xf32, #tpu.memory_space<vmem>> -> memref<16x128xf32, #tpu.memory_space<vmem>>
        %dma_start3A_510 = arith.constant 0 : i32
        %dma_start3A_511 = tpu.memref_slice %arg12[%and3A_308, %dma_start3A_510] : memref<8x16xi32, #tpu.memory_space<vmem>> -> memref<1x16xi32, #tpu.memory_space<vmem>>
        %dma_start3A_512 = tpu.memref_squeeze %dma_start3A_511 : memref<1x16xi32, #tpu.memory_space<vmem>> -> memref<16xi32, #tpu.memory_space<vmem>>
        %dma_start3A_513 = arith.constant 0 : i32
        %dma_start3A_514 = arith.constant 0 : i32
        %dma_start3A_515 = tpu.memref_slice %arg5[%dma_start3A_513, %dma_start3A_514] : memref<16416x128xf32, #tpu.memory_space<hbm>> -> memref<16416x128xf32, #tpu.memory_space<hbm>>
        %dma_start3A_516 = tpu.memref_slice %arg14[%and3A_308] : memref<8x!tpu.dma_semaphore, #tpu.memory_space<semaphore_mem>> -> memref<1x!tpu.dma_semaphore, #tpu.memory_space<semaphore_mem>>
        %dma_start3A_517 = tpu.memref_squeeze %dma_start3A_516 : memref<1x!tpu.dma_semaphore, #tpu.memory_space<semaphore_mem>> -> memref<!tpu.dma_semaphore, #tpu.memory_space<semaphore_mem>>
        tpu.enqueue_indirect_dma source(%dma_start3A_509 : memref<16x128xf32, #tpu.memory_space<vmem>>) target(%dma_start3A_515 : memref<16416x128xf32, #tpu.memory_space<hbm>>) offsets(%dma_start3A_512 : memref<16xi32, #tpu.memory_space<vmem>>) semaphore(%dma_start3A_517 : memref<!tpu.dma_semaphore, #tpu.memory_space<semaphore_mem>>)
        %add3A_518 = arith.constant 1 : i32
        %add3A_519 = arith.addi %while3A_282, %add3A_518 : i32
        scf.yield %add3A_519 : i32
      }
      %add3A_275 = arith.constant 8 : i32
      %add3A_276 = arith.addi %while3A_207, %add3A_275 : i32
      %lt3A = arith.cmpi slt, %add3A_276, %sub3A : i32
      %convert_element_type3A_277 = arith.extui %lt3A : i1 to i32
      %cond3A_278 = arith.constant 0 : i32
      %cond3A_279 = arith.cmpi ne, %convert_element_type3A_277, %cond3A_278 : i32
      scf.if %cond3A_279 {
        %add3A_281 = arith.addi %mul3A_2, %while3A_207 : i32
        %add3A_282 = arith.constant 8 : i32
        %add3A_283 = arith.addi %add3A_281, %add3A_282 : i32
        %ge3A = arith.constant 782 : i32
        %ge3A_284 = arith.cmpi sge, %add3A_283, %ge3A : i32
        %sub3A_285 = arith.constant 782 : i32
        %sub3A_286 = arith.subi %add3A_283, %sub3A_285 : i32
        %select_n3A_287 = arith.select %ge3A_284, %sub3A_286, %add3A_283 : i32
        %mul3A_288 = arith.constant 128 : i32
        %mul3A_289 = arith.muli %select_n3A_287, %mul3A_288 : i32
        %convert_element_type3A_290 = arith.extui %ge3A_284 : i1 to i32
        %cond3A_291 = arith.constant 0 : i32
        %cond3A_292 = arith.cmpi ne, %convert_element_type3A_290, %cond3A_291 : i32
        scf.if %cond3A_292 {
          %dma_start3A = arith.constant 0 : i32
          %dma_start3A_293 = arith.constant 0 : i32
          %dma_start3A_294 = tpu.memref_slice %arg10[%rem3A_211, %dma_start3A, %dma_start3A_293] : memref<8x64x128xf32, #tpu.memory_space<vmem>> -> memref<1x64x128xf32, #tpu.memory_space<vmem>>
          %dma_start3A_295 = tpu.memref_squeeze %dma_start3A_294 : memref<1x64x128xf32, #tpu.memory_space<vmem>> -> memref<64x128xf32, #tpu.memory_space<vmem>>
          %dma_start3A_296 = arith.constant 0 : i32
          %dma_start3A_297 = tpu.memref_slice %arg4[%dma_start3A_296, %mul3A_289] : memref<64x100000xf32, #tpu.memory_space<hbm>> -> memref<64x128xf32, #tpu.memory_space<hbm>>
          %dma_start3A_298 = tpu.memref_slice %arg13[%rem3A_211] : memref<8x!tpu.dma_semaphore, #tpu.memory_space<semaphore_mem>> -> memref<1x!tpu.dma_semaphore, #tpu.memory_space<semaphore_mem>>
          %dma_start3A_299 = tpu.memref_squeeze %dma_start3A_298 : memref<1x!tpu.dma_semaphore, #tpu.memory_space<semaphore_mem>> -> memref<!tpu.dma_semaphore, #tpu.memory_space<semaphore_mem>>
          %dma_start3A_300 = arith.constant 0 : i32
          %dma_start3A_301 = arith.constant 0 : i32
          %dma_start3A_302 = tpu.memref_slice %arg10[%rem3A_211, %dma_start3A_300, %dma_start3A_301] : memref<8x64x128xf32, #tpu.memory_space<vmem>> -> memref<1x64x128xf32, #tpu.memory_space<vmem>>
          %dma_start3A_303 = tpu.memref_squeeze %dma_start3A_302 : memref<1x64x128xf32, #tpu.memory_space<vmem>> -> memref<64x128xf32, #tpu.memory_space<vmem>>
          %dma_start3A_304 = arith.constant 0 : i32
          %dma_start3A_305 = tpu.memref_slice %arg4[%dma_start3A_304, %mul3A_289] : memref<64x100000xf32, #tpu.memory_space<hbm>> -> memref<64x128xf32, #tpu.memory_space<hbm>>
          tpu.enqueue_dma source(%dma_start3A_305 : memref<64x128xf32, #tpu.memory_space<hbm>>) target(%dma_start3A_303 : memref<64x128xf32, #tpu.memory_space<vmem>>) target_semaphore(%dma_start3A_299 : memref<!tpu.dma_semaphore, #tpu.memory_space<semaphore_mem>>)
        } else {
          %dma_start3A = arith.constant 0 : i32
          %dma_start3A_293 = arith.constant 0 : i32
          %dma_start3A_294 = tpu.memref_slice %arg10[%rem3A_211, %dma_start3A, %dma_start3A_293] : memref<8x64x128xf32, #tpu.memory_space<vmem>> -> memref<1x64x128xf32, #tpu.memory_space<vmem>>
          %dma_start3A_295 = tpu.memref_squeeze %dma_start3A_294 : memref<1x64x128xf32, #tpu.memory_space<vmem>> -> memref<64x128xf32, #tpu.memory_space<vmem>>
          %dma_start3A_296 = arith.constant 0 : i32
          %dma_start3A_297 = tpu.memref_slice %arg3[%dma_start3A_296, %mul3A_289] : memref<64x100000xf32, #tpu.memory_space<hbm>> -> memref<64x128xf32, #tpu.memory_space<hbm>>
          %dma_start3A_298 = tpu.memref_slice %arg13[%rem3A_211] : memref<8x!tpu.dma_semaphore, #tpu.memory_space<semaphore_mem>> -> memref<1x!tpu.dma_semaphore, #tpu.memory_space<semaphore_mem>>
          %dma_start3A_299 = tpu.memref_squeeze %dma_start3A_298 : memref<1x!tpu.dma_semaphore, #tpu.memory_space<semaphore_mem>> -> memref<!tpu.dma_semaphore, #tpu.memory_space<semaphore_mem>>
          %dma_start3A_300 = arith.constant 0 : i32
          %dma_start3A_301 = arith.constant 0 : i32
          %dma_start3A_302 = tpu.memref_slice %arg10[%rem3A_211, %dma_start3A_300, %dma_start3A_301] : memref<8x64x128xf32, #tpu.memory_space<vmem>> -> memref<1x64x128xf32, #tpu.memory_space<vmem>>
          %dma_start3A_303 = tpu.memref_squeeze %dma_start3A_302 : memref<1x64x128xf32, #tpu.memory_space<vmem>> -> memref<64x128xf32, #tpu.memory_space<vmem>>
          %dma_start3A_304 = arith.constant 0 : i32
          %dma_start3A_305 = tpu.memref_slice %arg3[%dma_start3A_304, %mul3A_289] : memref<64x100000xf32, #tpu.memory_space<hbm>> -> memref<64x128xf32, #tpu.memory_space<hbm>>
          tpu.enqueue_dma source(%dma_start3A_305 : memref<64x128xf32, #tpu.memory_space<hbm>>) target(%dma_start3A_303 : memref<64x128xf32, #tpu.memory_space<vmem>>) target_semaphore(%dma_start3A_299 : memref<!tpu.dma_semaphore, #tpu.memory_space<semaphore_mem>>)
        }
      } else {
      }
      %add3A_280 = arith.addi %while3A_208, %reduce_max3A_235 : i32
      scf.yield %add3A_280, %while3A_274 : i32, i32
    }
    %while3A_198 = arith.constant 1 : i32
    %while3A_199:2 = scf.for %while3A_207 = %while3A_195 to %while3A_191 step %while3A_198 iter_args(%while3A_208 = %while3A_197#0, %while3A_209 = %while3A_197#1) -> (i32, i32)  : i32 {
      %rem3A_210 = arith.constant 8 : i32
      %rem3A_211 = arith.remsi %while3A_207, %rem3A_210 : i32
      %dma_wait3A = arith.constant 0 : i32
      %dma_wait3A_212 = arith.constant 0 : i32
      %dma_wait3A_213 = arith.constant 0 : i32
      %dma_wait3A_214 = tpu.memref_slice %arg10[%dma_wait3A, %dma_wait3A_212, %dma_wait3A_213] : memref<8x64x128xf32, #tpu.memory_space<vmem>> -> memref<1x64x128xf32, #tpu.memory_space<vmem>>
      %dma_wait3A_215 = tpu.memref_squeeze %dma_wait3A_214 : memref<1x64x128xf32, #tpu.memory_space<vmem>> -> memref<64x128xf32, #tpu.memory_space<vmem>>
      %dma_wait3A_216 = arith.constant 0 : i32
      %dma_wait3A_217 = arith.constant 0 : i32
      %dma_wait3A_218 = tpu.memref_slice %arg3[%dma_wait3A_216, %dma_wait3A_217] : memref<64x100000xf32, #tpu.memory_space<hbm>> -> memref<64x128xf32, #tpu.memory_space<hbm>>
      %dma_wait3A_219 = tpu.memref_slice %arg13[%rem3A_211] : memref<8x!tpu.dma_semaphore, #tpu.memory_space<semaphore_mem>> -> memref<1x!tpu.dma_semaphore, #tpu.memory_space<semaphore_mem>>
      %dma_wait3A_220 = tpu.memref_squeeze %dma_wait3A_219 : memref<1x!tpu.dma_semaphore, #tpu.memory_space<semaphore_mem>> -> memref<!tpu.dma_semaphore, #tpu.memory_space<semaphore_mem>>
      %dma_wait3A_221 = arith.constant 0 : i32
      %dma_wait3A_222 = arith.constant 0 : i32
      %dma_wait3A_223 = tpu.memref_slice %arg10[%dma_wait3A, %dma_wait3A_221, %dma_wait3A_222] : memref<8x64x128xf32, #tpu.memory_space<vmem>> -> memref<1x64x128xf32, #tpu.memory_space<vmem>>
      %dma_wait3A_224 = tpu.memref_squeeze %dma_wait3A_223 : memref<1x64x128xf32, #tpu.memory_space<vmem>> -> memref<64x128xf32, #tpu.memory_space<vmem>>
      %dma_wait3A_225 = arith.constant 0 : i32
      %dma_wait3A_226 = arith.constant 0 : i32
      %dma_wait3A_227 = tpu.memref_slice %arg3[%dma_wait3A_225, %dma_wait3A_226] : memref<64x100000xf32, #tpu.memory_space<hbm>> -> memref<64x128xf32, #tpu.memory_space<hbm>>
      tpu.wait_dma2 semaphore(%dma_wait3A_220 : memref<!tpu.dma_semaphore, #tpu.memory_space<semaphore_mem>>) src(%dma_wait3A_227 : memref<64x128xf32, #tpu.memory_space<hbm>>) dst(%dma_wait3A_224 : memref<64x128xf32, #tpu.memory_space<vmem>>)
      %broadcast_in_dim3A_228 = vector.broadcast %while3A_207 : i32 to vector<16xi32>
      %gather3A = tpu.vector_load_idx %arg8[%broadcast_in_dim3A_228] : memref<64xi32, #tpu.memory_space<vmem>>[vector<16xi32>], vector<16xi32>,
      %reduce_max3A = arith.constant true
      %reduce_max3A_229 = vector.broadcast %reduce_max3A : i1 to vector<16xi1>
      %reduce_max3A_230 = arith.constant -2147483648 : i32
      %reduce_max3A_231 = vector.broadcast %reduce_max3A_230 : i32 to vector<16xi32>
      %reduce_max3A_232 = arith.xori %gather3A, %reduce_max3A_231 : vector<16xi32>
      %reduce_max3A_233 = tpu.scan <max>, %reduce_max3A_232 masked %reduce_max3A_229 : vector<16xi32>, vector<16xi1> -> vector<16xi32>
      %reduce_max3A_234 = arith.xori %reduce_max3A_233, %reduce_max3A_231 : vector<16xi32>
      %reduce_max3A_235 = vector.extract %reduce_max3A_234[15] : i32 from vector<16xi32>
      %add3A_236 = arith.constant 16 : i32
      %add3A_237 = arith.addi %reduce_max3A_235, %add3A_236 : i32
      %sub3A_238 = arith.constant 1 : i32
      %sub3A_239 = arith.subi %add3A_237, %sub3A_238 : i32
      %jit3A_240 = arith.constant 16 : i32
      %div3A_241 = arith.divsi %sub3A_239, %jit3A_240 : i32
      %sign3A_242 = arith.constant 0 : i32
      %sign3A_243 = arith.cmpi sgt, %sub3A_239, %sign3A_242 : i32
      %sign3A_244 = arith.extui %sign3A_243 : i1 to i32
      %sign3A_245 = arith.constant 0 : i32
      %sign3A_246 = arith.cmpi slt, %sub3A_239, %sign3A_245 : i32
      %sign3A_247 = arith.extui %sign3A_246 : i1 to i32
      %sign3A_248 = arith.subi %sign3A_244, %sign3A_247 : i32
      %sign3A_249 = arith.constant 0 : i32
      %sign3A_250 = arith.cmpi sgt, %jit3A_240, %sign3A_249 : i32
      %sign3A_251 = arith.extui %sign3A_250 : i1 to i32
      %sign3A_252 = arith.constant 0 : i32
      %sign3A_253 = arith.cmpi slt, %jit3A_240, %sign3A_252 : i32
      %sign3A_254 = arith.extui %sign3A_253 : i1 to i32
      %sign3A_255 = arith.subi %sign3A_251, %sign3A_254 : i32
      %ne3A_256 = arith.cmpi ne, %sign3A_248, %sign3A_255 : i32
      %rem3A_257 = arith.remsi %sub3A_239, %jit3A_240 : i32
      %ne3A_258 = arith.constant 0 : i32
      %ne3A_259 = arith.cmpi ne, %rem3A_257, %ne3A_258 : i32
      %and3A_260 = arith.andi %ne3A_256, %ne3A_259 : i1
      %sub3A_261 = arith.constant 1 : i32
      %sub3A_262 = arith.subi %div3A_241, %sub3A_261 : i32
      %select_n3A_263 = arith.select %and3A_260, %sub3A_262, %div3A_241 : i32
      %while3A_264 = arith.constant 0 : i32
      %while3A_265 = arith.subi %select_n3A_263, %while3A_264 : i32
      %while3A_266 = arith.addi %while3A_264, %while3A_265 : i32
      %while3A_267 = arith.constant 1 : i32
      %while3A_268 = arith.divsi %while3A_265, %while3A_267 : i32
      %while3A_269 = arith.muli %while3A_268, %while3A_267 : i32
      %while3A_270 = arith.addi %while3A_264, %while3A_269 : i32
      %while3A_271 = arith.constant 1 : i32
      %while3A_272 = scf.for %while3A_281 = %while3A_264 to %while3A_270 step %while3A_271 iter_args(%while3A_282 = %while3A_209) -> (i32)  : i32 {
        %mul3A_283 = arith.constant 16 : i32
        %mul3A_284 = arith.muli %while3A_281, %mul3A_283 : i32
        %add3A_285 = arith.addi %while3A_208, %mul3A_284 : i32
        %get3A_286 = arith.index_cast %add3A_285 : i32 to index
        %get3A_287 = tpu.vector_load %arg6[%get3A_286] {strides = array<i32>} : memref<16384xi32, #tpu.memory_space<vmem>>, vector<16xi32>,
        %mul3A_288 = arith.constant 16 : i32
        %mul3A_289 = arith.muli %while3A_281, %mul3A_288 : i32
        %add3A_290 = vector.broadcast %mul3A_289 : i32 to vector<16xi32>
        %add3A_291 = arith.addi %add3A_290, %iota3A : vector<16xi32>
        %lt3A_292 = vector.broadcast %reduce_max3A_235 : i32 to vector<16xi32>
        %lt3A_293 = arith.cmpi slt, %add3A_291, %lt3A_292 : vector<16xi32>
        %shift_right_logical3A = arith.constant 14 : i32
        %shift_right_logical3A_294 = vector.broadcast %shift_right_logical3A : i32 to vector<16xi32>
        %shift_right_logical3A_295 = arith.shrui %get3A_287, %shift_right_logical3A_294 : vector<16xi32>
        %and3A_296 = arith.constant 127 : i32
        %and3A_297 = vector.broadcast %and3A_296 : i32 to vector<16xi32>
        %and3A_298 = arith.andi %shift_right_logical3A_295, %and3A_297 : vector<16xi32>
        %jit3A_299 = arith.constant 0 : i32
        %broadcast_in_dim3A_300 = vector.broadcast %jit3A_299 : i32 to vector<16xi32>
        %select_n3A_301 = arith.select %lt3A_293, %and3A_298, %broadcast_in_dim3A_300 : vector<16xi1>, vector<16xi32>
        %and3A_302 = arith.constant 16383 : i32
        %and3A_303 = vector.broadcast %and3A_302 : i32 to vector<16xi32>
        %and3A_304 = arith.andi %get3A_287, %and3A_303 : vector<16xi32>
        %broadcast_in_dim3A_305 = vector.broadcast %add3A_7 : i32 to vector<16xi32>
        %select_n3A_306 = arith.select %lt3A_293, %and3A_304, %broadcast_in_dim3A_305 : vector<16xi1>, vector<16xi32>
        %and3A_307 = arith.constant 7 : i32
        %and3A_308 = arith.andi %while3A_282, %and3A_307 : i32
        %ge3A = arith.constant 8 : i32
        %ge3A_309 = arith.cmpi sge, %while3A_282, %ge3A : i32
        %convert_element_type3A_310 = arith.extui %ge3A_309 : i1 to i32
        %cond3A_311 = arith.constant 0 : i32
        %cond3A_312 = arith.cmpi ne, %convert_element_type3A_310, %cond3A_311 : i32
        scf.if %cond3A_312 {
          %dma_wait3A_520 = arith.constant 0 : i32
          %dma_wait3A_521 = arith.constant 0 : i32
          %dma_wait3A_522 = arith.constant 0 : i32
          %dma_wait3A_523 = arith.constant 0 : i32
          %dma_wait3A_524 = tpu.memref_slice %arg11[%dma_wait3A_520, %dma_wait3A_522, %dma_wait3A_523] : memref<8x16x128xf32, #tpu.memory_space<vmem>> -> memref<1x16x128xf32, #tpu.memory_space<vmem>>
          %dma_wait3A_525 = tpu.memref_squeeze %dma_wait3A_524 : memref<1x16x128xf32, #tpu.memory_space<vmem>> -> memref<16x128xf32, #tpu.memory_space<vmem>>
          %dma_wait3A_526 = arith.constant 0 : i32
          %dma_wait3A_527 = tpu.memref_slice %arg12[%dma_wait3A_521, %dma_wait3A_526] : memref<8x16xi32, #tpu.memory_space<vmem>> -> memref<1x16xi32, #tpu.memory_space<vmem>>
          %dma_wait3A_528 = tpu.memref_squeeze %dma_wait3A_527 : memref<1x16xi32, #tpu.memory_space<vmem>> -> memref<16xi32, #tpu.memory_space<vmem>>
          %dma_wait3A_529 = arith.constant 0 : i32
          %dma_wait3A_530 = arith.constant 0 : i32
          %dma_wait3A_531 = tpu.memref_slice %arg5[%dma_wait3A_529, %dma_wait3A_530] : memref<16416x128xf32, #tpu.memory_space<hbm>> -> memref<16416x128xf32, #tpu.memory_space<hbm>>
          %dma_wait3A_532 = tpu.memref_slice %arg14[%and3A_308] : memref<8x!tpu.dma_semaphore, #tpu.memory_space<semaphore_mem>> -> memref<1x!tpu.dma_semaphore, #tpu.memory_space<semaphore_mem>>
          %dma_wait3A_533 = tpu.memref_squeeze %dma_wait3A_532 : memref<1x!tpu.dma_semaphore, #tpu.memory_space<semaphore_mem>> -> memref<!tpu.dma_semaphore, #tpu.memory_space<semaphore_mem>>
          tpu.wait_indirect_dma semaphore(%dma_wait3A_533 : memref<!tpu.dma_semaphore, #tpu.memory_space<semaphore_mem>>) src(%dma_wait3A_525 : memref<16x128xf32, #tpu.memory_space<vmem>>) dst(%dma_wait3A_531 : memref<16416x128xf32, #tpu.memory_space<hbm>>)
        } else {
        }
        %broadcast_in_dim3A_313 = vector.broadcast %rem3A_211 : i32 to vector<16xi32>
        %broadcast_in_dim3A_314 = vector.broadcast %and3A_308 : i32 to vector<16xi32>
        %broadcast_in_dim3A_315 = arith.constant 0 : i32
        %broadcast_in_dim3A_316 = vector.broadcast %broadcast_in_dim3A_315 : i32 to vector<16xi32>
        %gather3A_317 = tpu.vector_load_idx %arg10[%broadcast_in_dim3A_313, %broadcast_in_dim3A_316, %select_n3A_301] : memref<8x64x128xf32, #tpu.memory_space<vmem>>[vector<16xi32>, vector<16xi32>, vector<16xi32>], vector<16xf32>,
        tpu.vector_store_idx %arg11[%broadcast_in_dim3A_314, %iota3A, %broadcast_in_dim3A_316], %gather3A_317 : memref<8x16x128xf32, #tpu.memory_space<vmem>>[vector<16xi32>, vector<16xi32>, vector<16xi32>], vector<16xf32>,
        %broadcast_in_dim3A_318 = arith.constant 1 : i32
        %broadcast_in_dim3A_319 = vector.broadcast %broadcast_in_dim3A_318 : i32 to vector<16xi32>
        %gather3A_320 = tpu.vector_load_idx %arg10[%broadcast_in_dim3A_313, %broadcast_in_dim3A_319, %select_n3A_301] : memref<8x64x128xf32, #tpu.memory_space<vmem>>[vector<16xi32>, vector<16xi32>, vector<16xi32>], vector<16xf32>,
        tpu.vector_store_idx %arg11[%broadcast_in_dim3A_314, %iota3A, %broadcast_in_dim3A_319], %gather3A_320 : memref<8x16x128xf32, #tpu.memory_space<vmem>>[vector<16xi32>, vector<16xi32>, vector<16xi32>], vector<16xf32>,
        %broadcast_in_dim3A_321 = arith.constant 2 : i32
        %broadcast_in_dim3A_322 = vector.broadcast %broadcast_in_dim3A_321 : i32 to vector<16xi32>
        %gather3A_323 = tpu.vector_load_idx %arg10[%broadcast_in_dim3A_313, %broadcast_in_dim3A_322, %select_n3A_301] : memref<8x64x128xf32, #tpu.memory_space<vmem>>[vector<16xi32>, vector<16xi32>, vector<16xi32>], vector<16xf32>,
        tpu.vector_store_idx %arg11[%broadcast_in_dim3A_314, %iota3A, %broadcast_in_dim3A_322], %gather3A_323 : memref<8x16x128xf32, #tpu.memory_space<vmem>>[vector<16xi32>, vector<16xi32>, vector<16xi32>], vector<16xf32>,
        %broadcast_in_dim3A_324 = arith.constant 3 : i32
        %broadcast_in_dim3A_325 = vector.broadcast %broadcast_in_dim3A_324 : i32 to vector<16xi32>
        %gather3A_326 = tpu.vector_load_idx %arg10[%broadcast_in_dim3A_313, %broadcast_in_dim3A_325, %select_n3A_301] : memref<8x64x128xf32, #tpu.memory_space<vmem>>[vector<16xi32>, vector<16xi32>, vector<16xi32>], vector<16xf32>,
        tpu.vector_store_idx %arg11[%broadcast_in_dim3A_314, %iota3A, %broadcast_in_dim3A_325], %gather3A_326 : memref<8x16x128xf32, #tpu.memory_space<vmem>>[vector<16xi32>, vector<16xi32>, vector<16xi32>], vector<16xf32>,
        %broadcast_in_dim3A_327 = arith.constant 4 : i32
        %broadcast_in_dim3A_328 = vector.broadcast %broadcast_in_dim3A_327 : i32 to vector<16xi32>
        %gather3A_329 = tpu.vector_load_idx %arg10[%broadcast_in_dim3A_313, %broadcast_in_dim3A_328, %select_n3A_301] : memref<8x64x128xf32, #tpu.memory_space<vmem>>[vector<16xi32>, vector<16xi32>, vector<16xi32>], vector<16xf32>,
        tpu.vector_store_idx %arg11[%broadcast_in_dim3A_314, %iota3A, %broadcast_in_dim3A_328], %gather3A_329 : memref<8x16x128xf32, #tpu.memory_space<vmem>>[vector<16xi32>, vector<16xi32>, vector<16xi32>], vector<16xf32>,
        %broadcast_in_dim3A_330 = arith.constant 5 : i32
        %broadcast_in_dim3A_331 = vector.broadcast %broadcast_in_dim3A_330 : i32 to vector<16xi32>
        %gather3A_332 = tpu.vector_load_idx %arg10[%broadcast_in_dim3A_313, %broadcast_in_dim3A_331, %select_n3A_301] : memref<8x64x128xf32, #tpu.memory_space<vmem>>[vector<16xi32>, vector<16xi32>, vector<16xi32>], vector<16xf32>,
        tpu.vector_store_idx %arg11[%broadcast_in_dim3A_314, %iota3A, %broadcast_in_dim3A_331], %gather3A_332 : memref<8x16x128xf32, #tpu.memory_space<vmem>>[vector<16xi32>, vector<16xi32>, vector<16xi32>], vector<16xf32>,
        %broadcast_in_dim3A_333 = arith.constant 6 : i32
        %broadcast_in_dim3A_334 = vector.broadcast %broadcast_in_dim3A_333 : i32 to vector<16xi32>
        %gather3A_335 = tpu.vector_load_idx %arg10[%broadcast_in_dim3A_313, %broadcast_in_dim3A_334, %select_n3A_301] : memref<8x64x128xf32, #tpu.memory_space<vmem>>[vector<16xi32>, vector<16xi32>, vector<16xi32>], vector<16xf32>,
        tpu.vector_store_idx %arg11[%broadcast_in_dim3A_314, %iota3A, %broadcast_in_dim3A_334], %gather3A_335 : memref<8x16x128xf32, #tpu.memory_space<vmem>>[vector<16xi32>, vector<16xi32>, vector<16xi32>], vector<16xf32>,
        %broadcast_in_dim3A_336 = arith.constant 7 : i32
        %broadcast_in_dim3A_337 = vector.broadcast %broadcast_in_dim3A_336 : i32 to vector<16xi32>
        %gather3A_338 = tpu.vector_load_idx %arg10[%broadcast_in_dim3A_313, %broadcast_in_dim3A_337, %select_n3A_301] : memref<8x64x128xf32, #tpu.memory_space<vmem>>[vector<16xi32>, vector<16xi32>, vector<16xi32>], vector<16xf32>,
        tpu.vector_store_idx %arg11[%broadcast_in_dim3A_314, %iota3A, %broadcast_in_dim3A_337], %gather3A_338 : memref<8x16x128xf32, #tpu.memory_space<vmem>>[vector<16xi32>, vector<16xi32>, vector<16xi32>], vector<16xf32>,
        %broadcast_in_dim3A_339 = arith.constant 8 : i32
        %broadcast_in_dim3A_340 = vector.broadcast %broadcast_in_dim3A_339 : i32 to vector<16xi32>
        %gather3A_341 = tpu.vector_load_idx %arg10[%broadcast_in_dim3A_313, %broadcast_in_dim3A_340, %select_n3A_301] : memref<8x64x128xf32, #tpu.memory_space<vmem>>[vector<16xi32>, vector<16xi32>, vector<16xi32>], vector<16xf32>,
        tpu.vector_store_idx %arg11[%broadcast_in_dim3A_314, %iota3A, %broadcast_in_dim3A_340], %gather3A_341 : memref<8x16x128xf32, #tpu.memory_space<vmem>>[vector<16xi32>, vector<16xi32>, vector<16xi32>], vector<16xf32>,
        %broadcast_in_dim3A_342 = arith.constant 9 : i32
        %broadcast_in_dim3A_343 = vector.broadcast %broadcast_in_dim3A_342 : i32 to vector<16xi32>
        %gather3A_344 = tpu.vector_load_idx %arg10[%broadcast_in_dim3A_313, %broadcast_in_dim3A_343, %select_n3A_301] : memref<8x64x128xf32, #tpu.memory_space<vmem>>[vector<16xi32>, vector<16xi32>, vector<16xi32>], vector<16xf32>,
        tpu.vector_store_idx %arg11[%broadcast_in_dim3A_314, %iota3A, %broadcast_in_dim3A_343], %gather3A_344 : memref<8x16x128xf32, #tpu.memory_space<vmem>>[vector<16xi32>, vector<16xi32>, vector<16xi32>], vector<16xf32>,
        %broadcast_in_dim3A_345 = arith.constant 10 : i32
        %broadcast_in_dim3A_346 = vector.broadcast %broadcast_in_dim3A_345 : i32 to vector<16xi32>
        %gather3A_347 = tpu.vector_load_idx %arg10[%broadcast_in_dim3A_313, %broadcast_in_dim3A_346, %select_n3A_301] : memref<8x64x128xf32, #tpu.memory_space<vmem>>[vector<16xi32>, vector<16xi32>, vector<16xi32>], vector<16xf32>,
        tpu.vector_store_idx %arg11[%broadcast_in_dim3A_314, %iota3A, %broadcast_in_dim3A_346], %gather3A_347 : memref<8x16x128xf32, #tpu.memory_space<vmem>>[vector<16xi32>, vector<16xi32>, vector<16xi32>], vector<16xf32>,
        %broadcast_in_dim3A_348 = arith.constant 11 : i32
        %broadcast_in_dim3A_349 = vector.broadcast %broadcast_in_dim3A_348 : i32 to vector<16xi32>
        %gather3A_350 = tpu.vector_load_idx %arg10[%broadcast_in_dim3A_313, %broadcast_in_dim3A_349, %select_n3A_301] : memref<8x64x128xf32, #tpu.memory_space<vmem>>[vector<16xi32>, vector<16xi32>, vector<16xi32>], vector<16xf32>,
        tpu.vector_store_idx %arg11[%broadcast_in_dim3A_314, %iota3A, %broadcast_in_dim3A_349], %gather3A_350 : memref<8x16x128xf32, #tpu.memory_space<vmem>>[vector<16xi32>, vector<16xi32>, vector<16xi32>], vector<16xf32>,
        %broadcast_in_dim3A_351 = arith.constant 12 : i32
        %broadcast_in_dim3A_352 = vector.broadcast %broadcast_in_dim3A_351 : i32 to vector<16xi32>
        %gather3A_353 = tpu.vector_load_idx %arg10[%broadcast_in_dim3A_313, %broadcast_in_dim3A_352, %select_n3A_301] : memref<8x64x128xf32, #tpu.memory_space<vmem>>[vector<16xi32>, vector<16xi32>, vector<16xi32>], vector<16xf32>,
        tpu.vector_store_idx %arg11[%broadcast_in_dim3A_314, %iota3A, %broadcast_in_dim3A_352], %gather3A_353 : memref<8x16x128xf32, #tpu.memory_space<vmem>>[vector<16xi32>, vector<16xi32>, vector<16xi32>], vector<16xf32>,
        %broadcast_in_dim3A_354 = arith.constant 13 : i32
        %broadcast_in_dim3A_355 = vector.broadcast %broadcast_in_dim3A_354 : i32 to vector<16xi32>
        %gather3A_356 = tpu.vector_load_idx %arg10[%broadcast_in_dim3A_313, %broadcast_in_dim3A_355, %select_n3A_301] : memref<8x64x128xf32, #tpu.memory_space<vmem>>[vector<16xi32>, vector<16xi32>, vector<16xi32>], vector<16xf32>,
        tpu.vector_store_idx %arg11[%broadcast_in_dim3A_314, %iota3A, %broadcast_in_dim3A_355], %gather3A_356 : memref<8x16x128xf32, #tpu.memory_space<vmem>>[vector<16xi32>, vector<16xi32>, vector<16xi32>], vector<16xf32>,
        %broadcast_in_dim3A_357 = arith.constant 14 : i32
        %broadcast_in_dim3A_358 = vector.broadcast %broadcast_in_dim3A_357 : i32 to vector<16xi32>
        %gather3A_359 = tpu.vector_load_idx %arg10[%broadcast_in_dim3A_313, %broadcast_in_dim3A_358, %select_n3A_301] : memref<8x64x128xf32, #tpu.memory_space<vmem>>[vector<16xi32>, vector<16xi32>, vector<16xi32>], vector<16xf32>,
        tpu.vector_store_idx %arg11[%broadcast_in_dim3A_314, %iota3A, %broadcast_in_dim3A_358], %gather3A_359 : memref<8x16x128xf32, #tpu.memory_space<vmem>>[vector<16xi32>, vector<16xi32>, vector<16xi32>], vector<16xf32>,
        %broadcast_in_dim3A_360 = arith.constant 15 : i32
        %broadcast_in_dim3A_361 = vector.broadcast %broadcast_in_dim3A_360 : i32 to vector<16xi32>
        %gather3A_362 = tpu.vector_load_idx %arg10[%broadcast_in_dim3A_313, %broadcast_in_dim3A_361, %select_n3A_301] : memref<8x64x128xf32, #tpu.memory_space<vmem>>[vector<16xi32>, vector<16xi32>, vector<16xi32>], vector<16xf32>,
        tpu.vector_store_idx %arg11[%broadcast_in_dim3A_314, %iota3A, %broadcast_in_dim3A_361], %gather3A_362 : memref<8x16x128xf32, #tpu.memory_space<vmem>>[vector<16xi32>, vector<16xi32>, vector<16xi32>], vector<16xf32>,
        %broadcast_in_dim3A_363 = arith.constant 16 : i32
        %broadcast_in_dim3A_364 = vector.broadcast %broadcast_in_dim3A_363 : i32 to vector<16xi32>
        %gather3A_365 = tpu.vector_load_idx %arg10[%broadcast_in_dim3A_313, %broadcast_in_dim3A_364, %select_n3A_301] : memref<8x64x128xf32, #tpu.memory_space<vmem>>[vector<16xi32>, vector<16xi32>, vector<16xi32>], vector<16xf32>,
        tpu.vector_store_idx %arg11[%broadcast_in_dim3A_314, %iota3A, %broadcast_in_dim3A_364], %gather3A_365 : memref<8x16x128xf32, #tpu.memory_space<vmem>>[vector<16xi32>, vector<16xi32>, vector<16xi32>], vector<16xf32>,
        %broadcast_in_dim3A_366 = arith.constant 17 : i32
        %broadcast_in_dim3A_367 = vector.broadcast %broadcast_in_dim3A_366 : i32 to vector<16xi32>
        %gather3A_368 = tpu.vector_load_idx %arg10[%broadcast_in_dim3A_313, %broadcast_in_dim3A_367, %select_n3A_301] : memref<8x64x128xf32, #tpu.memory_space<vmem>>[vector<16xi32>, vector<16xi32>, vector<16xi32>], vector<16xf32>,
        tpu.vector_store_idx %arg11[%broadcast_in_dim3A_314, %iota3A, %broadcast_in_dim3A_367], %gather3A_368 : memref<8x16x128xf32, #tpu.memory_space<vmem>>[vector<16xi32>, vector<16xi32>, vector<16xi32>], vector<16xf32>,
        %broadcast_in_dim3A_369 = arith.constant 18 : i32
        %broadcast_in_dim3A_370 = vector.broadcast %broadcast_in_dim3A_369 : i32 to vector<16xi32>
        %gather3A_371 = tpu.vector_load_idx %arg10[%broadcast_in_dim3A_313, %broadcast_in_dim3A_370, %select_n3A_301] : memref<8x64x128xf32, #tpu.memory_space<vmem>>[vector<16xi32>, vector<16xi32>, vector<16xi32>], vector<16xf32>,
        tpu.vector_store_idx %arg11[%broadcast_in_dim3A_314, %iota3A, %broadcast_in_dim3A_370], %gather3A_371 : memref<8x16x128xf32, #tpu.memory_space<vmem>>[vector<16xi32>, vector<16xi32>, vector<16xi32>], vector<16xf32>,
        %broadcast_in_dim3A_372 = arith.constant 19 : i32
        %broadcast_in_dim3A_373 = vector.broadcast %broadcast_in_dim3A_372 : i32 to vector<16xi32>
        %gather3A_374 = tpu.vector_load_idx %arg10[%broadcast_in_dim3A_313, %broadcast_in_dim3A_373, %select_n3A_301] : memref<8x64x128xf32, #tpu.memory_space<vmem>>[vector<16xi32>, vector<16xi32>, vector<16xi32>], vector<16xf32>,
        tpu.vector_store_idx %arg11[%broadcast_in_dim3A_314, %iota3A, %broadcast_in_dim3A_373], %gather3A_374 : memref<8x16x128xf32, #tpu.memory_space<vmem>>[vector<16xi32>, vector<16xi32>, vector<16xi32>], vector<16xf32>,
        %broadcast_in_dim3A_375 = arith.constant 20 : i32
        %broadcast_in_dim3A_376 = vector.broadcast %broadcast_in_dim3A_375 : i32 to vector<16xi32>
        %gather3A_377 = tpu.vector_load_idx %arg10[%broadcast_in_dim3A_313, %broadcast_in_dim3A_376, %select_n3A_301] : memref<8x64x128xf32, #tpu.memory_space<vmem>>[vector<16xi32>, vector<16xi32>, vector<16xi32>], vector<16xf32>,
        tpu.vector_store_idx %arg11[%broadcast_in_dim3A_314, %iota3A, %broadcast_in_dim3A_376], %gather3A_377 : memref<8x16x128xf32, #tpu.memory_space<vmem>>[vector<16xi32>, vector<16xi32>, vector<16xi32>], vector<16xf32>,
        %broadcast_in_dim3A_378 = arith.constant 21 : i32
        %broadcast_in_dim3A_379 = vector.broadcast %broadcast_in_dim3A_378 : i32 to vector<16xi32>
        %gather3A_380 = tpu.vector_load_idx %arg10[%broadcast_in_dim3A_313, %broadcast_in_dim3A_379, %select_n3A_301] : memref<8x64x128xf32, #tpu.memory_space<vmem>>[vector<16xi32>, vector<16xi32>, vector<16xi32>], vector<16xf32>,
        tpu.vector_store_idx %arg11[%broadcast_in_dim3A_314, %iota3A, %broadcast_in_dim3A_379], %gather3A_380 : memref<8x16x128xf32, #tpu.memory_space<vmem>>[vector<16xi32>, vector<16xi32>, vector<16xi32>], vector<16xf32>,
        %broadcast_in_dim3A_381 = arith.constant 22 : i32
        %broadcast_in_dim3A_382 = vector.broadcast %broadcast_in_dim3A_381 : i32 to vector<16xi32>
        %gather3A_383 = tpu.vector_load_idx %arg10[%broadcast_in_dim3A_313, %broadcast_in_dim3A_382, %select_n3A_301] : memref<8x64x128xf32, #tpu.memory_space<vmem>>[vector<16xi32>, vector<16xi32>, vector<16xi32>], vector<16xf32>,
        tpu.vector_store_idx %arg11[%broadcast_in_dim3A_314, %iota3A, %broadcast_in_dim3A_382], %gather3A_383 : memref<8x16x128xf32, #tpu.memory_space<vmem>>[vector<16xi32>, vector<16xi32>, vector<16xi32>], vector<16xf32>,
        %broadcast_in_dim3A_384 = arith.constant 23 : i32
        %broadcast_in_dim3A_385 = vector.broadcast %broadcast_in_dim3A_384 : i32 to vector<16xi32>
        %gather3A_386 = tpu.vector_load_idx %arg10[%broadcast_in_dim3A_313, %broadcast_in_dim3A_385, %select_n3A_301] : memref<8x64x128xf32, #tpu.memory_space<vmem>>[vector<16xi32>, vector<16xi32>, vector<16xi32>], vector<16xf32>,
        tpu.vector_store_idx %arg11[%broadcast_in_dim3A_314, %iota3A, %broadcast_in_dim3A_385], %gather3A_386 : memref<8x16x128xf32, #tpu.memory_space<vmem>>[vector<16xi32>, vector<16xi32>, vector<16xi32>], vector<16xf32>,
        %broadcast_in_dim3A_387 = arith.constant 24 : i32
        %broadcast_in_dim3A_388 = vector.broadcast %broadcast_in_dim3A_387 : i32 to vector<16xi32>
        %gather3A_389 = tpu.vector_load_idx %arg10[%broadcast_in_dim3A_313, %broadcast_in_dim3A_388, %select_n3A_301] : memref<8x64x128xf32, #tpu.memory_space<vmem>>[vector<16xi32>, vector<16xi32>, vector<16xi32>], vector<16xf32>,
        tpu.vector_store_idx %arg11[%broadcast_in_dim3A_314, %iota3A, %broadcast_in_dim3A_388], %gather3A_389 : memref<8x16x128xf32, #tpu.memory_space<vmem>>[vector<16xi32>, vector<16xi32>, vector<16xi32>], vector<16xf32>,
        %broadcast_in_dim3A_390 = arith.constant 25 : i32
        %broadcast_in_dim3A_391 = vector.broadcast %broadcast_in_dim3A_390 : i32 to vector<16xi32>
        %gather3A_392 = tpu.vector_load_idx %arg10[%broadcast_in_dim3A_313, %broadcast_in_dim3A_391, %select_n3A_301] : memref<8x64x128xf32, #tpu.memory_space<vmem>>[vector<16xi32>, vector<16xi32>, vector<16xi32>], vector<16xf32>,
        tpu.vector_store_idx %arg11[%broadcast_in_dim3A_314, %iota3A, %broadcast_in_dim3A_391], %gather3A_392 : memref<8x16x128xf32, #tpu.memory_space<vmem>>[vector<16xi32>, vector<16xi32>, vector<16xi32>], vector<16xf32>,
        %broadcast_in_dim3A_393 = arith.constant 26 : i32
        %broadcast_in_dim3A_394 = vector.broadcast %broadcast_in_dim3A_393 : i32 to vector<16xi32>
        %gather3A_395 = tpu.vector_load_idx %arg10[%broadcast_in_dim3A_313, %broadcast_in_dim3A_394, %select_n3A_301] : memref<8x64x128xf32, #tpu.memory_space<vmem>>[vector<16xi32>, vector<16xi32>, vector<16xi32>], vector<16xf32>,
        tpu.vector_store_idx %arg11[%broadcast_in_dim3A_314, %iota3A, %broadcast_in_dim3A_394], %gather3A_395 : memref<8x16x128xf32, #tpu.memory_space<vmem>>[vector<16xi32>, vector<16xi32>, vector<16xi32>], vector<16xf32>,
        %broadcast_in_dim3A_396 = arith.constant 27 : i32
        %broadcast_in_dim3A_397 = vector.broadcast %broadcast_in_dim3A_396 : i32 to vector<16xi32>
        %gather3A_398 = tpu.vector_load_idx %arg10[%broadcast_in_dim3A_313, %broadcast_in_dim3A_397, %select_n3A_301] : memref<8x64x128xf32, #tpu.memory_space<vmem>>[vector<16xi32>, vector<16xi32>, vector<16xi32>], vector<16xf32>,
        tpu.vector_store_idx %arg11[%broadcast_in_dim3A_314, %iota3A, %broadcast_in_dim3A_397], %gather3A_398 : memref<8x16x128xf32, #tpu.memory_space<vmem>>[vector<16xi32>, vector<16xi32>, vector<16xi32>], vector<16xf32>,
        %broadcast_in_dim3A_399 = arith.constant 28 : i32
        %broadcast_in_dim3A_400 = vector.broadcast %broadcast_in_dim3A_399 : i32 to vector<16xi32>
        %gather3A_401 = tpu.vector_load_idx %arg10[%broadcast_in_dim3A_313, %broadcast_in_dim3A_400, %select_n3A_301] : memref<8x64x128xf32, #tpu.memory_space<vmem>>[vector<16xi32>, vector<16xi32>, vector<16xi32>], vector<16xf32>,
        tpu.vector_store_idx %arg11[%broadcast_in_dim3A_314, %iota3A, %broadcast_in_dim3A_400], %gather3A_401 : memref<8x16x128xf32, #tpu.memory_space<vmem>>[vector<16xi32>, vector<16xi32>, vector<16xi32>], vector<16xf32>,
        %broadcast_in_dim3A_402 = arith.constant 29 : i32
        %broadcast_in_dim3A_403 = vector.broadcast %broadcast_in_dim3A_402 : i32 to vector<16xi32>
        %gather3A_404 = tpu.vector_load_idx %arg10[%broadcast_in_dim3A_313, %broadcast_in_dim3A_403, %select_n3A_301] : memref<8x64x128xf32, #tpu.memory_space<vmem>>[vector<16xi32>, vector<16xi32>, vector<16xi32>], vector<16xf32>,
        tpu.vector_store_idx %arg11[%broadcast_in_dim3A_314, %iota3A, %broadcast_in_dim3A_403], %gather3A_404 : memref<8x16x128xf32, #tpu.memory_space<vmem>>[vector<16xi32>, vector<16xi32>, vector<16xi32>], vector<16xf32>,
        %broadcast_in_dim3A_405 = arith.constant 30 : i32
        %broadcast_in_dim3A_406 = vector.broadcast %broadcast_in_dim3A_405 : i32 to vector<16xi32>
        %gather3A_407 = tpu.vector_load_idx %arg10[%broadcast_in_dim3A_313, %broadcast_in_dim3A_406, %select_n3A_301] : memref<8x64x128xf32, #tpu.memory_space<vmem>>[vector<16xi32>, vector<16xi32>, vector<16xi32>], vector<16xf32>,
        tpu.vector_store_idx %arg11[%broadcast_in_dim3A_314, %iota3A, %broadcast_in_dim3A_406], %gather3A_407 : memref<8x16x128xf32, #tpu.memory_space<vmem>>[vector<16xi32>, vector<16xi32>, vector<16xi32>], vector<16xf32>,
        %broadcast_in_dim3A_408 = arith.constant 31 : i32
        %broadcast_in_dim3A_409 = vector.broadcast %broadcast_in_dim3A_408 : i32 to vector<16xi32>
        %gather3A_410 = tpu.vector_load_idx %arg10[%broadcast_in_dim3A_313, %broadcast_in_dim3A_409, %select_n3A_301] : memref<8x64x128xf32, #tpu.memory_space<vmem>>[vector<16xi32>, vector<16xi32>, vector<16xi32>], vector<16xf32>,
        tpu.vector_store_idx %arg11[%broadcast_in_dim3A_314, %iota3A, %broadcast_in_dim3A_409], %gather3A_410 : memref<8x16x128xf32, #tpu.memory_space<vmem>>[vector<16xi32>, vector<16xi32>, vector<16xi32>], vector<16xf32>,
        %broadcast_in_dim3A_411 = arith.constant 32 : i32
        %broadcast_in_dim3A_412 = vector.broadcast %broadcast_in_dim3A_411 : i32 to vector<16xi32>
        %gather3A_413 = tpu.vector_load_idx %arg10[%broadcast_in_dim3A_313, %broadcast_in_dim3A_412, %select_n3A_301] : memref<8x64x128xf32, #tpu.memory_space<vmem>>[vector<16xi32>, vector<16xi32>, vector<16xi32>], vector<16xf32>,
        tpu.vector_store_idx %arg11[%broadcast_in_dim3A_314, %iota3A, %broadcast_in_dim3A_412], %gather3A_413 : memref<8x16x128xf32, #tpu.memory_space<vmem>>[vector<16xi32>, vector<16xi32>, vector<16xi32>], vector<16xf32>,
        %broadcast_in_dim3A_414 = arith.constant 33 : i32
        %broadcast_in_dim3A_415 = vector.broadcast %broadcast_in_dim3A_414 : i32 to vector<16xi32>
        %gather3A_416 = tpu.vector_load_idx %arg10[%broadcast_in_dim3A_313, %broadcast_in_dim3A_415, %select_n3A_301] : memref<8x64x128xf32, #tpu.memory_space<vmem>>[vector<16xi32>, vector<16xi32>, vector<16xi32>], vector<16xf32>,
        tpu.vector_store_idx %arg11[%broadcast_in_dim3A_314, %iota3A, %broadcast_in_dim3A_415], %gather3A_416 : memref<8x16x128xf32, #tpu.memory_space<vmem>>[vector<16xi32>, vector<16xi32>, vector<16xi32>], vector<16xf32>,
        %broadcast_in_dim3A_417 = arith.constant 34 : i32
        %broadcast_in_dim3A_418 = vector.broadcast %broadcast_in_dim3A_417 : i32 to vector<16xi32>
        %gather3A_419 = tpu.vector_load_idx %arg10[%broadcast_in_dim3A_313, %broadcast_in_dim3A_418, %select_n3A_301] : memref<8x64x128xf32, #tpu.memory_space<vmem>>[vector<16xi32>, vector<16xi32>, vector<16xi32>], vector<16xf32>,
        tpu.vector_store_idx %arg11[%broadcast_in_dim3A_314, %iota3A, %broadcast_in_dim3A_418], %gather3A_419 : memref<8x16x128xf32, #tpu.memory_space<vmem>>[vector<16xi32>, vector<16xi32>, vector<16xi32>], vector<16xf32>,
        %broadcast_in_dim3A_420 = arith.constant 35 : i32
        %broadcast_in_dim3A_421 = vector.broadcast %broadcast_in_dim3A_420 : i32 to vector<16xi32>
        %gather3A_422 = tpu.vector_load_idx %arg10[%broadcast_in_dim3A_313, %broadcast_in_dim3A_421, %select_n3A_301] : memref<8x64x128xf32, #tpu.memory_space<vmem>>[vector<16xi32>, vector<16xi32>, vector<16xi32>], vector<16xf32>,
        tpu.vector_store_idx %arg11[%broadcast_in_dim3A_314, %iota3A, %broadcast_in_dim3A_421], %gather3A_422 : memref<8x16x128xf32, #tpu.memory_space<vmem>>[vector<16xi32>, vector<16xi32>, vector<16xi32>], vector<16xf32>,
        %broadcast_in_dim3A_423 = arith.constant 36 : i32
        %broadcast_in_dim3A_424 = vector.broadcast %broadcast_in_dim3A_423 : i32 to vector<16xi32>
        %gather3A_425 = tpu.vector_load_idx %arg10[%broadcast_in_dim3A_313, %broadcast_in_dim3A_424, %select_n3A_301] : memref<8x64x128xf32, #tpu.memory_space<vmem>>[vector<16xi32>, vector<16xi32>, vector<16xi32>], vector<16xf32>,
        tpu.vector_store_idx %arg11[%broadcast_in_dim3A_314, %iota3A, %broadcast_in_dim3A_424], %gather3A_425 : memref<8x16x128xf32, #tpu.memory_space<vmem>>[vector<16xi32>, vector<16xi32>, vector<16xi32>], vector<16xf32>,
        %broadcast_in_dim3A_426 = arith.constant 37 : i32
        %broadcast_in_dim3A_427 = vector.broadcast %broadcast_in_dim3A_426 : i32 to vector<16xi32>
        %gather3A_428 = tpu.vector_load_idx %arg10[%broadcast_in_dim3A_313, %broadcast_in_dim3A_427, %select_n3A_301] : memref<8x64x128xf32, #tpu.memory_space<vmem>>[vector<16xi32>, vector<16xi32>, vector<16xi32>], vector<16xf32>,
        tpu.vector_store_idx %arg11[%broadcast_in_dim3A_314, %iota3A, %broadcast_in_dim3A_427], %gather3A_428 : memref<8x16x128xf32, #tpu.memory_space<vmem>>[vector<16xi32>, vector<16xi32>, vector<16xi32>], vector<16xf32>,
        %broadcast_in_dim3A_429 = arith.constant 38 : i32
        %broadcast_in_dim3A_430 = vector.broadcast %broadcast_in_dim3A_429 : i32 to vector<16xi32>
        %gather3A_431 = tpu.vector_load_idx %arg10[%broadcast_in_dim3A_313, %broadcast_in_dim3A_430, %select_n3A_301] : memref<8x64x128xf32, #tpu.memory_space<vmem>>[vector<16xi32>, vector<16xi32>, vector<16xi32>], vector<16xf32>,
        tpu.vector_store_idx %arg11[%broadcast_in_dim3A_314, %iota3A, %broadcast_in_dim3A_430], %gather3A_431 : memref<8x16x128xf32, #tpu.memory_space<vmem>>[vector<16xi32>, vector<16xi32>, vector<16xi32>], vector<16xf32>,
        %broadcast_in_dim3A_432 = arith.constant 39 : i32
        %broadcast_in_dim3A_433 = vector.broadcast %broadcast_in_dim3A_432 : i32 to vector<16xi32>
        %gather3A_434 = tpu.vector_load_idx %arg10[%broadcast_in_dim3A_313, %broadcast_in_dim3A_433, %select_n3A_301] : memref<8x64x128xf32, #tpu.memory_space<vmem>>[vector<16xi32>, vector<16xi32>, vector<16xi32>], vector<16xf32>,
        tpu.vector_store_idx %arg11[%broadcast_in_dim3A_314, %iota3A, %broadcast_in_dim3A_433], %gather3A_434 : memref<8x16x128xf32, #tpu.memory_space<vmem>>[vector<16xi32>, vector<16xi32>, vector<16xi32>], vector<16xf32>,
        %broadcast_in_dim3A_435 = arith.constant 40 : i32
        %broadcast_in_dim3A_436 = vector.broadcast %broadcast_in_dim3A_435 : i32 to vector<16xi32>
        %gather3A_437 = tpu.vector_load_idx %arg10[%broadcast_in_dim3A_313, %broadcast_in_dim3A_436, %select_n3A_301] : memref<8x64x128xf32, #tpu.memory_space<vmem>>[vector<16xi32>, vector<16xi32>, vector<16xi32>], vector<16xf32>,
        tpu.vector_store_idx %arg11[%broadcast_in_dim3A_314, %iota3A, %broadcast_in_dim3A_436], %gather3A_437 : memref<8x16x128xf32, #tpu.memory_space<vmem>>[vector<16xi32>, vector<16xi32>, vector<16xi32>], vector<16xf32>,
        %broadcast_in_dim3A_438 = arith.constant 41 : i32
        %broadcast_in_dim3A_439 = vector.broadcast %broadcast_in_dim3A_438 : i32 to vector<16xi32>
        %gather3A_440 = tpu.vector_load_idx %arg10[%broadcast_in_dim3A_313, %broadcast_in_dim3A_439, %select_n3A_301] : memref<8x64x128xf32, #tpu.memory_space<vmem>>[vector<16xi32>, vector<16xi32>, vector<16xi32>], vector<16xf32>,
        tpu.vector_store_idx %arg11[%broadcast_in_dim3A_314, %iota3A, %broadcast_in_dim3A_439], %gather3A_440 : memref<8x16x128xf32, #tpu.memory_space<vmem>>[vector<16xi32>, vector<16xi32>, vector<16xi32>], vector<16xf32>,
        %broadcast_in_dim3A_441 = arith.constant 42 : i32
        %broadcast_in_dim3A_442 = vector.broadcast %broadcast_in_dim3A_441 : i32 to vector<16xi32>
        %gather3A_443 = tpu.vector_load_idx %arg10[%broadcast_in_dim3A_313, %broadcast_in_dim3A_442, %select_n3A_301] : memref<8x64x128xf32, #tpu.memory_space<vmem>>[vector<16xi32>, vector<16xi32>, vector<16xi32>], vector<16xf32>,
        tpu.vector_store_idx %arg11[%broadcast_in_dim3A_314, %iota3A, %broadcast_in_dim3A_442], %gather3A_443 : memref<8x16x128xf32, #tpu.memory_space<vmem>>[vector<16xi32>, vector<16xi32>, vector<16xi32>], vector<16xf32>,
        %broadcast_in_dim3A_444 = arith.constant 43 : i32
        %broadcast_in_dim3A_445 = vector.broadcast %broadcast_in_dim3A_444 : i32 to vector<16xi32>
        %gather3A_446 = tpu.vector_load_idx %arg10[%broadcast_in_dim3A_313, %broadcast_in_dim3A_445, %select_n3A_301] : memref<8x64x128xf32, #tpu.memory_space<vmem>>[vector<16xi32>, vector<16xi32>, vector<16xi32>], vector<16xf32>,
        tpu.vector_store_idx %arg11[%broadcast_in_dim3A_314, %iota3A, %broadcast_in_dim3A_445], %gather3A_446 : memref<8x16x128xf32, #tpu.memory_space<vmem>>[vector<16xi32>, vector<16xi32>, vector<16xi32>], vector<16xf32>,
        %broadcast_in_dim3A_447 = arith.constant 44 : i32
        %broadcast_in_dim3A_448 = vector.broadcast %broadcast_in_dim3A_447 : i32 to vector<16xi32>
        %gather3A_449 = tpu.vector_load_idx %arg10[%broadcast_in_dim3A_313, %broadcast_in_dim3A_448, %select_n3A_301] : memref<8x64x128xf32, #tpu.memory_space<vmem>>[vector<16xi32>, vector<16xi32>, vector<16xi32>], vector<16xf32>,
        tpu.vector_store_idx %arg11[%broadcast_in_dim3A_314, %iota3A, %broadcast_in_dim3A_448], %gather3A_449 : memref<8x16x128xf32, #tpu.memory_space<vmem>>[vector<16xi32>, vector<16xi32>, vector<16xi32>], vector<16xf32>,
        %broadcast_in_dim3A_450 = arith.constant 45 : i32
        %broadcast_in_dim3A_451 = vector.broadcast %broadcast_in_dim3A_450 : i32 to vector<16xi32>
        %gather3A_452 = tpu.vector_load_idx %arg10[%broadcast_in_dim3A_313, %broadcast_in_dim3A_451, %select_n3A_301] : memref<8x64x128xf32, #tpu.memory_space<vmem>>[vector<16xi32>, vector<16xi32>, vector<16xi32>], vector<16xf32>,
        tpu.vector_store_idx %arg11[%broadcast_in_dim3A_314, %iota3A, %broadcast_in_dim3A_451], %gather3A_452 : memref<8x16x128xf32, #tpu.memory_space<vmem>>[vector<16xi32>, vector<16xi32>, vector<16xi32>], vector<16xf32>,
        %broadcast_in_dim3A_453 = arith.constant 46 : i32
        %broadcast_in_dim3A_454 = vector.broadcast %broadcast_in_dim3A_453 : i32 to vector<16xi32>
        %gather3A_455 = tpu.vector_load_idx %arg10[%broadcast_in_dim3A_313, %broadcast_in_dim3A_454, %select_n3A_301] : memref<8x64x128xf32, #tpu.memory_space<vmem>>[vector<16xi32>, vector<16xi32>, vector<16xi32>], vector<16xf32>,
        tpu.vector_store_idx %arg11[%broadcast_in_dim3A_314, %iota3A, %broadcast_in_dim3A_454], %gather3A_455 : memref<8x16x128xf32, #tpu.memory_space<vmem>>[vector<16xi32>, vector<16xi32>, vector<16xi32>], vector<16xf32>,
        %broadcast_in_dim3A_456 = arith.constant 47 : i32
        %broadcast_in_dim3A_457 = vector.broadcast %broadcast_in_dim3A_456 : i32 to vector<16xi32>
        %gather3A_458 = tpu.vector_load_idx %arg10[%broadcast_in_dim3A_313, %broadcast_in_dim3A_457, %select_n3A_301] : memref<8x64x128xf32, #tpu.memory_space<vmem>>[vector<16xi32>, vector<16xi32>, vector<16xi32>], vector<16xf32>,
        tpu.vector_store_idx %arg11[%broadcast_in_dim3A_314, %iota3A, %broadcast_in_dim3A_457], %gather3A_458 : memref<8x16x128xf32, #tpu.memory_space<vmem>>[vector<16xi32>, vector<16xi32>, vector<16xi32>], vector<16xf32>,
        %broadcast_in_dim3A_459 = arith.constant 48 : i32
        %broadcast_in_dim3A_460 = vector.broadcast %broadcast_in_dim3A_459 : i32 to vector<16xi32>
        %gather3A_461 = tpu.vector_load_idx %arg10[%broadcast_in_dim3A_313, %broadcast_in_dim3A_460, %select_n3A_301] : memref<8x64x128xf32, #tpu.memory_space<vmem>>[vector<16xi32>, vector<16xi32>, vector<16xi32>], vector<16xf32>,
        tpu.vector_store_idx %arg11[%broadcast_in_dim3A_314, %iota3A, %broadcast_in_dim3A_460], %gather3A_461 : memref<8x16x128xf32, #tpu.memory_space<vmem>>[vector<16xi32>, vector<16xi32>, vector<16xi32>], vector<16xf32>,
        %broadcast_in_dim3A_462 = arith.constant 49 : i32
        %broadcast_in_dim3A_463 = vector.broadcast %broadcast_in_dim3A_462 : i32 to vector<16xi32>
        %gather3A_464 = tpu.vector_load_idx %arg10[%broadcast_in_dim3A_313, %broadcast_in_dim3A_463, %select_n3A_301] : memref<8x64x128xf32, #tpu.memory_space<vmem>>[vector<16xi32>, vector<16xi32>, vector<16xi32>], vector<16xf32>,
        tpu.vector_store_idx %arg11[%broadcast_in_dim3A_314, %iota3A, %broadcast_in_dim3A_463], %gather3A_464 : memref<8x16x128xf32, #tpu.memory_space<vmem>>[vector<16xi32>, vector<16xi32>, vector<16xi32>], vector<16xf32>,
        %broadcast_in_dim3A_465 = arith.constant 50 : i32
        %broadcast_in_dim3A_466 = vector.broadcast %broadcast_in_dim3A_465 : i32 to vector<16xi32>
        %gather3A_467 = tpu.vector_load_idx %arg10[%broadcast_in_dim3A_313, %broadcast_in_dim3A_466, %select_n3A_301] : memref<8x64x128xf32, #tpu.memory_space<vmem>>[vector<16xi32>, vector<16xi32>, vector<16xi32>], vector<16xf32>,
        tpu.vector_store_idx %arg11[%broadcast_in_dim3A_314, %iota3A, %broadcast_in_dim3A_466], %gather3A_467 : memref<8x16x128xf32, #tpu.memory_space<vmem>>[vector<16xi32>, vector<16xi32>, vector<16xi32>], vector<16xf32>,
        %broadcast_in_dim3A_468 = arith.constant 51 : i32
        %broadcast_in_dim3A_469 = vector.broadcast %broadcast_in_dim3A_468 : i32 to vector<16xi32>
        %gather3A_470 = tpu.vector_load_idx %arg10[%broadcast_in_dim3A_313, %broadcast_in_dim3A_469, %select_n3A_301] : memref<8x64x128xf32, #tpu.memory_space<vmem>>[vector<16xi32>, vector<16xi32>, vector<16xi32>], vector<16xf32>,
        tpu.vector_store_idx %arg11[%broadcast_in_dim3A_314, %iota3A, %broadcast_in_dim3A_469], %gather3A_470 : memref<8x16x128xf32, #tpu.memory_space<vmem>>[vector<16xi32>, vector<16xi32>, vector<16xi32>], vector<16xf32>,
        %broadcast_in_dim3A_471 = arith.constant 52 : i32
        %broadcast_in_dim3A_472 = vector.broadcast %broadcast_in_dim3A_471 : i32 to vector<16xi32>
        %gather3A_473 = tpu.vector_load_idx %arg10[%broadcast_in_dim3A_313, %broadcast_in_dim3A_472, %select_n3A_301] : memref<8x64x128xf32, #tpu.memory_space<vmem>>[vector<16xi32>, vector<16xi32>, vector<16xi32>], vector<16xf32>,
        tpu.vector_store_idx %arg11[%broadcast_in_dim3A_314, %iota3A, %broadcast_in_dim3A_472], %gather3A_473 : memref<8x16x128xf32, #tpu.memory_space<vmem>>[vector<16xi32>, vector<16xi32>, vector<16xi32>], vector<16xf32>,
        %broadcast_in_dim3A_474 = arith.constant 53 : i32
        %broadcast_in_dim3A_475 = vector.broadcast %broadcast_in_dim3A_474 : i32 to vector<16xi32>
        %gather3A_476 = tpu.vector_load_idx %arg10[%broadcast_in_dim3A_313, %broadcast_in_dim3A_475, %select_n3A_301] : memref<8x64x128xf32, #tpu.memory_space<vmem>>[vector<16xi32>, vector<16xi32>, vector<16xi32>], vector<16xf32>,
        tpu.vector_store_idx %arg11[%broadcast_in_dim3A_314, %iota3A, %broadcast_in_dim3A_475], %gather3A_476 : memref<8x16x128xf32, #tpu.memory_space<vmem>>[vector<16xi32>, vector<16xi32>, vector<16xi32>], vector<16xf32>,
        %broadcast_in_dim3A_477 = arith.constant 54 : i32
        %broadcast_in_dim3A_478 = vector.broadcast %broadcast_in_dim3A_477 : i32 to vector<16xi32>
        %gather3A_479 = tpu.vector_load_idx %arg10[%broadcast_in_dim3A_313, %broadcast_in_dim3A_478, %select_n3A_301] : memref<8x64x128xf32, #tpu.memory_space<vmem>>[vector<16xi32>, vector<16xi32>, vector<16xi32>], vector<16xf32>,
        tpu.vector_store_idx %arg11[%broadcast_in_dim3A_314, %iota3A, %broadcast_in_dim3A_478], %gather3A_479 : memref<8x16x128xf32, #tpu.memory_space<vmem>>[vector<16xi32>, vector<16xi32>, vector<16xi32>], vector<16xf32>,
        %broadcast_in_dim3A_480 = arith.constant 55 : i32
        %broadcast_in_dim3A_481 = vector.broadcast %broadcast_in_dim3A_480 : i32 to vector<16xi32>
        %gather3A_482 = tpu.vector_load_idx %arg10[%broadcast_in_dim3A_313, %broadcast_in_dim3A_481, %select_n3A_301] : memref<8x64x128xf32, #tpu.memory_space<vmem>>[vector<16xi32>, vector<16xi32>, vector<16xi32>], vector<16xf32>,
        tpu.vector_store_idx %arg11[%broadcast_in_dim3A_314, %iota3A, %broadcast_in_dim3A_481], %gather3A_482 : memref<8x16x128xf32, #tpu.memory_space<vmem>>[vector<16xi32>, vector<16xi32>, vector<16xi32>], vector<16xf32>,
        %broadcast_in_dim3A_483 = arith.constant 56 : i32
        %broadcast_in_dim3A_484 = vector.broadcast %broadcast_in_dim3A_483 : i32 to vector<16xi32>
        %gather3A_485 = tpu.vector_load_idx %arg10[%broadcast_in_dim3A_313, %broadcast_in_dim3A_484, %select_n3A_301] : memref<8x64x128xf32, #tpu.memory_space<vmem>>[vector<16xi32>, vector<16xi32>, vector<16xi32>], vector<16xf32>,
        tpu.vector_store_idx %arg11[%broadcast_in_dim3A_314, %iota3A, %broadcast_in_dim3A_484], %gather3A_485 : memref<8x16x128xf32, #tpu.memory_space<vmem>>[vector<16xi32>, vector<16xi32>, vector<16xi32>], vector<16xf32>,
        %broadcast_in_dim3A_486 = arith.constant 57 : i32
        %broadcast_in_dim3A_487 = vector.broadcast %broadcast_in_dim3A_486 : i32 to vector<16xi32>
        %gather3A_488 = tpu.vector_load_idx %arg10[%broadcast_in_dim3A_313, %broadcast_in_dim3A_487, %select_n3A_301] : memref<8x64x128xf32, #tpu.memory_space<vmem>>[vector<16xi32>, vector<16xi32>, vector<16xi32>], vector<16xf32>,
        tpu.vector_store_idx %arg11[%broadcast_in_dim3A_314, %iota3A, %broadcast_in_dim3A_487], %gather3A_488 : memref<8x16x128xf32, #tpu.memory_space<vmem>>[vector<16xi32>, vector<16xi32>, vector<16xi32>], vector<16xf32>,
        %broadcast_in_dim3A_489 = arith.constant 58 : i32
        %broadcast_in_dim3A_490 = vector.broadcast %broadcast_in_dim3A_489 : i32 to vector<16xi32>
        %gather3A_491 = tpu.vector_load_idx %arg10[%broadcast_in_dim3A_313, %broadcast_in_dim3A_490, %select_n3A_301] : memref<8x64x128xf32, #tpu.memory_space<vmem>>[vector<16xi32>, vector<16xi32>, vector<16xi32>], vector<16xf32>,
        tpu.vector_store_idx %arg11[%broadcast_in_dim3A_314, %iota3A, %broadcast_in_dim3A_490], %gather3A_491 : memref<8x16x128xf32, #tpu.memory_space<vmem>>[vector<16xi32>, vector<16xi32>, vector<16xi32>], vector<16xf32>,
        %broadcast_in_dim3A_492 = arith.constant 59 : i32
        %broadcast_in_dim3A_493 = vector.broadcast %broadcast_in_dim3A_492 : i32 to vector<16xi32>
        %gather3A_494 = tpu.vector_load_idx %arg10[%broadcast_in_dim3A_313, %broadcast_in_dim3A_493, %select_n3A_301] : memref<8x64x128xf32, #tpu.memory_space<vmem>>[vector<16xi32>, vector<16xi32>, vector<16xi32>], vector<16xf32>,
        tpu.vector_store_idx %arg11[%broadcast_in_dim3A_314, %iota3A, %broadcast_in_dim3A_493], %gather3A_494 : memref<8x16x128xf32, #tpu.memory_space<vmem>>[vector<16xi32>, vector<16xi32>, vector<16xi32>], vector<16xf32>,
        %broadcast_in_dim3A_495 = arith.constant 60 : i32
        %broadcast_in_dim3A_496 = vector.broadcast %broadcast_in_dim3A_495 : i32 to vector<16xi32>
        %gather3A_497 = tpu.vector_load_idx %arg10[%broadcast_in_dim3A_313, %broadcast_in_dim3A_496, %select_n3A_301] : memref<8x64x128xf32, #tpu.memory_space<vmem>>[vector<16xi32>, vector<16xi32>, vector<16xi32>], vector<16xf32>,
        tpu.vector_store_idx %arg11[%broadcast_in_dim3A_314, %iota3A, %broadcast_in_dim3A_496], %gather3A_497 : memref<8x16x128xf32, #tpu.memory_space<vmem>>[vector<16xi32>, vector<16xi32>, vector<16xi32>], vector<16xf32>,
        %broadcast_in_dim3A_498 = arith.constant 61 : i32
        %broadcast_in_dim3A_499 = vector.broadcast %broadcast_in_dim3A_498 : i32 to vector<16xi32>
        %gather3A_500 = tpu.vector_load_idx %arg10[%broadcast_in_dim3A_313, %broadcast_in_dim3A_499, %select_n3A_301] : memref<8x64x128xf32, #tpu.memory_space<vmem>>[vector<16xi32>, vector<16xi32>, vector<16xi32>], vector<16xf32>,
        tpu.vector_store_idx %arg11[%broadcast_in_dim3A_314, %iota3A, %broadcast_in_dim3A_499], %gather3A_500 : memref<8x16x128xf32, #tpu.memory_space<vmem>>[vector<16xi32>, vector<16xi32>, vector<16xi32>], vector<16xf32>,
        %broadcast_in_dim3A_501 = arith.constant 62 : i32
        %broadcast_in_dim3A_502 = vector.broadcast %broadcast_in_dim3A_501 : i32 to vector<16xi32>
        %gather3A_503 = tpu.vector_load_idx %arg10[%broadcast_in_dim3A_313, %broadcast_in_dim3A_502, %select_n3A_301] : memref<8x64x128xf32, #tpu.memory_space<vmem>>[vector<16xi32>, vector<16xi32>, vector<16xi32>], vector<16xf32>,
        tpu.vector_store_idx %arg11[%broadcast_in_dim3A_314, %iota3A, %broadcast_in_dim3A_502], %gather3A_503 : memref<8x16x128xf32, #tpu.memory_space<vmem>>[vector<16xi32>, vector<16xi32>, vector<16xi32>], vector<16xf32>,
        %broadcast_in_dim3A_504 = arith.constant 63 : i32
        %broadcast_in_dim3A_505 = vector.broadcast %broadcast_in_dim3A_504 : i32 to vector<16xi32>
        %gather3A_506 = tpu.vector_load_idx %arg10[%broadcast_in_dim3A_313, %broadcast_in_dim3A_505, %select_n3A_301] : memref<8x64x128xf32, #tpu.memory_space<vmem>>[vector<16xi32>, vector<16xi32>, vector<16xi32>], vector<16xf32>,
        tpu.vector_store_idx %arg11[%broadcast_in_dim3A_314, %iota3A, %broadcast_in_dim3A_505], %gather3A_506 : memref<8x16x128xf32, #tpu.memory_space<vmem>>[vector<16xi32>, vector<16xi32>, vector<16xi32>], vector<16xf32>,
        tpu.vector_store_idx %arg12[%broadcast_in_dim3A_314, %iota3A], %select_n3A_306 : memref<8x16xi32, #tpu.memory_space<vmem>>[vector<16xi32>, vector<16xi32>], vector<16xi32>,
        %dma_start3A = arith.constant 0 : i32
        %dma_start3A_507 = arith.constant 0 : i32
        %dma_start3A_508 = tpu.memref_slice %arg11[%and3A_308, %dma_start3A, %dma_start3A_507] : memref<8x16x128xf32, #tpu.memory_space<vmem>> -> memref<1x16x128xf32, #tpu.memory_space<vmem>>
        %dma_start3A_509 = tpu.memref_squeeze %dma_start3A_508 : memref<1x16x128xf32, #tpu.memory_space<vmem>> -> memref<16x128xf32, #tpu.memory_space<vmem>>
        %dma_start3A_510 = arith.constant 0 : i32
        %dma_start3A_511 = tpu.memref_slice %arg12[%and3A_308, %dma_start3A_510] : memref<8x16xi32, #tpu.memory_space<vmem>> -> memref<1x16xi32, #tpu.memory_space<vmem>>
        %dma_start3A_512 = tpu.memref_squeeze %dma_start3A_511 : memref<1x16xi32, #tpu.memory_space<vmem>> -> memref<16xi32, #tpu.memory_space<vmem>>
        %dma_start3A_513 = arith.constant 0 : i32
        %dma_start3A_514 = arith.constant 0 : i32
        %dma_start3A_515 = tpu.memref_slice %arg5[%dma_start3A_513, %dma_start3A_514] : memref<16416x128xf32, #tpu.memory_space<hbm>> -> memref<16416x128xf32, #tpu.memory_space<hbm>>
        %dma_start3A_516 = tpu.memref_slice %arg14[%and3A_308] : memref<8x!tpu.dma_semaphore, #tpu.memory_space<semaphore_mem>> -> memref<1x!tpu.dma_semaphore, #tpu.memory_space<semaphore_mem>>
        %dma_start3A_517 = tpu.memref_squeeze %dma_start3A_516 : memref<1x!tpu.dma_semaphore, #tpu.memory_space<semaphore_mem>> -> memref<!tpu.dma_semaphore, #tpu.memory_space<semaphore_mem>>
        tpu.enqueue_indirect_dma source(%dma_start3A_509 : memref<16x128xf32, #tpu.memory_space<vmem>>) target(%dma_start3A_515 : memref<16416x128xf32, #tpu.memory_space<hbm>>) offsets(%dma_start3A_512 : memref<16xi32, #tpu.memory_space<vmem>>) semaphore(%dma_start3A_517 : memref<!tpu.dma_semaphore, #tpu.memory_space<semaphore_mem>>)
        %add3A_518 = arith.constant 1 : i32
        %add3A_519 = arith.addi %while3A_282, %add3A_518 : i32
        scf.yield %add3A_519 : i32
      }
      %while3A_273 = arith.constant 1 : i32
      %while3A_274 = scf.for %while3A_281 = %while3A_270 to %while3A_266 step %while3A_273 iter_args(%while3A_282 = %while3A_272) -> (i32)  : i32 {
        %mul3A_283 = arith.constant 16 : i32
        %mul3A_284 = arith.muli %while3A_281, %mul3A_283 : i32
        %add3A_285 = arith.addi %while3A_208, %mul3A_284 : i32
        %get3A_286 = arith.index_cast %add3A_285 : i32 to index
        %get3A_287 = tpu.vector_load %arg6[%get3A_286] {strides = array<i32>} : memref<16384xi32, #tpu.memory_space<vmem>>, vector<16xi32>,
        %mul3A_288 = arith.constant 16 : i32
        %mul3A_289 = arith.muli %while3A_281, %mul3A_288 : i32
        %add3A_290 = vector.broadcast %mul3A_289 : i32 to vector<16xi32>
        %add3A_291 = arith.addi %add3A_290, %iota3A : vector<16xi32>
        %lt3A_292 = vector.broadcast %reduce_max3A_235 : i32 to vector<16xi32>
        %lt3A_293 = arith.cmpi slt, %add3A_291, %lt3A_292 : vector<16xi32>
        %shift_right_logical3A = arith.constant 14 : i32
        %shift_right_logical3A_294 = vector.broadcast %shift_right_logical3A : i32 to vector<16xi32>
        %shift_right_logical3A_295 = arith.shrui %get3A_287, %shift_right_logical3A_294 : vector<16xi32>
        %and3A_296 = arith.constant 127 : i32
        %and3A_297 = vector.broadcast %and3A_296 : i32 to vector<16xi32>
        %and3A_298 = arith.andi %shift_right_logical3A_295, %and3A_297 : vector<16xi32>
        %jit3A_299 = arith.constant 0 : i32
        %broadcast_in_dim3A_300 = vector.broadcast %jit3A_299 : i32 to vector<16xi32>
        %select_n3A_301 = arith.select %lt3A_293, %and3A_298, %broadcast_in_dim3A_300 : vector<16xi1>, vector<16xi32>
        %and3A_302 = arith.constant 16383 : i32
        %and3A_303 = vector.broadcast %and3A_302 : i32 to vector<16xi32>
        %and3A_304 = arith.andi %get3A_287, %and3A_303 : vector<16xi32>
        %broadcast_in_dim3A_305 = vector.broadcast %add3A_7 : i32 to vector<16xi32>
        %select_n3A_306 = arith.select %lt3A_293, %and3A_304, %broadcast_in_dim3A_305 : vector<16xi1>, vector<16xi32>
        %and3A_307 = arith.constant 7 : i32
        %and3A_308 = arith.andi %while3A_282, %and3A_307 : i32
        %ge3A = arith.constant 8 : i32
        %ge3A_309 = arith.cmpi sge, %while3A_282, %ge3A : i32
        %convert_element_type3A_310 = arith.extui %ge3A_309 : i1 to i32
        %cond3A_311 = arith.constant 0 : i32
        %cond3A_312 = arith.cmpi ne, %convert_element_type3A_310, %cond3A_311 : i32
        scf.if %cond3A_312 {
          %dma_wait3A_520 = arith.constant 0 : i32
          %dma_wait3A_521 = arith.constant 0 : i32
          %dma_wait3A_522 = arith.constant 0 : i32
          %dma_wait3A_523 = arith.constant 0 : i32
          %dma_wait3A_524 = tpu.memref_slice %arg11[%dma_wait3A_520, %dma_wait3A_522, %dma_wait3A_523] : memref<8x16x128xf32, #tpu.memory_space<vmem>> -> memref<1x16x128xf32, #tpu.memory_space<vmem>>
          %dma_wait3A_525 = tpu.memref_squeeze %dma_wait3A_524 : memref<1x16x128xf32, #tpu.memory_space<vmem>> -> memref<16x128xf32, #tpu.memory_space<vmem>>
          %dma_wait3A_526 = arith.constant 0 : i32
          %dma_wait3A_527 = tpu.memref_slice %arg12[%dma_wait3A_521, %dma_wait3A_526] : memref<8x16xi32, #tpu.memory_space<vmem>> -> memref<1x16xi32, #tpu.memory_space<vmem>>
          %dma_wait3A_528 = tpu.memref_squeeze %dma_wait3A_527 : memref<1x16xi32, #tpu.memory_space<vmem>> -> memref<16xi32, #tpu.memory_space<vmem>>
          %dma_wait3A_529 = arith.constant 0 : i32
          %dma_wait3A_530 = arith.constant 0 : i32
          %dma_wait3A_531 = tpu.memref_slice %arg5[%dma_wait3A_529, %dma_wait3A_530] : memref<16416x128xf32, #tpu.memory_space<hbm>> -> memref<16416x128xf32, #tpu.memory_space<hbm>>
          %dma_wait3A_532 = tpu.memref_slice %arg14[%and3A_308] : memref<8x!tpu.dma_semaphore, #tpu.memory_space<semaphore_mem>> -> memref<1x!tpu.dma_semaphore, #tpu.memory_space<semaphore_mem>>
          %dma_wait3A_533 = tpu.memref_squeeze %dma_wait3A_532 : memref<1x!tpu.dma_semaphore, #tpu.memory_space<semaphore_mem>> -> memref<!tpu.dma_semaphore, #tpu.memory_space<semaphore_mem>>
          tpu.wait_indirect_dma semaphore(%dma_wait3A_533 : memref<!tpu.dma_semaphore, #tpu.memory_space<semaphore_mem>>) src(%dma_wait3A_525 : memref<16x128xf32, #tpu.memory_space<vmem>>) dst(%dma_wait3A_531 : memref<16416x128xf32, #tpu.memory_space<hbm>>)
        } else {
        }
        %broadcast_in_dim3A_313 = vector.broadcast %rem3A_211 : i32 to vector<16xi32>
        %broadcast_in_dim3A_314 = vector.broadcast %and3A_308 : i32 to vector<16xi32>
        %broadcast_in_dim3A_315 = arith.constant 0 : i32
        %broadcast_in_dim3A_316 = vector.broadcast %broadcast_in_dim3A_315 : i32 to vector<16xi32>
        %gather3A_317 = tpu.vector_load_idx %arg10[%broadcast_in_dim3A_313, %broadcast_in_dim3A_316, %select_n3A_301] : memref<8x64x128xf32, #tpu.memory_space<vmem>>[vector<16xi32>, vector<16xi32>, vector<16xi32>], vector<16xf32>,
        tpu.vector_store_idx %arg11[%broadcast_in_dim3A_314, %iota3A, %broadcast_in_dim3A_316], %gather3A_317 : memref<8x16x128xf32, #tpu.memory_space<vmem>>[vector<16xi32>, vector<16xi32>, vector<16xi32>], vector<16xf32>,
        %broadcast_in_dim3A_318 = arith.constant 1 : i32
        %broadcast_in_dim3A_319 = vector.broadcast %broadcast_in_dim3A_318 : i32 to vector<16xi32>
        %gather3A_320 = tpu.vector_load_idx %arg10[%broadcast_in_dim3A_313, %broadcast_in_dim3A_319, %select_n3A_301] : memref<8x64x128xf32, #tpu.memory_space<vmem>>[vector<16xi32>, vector<16xi32>, vector<16xi32>], vector<16xf32>,
        tpu.vector_store_idx %arg11[%broadcast_in_dim3A_314, %iota3A, %broadcast_in_dim3A_319], %gather3A_320 : memref<8x16x128xf32, #tpu.memory_space<vmem>>[vector<16xi32>, vector<16xi32>, vector<16xi32>], vector<16xf32>,
        %broadcast_in_dim3A_321 = arith.constant 2 : i32
        %broadcast_in_dim3A_322 = vector.broadcast %broadcast_in_dim3A_321 : i32 to vector<16xi32>
        %gather3A_323 = tpu.vector_load_idx %arg10[%broadcast_in_dim3A_313, %broadcast_in_dim3A_322, %select_n3A_301] : memref<8x64x128xf32, #tpu.memory_space<vmem>>[vector<16xi32>, vector<16xi32>, vector<16xi32>], vector<16xf32>,
        tpu.vector_store_idx %arg11[%broadcast_in_dim3A_314, %iota3A, %broadcast_in_dim3A_322], %gather3A_323 : memref<8x16x128xf32, #tpu.memory_space<vmem>>[vector<16xi32>, vector<16xi32>, vector<16xi32>], vector<16xf32>,
        %broadcast_in_dim3A_324 = arith.constant 3 : i32
        %broadcast_in_dim3A_325 = vector.broadcast %broadcast_in_dim3A_324 : i32 to vector<16xi32>
        %gather3A_326 = tpu.vector_load_idx %arg10[%broadcast_in_dim3A_313, %broadcast_in_dim3A_325, %select_n3A_301] : memref<8x64x128xf32, #tpu.memory_space<vmem>>[vector<16xi32>, vector<16xi32>, vector<16xi32>], vector<16xf32>,
        tpu.vector_store_idx %arg11[%broadcast_in_dim3A_314, %iota3A, %broadcast_in_dim3A_325], %gather3A_326 : memref<8x16x128xf32, #tpu.memory_space<vmem>>[vector<16xi32>, vector<16xi32>, vector<16xi32>], vector<16xf32>,
        %broadcast_in_dim3A_327 = arith.constant 4 : i32
        %broadcast_in_dim3A_328 = vector.broadcast %broadcast_in_dim3A_327 : i32 to vector<16xi32>
        %gather3A_329 = tpu.vector_load_idx %arg10[%broadcast_in_dim3A_313, %broadcast_in_dim3A_328, %select_n3A_301] : memref<8x64x128xf32, #tpu.memory_space<vmem>>[vector<16xi32>, vector<16xi32>, vector<16xi32>], vector<16xf32>,
        tpu.vector_store_idx %arg11[%broadcast_in_dim3A_314, %iota3A, %broadcast_in_dim3A_328], %gather3A_329 : memref<8x16x128xf32, #tpu.memory_space<vmem>>[vector<16xi32>, vector<16xi32>, vector<16xi32>], vector<16xf32>,
        %broadcast_in_dim3A_330 = arith.constant 5 : i32
        %broadcast_in_dim3A_331 = vector.broadcast %broadcast_in_dim3A_330 : i32 to vector<16xi32>
        %gather3A_332 = tpu.vector_load_idx %arg10[%broadcast_in_dim3A_313, %broadcast_in_dim3A_331, %select_n3A_301] : memref<8x64x128xf32, #tpu.memory_space<vmem>>[vector<16xi32>, vector<16xi32>, vector<16xi32>], vector<16xf32>,
        tpu.vector_store_idx %arg11[%broadcast_in_dim3A_314, %iota3A, %broadcast_in_dim3A_331], %gather3A_332 : memref<8x16x128xf32, #tpu.memory_space<vmem>>[vector<16xi32>, vector<16xi32>, vector<16xi32>], vector<16xf32>,
        %broadcast_in_dim3A_333 = arith.constant 6 : i32
        %broadcast_in_dim3A_334 = vector.broadcast %broadcast_in_dim3A_333 : i32 to vector<16xi32>
        %gather3A_335 = tpu.vector_load_idx %arg10[%broadcast_in_dim3A_313, %broadcast_in_dim3A_334, %select_n3A_301] : memref<8x64x128xf32, #tpu.memory_space<vmem>>[vector<16xi32>, vector<16xi32>, vector<16xi32>], vector<16xf32>,
        tpu.vector_store_idx %arg11[%broadcast_in_dim3A_314, %iota3A, %broadcast_in_dim3A_334], %gather3A_335 : memref<8x16x128xf32, #tpu.memory_space<vmem>>[vector<16xi32>, vector<16xi32>, vector<16xi32>], vector<16xf32>,
        %broadcast_in_dim3A_336 = arith.constant 7 : i32
        %broadcast_in_dim3A_337 = vector.broadcast %broadcast_in_dim3A_336 : i32 to vector<16xi32>
        %gather3A_338 = tpu.vector_load_idx %arg10[%broadcast_in_dim3A_313, %broadcast_in_dim3A_337, %select_n3A_301] : memref<8x64x128xf32, #tpu.memory_space<vmem>>[vector<16xi32>, vector<16xi32>, vector<16xi32>], vector<16xf32>,
        tpu.vector_store_idx %arg11[%broadcast_in_dim3A_314, %iota3A, %broadcast_in_dim3A_337], %gather3A_338 : memref<8x16x128xf32, #tpu.memory_space<vmem>>[vector<16xi32>, vector<16xi32>, vector<16xi32>], vector<16xf32>,
        %broadcast_in_dim3A_339 = arith.constant 8 : i32
        %broadcast_in_dim3A_340 = vector.broadcast %broadcast_in_dim3A_339 : i32 to vector<16xi32>
        %gather3A_341 = tpu.vector_load_idx %arg10[%broadcast_in_dim3A_313, %broadcast_in_dim3A_340, %select_n3A_301] : memref<8x64x128xf32, #tpu.memory_space<vmem>>[vector<16xi32>, vector<16xi32>, vector<16xi32>], vector<16xf32>,
        tpu.vector_store_idx %arg11[%broadcast_in_dim3A_314, %iota3A, %broadcast_in_dim3A_340], %gather3A_341 : memref<8x16x128xf32, #tpu.memory_space<vmem>>[vector<16xi32>, vector<16xi32>, vector<16xi32>], vector<16xf32>,
        %broadcast_in_dim3A_342 = arith.constant 9 : i32
        %broadcast_in_dim3A_343 = vector.broadcast %broadcast_in_dim3A_342 : i32 to vector<16xi32>
        %gather3A_344 = tpu.vector_load_idx %arg10[%broadcast_in_dim3A_313, %broadcast_in_dim3A_343, %select_n3A_301] : memref<8x64x128xf32, #tpu.memory_space<vmem>>[vector<16xi32>, vector<16xi32>, vector<16xi32>], vector<16xf32>,
        tpu.vector_store_idx %arg11[%broadcast_in_dim3A_314, %iota3A, %broadcast_in_dim3A_343], %gather3A_344 : memref<8x16x128xf32, #tpu.memory_space<vmem>>[vector<16xi32>, vector<16xi32>, vector<16xi32>], vector<16xf32>,
        %broadcast_in_dim3A_345 = arith.constant 10 : i32
        %broadcast_in_dim3A_346 = vector.broadcast %broadcast_in_dim3A_345 : i32 to vector<16xi32>
        %gather3A_347 = tpu.vector_load_idx %arg10[%broadcast_in_dim3A_313, %broadcast_in_dim3A_346, %select_n3A_301] : memref<8x64x128xf32, #tpu.memory_space<vmem>>[vector<16xi32>, vector<16xi32>, vector<16xi32>], vector<16xf32>,
        tpu.vector_store_idx %arg11[%broadcast_in_dim3A_314, %iota3A, %broadcast_in_dim3A_346], %gather3A_347 : memref<8x16x128xf32, #tpu.memory_space<vmem>>[vector<16xi32>, vector<16xi32>, vector<16xi32>], vector<16xf32>,
        %broadcast_in_dim3A_348 = arith.constant 11 : i32
        %broadcast_in_dim3A_349 = vector.broadcast %broadcast_in_dim3A_348 : i32 to vector<16xi32>
        %gather3A_350 = tpu.vector_load_idx %arg10[%broadcast_in_dim3A_313, %broadcast_in_dim3A_349, %select_n3A_301] : memref<8x64x128xf32, #tpu.memory_space<vmem>>[vector<16xi32>, vector<16xi32>, vector<16xi32>], vector<16xf32>,
        tpu.vector_store_idx %arg11[%broadcast_in_dim3A_314, %iota3A, %broadcast_in_dim3A_349], %gather3A_350 : memref<8x16x128xf32, #tpu.memory_space<vmem>>[vector<16xi32>, vector<16xi32>, vector<16xi32>], vector<16xf32>,
        %broadcast_in_dim3A_351 = arith.constant 12 : i32
        %broadcast_in_dim3A_352 = vector.broadcast %broadcast_in_dim3A_351 : i32 to vector<16xi32>
        %gather3A_353 = tpu.vector_load_idx %arg10[%broadcast_in_dim3A_313, %broadcast_in_dim3A_352, %select_n3A_301] : memref<8x64x128xf32, #tpu.memory_space<vmem>>[vector<16xi32>, vector<16xi32>, vector<16xi32>], vector<16xf32>,
        tpu.vector_store_idx %arg11[%broadcast_in_dim3A_314, %iota3A, %broadcast_in_dim3A_352], %gather3A_353 : memref<8x16x128xf32, #tpu.memory_space<vmem>>[vector<16xi32>, vector<16xi32>, vector<16xi32>], vector<16xf32>,
        %broadcast_in_dim3A_354 = arith.constant 13 : i32
        %broadcast_in_dim3A_355 = vector.broadcast %broadcast_in_dim3A_354 : i32 to vector<16xi32>
        %gather3A_356 = tpu.vector_load_idx %arg10[%broadcast_in_dim3A_313, %broadcast_in_dim3A_355, %select_n3A_301] : memref<8x64x128xf32, #tpu.memory_space<vmem>>[vector<16xi32>, vector<16xi32>, vector<16xi32>], vector<16xf32>,
        tpu.vector_store_idx %arg11[%broadcast_in_dim3A_314, %iota3A, %broadcast_in_dim3A_355], %gather3A_356 : memref<8x16x128xf32, #tpu.memory_space<vmem>>[vector<16xi32>, vector<16xi32>, vector<16xi32>], vector<16xf32>,
        %broadcast_in_dim3A_357 = arith.constant 14 : i32
        %broadcast_in_dim3A_358 = vector.broadcast %broadcast_in_dim3A_357 : i32 to vector<16xi32>
        %gather3A_359 = tpu.vector_load_idx %arg10[%broadcast_in_dim3A_313, %broadcast_in_dim3A_358, %select_n3A_301] : memref<8x64x128xf32, #tpu.memory_space<vmem>>[vector<16xi32>, vector<16xi32>, vector<16xi32>], vector<16xf32>,
        tpu.vector_store_idx %arg11[%broadcast_in_dim3A_314, %iota3A, %broadcast_in_dim3A_358], %gather3A_359 : memref<8x16x128xf32, #tpu.memory_space<vmem>>[vector<16xi32>, vector<16xi32>, vector<16xi32>], vector<16xf32>,
        %broadcast_in_dim3A_360 = arith.constant 15 : i32
        %broadcast_in_dim3A_361 = vector.broadcast %broadcast_in_dim3A_360 : i32 to vector<16xi32>
        %gather3A_362 = tpu.vector_load_idx %arg10[%broadcast_in_dim3A_313, %broadcast_in_dim3A_361, %select_n3A_301] : memref<8x64x128xf32, #tpu.memory_space<vmem>>[vector<16xi32>, vector<16xi32>, vector<16xi32>], vector<16xf32>,
        tpu.vector_store_idx %arg11[%broadcast_in_dim3A_314, %iota3A, %broadcast_in_dim3A_361], %gather3A_362 : memref<8x16x128xf32, #tpu.memory_space<vmem>>[vector<16xi32>, vector<16xi32>, vector<16xi32>], vector<16xf32>,
        %broadcast_in_dim3A_363 = arith.constant 16 : i32
        %broadcast_in_dim3A_364 = vector.broadcast %broadcast_in_dim3A_363 : i32 to vector<16xi32>
        %gather3A_365 = tpu.vector_load_idx %arg10[%broadcast_in_dim3A_313, %broadcast_in_dim3A_364, %select_n3A_301] : memref<8x64x128xf32, #tpu.memory_space<vmem>>[vector<16xi32>, vector<16xi32>, vector<16xi32>], vector<16xf32>,
        tpu.vector_store_idx %arg11[%broadcast_in_dim3A_314, %iota3A, %broadcast_in_dim3A_364], %gather3A_365 : memref<8x16x128xf32, #tpu.memory_space<vmem>>[vector<16xi32>, vector<16xi32>, vector<16xi32>], vector<16xf32>,
        %broadcast_in_dim3A_366 = arith.constant 17 : i32
        %broadcast_in_dim3A_367 = vector.broadcast %broadcast_in_dim3A_366 : i32 to vector<16xi32>
        %gather3A_368 = tpu.vector_load_idx %arg10[%broadcast_in_dim3A_313, %broadcast_in_dim3A_367, %select_n3A_301] : memref<8x64x128xf32, #tpu.memory_space<vmem>>[vector<16xi32>, vector<16xi32>, vector<16xi32>], vector<16xf32>,
        tpu.vector_store_idx %arg11[%broadcast_in_dim3A_314, %iota3A, %broadcast_in_dim3A_367], %gather3A_368 : memref<8x16x128xf32, #tpu.memory_space<vmem>>[vector<16xi32>, vector<16xi32>, vector<16xi32>], vector<16xf32>,
        %broadcast_in_dim3A_369 = arith.constant 18 : i32
        %broadcast_in_dim3A_370 = vector.broadcast %broadcast_in_dim3A_369 : i32 to vector<16xi32>
        %gather3A_371 = tpu.vector_load_idx %arg10[%broadcast_in_dim3A_313, %broadcast_in_dim3A_370, %select_n3A_301] : memref<8x64x128xf32, #tpu.memory_space<vmem>>[vector<16xi32>, vector<16xi32>, vector<16xi32>], vector<16xf32>,
        tpu.vector_store_idx %arg11[%broadcast_in_dim3A_314, %iota3A, %broadcast_in_dim3A_370], %gather3A_371 : memref<8x16x128xf32, #tpu.memory_space<vmem>>[vector<16xi32>, vector<16xi32>, vector<16xi32>], vector<16xf32>,
        %broadcast_in_dim3A_372 = arith.constant 19 : i32
        %broadcast_in_dim3A_373 = vector.broadcast %broadcast_in_dim3A_372 : i32 to vector<16xi32>
        %gather3A_374 = tpu.vector_load_idx %arg10[%broadcast_in_dim3A_313, %broadcast_in_dim3A_373, %select_n3A_301] : memref<8x64x128xf32, #tpu.memory_space<vmem>>[vector<16xi32>, vector<16xi32>, vector<16xi32>], vector<16xf32>,
        tpu.vector_store_idx %arg11[%broadcast_in_dim3A_314, %iota3A, %broadcast_in_dim3A_373], %gather3A_374 : memref<8x16x128xf32, #tpu.memory_space<vmem>>[vector<16xi32>, vector<16xi32>, vector<16xi32>], vector<16xf32>,
        %broadcast_in_dim3A_375 = arith.constant 20 : i32
        %broadcast_in_dim3A_376 = vector.broadcast %broadcast_in_dim3A_375 : i32 to vector<16xi32>
        %gather3A_377 = tpu.vector_load_idx %arg10[%broadcast_in_dim3A_313, %broadcast_in_dim3A_376, %select_n3A_301] : memref<8x64x128xf32, #tpu.memory_space<vmem>>[vector<16xi32>, vector<16xi32>, vector<16xi32>], vector<16xf32>,
        tpu.vector_store_idx %arg11[%broadcast_in_dim3A_314, %iota3A, %broadcast_in_dim3A_376], %gather3A_377 : memref<8x16x128xf32, #tpu.memory_space<vmem>>[vector<16xi32>, vector<16xi32>, vector<16xi32>], vector<16xf32>,
        %broadcast_in_dim3A_378 = arith.constant 21 : i32
        %broadcast_in_dim3A_379 = vector.broadcast %broadcast_in_dim3A_378 : i32 to vector<16xi32>
        %gather3A_380 = tpu.vector_load_idx %arg10[%broadcast_in_dim3A_313, %broadcast_in_dim3A_379, %select_n3A_301] : memref<8x64x128xf32, #tpu.memory_space<vmem>>[vector<16xi32>, vector<16xi32>, vector<16xi32>], vector<16xf32>,
        tpu.vector_store_idx %arg11[%broadcast_in_dim3A_314, %iota3A, %broadcast_in_dim3A_379], %gather3A_380 : memref<8x16x128xf32, #tpu.memory_space<vmem>>[vector<16xi32>, vector<16xi32>, vector<16xi32>], vector<16xf32>,
        %broadcast_in_dim3A_381 = arith.constant 22 : i32
        %broadcast_in_dim3A_382 = vector.broadcast %broadcast_in_dim3A_381 : i32 to vector<16xi32>
        %gather3A_383 = tpu.vector_load_idx %arg10[%broadcast_in_dim3A_313, %broadcast_in_dim3A_382, %select_n3A_301] : memref<8x64x128xf32, #tpu.memory_space<vmem>>[vector<16xi32>, vector<16xi32>, vector<16xi32>], vector<16xf32>,
        tpu.vector_store_idx %arg11[%broadcast_in_dim3A_314, %iota3A, %broadcast_in_dim3A_382], %gather3A_383 : memref<8x16x128xf32, #tpu.memory_space<vmem>>[vector<16xi32>, vector<16xi32>, vector<16xi32>], vector<16xf32>,
        %broadcast_in_dim3A_384 = arith.constant 23 : i32
        %broadcast_in_dim3A_385 = vector.broadcast %broadcast_in_dim3A_384 : i32 to vector<16xi32>
        %gather3A_386 = tpu.vector_load_idx %arg10[%broadcast_in_dim3A_313, %broadcast_in_dim3A_385, %select_n3A_301] : memref<8x64x128xf32, #tpu.memory_space<vmem>>[vector<16xi32>, vector<16xi32>, vector<16xi32>], vector<16xf32>,
        tpu.vector_store_idx %arg11[%broadcast_in_dim3A_314, %iota3A, %broadcast_in_dim3A_385], %gather3A_386 : memref<8x16x128xf32, #tpu.memory_space<vmem>>[vector<16xi32>, vector<16xi32>, vector<16xi32>], vector<16xf32>,
        %broadcast_in_dim3A_387 = arith.constant 24 : i32
        %broadcast_in_dim3A_388 = vector.broadcast %broadcast_in_dim3A_387 : i32 to vector<16xi32>
        %gather3A_389 = tpu.vector_load_idx %arg10[%broadcast_in_dim3A_313, %broadcast_in_dim3A_388, %select_n3A_301] : memref<8x64x128xf32, #tpu.memory_space<vmem>>[vector<16xi32>, vector<16xi32>, vector<16xi32>], vector<16xf32>,
        tpu.vector_store_idx %arg11[%broadcast_in_dim3A_314, %iota3A, %broadcast_in_dim3A_388], %gather3A_389 : memref<8x16x128xf32, #tpu.memory_space<vmem>>[vector<16xi32>, vector<16xi32>, vector<16xi32>], vector<16xf32>,
        %broadcast_in_dim3A_390 = arith.constant 25 : i32
        %broadcast_in_dim3A_391 = vector.broadcast %broadcast_in_dim3A_390 : i32 to vector<16xi32>
        %gather3A_392 = tpu.vector_load_idx %arg10[%broadcast_in_dim3A_313, %broadcast_in_dim3A_391, %select_n3A_301] : memref<8x64x128xf32, #tpu.memory_space<vmem>>[vector<16xi32>, vector<16xi32>, vector<16xi32>], vector<16xf32>,
        tpu.vector_store_idx %arg11[%broadcast_in_dim3A_314, %iota3A, %broadcast_in_dim3A_391], %gather3A_392 : memref<8x16x128xf32, #tpu.memory_space<vmem>>[vector<16xi32>, vector<16xi32>, vector<16xi32>], vector<16xf32>,
        %broadcast_in_dim3A_393 = arith.constant 26 : i32
        %broadcast_in_dim3A_394 = vector.broadcast %broadcast_in_dim3A_393 : i32 to vector<16xi32>
        %gather3A_395 = tpu.vector_load_idx %arg10[%broadcast_in_dim3A_313, %broadcast_in_dim3A_394, %select_n3A_301] : memref<8x64x128xf32, #tpu.memory_space<vmem>>[vector<16xi32>, vector<16xi32>, vector<16xi32>], vector<16xf32>,
        tpu.vector_store_idx %arg11[%broadcast_in_dim3A_314, %iota3A, %broadcast_in_dim3A_394], %gather3A_395 : memref<8x16x128xf32, #tpu.memory_space<vmem>>[vector<16xi32>, vector<16xi32>, vector<16xi32>], vector<16xf32>,
        %broadcast_in_dim3A_396 = arith.constant 27 : i32
        %broadcast_in_dim3A_397 = vector.broadcast %broadcast_in_dim3A_396 : i32 to vector<16xi32>
        %gather3A_398 = tpu.vector_load_idx %arg10[%broadcast_in_dim3A_313, %broadcast_in_dim3A_397, %select_n3A_301] : memref<8x64x128xf32, #tpu.memory_space<vmem>>[vector<16xi32>, vector<16xi32>, vector<16xi32>], vector<16xf32>,
        tpu.vector_store_idx %arg11[%broadcast_in_dim3A_314, %iota3A, %broadcast_in_dim3A_397], %gather3A_398 : memref<8x16x128xf32, #tpu.memory_space<vmem>>[vector<16xi32>, vector<16xi32>, vector<16xi32>], vector<16xf32>,
        %broadcast_in_dim3A_399 = arith.constant 28 : i32
        %broadcast_in_dim3A_400 = vector.broadcast %broadcast_in_dim3A_399 : i32 to vector<16xi32>
        %gather3A_401 = tpu.vector_load_idx %arg10[%broadcast_in_dim3A_313, %broadcast_in_dim3A_400, %select_n3A_301] : memref<8x64x128xf32, #tpu.memory_space<vmem>>[vector<16xi32>, vector<16xi32>, vector<16xi32>], vector<16xf32>,
        tpu.vector_store_idx %arg11[%broadcast_in_dim3A_314, %iota3A, %broadcast_in_dim3A_400], %gather3A_401 : memref<8x16x128xf32, #tpu.memory_space<vmem>>[vector<16xi32>, vector<16xi32>, vector<16xi32>], vector<16xf32>,
        %broadcast_in_dim3A_402 = arith.constant 29 : i32
        %broadcast_in_dim3A_403 = vector.broadcast %broadcast_in_dim3A_402 : i32 to vector<16xi32>
        %gather3A_404 = tpu.vector_load_idx %arg10[%broadcast_in_dim3A_313, %broadcast_in_dim3A_403, %select_n3A_301] : memref<8x64x128xf32, #tpu.memory_space<vmem>>[vector<16xi32>, vector<16xi32>, vector<16xi32>], vector<16xf32>,
        tpu.vector_store_idx %arg11[%broadcast_in_dim3A_314, %iota3A, %broadcast_in_dim3A_403], %gather3A_404 : memref<8x16x128xf32, #tpu.memory_space<vmem>>[vector<16xi32>, vector<16xi32>, vector<16xi32>], vector<16xf32>,
        %broadcast_in_dim3A_405 = arith.constant 30 : i32
        %broadcast_in_dim3A_406 = vector.broadcast %broadcast_in_dim3A_405 : i32 to vector<16xi32>
        %gather3A_407 = tpu.vector_load_idx %arg10[%broadcast_in_dim3A_313, %broadcast_in_dim3A_406, %select_n3A_301] : memref<8x64x128xf32, #tpu.memory_space<vmem>>[vector<16xi32>, vector<16xi32>, vector<16xi32>], vector<16xf32>,
        tpu.vector_store_idx %arg11[%broadcast_in_dim3A_314, %iota3A, %broadcast_in_dim3A_406], %gather3A_407 : memref<8x16x128xf32, #tpu.memory_space<vmem>>[vector<16xi32>, vector<16xi32>, vector<16xi32>], vector<16xf32>,
        %broadcast_in_dim3A_408 = arith.constant 31 : i32
        %broadcast_in_dim3A_409 = vector.broadcast %broadcast_in_dim3A_408 : i32 to vector<16xi32>
        %gather3A_410 = tpu.vector_load_idx %arg10[%broadcast_in_dim3A_313, %broadcast_in_dim3A_409, %select_n3A_301] : memref<8x64x128xf32, #tpu.memory_space<vmem>>[vector<16xi32>, vector<16xi32>, vector<16xi32>], vector<16xf32>,
        tpu.vector_store_idx %arg11[%broadcast_in_dim3A_314, %iota3A, %broadcast_in_dim3A_409], %gather3A_410 : memref<8x16x128xf32, #tpu.memory_space<vmem>>[vector<16xi32>, vector<16xi32>, vector<16xi32>], vector<16xf32>,
        %broadcast_in_dim3A_411 = arith.constant 32 : i32
        %broadcast_in_dim3A_412 = vector.broadcast %broadcast_in_dim3A_411 : i32 to vector<16xi32>
        %gather3A_413 = tpu.vector_load_idx %arg10[%broadcast_in_dim3A_313, %broadcast_in_dim3A_412, %select_n3A_301] : memref<8x64x128xf32, #tpu.memory_space<vmem>>[vector<16xi32>, vector<16xi32>, vector<16xi32>], vector<16xf32>,
        tpu.vector_store_idx %arg11[%broadcast_in_dim3A_314, %iota3A, %broadcast_in_dim3A_412], %gather3A_413 : memref<8x16x128xf32, #tpu.memory_space<vmem>>[vector<16xi32>, vector<16xi32>, vector<16xi32>], vector<16xf32>,
        %broadcast_in_dim3A_414 = arith.constant 33 : i32
        %broadcast_in_dim3A_415 = vector.broadcast %broadcast_in_dim3A_414 : i32 to vector<16xi32>
        %gather3A_416 = tpu.vector_load_idx %arg10[%broadcast_in_dim3A_313, %broadcast_in_dim3A_415, %select_n3A_301] : memref<8x64x128xf32, #tpu.memory_space<vmem>>[vector<16xi32>, vector<16xi32>, vector<16xi32>], vector<16xf32>,
        tpu.vector_store_idx %arg11[%broadcast_in_dim3A_314, %iota3A, %broadcast_in_dim3A_415], %gather3A_416 : memref<8x16x128xf32, #tpu.memory_space<vmem>>[vector<16xi32>, vector<16xi32>, vector<16xi32>], vector<16xf32>,
        %broadcast_in_dim3A_417 = arith.constant 34 : i32
        %broadcast_in_dim3A_418 = vector.broadcast %broadcast_in_dim3A_417 : i32 to vector<16xi32>
        %gather3A_419 = tpu.vector_load_idx %arg10[%broadcast_in_dim3A_313, %broadcast_in_dim3A_418, %select_n3A_301] : memref<8x64x128xf32, #tpu.memory_space<vmem>>[vector<16xi32>, vector<16xi32>, vector<16xi32>], vector<16xf32>,
        tpu.vector_store_idx %arg11[%broadcast_in_dim3A_314, %iota3A, %broadcast_in_dim3A_418], %gather3A_419 : memref<8x16x128xf32, #tpu.memory_space<vmem>>[vector<16xi32>, vector<16xi32>, vector<16xi32>], vector<16xf32>,
        %broadcast_in_dim3A_420 = arith.constant 35 : i32
        %broadcast_in_dim3A_421 = vector.broadcast %broadcast_in_dim3A_420 : i32 to vector<16xi32>
        %gather3A_422 = tpu.vector_load_idx %arg10[%broadcast_in_dim3A_313, %broadcast_in_dim3A_421, %select_n3A_301] : memref<8x64x128xf32, #tpu.memory_space<vmem>>[vector<16xi32>, vector<16xi32>, vector<16xi32>], vector<16xf32>,
        tpu.vector_store_idx %arg11[%broadcast_in_dim3A_314, %iota3A, %broadcast_in_dim3A_421], %gather3A_422 : memref<8x16x128xf32, #tpu.memory_space<vmem>>[vector<16xi32>, vector<16xi32>, vector<16xi32>], vector<16xf32>,
        %broadcast_in_dim3A_423 = arith.constant 36 : i32
        %broadcast_in_dim3A_424 = vector.broadcast %broadcast_in_dim3A_423 : i32 to vector<16xi32>
        %gather3A_425 = tpu.vector_load_idx %arg10[%broadcast_in_dim3A_313, %broadcast_in_dim3A_424, %select_n3A_301] : memref<8x64x128xf32, #tpu.memory_space<vmem>>[vector<16xi32>, vector<16xi32>, vector<16xi32>], vector<16xf32>,
        tpu.vector_store_idx %arg11[%broadcast_in_dim3A_314, %iota3A, %broadcast_in_dim3A_424], %gather3A_425 : memref<8x16x128xf32, #tpu.memory_space<vmem>>[vector<16xi32>, vector<16xi32>, vector<16xi32>], vector<16xf32>,
        %broadcast_in_dim3A_426 = arith.constant 37 : i32
        %broadcast_in_dim3A_427 = vector.broadcast %broadcast_in_dim3A_426 : i32 to vector<16xi32>
        %gather3A_428 = tpu.vector_load_idx %arg10[%broadcast_in_dim3A_313, %broadcast_in_dim3A_427, %select_n3A_301] : memref<8x64x128xf32, #tpu.memory_space<vmem>>[vector<16xi32>, vector<16xi32>, vector<16xi32>], vector<16xf32>,
        tpu.vector_store_idx %arg11[%broadcast_in_dim3A_314, %iota3A, %broadcast_in_dim3A_427], %gather3A_428 : memref<8x16x128xf32, #tpu.memory_space<vmem>>[vector<16xi32>, vector<16xi32>, vector<16xi32>], vector<16xf32>,
        %broadcast_in_dim3A_429 = arith.constant 38 : i32
        %broadcast_in_dim3A_430 = vector.broadcast %broadcast_in_dim3A_429 : i32 to vector<16xi32>
        %gather3A_431 = tpu.vector_load_idx %arg10[%broadcast_in_dim3A_313, %broadcast_in_dim3A_430, %select_n3A_301] : memref<8x64x128xf32, #tpu.memory_space<vmem>>[vector<16xi32>, vector<16xi32>, vector<16xi32>], vector<16xf32>,
        tpu.vector_store_idx %arg11[%broadcast_in_dim3A_314, %iota3A, %broadcast_in_dim3A_430], %gather3A_431 : memref<8x16x128xf32, #tpu.memory_space<vmem>>[vector<16xi32>, vector<16xi32>, vector<16xi32>], vector<16xf32>,
        %broadcast_in_dim3A_432 = arith.constant 39 : i32
        %broadcast_in_dim3A_433 = vector.broadcast %broadcast_in_dim3A_432 : i32 to vector<16xi32>
        %gather3A_434 = tpu.vector_load_idx %arg10[%broadcast_in_dim3A_313, %broadcast_in_dim3A_433, %select_n3A_301] : memref<8x64x128xf32, #tpu.memory_space<vmem>>[vector<16xi32>, vector<16xi32>, vector<16xi32>], vector<16xf32>,
        tpu.vector_store_idx %arg11[%broadcast_in_dim3A_314, %iota3A, %broadcast_in_dim3A_433], %gather3A_434 : memref<8x16x128xf32, #tpu.memory_space<vmem>>[vector<16xi32>, vector<16xi32>, vector<16xi32>], vector<16xf32>,
        %broadcast_in_dim3A_435 = arith.constant 40 : i32
        %broadcast_in_dim3A_436 = vector.broadcast %broadcast_in_dim3A_435 : i32 to vector<16xi32>
        %gather3A_437 = tpu.vector_load_idx %arg10[%broadcast_in_dim3A_313, %broadcast_in_dim3A_436, %select_n3A_301] : memref<8x64x128xf32, #tpu.memory_space<vmem>>[vector<16xi32>, vector<16xi32>, vector<16xi32>], vector<16xf32>,
        tpu.vector_store_idx %arg11[%broadcast_in_dim3A_314, %iota3A, %broadcast_in_dim3A_436], %gather3A_437 : memref<8x16x128xf32, #tpu.memory_space<vmem>>[vector<16xi32>, vector<16xi32>, vector<16xi32>], vector<16xf32>,
        %broadcast_in_dim3A_438 = arith.constant 41 : i32
        %broadcast_in_dim3A_439 = vector.broadcast %broadcast_in_dim3A_438 : i32 to vector<16xi32>
        %gather3A_440 = tpu.vector_load_idx %arg10[%broadcast_in_dim3A_313, %broadcast_in_dim3A_439, %select_n3A_301] : memref<8x64x128xf32, #tpu.memory_space<vmem>>[vector<16xi32>, vector<16xi32>, vector<16xi32>], vector<16xf32>,
        tpu.vector_store_idx %arg11[%broadcast_in_dim3A_314, %iota3A, %broadcast_in_dim3A_439], %gather3A_440 : memref<8x16x128xf32, #tpu.memory_space<vmem>>[vector<16xi32>, vector<16xi32>, vector<16xi32>], vector<16xf32>,
        %broadcast_in_dim3A_441 = arith.constant 42 : i32
        %broadcast_in_dim3A_442 = vector.broadcast %broadcast_in_dim3A_441 : i32 to vector<16xi32>
        %gather3A_443 = tpu.vector_load_idx %arg10[%broadcast_in_dim3A_313, %broadcast_in_dim3A_442, %select_n3A_301] : memref<8x64x128xf32, #tpu.memory_space<vmem>>[vector<16xi32>, vector<16xi32>, vector<16xi32>], vector<16xf32>,
        tpu.vector_store_idx %arg11[%broadcast_in_dim3A_314, %iota3A, %broadcast_in_dim3A_442], %gather3A_443 : memref<8x16x128xf32, #tpu.memory_space<vmem>>[vector<16xi32>, vector<16xi32>, vector<16xi32>], vector<16xf32>,
        %broadcast_in_dim3A_444 = arith.constant 43 : i32
        %broadcast_in_dim3A_445 = vector.broadcast %broadcast_in_dim3A_444 : i32 to vector<16xi32>
        %gather3A_446 = tpu.vector_load_idx %arg10[%broadcast_in_dim3A_313, %broadcast_in_dim3A_445, %select_n3A_301] : memref<8x64x128xf32, #tpu.memory_space<vmem>>[vector<16xi32>, vector<16xi32>, vector<16xi32>], vector<16xf32>,
        tpu.vector_store_idx %arg11[%broadcast_in_dim3A_314, %iota3A, %broadcast_in_dim3A_445], %gather3A_446 : memref<8x16x128xf32, #tpu.memory_space<vmem>>[vector<16xi32>, vector<16xi32>, vector<16xi32>], vector<16xf32>,
        %broadcast_in_dim3A_447 = arith.constant 44 : i32
        %broadcast_in_dim3A_448 = vector.broadcast %broadcast_in_dim3A_447 : i32 to vector<16xi32>
        %gather3A_449 = tpu.vector_load_idx %arg10[%broadcast_in_dim3A_313, %broadcast_in_dim3A_448, %select_n3A_301] : memref<8x64x128xf32, #tpu.memory_space<vmem>>[vector<16xi32>, vector<16xi32>, vector<16xi32>], vector<16xf32>,
        tpu.vector_store_idx %arg11[%broadcast_in_dim3A_314, %iota3A, %broadcast_in_dim3A_448], %gather3A_449 : memref<8x16x128xf32, #tpu.memory_space<vmem>>[vector<16xi32>, vector<16xi32>, vector<16xi32>], vector<16xf32>,
        %broadcast_in_dim3A_450 = arith.constant 45 : i32
        %broadcast_in_dim3A_451 = vector.broadcast %broadcast_in_dim3A_450 : i32 to vector<16xi32>
        %gather3A_452 = tpu.vector_load_idx %arg10[%broadcast_in_dim3A_313, %broadcast_in_dim3A_451, %select_n3A_301] : memref<8x64x128xf32, #tpu.memory_space<vmem>>[vector<16xi32>, vector<16xi32>, vector<16xi32>], vector<16xf32>,
        tpu.vector_store_idx %arg11[%broadcast_in_dim3A_314, %iota3A, %broadcast_in_dim3A_451], %gather3A_452 : memref<8x16x128xf32, #tpu.memory_space<vmem>>[vector<16xi32>, vector<16xi32>, vector<16xi32>], vector<16xf32>,
        %broadcast_in_dim3A_453 = arith.constant 46 : i32
        %broadcast_in_dim3A_454 = vector.broadcast %broadcast_in_dim3A_453 : i32 to vector<16xi32>
        %gather3A_455 = tpu.vector_load_idx %arg10[%broadcast_in_dim3A_313, %broadcast_in_dim3A_454, %select_n3A_301] : memref<8x64x128xf32, #tpu.memory_space<vmem>>[vector<16xi32>, vector<16xi32>, vector<16xi32>], vector<16xf32>,
        tpu.vector_store_idx %arg11[%broadcast_in_dim3A_314, %iota3A, %broadcast_in_dim3A_454], %gather3A_455 : memref<8x16x128xf32, #tpu.memory_space<vmem>>[vector<16xi32>, vector<16xi32>, vector<16xi32>], vector<16xf32>,
        %broadcast_in_dim3A_456 = arith.constant 47 : i32
        %broadcast_in_dim3A_457 = vector.broadcast %broadcast_in_dim3A_456 : i32 to vector<16xi32>
        %gather3A_458 = tpu.vector_load_idx %arg10[%broadcast_in_dim3A_313, %broadcast_in_dim3A_457, %select_n3A_301] : memref<8x64x128xf32, #tpu.memory_space<vmem>>[vector<16xi32>, vector<16xi32>, vector<16xi32>], vector<16xf32>,
        tpu.vector_store_idx %arg11[%broadcast_in_dim3A_314, %iota3A, %broadcast_in_dim3A_457], %gather3A_458 : memref<8x16x128xf32, #tpu.memory_space<vmem>>[vector<16xi32>, vector<16xi32>, vector<16xi32>], vector<16xf32>,
        %broadcast_in_dim3A_459 = arith.constant 48 : i32
        %broadcast_in_dim3A_460 = vector.broadcast %broadcast_in_dim3A_459 : i32 to vector<16xi32>
        %gather3A_461 = tpu.vector_load_idx %arg10[%broadcast_in_dim3A_313, %broadcast_in_dim3A_460, %select_n3A_301] : memref<8x64x128xf32, #tpu.memory_space<vmem>>[vector<16xi32>, vector<16xi32>, vector<16xi32>], vector<16xf32>,
        tpu.vector_store_idx %arg11[%broadcast_in_dim3A_314, %iota3A, %broadcast_in_dim3A_460], %gather3A_461 : memref<8x16x128xf32, #tpu.memory_space<vmem>>[vector<16xi32>, vector<16xi32>, vector<16xi32>], vector<16xf32>,
        %broadcast_in_dim3A_462 = arith.constant 49 : i32
        %broadcast_in_dim3A_463 = vector.broadcast %broadcast_in_dim3A_462 : i32 to vector<16xi32>
        %gather3A_464 = tpu.vector_load_idx %arg10[%broadcast_in_dim3A_313, %broadcast_in_dim3A_463, %select_n3A_301] : memref<8x64x128xf32, #tpu.memory_space<vmem>>[vector<16xi32>, vector<16xi32>, vector<16xi32>], vector<16xf32>,
        tpu.vector_store_idx %arg11[%broadcast_in_dim3A_314, %iota3A, %broadcast_in_dim3A_463], %gather3A_464 : memref<8x16x128xf32, #tpu.memory_space<vmem>>[vector<16xi32>, vector<16xi32>, vector<16xi32>], vector<16xf32>,
        %broadcast_in_dim3A_465 = arith.constant 50 : i32
        %broadcast_in_dim3A_466 = vector.broadcast %broadcast_in_dim3A_465 : i32 to vector<16xi32>
        %gather3A_467 = tpu.vector_load_idx %arg10[%broadcast_in_dim3A_313, %broadcast_in_dim3A_466, %select_n3A_301] : memref<8x64x128xf32, #tpu.memory_space<vmem>>[vector<16xi32>, vector<16xi32>, vector<16xi32>], vector<16xf32>,
        tpu.vector_store_idx %arg11[%broadcast_in_dim3A_314, %iota3A, %broadcast_in_dim3A_466], %gather3A_467 : memref<8x16x128xf32, #tpu.memory_space<vmem>>[vector<16xi32>, vector<16xi32>, vector<16xi32>], vector<16xf32>,
        %broadcast_in_dim3A_468 = arith.constant 51 : i32
        %broadcast_in_dim3A_469 = vector.broadcast %broadcast_in_dim3A_468 : i32 to vector<16xi32>
        %gather3A_470 = tpu.vector_load_idx %arg10[%broadcast_in_dim3A_313, %broadcast_in_dim3A_469, %select_n3A_301] : memref<8x64x128xf32, #tpu.memory_space<vmem>>[vector<16xi32>, vector<16xi32>, vector<16xi32>], vector<16xf32>,
        tpu.vector_store_idx %arg11[%broadcast_in_dim3A_314, %iota3A, %broadcast_in_dim3A_469], %gather3A_470 : memref<8x16x128xf32, #tpu.memory_space<vmem>>[vector<16xi32>, vector<16xi32>, vector<16xi32>], vector<16xf32>,
        %broadcast_in_dim3A_471 = arith.constant 52 : i32
        %broadcast_in_dim3A_472 = vector.broadcast %broadcast_in_dim3A_471 : i32 to vector<16xi32>
        %gather3A_473 = tpu.vector_load_idx %arg10[%broadcast_in_dim3A_313, %broadcast_in_dim3A_472, %select_n3A_301] : memref<8x64x128xf32, #tpu.memory_space<vmem>>[vector<16xi32>, vector<16xi32>, vector<16xi32>], vector<16xf32>,
        tpu.vector_store_idx %arg11[%broadcast_in_dim3A_314, %iota3A, %broadcast_in_dim3A_472], %gather3A_473 : memref<8x16x128xf32, #tpu.memory_space<vmem>>[vector<16xi32>, vector<16xi32>, vector<16xi32>], vector<16xf32>,
        %broadcast_in_dim3A_474 = arith.constant 53 : i32
        %broadcast_in_dim3A_475 = vector.broadcast %broadcast_in_dim3A_474 : i32 to vector<16xi32>
        %gather3A_476 = tpu.vector_load_idx %arg10[%broadcast_in_dim3A_313, %broadcast_in_dim3A_475, %select_n3A_301] : memref<8x64x128xf32, #tpu.memory_space<vmem>>[vector<16xi32>, vector<16xi32>, vector<16xi32>], vector<16xf32>,
        tpu.vector_store_idx %arg11[%broadcast_in_dim3A_314, %iota3A, %broadcast_in_dim3A_475], %gather3A_476 : memref<8x16x128xf32, #tpu.memory_space<vmem>>[vector<16xi32>, vector<16xi32>, vector<16xi32>], vector<16xf32>,
        %broadcast_in_dim3A_477 = arith.constant 54 : i32
        %broadcast_in_dim3A_478 = vector.broadcast %broadcast_in_dim3A_477 : i32 to vector<16xi32>
        %gather3A_479 = tpu.vector_load_idx %arg10[%broadcast_in_dim3A_313, %broadcast_in_dim3A_478, %select_n3A_301] : memref<8x64x128xf32, #tpu.memory_space<vmem>>[vector<16xi32>, vector<16xi32>, vector<16xi32>], vector<16xf32>,
        tpu.vector_store_idx %arg11[%broadcast_in_dim3A_314, %iota3A, %broadcast_in_dim3A_478], %gather3A_479 : memref<8x16x128xf32, #tpu.memory_space<vmem>>[vector<16xi32>, vector<16xi32>, vector<16xi32>], vector<16xf32>,
        %broadcast_in_dim3A_480 = arith.constant 55 : i32
        %broadcast_in_dim3A_481 = vector.broadcast %broadcast_in_dim3A_480 : i32 to vector<16xi32>
        %gather3A_482 = tpu.vector_load_idx %arg10[%broadcast_in_dim3A_313, %broadcast_in_dim3A_481, %select_n3A_301] : memref<8x64x128xf32, #tpu.memory_space<vmem>>[vector<16xi32>, vector<16xi32>, vector<16xi32>], vector<16xf32>,
        tpu.vector_store_idx %arg11[%broadcast_in_dim3A_314, %iota3A, %broadcast_in_dim3A_481], %gather3A_482 : memref<8x16x128xf32, #tpu.memory_space<vmem>>[vector<16xi32>, vector<16xi32>, vector<16xi32>], vector<16xf32>,
        %broadcast_in_dim3A_483 = arith.constant 56 : i32
        %broadcast_in_dim3A_484 = vector.broadcast %broadcast_in_dim3A_483 : i32 to vector<16xi32>
        %gather3A_485 = tpu.vector_load_idx %arg10[%broadcast_in_dim3A_313, %broadcast_in_dim3A_484, %select_n3A_301] : memref<8x64x128xf32, #tpu.memory_space<vmem>>[vector<16xi32>, vector<16xi32>, vector<16xi32>], vector<16xf32>,
        tpu.vector_store_idx %arg11[%broadcast_in_dim3A_314, %iota3A, %broadcast_in_dim3A_484], %gather3A_485 : memref<8x16x128xf32, #tpu.memory_space<vmem>>[vector<16xi32>, vector<16xi32>, vector<16xi32>], vector<16xf32>,
        %broadcast_in_dim3A_486 = arith.constant 57 : i32
        %broadcast_in_dim3A_487 = vector.broadcast %broadcast_in_dim3A_486 : i32 to vector<16xi32>
        %gather3A_488 = tpu.vector_load_idx %arg10[%broadcast_in_dim3A_313, %broadcast_in_dim3A_487, %select_n3A_301] : memref<8x64x128xf32, #tpu.memory_space<vmem>>[vector<16xi32>, vector<16xi32>, vector<16xi32>], vector<16xf32>,
        tpu.vector_store_idx %arg11[%broadcast_in_dim3A_314, %iota3A, %broadcast_in_dim3A_487], %gather3A_488 : memref<8x16x128xf32, #tpu.memory_space<vmem>>[vector<16xi32>, vector<16xi32>, vector<16xi32>], vector<16xf32>,
        %broadcast_in_dim3A_489 = arith.constant 58 : i32
        %broadcast_in_dim3A_490 = vector.broadcast %broadcast_in_dim3A_489 : i32 to vector<16xi32>
        %gather3A_491 = tpu.vector_load_idx %arg10[%broadcast_in_dim3A_313, %broadcast_in_dim3A_490, %select_n3A_301] : memref<8x64x128xf32, #tpu.memory_space<vmem>>[vector<16xi32>, vector<16xi32>, vector<16xi32>], vector<16xf32>,
        tpu.vector_store_idx %arg11[%broadcast_in_dim3A_314, %iota3A, %broadcast_in_dim3A_490], %gather3A_491 : memref<8x16x128xf32, #tpu.memory_space<vmem>>[vector<16xi32>, vector<16xi32>, vector<16xi32>], vector<16xf32>,
        %broadcast_in_dim3A_492 = arith.constant 59 : i32
        %broadcast_in_dim3A_493 = vector.broadcast %broadcast_in_dim3A_492 : i32 to vector<16xi32>
        %gather3A_494 = tpu.vector_load_idx %arg10[%broadcast_in_dim3A_313, %broadcast_in_dim3A_493, %select_n3A_301] : memref<8x64x128xf32, #tpu.memory_space<vmem>>[vector<16xi32>, vector<16xi32>, vector<16xi32>], vector<16xf32>,
        tpu.vector_store_idx %arg11[%broadcast_in_dim3A_314, %iota3A, %broadcast_in_dim3A_493], %gather3A_494 : memref<8x16x128xf32, #tpu.memory_space<vmem>>[vector<16xi32>, vector<16xi32>, vector<16xi32>], vector<16xf32>,
        %broadcast_in_dim3A_495 = arith.constant 60 : i32
        %broadcast_in_dim3A_496 = vector.broadcast %broadcast_in_dim3A_495 : i32 to vector<16xi32>
        %gather3A_497 = tpu.vector_load_idx %arg10[%broadcast_in_dim3A_313, %broadcast_in_dim3A_496, %select_n3A_301] : memref<8x64x128xf32, #tpu.memory_space<vmem>>[vector<16xi32>, vector<16xi32>, vector<16xi32>], vector<16xf32>,
        tpu.vector_store_idx %arg11[%broadcast_in_dim3A_314, %iota3A, %broadcast_in_dim3A_496], %gather3A_497 : memref<8x16x128xf32, #tpu.memory_space<vmem>>[vector<16xi32>, vector<16xi32>, vector<16xi32>], vector<16xf32>,
        %broadcast_in_dim3A_498 = arith.constant 61 : i32
        %broadcast_in_dim3A_499 = vector.broadcast %broadcast_in_dim3A_498 : i32 to vector<16xi32>
        %gather3A_500 = tpu.vector_load_idx %arg10[%broadcast_in_dim3A_313, %broadcast_in_dim3A_499, %select_n3A_301] : memref<8x64x128xf32, #tpu.memory_space<vmem>>[vector<16xi32>, vector<16xi32>, vector<16xi32>], vector<16xf32>,
        tpu.vector_store_idx %arg11[%broadcast_in_dim3A_314, %iota3A, %broadcast_in_dim3A_499], %gather3A_500 : memref<8x16x128xf32, #tpu.memory_space<vmem>>[vector<16xi32>, vector<16xi32>, vector<16xi32>], vector<16xf32>,
        %broadcast_in_dim3A_501 = arith.constant 62 : i32
        %broadcast_in_dim3A_502 = vector.broadcast %broadcast_in_dim3A_501 : i32 to vector<16xi32>
        %gather3A_503 = tpu.vector_load_idx %arg10[%broadcast_in_dim3A_313, %broadcast_in_dim3A_502, %select_n3A_301] : memref<8x64x128xf32, #tpu.memory_space<vmem>>[vector<16xi32>, vector<16xi32>, vector<16xi32>], vector<16xf32>,
        tpu.vector_store_idx %arg11[%broadcast_in_dim3A_314, %iota3A, %broadcast_in_dim3A_502], %gather3A_503 : memref<8x16x128xf32, #tpu.memory_space<vmem>>[vector<16xi32>, vector<16xi32>, vector<16xi32>], vector<16xf32>,
        %broadcast_in_dim3A_504 = arith.constant 63 : i32
        %broadcast_in_dim3A_505 = vector.broadcast %broadcast_in_dim3A_504 : i32 to vector<16xi32>
        %gather3A_506 = tpu.vector_load_idx %arg10[%broadcast_in_dim3A_313, %broadcast_in_dim3A_505, %select_n3A_301] : memref<8x64x128xf32, #tpu.memory_space<vmem>>[vector<16xi32>, vector<16xi32>, vector<16xi32>], vector<16xf32>,
        tpu.vector_store_idx %arg11[%broadcast_in_dim3A_314, %iota3A, %broadcast_in_dim3A_505], %gather3A_506 : memref<8x16x128xf32, #tpu.memory_space<vmem>>[vector<16xi32>, vector<16xi32>, vector<16xi32>], vector<16xf32>,
        tpu.vector_store_idx %arg12[%broadcast_in_dim3A_314, %iota3A], %select_n3A_306 : memref<8x16xi32, #tpu.memory_space<vmem>>[vector<16xi32>, vector<16xi32>], vector<16xi32>,
        %dma_start3A = arith.constant 0 : i32
        %dma_start3A_507 = arith.constant 0 : i32
        %dma_start3A_508 = tpu.memref_slice %arg11[%and3A_308, %dma_start3A, %dma_start3A_507] : memref<8x16x128xf32, #tpu.memory_space<vmem>> -> memref<1x16x128xf32, #tpu.memory_space<vmem>>
        %dma_start3A_509 = tpu.memref_squeeze %dma_start3A_508 : memref<1x16x128xf32, #tpu.memory_space<vmem>> -> memref<16x128xf32, #tpu.memory_space<vmem>>
        %dma_start3A_510 = arith.constant 0 : i32
        %dma_start3A_511 = tpu.memref_slice %arg12[%and3A_308, %dma_start3A_510] : memref<8x16xi32, #tpu.memory_space<vmem>> -> memref<1x16xi32, #tpu.memory_space<vmem>>
        %dma_start3A_512 = tpu.memref_squeeze %dma_start3A_511 : memref<1x16xi32, #tpu.memory_space<vmem>> -> memref<16xi32, #tpu.memory_space<vmem>>
        %dma_start3A_513 = arith.constant 0 : i32
        %dma_start3A_514 = arith.constant 0 : i32
        %dma_start3A_515 = tpu.memref_slice %arg5[%dma_start3A_513, %dma_start3A_514] : memref<16416x128xf32, #tpu.memory_space<hbm>> -> memref<16416x128xf32, #tpu.memory_space<hbm>>
        %dma_start3A_516 = tpu.memref_slice %arg14[%and3A_308] : memref<8x!tpu.dma_semaphore, #tpu.memory_space<semaphore_mem>> -> memref<1x!tpu.dma_semaphore, #tpu.memory_space<semaphore_mem>>
        %dma_start3A_517 = tpu.memref_squeeze %dma_start3A_516 : memref<1x!tpu.dma_semaphore, #tpu.memory_space<semaphore_mem>> -> memref<!tpu.dma_semaphore, #tpu.memory_space<semaphore_mem>>
        tpu.enqueue_indirect_dma source(%dma_start3A_509 : memref<16x128xf32, #tpu.memory_space<vmem>>) target(%dma_start3A_515 : memref<16416x128xf32, #tpu.memory_space<hbm>>) offsets(%dma_start3A_512 : memref<16xi32, #tpu.memory_space<vmem>>) semaphore(%dma_start3A_517 : memref<!tpu.dma_semaphore, #tpu.memory_space<semaphore_mem>>)
        %add3A_518 = arith.constant 1 : i32
        %add3A_519 = arith.addi %while3A_282, %add3A_518 : i32
        scf.yield %add3A_519 : i32
      }
      %add3A_275 = arith.constant 8 : i32
      %add3A_276 = arith.addi %while3A_207, %add3A_275 : i32
      %lt3A = arith.cmpi slt, %add3A_276, %sub3A : i32
      %convert_element_type3A_277 = arith.extui %lt3A : i1 to i32
      %cond3A_278 = arith.constant 0 : i32
      %cond3A_279 = arith.cmpi ne, %convert_element_type3A_277, %cond3A_278 : i32
      scf.if %cond3A_279 {
        %add3A_281 = arith.addi %mul3A_2, %while3A_207 : i32
        %add3A_282 = arith.constant 8 : i32
        %add3A_283 = arith.addi %add3A_281, %add3A_282 : i32
        %ge3A = arith.constant 782 : i32
        %ge3A_284 = arith.cmpi sge, %add3A_283, %ge3A : i32
        %sub3A_285 = arith.constant 782 : i32
        %sub3A_286 = arith.subi %add3A_283, %sub3A_285 : i32
        %select_n3A_287 = arith.select %ge3A_284, %sub3A_286, %add3A_283 : i32
        %mul3A_288 = arith.constant 128 : i32
        %mul3A_289 = arith.muli %select_n3A_287, %mul3A_288 : i32
        %convert_element_type3A_290 = arith.extui %ge3A_284 : i1 to i32
        %cond3A_291 = arith.constant 0 : i32
        %cond3A_292 = arith.cmpi ne, %convert_element_type3A_290, %cond3A_291 : i32
        scf.if %cond3A_292 {
          %dma_start3A = arith.constant 0 : i32
          %dma_start3A_293 = arith.constant 0 : i32
          %dma_start3A_294 = tpu.memref_slice %arg10[%rem3A_211, %dma_start3A, %dma_start3A_293] : memref<8x64x128xf32, #tpu.memory_space<vmem>> -> memref<1x64x128xf32, #tpu.memory_space<vmem>>
          %dma_start3A_295 = tpu.memref_squeeze %dma_start3A_294 : memref<1x64x128xf32, #tpu.memory_space<vmem>> -> memref<64x128xf32, #tpu.memory_space<vmem>>
          %dma_start3A_296 = arith.constant 0 : i32
          %dma_start3A_297 = tpu.memref_slice %arg4[%dma_start3A_296, %mul3A_289] : memref<64x100000xf32, #tpu.memory_space<hbm>> -> memref<64x128xf32, #tpu.memory_space<hbm>>
          %dma_start3A_298 = tpu.memref_slice %arg13[%rem3A_211] : memref<8x!tpu.dma_semaphore, #tpu.memory_space<semaphore_mem>> -> memref<1x!tpu.dma_semaphore, #tpu.memory_space<semaphore_mem>>
          %dma_start3A_299 = tpu.memref_squeeze %dma_start3A_298 : memref<1x!tpu.dma_semaphore, #tpu.memory_space<semaphore_mem>> -> memref<!tpu.dma_semaphore, #tpu.memory_space<semaphore_mem>>
          %dma_start3A_300 = arith.constant 0 : i32
          %dma_start3A_301 = arith.constant 0 : i32
          %dma_start3A_302 = tpu.memref_slice %arg10[%rem3A_211, %dma_start3A_300, %dma_start3A_301] : memref<8x64x128xf32, #tpu.memory_space<vmem>> -> memref<1x64x128xf32, #tpu.memory_space<vmem>>
          %dma_start3A_303 = tpu.memref_squeeze %dma_start3A_302 : memref<1x64x128xf32, #tpu.memory_space<vmem>> -> memref<64x128xf32, #tpu.memory_space<vmem>>
          %dma_start3A_304 = arith.constant 0 : i32
          %dma_start3A_305 = tpu.memref_slice %arg4[%dma_start3A_304, %mul3A_289] : memref<64x100000xf32, #tpu.memory_space<hbm>> -> memref<64x128xf32, #tpu.memory_space<hbm>>
          tpu.enqueue_dma source(%dma_start3A_305 : memref<64x128xf32, #tpu.memory_space<hbm>>) target(%dma_start3A_303 : memref<64x128xf32, #tpu.memory_space<vmem>>) target_semaphore(%dma_start3A_299 : memref<!tpu.dma_semaphore, #tpu.memory_space<semaphore_mem>>)
        } else {
          %dma_start3A = arith.constant 0 : i32
          %dma_start3A_293 = arith.constant 0 : i32
          %dma_start3A_294 = tpu.memref_slice %arg10[%rem3A_211, %dma_start3A, %dma_start3A_293] : memref<8x64x128xf32, #tpu.memory_space<vmem>> -> memref<1x64x128xf32, #tpu.memory_space<vmem>>
          %dma_start3A_295 = tpu.memref_squeeze %dma_start3A_294 : memref<1x64x128xf32, #tpu.memory_space<vmem>> -> memref<64x128xf32, #tpu.memory_space<vmem>>
          %dma_start3A_296 = arith.constant 0 : i32
          %dma_start3A_297 = tpu.memref_slice %arg3[%dma_start3A_296, %mul3A_289] : memref<64x100000xf32, #tpu.memory_space<hbm>> -> memref<64x128xf32, #tpu.memory_space<hbm>>
          %dma_start3A_298 = tpu.memref_slice %arg13[%rem3A_211] : memref<8x!tpu.dma_semaphore, #tpu.memory_space<semaphore_mem>> -> memref<1x!tpu.dma_semaphore, #tpu.memory_space<semaphore_mem>>
          %dma_start3A_299 = tpu.memref_squeeze %dma_start3A_298 : memref<1x!tpu.dma_semaphore, #tpu.memory_space<semaphore_mem>> -> memref<!tpu.dma_semaphore, #tpu.memory_space<semaphore_mem>>
          %dma_start3A_300 = arith.constant 0 : i32
          %dma_start3A_301 = arith.constant 0 : i32
          %dma_start3A_302 = tpu.memref_slice %arg10[%rem3A_211, %dma_start3A_300, %dma_start3A_301] : memref<8x64x128xf32, #tpu.memory_space<vmem>> -> memref<1x64x128xf32, #tpu.memory_space<vmem>>
          %dma_start3A_303 = tpu.memref_squeeze %dma_start3A_302 : memref<1x64x128xf32, #tpu.memory_space<vmem>> -> memref<64x128xf32, #tpu.memory_space<vmem>>
          %dma_start3A_304 = arith.constant 0 : i32
          %dma_start3A_305 = tpu.memref_slice %arg3[%dma_start3A_304, %mul3A_289] : memref<64x100000xf32, #tpu.memory_space<hbm>> -> memref<64x128xf32, #tpu.memory_space<hbm>>
          tpu.enqueue_dma source(%dma_start3A_305 : memref<64x128xf32, #tpu.memory_space<hbm>>) target(%dma_start3A_303 : memref<64x128xf32, #tpu.memory_space<vmem>>) target_semaphore(%dma_start3A_299 : memref<!tpu.dma_semaphore, #tpu.memory_space<semaphore_mem>>)
        }
      } else {
      }
      %add3A_280 = arith.addi %while3A_208, %reduce_max3A_235 : i32
      scf.yield %add3A_280, %while3A_274 : i32, i32
    }
    %scan3A_200 = arith.constant 0 : i32
    %scan3A_201 = arith.constant 0 : i32
    %scan3A_202 = arith.constant 8 : i32
    %scan3A_203 = arith.addi %scan3A_201, %scan3A_202 : i32
    %scan3A_204 = arith.constant 1 : i32
    %scan3A_205 = scf.for %scan3A_207 = %scan3A_201 to %scan3A_203 step %scan3A_204 iter_args(%scan3A_208 = %scan3A_200) -> (i32)  : i32 {
      %min3A_209 = arith.constant 8 : i32
      %min3A_210 = arith.minsi %while3A_199#1, %min3A_209 : i32
      %lt3A = arith.cmpi slt, %scan3A_207, %min3A_210 : i32
      %convert_element_type3A_211 = arith.extui %lt3A : i1 to i32
      %cond3A_212 = arith.constant 0 : i32
      %cond3A_213 = arith.cmpi ne, %convert_element_type3A_211, %cond3A_212 : i32
      scf.if %cond3A_213 {
        %dma_wait3A = arith.constant 0 : i32
        %dma_wait3A_215 = arith.constant 0 : i32
        %dma_wait3A_216 = arith.constant 0 : i32
        %dma_wait3A_217 = arith.constant 0 : i32
        %dma_wait3A_218 = tpu.memref_slice %arg11[%dma_wait3A, %dma_wait3A_216, %dma_wait3A_217] : memref<8x16x128xf32, #tpu.memory_space<vmem>> -> memref<1x16x128xf32, #tpu.memory_space<vmem>>
        %dma_wait3A_219 = tpu.memref_squeeze %dma_wait3A_218 : memref<1x16x128xf32, #tpu.memory_space<vmem>> -> memref<16x128xf32, #tpu.memory_space<vmem>>
        %dma_wait3A_220 = arith.constant 0 : i32
        %dma_wait3A_221 = tpu.memref_slice %arg12[%dma_wait3A_215, %dma_wait3A_220] : memref<8x16xi32, #tpu.memory_space<vmem>> -> memref<1x16xi32, #tpu.memory_space<vmem>>
        %dma_wait3A_222 = tpu.memref_squeeze %dma_wait3A_221 : memref<1x16xi32, #tpu.memory_space<vmem>> -> memref<16xi32, #tpu.memory_space<vmem>>
        %dma_wait3A_223 = arith.constant 0 : i32
        %dma_wait3A_224 = arith.constant 0 : i32
        %dma_wait3A_225 = tpu.memref_slice %arg5[%dma_wait3A_223, %dma_wait3A_224] : memref<16416x128xf32, #tpu.memory_space<hbm>> -> memref<16416x128xf32, #tpu.memory_space<hbm>>
        %dma_wait3A_226 = tpu.memref_slice %arg14[%scan3A_207] : memref<8x!tpu.dma_semaphore, #tpu.memory_space<semaphore_mem>> -> memref<1x!tpu.dma_semaphore, #tpu.memory_space<semaphore_mem>>
        %dma_wait3A_227 = tpu.memref_squeeze %dma_wait3A_226 : memref<1x!tpu.dma_semaphore, #tpu.memory_space<semaphore_mem>> -> memref<!tpu.dma_semaphore, #tpu.memory_space<semaphore_mem>>
        tpu.wait_indirect_dma semaphore(%dma_wait3A_227 : memref<!tpu.dma_semaphore, #tpu.memory_space<semaphore_mem>>) src(%dma_wait3A_219 : memref<16x128xf32, #tpu.memory_space<vmem>>) dst(%dma_wait3A_225 : memref<16416x128xf32, #tpu.memory_space<hbm>>)
      } else {
      }
      %scan3A_214 = arith.constant 0 : i32
      scf.yield %scan3A_214 : i32
    }
    %scan3A_206 = arith.constant 8 : i32
    return
  }
}

</mosaic_0001>

<sc_bundles>
// kernel: _combined_lookup.3.cloned.1.call-start
scs
__scs_entry_jumppad:
0x0: {  	(pc) =	sbr.rel $0x88, $3  }
0x1: {  	(tag) =	ssettag $0x0;
	lr =	simm.s32 $0x1  }
0x2: {  	[smem:$0x3F9E] =	sst lr;
	_ =	strace $0xD0000000  }
0x3: {  	_ = 	snop  }
0x4: {  	_ = 	snop  }
0x5: {  	_ = 	snop  }
0x6: {  	_ = 	snop  }
0x7: {  	_ = 	snop  }
__scs_overlays_trampoline_lowered:
0x8: {  	[smem:$0x3FAD] =	sst s0  }
0x9: {  	[smem:$0x3FAE] =	sst s1  }
0xa: {  	[smem:$0x3FAF] =	sst s2  }
0xb: {  	[smem:$0x3FB0] =	sst s3  }
0xc: {  	[smem:$0x3FB1] =	sst s4  }
0xd: {  	[smem:$0x3FB2] =	sst s5  }
0xe: {  	[smem:$0x3FB3] =	sst s6  }
0xf: {  	[smem:$0x3FB4] =	sst s7  }
0x10: {  	[smem:$0x3FB5] =	sst s8  }
0x11: {  	[smem:$0x3FB6] =	sst s9;
	s0 =	simm.s32 @!p0 $0x0  }
0x12: {  	s1 =	sld [smem:$0x3F9C];
	s0 =	simm.s32 @p0 $0x1  }
0x13: {  	[smem:$0x3FB7] =	sst s0;
	s0 =	simm.s32 @!p1 $0x0  }
0x14: {  	s2 =	sld [smem:$0x3F9B];
	s0 =	simm.s32 @p1 $0x1  }
0x15: {  	[smem:$0x3FB8] =	sst s0;
	s0 =	simm.s32 @!p2 $0x0  }
0x16: {  	s3 =	sld [smem:$0x3FDB];
	s0 =	simm.s32 @p2 $0x1  }
0x17: {  	s4 =	simm.s32 $0x1BF5;
	[smem:$0x3FBA] =	sst s0  }
0x18: {  	s0 =	sld [smem:$0x3F9D];
	_ =	swait.ge [sflag:s4], $0x0  }
0x19: {  	s7 =	sld [smem:$0x3F9E]  }
0x1a: {  	s8 =	sadd.s32 $0xFFFFE003, lr  }
0x1b: {  	s9 =	sadd.s32 $0xFFFFFEF7, lr;
	s5 =	simm.s32 $0xFFFFFFFF;
	p2 =	slt.u32 s8, $0xFFFFF086  }
0x1c: {  	p1 =	slt.u32 s9, $0xF7A;
	s5 =	simm.s32 @!p2 $0x0  }
0x1d: {  	s5 =	simm.s32 @p1 $0x1;
	p0 =	seq.s32 s7, s2  }
0x1e: {  	s7 =	smul.u32 @!p0 $0xF7A, s2;
	p2 =	seq.s32 @!p0 s5, $0x0  }
0x1f: {  	s9 =	smul.u32 $0xF7A, s1;
	s8 =	simm.s32 @!p0 $0x1BF5;
	p2 =	por !p2, p0  }
0x20: {  	[sflag:s8] =	ssyncset.s32 @!p0 $0xFFFFF086;
	s6 =	sadd.s32 @!p0 s3, s7;
	s7 =	simm.s32 @!p0 $0x108  }
0x21: {  	s3 =	sadd.s32 s3, s9;
	s6 =	sadd.s32 @!p0 $0x88, s6;
	s7 =	simm.s32 @p2 $0x1082  }
0x22: {  	[simem:s7], [sflag:s8] =	dma.local @!p0 [hbm:s6], $0xF7A  }
0x23: {  	s9 =	sor.u32 $0xD0000000, s2;
	s6 =	simm.s32 $0x108;
	_ =	swait.ge @!p0 [sflag:s8], $0x0  }
0x24: {  	s3 =	sadd.s32 $0x88, s3;
	s6 =	simm.s32 @!p1 $0x1082;
	[sflag:s4] =	ssyncset.s32 $0xFFFFF086  }
0x25: {  	[simem:s6], [sflag:s4] =	dma.local [hbm:s3], $0xF7A  }
0x26: {  	[smem:$0x3F9E] =	sst s1;
	(tag) =	ssettag s2;
	_ =	strace s9  }
0x27: {  	s1 =	sld [smem:$0x3FAE]  }
0x28: {  	s2 =	sld [smem:$0x3FAF]  }
0x29: {  	s4 =	sld [smem:$0x3FB1]  }
0x2a: {  	p0 =	seq.s32 s5, $0x0;
	s5 =	sld [smem:$0x3FB2]  }
0x2b: {  	s6 =	sld [smem:$0x3FB3]  }
0x2c: {  	s7 =	sld [smem:$0x3FB4]  }
0x2d: {  	s3 =	simm.s32 $0x108;
	s8 =	sld [smem:$0x3FB5]  }
0x2e: {  	s3 =	simm.s32 @!p0 $0x1082;
	s9 =	sld [smem:$0x3FB6]  }
0x2f: {  	lr =	sadd.s32 s0, s3;
	s0 =	sld [smem:$0x3FAD]  }
0x30: {  	s3 =	sld [smem:$0x3FB0]  }
0x31: {  	[smem:$0x3FB9] =	sst s10  }
0x32: {  	s10 =	sld [smem:$0x3FB7];
	_ =	sdelay $0x3  }
0x33: {  	p0 =	seq.s32 s10, $0x1;
	s10 =	sld [smem:$0x3FB9];
	_ =	sdelay $0x3  }
0x34: {  	[smem:$0x3FB9] =	sst s10  }
0x35: {  	s10 =	sld [smem:$0x3FB8];
	_ =	sdelay $0x3  }
0x36: {  	p1 =	seq.s32 s10, $0x1;
	s10 =	sld [smem:$0x3FB9];
	_ =	sdelay $0x3  }
0x37: {  	[smem:$0x3FB9] =	sst s10  }
0x38: {  	s10 =	sld [smem:$0x3FBA]  }
0x39: {  	_ = 	snop;
	(pc) =	sbr.ind lr, $3  }
0x3a: {  	_ = 	snop  }
0x3b: {  	_ = 	snop  }
0x3c: {  	p2 =	seq.s32 s10, $0x1;
	s10 =	sld [smem:$0x3FB9]  }
0x3d: {  	_ =	shalt  }
0x3e: {  	_ =	shalt  }
0x3f: {  	_ =	shalt  }
0x40: {  	_ =	shalt  }
0x41: {  	_ =	shalt  }
0x42: {  	_ =	shalt  }
0x43: {  	_ =	shalt  }
0x44: {  	_ =	shalt  }
0x45: {  	_ =	shalt  }
0x46: {  	_ =	shalt  }
0x47: {  	_ =	shalt  }
0x48: {  	_ =	shalt  }
0x49: {  	_ =	shalt  }
0x4a: {  	_ =	shalt  }
0x4b: {  	_ =	shalt  }
0x4c: {  	_ =	shalt  }
0x4d: {  	_ =	shalt  }
0x4e: {  	_ =	shalt  }
0x4f: {  	_ =	shalt  }
0x50: {  	_ =	shalt  }
0x51: {  	_ =	shalt  }
0x52: {  	_ =	shalt  }
0x53: {  	_ =	shalt  }
0x54: {  	_ =	shalt  }
0x55: {  	_ =	shalt  }
0x56: {  	_ =	shalt  }
0x57: {  	_ =	shalt  }
0x58: {  	_ =	shalt  }
0x59: {  	_ =	shalt  }
0x5a: {  	_ =	shalt  }
0x5b: {  	_ =	shalt  }
0x5c: {  	_ =	shalt  }
0x5d: {  	_ =	shalt  }
0x5e: {  	_ =	shalt  }
0x5f: {  	_ =	shalt  }
0x60: {  	_ =	shalt  }
0x61: {  	_ =	shalt  }
0x62: {  	_ =	shalt  }
0x63: {  	_ =	shalt  }
0x64: {  	_ =	shalt  }
0x65: {  	_ =	shalt  }
0x66: {  	_ =	shalt  }
0x67: {  	_ =	shalt  }
0x68: {  	_ =	shalt  }
0x69: {  	_ =	shalt  }
0x6a: {  	_ =	shalt  }
0x6b: {  	_ =	shalt  }
0x6c: {  	_ =	shalt  }
0x6d: {  	_ =	shalt  }
0x6e: {  	_ =	shalt  }
0x6f: {  	_ =	shalt  }
0x70: {  	_ =	shalt  }
0x71: {  	_ =	shalt  }
0x72: {  	_ =	shalt  }
0x73: {  	_ =	shalt  }
0x74: {  	_ =	shalt  }
0x75: {  	_ =	shalt  }
0x76: {  	_ =	shalt  }
0x77: {  	_ =	shalt  }
0x78: {  	_ =	shalt  }
0x79: {  	_ =	shalt  }
0x7a: {  	_ =	shalt  }
0x7b: {  	_ =	shalt  }
0x7c: {  	_ =	shalt  }
0x7d: {  	_ =	shalt  }
0x7e: {  	_ =	shalt  }
0x7f: {  	_ =	shalt  }
0x80: {  	_ =	shalt  }
0x81: {  	_ =	shalt  }
0x82: {  	_ =	shalt  }
0x83: {  	_ =	shalt  }
0x84: {  	_ =	shalt  }
0x85: {  	_ =	shalt  }
0x86: {  	_ =	shalt  }
0x87: {  	_ =	shalt  }
.Lfunc_end0:
.L_simem_size_0:
called_computation_lowered:
.L_overlay_start_0:
0x88: {  	s2 =	sld [smem:$0x3FD9]  }
0x89: {  	s3 =	sld [smem:$0x3FFE];
	_ =	sdelay $0x1  }
0x8a: {  	s1 =	srdreg.scid  }
0x8b: {  	s0 =	sand.u32 $0x1, s1  }
0x8c: {  	s18 =	sshll.u32 s0, $0xA;
	s2 =	sadd.s32 s3, s2  }
0x8d: {  	s2 =	sadd.s32 s2, s18  }
0x8e: {  	[smem:$0x3FC5] =	sst s2  }
0x8f: {  	_ = 	snop  }
0x90: {  	s2 =	sld [smem:$0x3FC9]  }
0x91: {  	s19 =	sld [smem:$0x3FC8]  }
0x92: {  	s4 =	sld [smem:$0x3FC7]  }
0x93: {  	s5 =	sld [smem:$0x3FD0];
	(tm) =	ssettm $0x1  }
0x94: {  	s6 =	sld [smem:$0x3FFB];
	_ =	sdelay $0x3  }
0x95: {  	_ =	strace s6  }
0x96: {  	s6 =	sld [smem:$0x3FFC];
	_ =	sdelay $0x3  }
0x97: {  	_ =	strace s6  }
0x98: {  	s6 =	sld [smem:$0x3FFD];
	_ =	sdelay $0x3  }
0x99: {  	_ =	strace s6  }
0x9a: {  	_ =	strace $0x8FFFFFFF  }
0x9b: {  	s20 =	sld [smem:$0x3FDB];
	_ =	sdelay $0x1  }
0x9c: {  	s7 =	simm.s32 $_scs_section_size  }
0x9d: {  	s8 =	simm.s32 $_size__tile_overlayer_lowered;
	s9 =	simm.s32 $_tile_overlayer_lowered  }
0x9e: {  	s23 =	simm.s32 $0x1BFF;
	s22 =	sshll.u32 s9, $0x1;
	s6 =	sadd.s32 s7, s20  }
0x9f: {  	s10 =	simm.s32 $0x0;
	s21 =	sshll.u32 s8, $0x1;
	s8 =	sadd.s32 s22, s6  }
0xa0: {  	[timem:s10], [sflag:s23] =	dma.local [hbm:s8], s21  }
0xa1: {  	_ =	swait.ge [sflag:s23], s21  }
0xa2: {  	s7 =	ssub.s32 $0x0, s21;
	[sflag:s23] =	ssyncset.done $0x0  }
0xa3: {  	[sflag:s23] =	ssyncadd.s32 s7;
	_ =	sdelay $0x1  }
0xa4: {  	s24 =	simm.s32 $0x1B8B  }
0xa5: {  	_ =	swait.ge [sflag:s24], $0x1  }
0xa6: {  	[sflag:s24] =	ssyncset.done $0x0  }
0xa7: {  	s25 =	simm.s32 $0x1B8E;
	[sflag:s24] =	ssyncadd.s32 $0xFFFFFFFF  }
0xa8: {  	s26 =	simm.s32 $execute0_lowered;
	[smem:$0x3FD2] =	sst s25  }
0xa9: {  	s7 =	sshll.u32 s26, $0x1;
	_ =	strace $0x80000046;
	[dreg:$0x1] =	wrdreg $0xFFFFFFFF  }
0xaa: {  	s28 =	simm.s32 $_size_execute0_lowered;
	s6 =	sadd.s32 s6, s7;
	[dreg:$0x0] =	wrdreg $0x0  }
0xab: {  	s7 =	sshll.u32 s28, $0x1;
	[dreg:$0x2] =	wrdreg s6  }
0xac: {  	[dreg:$0x3] =	wrdreg s7  }
0xad: {  	[dreg:$0x4] =	wrdreg $0xC0  }
0xae: {  	_ =	task [dreg:s10], $0x5FFFF  }
0xaf: {  	[dreg:$0x1] =	wrdreg $0xFFFFFFFF  }
0xb0: {  	[dreg:$0x0] =	wrdreg $0x60  }
0xb1: {  	[dreg:$0x2] =	wrdreg s2  }
0xb2: {  	[dreg:$0x3] =	wrdreg s19  }
0xb3: {  	[dreg:$0x4] =	wrdreg s4  }
0xb4: {  	[dreg:$0x5] =	wrdreg s5  }
0xb5: {  	[dreg:$0x6] =	wrdreg $0x9  }
0xb6: {  	_ =	task.clear_ibuf [dreg:s10], $0x7FFFF;
	_ =	strace $0x90000046  }
0xb7: {  	s29 =	simm.s32 $0x9;
	_ =	strace $0x80000048  }
0xb8: {  	_ =	swait.ge [sflag:s29], $0x1  }
0xb9: {  	[sflag:s29] =	ssyncadd.s32 $0xFFFFFFFF  }
0xba: {  	_ =	strace $0x90000048  }
0xbb: {  	_ =	sfence  }
0xbc: {  	s30 =	sld [smem:$0x0];
	_ =	sdelay $0x2  }
0xbd: {  	s31 =	sshll.u32 s1, $0xD;
	s1 =	sshrl.u32 s1, $0x2  }
0xbe: {  	s3 =	sand.u32 $0x4000, s31;
	s1 =	sadd.s32 s1, s30  }
0xbf: {  	s0 =	sor.u32 s3, s0;
	s1 =	sshll.u32 s1, $0x11  }
0xc0: {  	s0 =	sor.u32 s1, s0  }
0xc1: {  	s0 =	sadd.s32 $0x8F2B, s0  }
0xc2: {  	[sflag:s0] =	ssyncadd.remote.s32 $0x1  }
0xc3: {  	_ =	sfence.sel $0xFFFF  }
0xc4: {  	[dreg:$0x0] =	wrdreg $0xFFFFFFFF;
	(pc) =	sbr.abs _section_cstart, $3  }
0xc5: {  	[dreg:$0x1] =	wrdreg $0xFFFFFFFF  }
0xc6: {  	_ =	task.clear_ibuf [dreg:s10], $0x2FFFF;
	_ =	strace $0x9FFFFFFF  }
0xc7: {  	(tm) =	ssettm $0x7FFFFFFF  }
tec
execute0_lowered:
.L_overlay_start_1:
0x0: {  	(tag) =	ssettag $0x1  }
0x1: {  	s2 =	rddreg [dreg:$0x1]  }
0x2: {  	s0 =	srdreg.scid;
	s4 =	rddreg [dreg:$0x2]  }
0x3: {  	s1 =	stileid.u32;
	s5 =	rddreg [dreg:$0x3]  }
0x4: {  	s6 =	simm.s32 $0x0;
	s11 =	simm.s32 $0x3FFCF3;
	s28 =	simm.s32 $0xC3800  }
0x5: {  	s29 =	simm.s32 $0x8100;
	s0 =	sand.u32 $0x1, s0;
	s3 =	sshll.u32 s1, $0x1  }
0x6: {  	s31 =	simm.s32 $0x11;
	s30 =	simm.s32 $0x8080;
	s9 =	sor.u32 s0, s3  }
0x7: {  	[smem:$0x7FF] =	sst s6;
	s0 =	ssub.s32 $0x2, s0;
	s7 =	smul.u32 $0x31, s9  }
0x8: {  	p4 =	sgt.u32 s1, $0x7;
	s13 =	sshrl.u32 s0, $0x1;
	s10 =	smul.u32 $0x1880, s9  }
0x9: {  	_ =	strace $0x80000047;
	s11 =	simm.s32 @!p4 $0x1;
	s3 =	ssub.s32 s0, s13  }
0xa: {  	s8 =	smin.u32 s7, $0x5EB;
	s12 =	sadd.s32 s2, s10;
	s10 =	sadd.s32 s10, s4  }
0xb: {  	s11 =	sadd.s32 s11, s7;
	s0 =	sadd.s32 $0x31, s8;
	[dreg:$0x5] =	wrdreg s12  }
0xc: {  	s12 =	simm.s32 $0x3FFCF4;
	s10 =	sadd.s32 $0xFFFE7900, s10;
	s14 =	sshll.u32 s11, $0x7  }
0xd: {  	s8 =	ssub.s32 s0, s7;
	[dreg:$0x6] =	wrdreg s10;
	s12 =	simm.s32 @!p4 $0x2  }
0xe: {  	s10 =	sand.u32 $0x1FFFFF80, s14;
	s15 =	sadd.s32 s12, s7;
	s12 =	simm.s32 $0x3FFCF5  }
0xf: {  	s13 =	sadd.s32 s2, s10;
	s10 =	sadd.s32 s4, s10;
	p2 =	seq.s32 s8, $0x1  }
0x10: {  	[dreg:$0x7] =	wrdreg s13;
	s11 =	sshll.u32 s15, $0x7;
	s12 =	simm.s32 @!p4 $0x3  }
0x11: {  	[dreg:$0x8] =	wrdreg s10;
	p0 =	sgt.u32 @!p2 s8, $0x2;
	s16 =	sand.u32 $0x1FFFFF80, s11  }
0x12: {  	s17 =	sadd.s32 s12, s7;
	s12 =	simm.s32 $0x3FFCF6;
	p3 =	por p2, !p0  }
0x13: {  	s18 =	sadd.s32 s2, s16;
	s11 =	sshll.u32 s17, $0x7;
	s10 =	sadd.s32 s4, s16  }
0x14: {  	s12 =	simm.s32 @!p4 $0x4;
	[dreg:$0x9] =	wrdreg s18;
	s19 =	sand.u32 $0x1FFFFF80, s11  }
0x15: {  	p0 =	seq.s32 @!p3 s8, $0x3;
	[dreg:$0xa] =	wrdreg s10;
	s11 =	sadd.s32 s2, s19  }
0x16: {  	p5 =	por p3, p0;
	s10 =	sadd.s32 s4, s19;
	[dreg:$0xb] =	wrdreg s11  }
0x17: {  	s20 =	sadd.s32 s12, s7;
	p0 =	sgt.u32 @!p5 s8, $0x4;
	[dreg:$0xc] =	wrdreg s10  }
0x18: {  	s10 =	sshll.u32 s20, $0x7;
	s11 =	simm.s32 $0x3FFCF7;
	p1 =	por p5, !p0  }
0x19: {  	s10 =	sand.u32 $0x1FFFFF80, s10;
	s11 =	simm.s32 @!p4 $0x5;
	p0 =	seq.s32 @!p1 s8, $0x5  }
0x1a: {  	s12 =	simm.s32 @!p1 $0x0;
	s21 =	sadd.s32 s2, s10;
	s11 =	sadd.s32 s11, s7  }
0x1b: {  	s10 =	sadd.s32 s4, s10;
	s22 =	sshll.u32 s11, $0x7;
	s11 =	simm.s32 $0x3FFCF8  }
0x1c: {  	s12 =	simm.s32 @p1 $0x1;
	p1 =	por p1, p0;
	s11 =	simm.s32 @!p4 $0x6  }
0x1d: {  	[dreg:$0xe] =	wrdreg s10;
	s24 =	sadd.s32 s11, s7;
	s11 =	simm.s32 $0x3FFCF9  }
0x1e: {  	p0 =	sgt.u32 @!p1 s8, $0x6;
	s10 =	sand.u32 $0x1FFFFF80, s22;
	s11 =	simm.s32 @!p4 $0x7  }
0x1f: {  	s23 =	sadd.s32 s2, s10;
	s10 =	sadd.s32 s4, s10;
	s11 =	sadd.s32 s11, s7  }
0x20: {  	[dreg:$0x10] =	wrdreg s10;
	s26 =	sshll.u32 s11, $0x7;
	s11 =	simm.s32 @!p1 $0x0  }
0x21: {  	s10 =	sshll.u32 s24, $0x7;
	s11 =	simm.s32 @p1 $0x1;
	p1 =	por p1, !p0  }
0x22: {  	s24 =	smax.u32 s3, $0x1;
	p0 =	seq.s32 @!p1 s8, $0x7;
	s3 =	simm.s32 @!p1 $0x0  }
0x23: {  	[dreg:$0xd] =	wrdreg s21;
	s3 =	simm.s32 @p1 $0x1;
	p0 =	por p1, p0  }
0x24: {  	s9 =	sor.u32 $0x4000, s9;
	[smem:$0x7F6] =	sst s3;
	s3 =	simm.s32 @!p0 $0x0  }
0x25: {  	[smem:$0x7F4] =	sst s12;
	s3 =	simm.s32 @p0 $0x1;
	p0 =	slt.s32 s8, $0x1  }
0x26: {  	v18 =	vmov s9;
	s9 =	simm.s32 $0x18100;
	[smem:$0x7F7] =	sst s3;
	s3 =	simm.s32 @!p0 $0x0  }
0x27: {  	s10 =	sand.u32 $0x1FFFFF80, s10;
	s3 =	simm.s32 @p0 $0x1;
	p0 =	slt.u32 s1, $0x8  }
0x28: {  	[dreg:$0xf] =	wrdreg s23;
	s25 =	sadd.s32 s2, s10;
	s1 =	simm.s32 @!p0 $0x0  }
0x29: {  	[dreg:$0x11] =	wrdreg s25;
	s1 =	simm.s32 @p0 $0x1;
	p0 =	sgt.s32 s8, $0x0  }
0x2a: {  	s10 =	sadd.s32 s4, s10;
	[smem:$0x7F9] =	sst s1;
	s1 =	simm.s32 @!p0 $0x0  }
0x2b: {  	v6 =	vmov s0;
	s0 =	simm.s32 $0x8000;
	[dreg:$0x12] =	wrdreg s10;
	s1 =	simm.s32 @p0 $0x1  }
0x2c: {  	s13 =	simm.s32 $0x0;
	[smem:$0x7FA] =	sst s1;
	s1 =	simm.s32 @!p2 $0x0  }
0x2d: {  	s10 =	sand.u32 $0x1FFFFF80, s26;
	[smem:$0x7F5] =	sst s11;
	s1 =	simm.s32 @p2 $0x1  }
.Ltmp0:
0x2e: {  	[smem:$0x7FB] =	sst s1;
	s1 =	simm.s32 @!p3 $0x0;
	(pc) =	sbr.rel .LBB2_1-.Ltmp0, $4  }
0x2f: {  	s12 =	simm.s32 $0xB;
	[dreg:$0x13] =	wrdreg s10;
	s1 =	simm.s32 @p3 $0x1  }
0x30: {  	v7 =	vmov s7;
	s25 =	sadd.s32 $0xFFFFFFF8, s8;
	[smem:$0x7FC] =	sst s1;
	s1 =	simm.s32 @!p5 $0x0  }
0x31: {  	v8 =	vimm.s32 $0x30E;
	[tilespmem:$0x1FFF0] =	vst v7;
	s10 =	simm.s32 $0x1C100;
	[smem:$0x7F8] =	sst s3;
	s1 =	simm.s32 @p5 $0x1  }
0x32: {  	v4 =	vlaneseq.u32;
	v9 =	vimm.s32 $0x0;
	v10 =	vimm.s32 $0x1;
	[tilespmem:$0x1FFE0] =	vst v6;
	s11 =	simm.s32 $0x10;
	s3 =	simm.s32 $0x4000;
	[smem:$0x7FD] =	sst s1  }
.LBB2_22:
0x33: {  	s13 =	sadd.s32 $0x1, s13  }
0x34: {  	p0 =	sne.s32 s13, s24  }
.Ltmp1:
0x35: {  	_ = 	snop;
	(pc) =	sbr.rel @!p0 .LBB2_23-.Ltmp1, $3  }
0x36: {  	_ =	sdelay $0x1  }
0x37: {  	v6 =	vld [tilespmem:$0x1FFE0]  }
0x38: {  	v7 =	vld [tilespmem:$0x1FFF0];
	v8 =	vimm.s32 $0x30E;
	v9 =	vimm.s32 $0x0;
	v10 =	vimm.s32 $0x1  }
.LBB2_1:
0x39: {  	s1 =	sld [smem:$0x7F8];
	_ =	sdelay $0x2  }
0x3a: {  	p0 =	seq.s32 s1, $0x1  }
.Ltmp2:
0x3b: {  	_ = 	snop;
	(pc) =	sbr.rel @p0 .LBB2_6-.Ltmp2, $1  }
0x3c: {  	_ =	sdelay $0x3  }
0x3d: {  	s1 =	sld [smem:$0x7F9];
	_ =	sdelay $0x2  }
0x3e: {  	p0 =	seq.s32 s1, $0x1  }
.Ltmp3:
0x3f: {  	_ = 	snop;
	(pc) =	sbr.rel @p0 .LBB2_4-.Ltmp3, $1  }
0x40: {  	_ =	sdelay $0x3  }
0x41: {  	s1 =	rddreg [dreg:$0x6]  }
0x42: {  	s14 =	simm.s32 $0x400;
	s15 =	simm.s32 @!p2 $0xC3800;
	s21 =	sld [smem:$0x7F4]  }
0x43: {  	[tilespmem:s29], [sflag:$0x1] =	stream.strided.gather [hbm4b:s1+s14], $0x2000, s28, s14, $0x38;
	[tilespmem:$0x1C500] =	vst v63  }
0x44: {  	s16 =	simm.s32 @!p2 $0xA100;
	s14 =	simm.s32 @!p2 $0x400;
	s1 =	rddreg [dreg:$0x8]  }
0x45: {  	[tilespmem:s16], [sflag:$0x2] =	stream.strided.gather @!p2 [hbm4b:s1+s14], $0x2000, s15, s14, $0x38;
	[tilespmem:$0x1C500] =	vst v63  }
0x46: {  	s22 =	sld [smem:$0x7F5];
	s14 =	simm.s32 @!p3 $0x400  }
0x47: {  	s15 =	simm.s32 @!p3 $0xC3800;
	s16 =	simm.s32 @!p3 $0xC100;
	s1 =	rddreg [dreg:$0xa]  }
0x48: {  	[tilespmem:s16], [sflag:$0x3] =	stream.strided.gather @!p3 [hbm4b:s1+s14], $0x2000, s15, s14, $0x38;
	[tilespmem:$0x1C500] =	vst v63  }
0x49: {  	s23 =	sld [smem:$0x7F6];
	p0 =	seq.s32 s21, $0x1;
	s14 =	simm.s32 @!p5 $0x400  }
0x4a: {  	s15 =	simm.s32 @!p5 $0xC3800;
	s16 =	simm.s32 @!p5 $0xE100;
	s1 =	rddreg [dreg:$0xc]  }
0x4b: {  	[tilespmem:s16], [sflag:$0x4] =	stream.strided.gather @!p5 [hbm4b:s1+s14], $0x2000, s15, s14, $0x38;
	[tilespmem:$0x1C500] =	vst v63  }
0x4c: {  	s26 =	sld [smem:$0x7F7];
	s14 =	simm.s32 @!p0 $0x400  }
0x4d: {  	s15 =	simm.s32 @!p0 $0xC3800;
	s16 =	simm.s32 @!p0 $0x10100;
	s1 =	rddreg [dreg:$0xe]  }
0x4e: {  	[tilespmem:s16], [sflag:$0x5] =	stream.strided.gather @!p0 [hbm4b:s1+s14], $0x2000, s15, s14, $0x38;
	[tilespmem:$0x1C500] =	vst v63  }
0x4f: {  	p0 =	seq.s32 s22, $0x1;
	s1 =	rddreg [dreg:$0x10]  }
0x50: {  	s14 =	simm.s32 @!p0 $0x400;
	s15 =	simm.s32 @!p0 $0xC3800;
	s16 =	simm.s32 @!p0 $0x12100  }
0x51: {  	[tilespmem:s16], [sflag:$0x6] =	stream.strided.gather @!p0 [hbm4b:s1+s14], $0x2000, s15, s14, $0x38;
	[tilespmem:$0x1C500] =	vst v63  }
0x52: {  	p0 =	seq.s32 s23, $0x1;
	s1 =	rddreg [dreg:$0x12]  }
0x53: {  	s14 =	simm.s32 @!p0 $0x400;
	s15 =	simm.s32 @!p0 $0xC3800;
	s16 =	simm.s32 @!p0 $0x14100  }
0x54: {  	[tilespmem:s16], [sflag:$0x7] =	stream.strided.gather @!p0 [hbm4b:s1+s14], $0x2000, s15, s14, $0x38;
	[tilespmem:$0x1C500] =	vst v63  }
0x55: {  	p0 =	seq.s32 s26, $0x1  }
.Ltmp4:
0x56: {  	_ = 	snop;
	(pc) =	sbr.rel @p0 .LBB2_6-.Ltmp4, $2  }
0x57: {  	_ =	sdelay $0x2  }
0x58: {  	s14 =	smov.u32 s4  }
.LBB2_5:
0x59: {  	s1 =	rddreg [dreg:$0x13]  }
0x5a: {  	s26 =	simm.s32 $0x400;
	s15 =	simm.s32 $0x16100;
	s14 =	sadd.s32 s14, s1  }
0x5b: {  	[tilespmem:s15], [sflag:$0x8] =	stream.strided.gather [hbm4b:s14+s26], $0x2000, s28, s26, $0x38;
	[tilespmem:$0x1C500] =	vst v63  }
.LBB2_6:
0x5c: {  	s14 =	simm.s32 $0x0;
	s1 =	rddreg [dreg:$0x0]  }
0x5d: {  	[tilespmem:s14], [sflag:$0x11] =	stream.linear.gather [hbm4b:s1+s14], $0x4000, $0x38;
	[tilespmem:$0x1C500] =	vst v63  }
0x5e: {  	_ =	swait.ge [sflag:s31], $0x4000  }
0x5f: {  	[sflag:s31] =	ssyncset.done $0x0  }
0x60: {  	v0 =	vimm.s32 $0x0;
	[sflag:s31] =	ssyncadd.s32 $0xFFFFC000  }
0x61: {  	[tilespmem:$0x8000] =	vst v0  }
0x62: {  	[tilespmem:$0x8010] =	vst v0  }
0x63: {  	[tilespmem:$0x8020] =	vst v0  }
0x64: {  	s15 =	simm.s32 $0x10;
	[tilespmem:$0x8030] =	vst v0  }
.LBB2_7:
0x65: {  	v1 =	vld [tilespmem:s15+$0xFFFFFFF0];
	_ =	sdelay $0x4  }
0x66: {  	vm0 =	vlt.s32 v1, $0x186A0;
	v2 =	vadd.s32 $0xFFFE7960, v1  }
0x67: {  	v1 =	vsel vm0, v1, v2  }
0x68: {  	v2 =	vsel vm0, $0x0, v8;
	v3 =	vshra.s32 v1, $0x7  }
0x69: {  	v2 =	vadd.s32 v2, v3  }
0x6a: {  	vm13 =	vge.s32 v2, v7;
	vm1 =	vlt.s32 v2, v6  }
0x6b: {  	vm0 =	vmand vm13, vm1  }
0x6c: {  	v3 =	vsel vm0, $0x1, v9  }
0x6d: {  	(xrf0) =	vadd.scan.msk.s32 $0xffff, v3;
	_ =	sdelay $0x4  }
0x6e: {  	v3 =	vsel vm0, $0xFFFFFFFF, v9  }
0x6f: {  	v2 =	vsub.s32 v2, v7;
	v3 =	vadd.s32 v3, v0;
	v5, _, _ =	vpop (xrf0)  }
0x70: {  	v1 =	vshll.u32 v1, $0xE;
	v2 =	vnsel vm0, $0x0, v2;
	v3 =	vadd.s32 v5, v3  }
0x71: {  	v1 =	vand.u32 $0x1FC000, v1;
	v5 =	vshll.u32 v2, $0x15  }
0x72: {  	v1 =	vor.u32 v1, v5  }
0x73: {  	v1 =	vadd.s32 s14, v1  }
0x74: {  	v1 =	vadd.s32 v4, v1  }
0x75: {  	[tilespmem:v3+s3+$0x0] =	vst.idx.msk vm0, v1  }
0x76: {  	[tilespmem:v2+s0+$0x0] =	vst.idx.add.s32.msk vm0, v10  }
0x77: {  	v1 =	vld [tilespmem:s15+$0x0];
	_ =	sdelay $0x4  }
0x78: {  	vm14 =	vlt.s32 v1, $0x186A0;
	v2 =	vadd.s32 $0xFFFE7960, v1  }
0x79: {  	v1 =	vsel vm14, v1, v2  }
0x7a: {  	v2 =	vsel vm14, $0x0, v8;
	v3 =	vshra.s32 v1, $0x7  }
0x7b: {  	v2 =	vadd.s32 v2, v3  }
0x7c: {  	vm15 =	vge.s32 v2, v7;
	vm2 =	vlt.s32 v2, v6  }
0x7d: {  	vm1 =	vmand vm15, vm2  }
0x7e: {  	v3 =	vsel vm1, $0x1, v9  }
0x7f: {  	(xrf0) =	vadd.scan.msk.s32 $0xffff, v3;
	_ =	sdelay $0x2  }
0x80: {  	v3 =	vmpcnt.ones.xlane vm0;
	_ =	sdelay $0x1  }
0x81: {  	v0 =	vadd.s32 v0, v3;
	v3 =	vsel vm1, $0xFFFFFFFF, v9  }
0x82: {  	v2 =	vsub.s32 v2, v7;
	v3 =	vadd.s32 v3, v0;
	v5, _, _ =	vpop (xrf0)  }
0x83: {  	v1 =	vshll.u32 v1, $0xE;
	v2 =	vnsel vm1, $0x0, v2;
	v3 =	vadd.s32 v5, v3  }
0x84: {  	p0 =	sne.s32 s14, $0x3FE0;
	v1 =	vand.u32 $0x1FC000, v1;
	v5 =	vshll.u32 v2, $0x15  }
.Ltmp5:
0x85: {  	s16 =	sadd.s32 $0x10, s14;
	v1 =	vor.u32 v1, v5;
	(pc) =	sbr.rel @p0 .LBB2_7-.Ltmp5, $4  }
0x86: {  	v1 =	vadd.s32 s16, v1  }
0x87: {  	v5 =	vmpcnt.ones.xlane vm1;
	v1 =	vadd.s32 v4, v1  }
0x88: {  	[tilespmem:v3+s3+$0x0] =	vst.idx.msk vm1, v1  }
0x89: {  	s14 =	sadd.s32 $0x20, s14;
	s15 =	sadd.s32 $0x20, s15;
	v0 =	vadd.s32 v0, v5;
	[tilespmem:v2+s0+$0x0] =	vst.idx.add.s32.msk vm1, v10  }
0x8a: {  	(xrf0) =	vadd.scan.msk.s32 $0xffff, v0;
	_ =	sdelay $0x1  }
0x8b: {  	v58 =	vld [tilespmem:$0x8000]  }
0x8c: {  	v1 =	vld [tilespmem:$0x8010];
	_ =	sdelay $0x2  }
0x8d: {  	v2, _, _ =	vpop (xrf0)  }
0x8e: {  	v59 =	vld [tilespmem:$0x8020];
	(xrf0) =	vadd.scan.msk.s32 $0xffff, v58;
	(v2sf) =	vpush v2, $0xF  }
0x8f: {  	(xrf0) =	vadd.scan.msk.s32 $0xffff, v1;
	_ =	sdelay $0x3  }
0x90: {  	(xrf0) =	vadd.scan.msk.s32 $0xffff, v59  }
0x91: {  	v3, _, _ =	vpop (xrf0)  }
0x92: {  	v5, _, _ =	vpop (xrf0);
	(v2sf) =	vpush v3, $0xF  }
0x93: {  	(v2sf) =	vpush v5, $0xF;
	_ =	sdelay $0x2  }
0x94: {  	v6, _, _ =	vpop (xrf0)  }
0x95: {  	(v2sf) =	vpush v6, $0xF;
	_ =	sdelay $0x2  }
0x96: {  	s14 =	spop (v2sf)  }
0x97: {  	s15 =	sand.u32 $0xF, s14  }
0x98: {  	s16 =	sshra.s32 s14, $0x1F;
	p0 =	slt.s32 s14, $0x1;
	p1 =	sne.s32 s15, $0x0  }
0x99: {  	s19 =	sshrl.u32 s16, $0x1C;
	p0 =	por !p0, !p1  }
0x9a: {  	s15 =	simm.s32 $0x1;
	s14 =	sadd.s32 s19, s14;
	p0 =	por !p0, !p0  }
0x9b: {  	v7 =	vld [tilespmem:$0x8030];
	s14 =	sshra.s32 s14, $0x4;
	s15 =	simm.s32 @!p0 $0x0  }
0x9c: {  	s14 =	ssub.s32 s14, s15  }
0x9d: {  	s20 =	spop (v2sf);
	s21 =	sadd.s32 $0xF, s14  }
0x9e: {  	s17 =	spop (v2sf);
	s18 =	sand.u32 $0xF, s21  }
0x9f: {  	p6 =	slt.s32 s14, $0xFFFFFFF2;
	s22 =	sshra.s32 s21, $0x1F;
	p4 =	sne.s32 s18, $0x0  }
0xa0: {  	(xrf0) =	vadd.scan.msk.s32 $0xffff, v7;
	v8 =	vbroadcast v3, $0xF;
	s15 =	sadd.s32 s20, s17;
	s23 =	sshrl.u32 s22, $0x1C;
	p0 =	por !p6, !p4  }
0xa1: {  	s17 =	simm.s32 $0x1;
	s16 =	sadd.s32 s23, s21;
	p0 =	por !p0, !p0  }
0xa2: {  	v1 =	vsub.s32 v8, v1;
	v61 =	vsub.s32 v6, v59;
	s26 =	spop (v2sf);
	s16 =	sshra.s32 s16, $0x4;
	s17 =	simm.s32 @!p0 $0x0  }
0xa3: {  	v60 =	vadd.s32 v5, v1;
	v1 =	vadd.s32 s15, v61;
	s18 =	sadd.s32 s15, s26;
	s15 =	ssub.s32 s16, s17  }
0xa4: {  	p0 =	slt.s32 s15, $0x1  }
.Ltmp6:
0xa5: {  	v0 =	vsub.s32 v3, v58;
	(pc) =	sbr.rel @p0 .LBB2_15-.Ltmp6, $4  }
0xa6: {  	[tilespmem:$0x8080] =	vst v0;
	v62, _, _ =	vpop (xrf0)  }
0xa7: {  	[tilespmem:$0x8090] =	vst v60;
	v63 =	vsub.s32 v62, v7  }
0xa8: {  	[tilespmem:$0x80A0] =	vst v1;
	v0 =	vadd.s32 s18, v63  }
0xa9: {  	[tilespmem:$0x80B0] =	vst v0  }
0xaa: {  	p0 =	seq.s32 s15, $0x1  }
.Ltmp7:
0xab: {  	_ = 	snop;
	(pc) =	sbr.rel @p0 .LBB2_10-.Ltmp7, $3  }
0xac: {  	_ =	sdelay $0x1  }
0xad: {  	s16 =	simm.s32 $0x4000  }
0xae: {  	v0 =	vmov s14;
	s14 =	simm.s32 $0x0;
	s15 =	sadd.s32 $0xFFFFFFFF, s15;
	p6 =	por $0x0, $0x0;
	v1 =	vld [tilespmem:s16+$0x0]  }
0xaf: {  	_ =	sdelay $0x2  }
0xb0: {  	v2 =	vor.u32 s14, v4  }
0xb1: {  	vm0 =	vlt.s32 v2, v0;
	v2 =	vshrl.u32 v1, $0x15  }
0xb2: {  	v2 =	vnsel vm0, $0x0, v2  }
0xb3: {  	(xrf1) =	vunique.msk.u32 vm0, v2;
	_ =	sdelay $0x9  }
0xb4: {  	v3 =	vld.idx.msk [tilespmem:v2+s30+$0x0], vm0;
	_ =	sdelay $0x3  }
0xb5: {  	_, v5, _ =	vpop (xrf1)  }
0xb6: {  	v3 =	vadd.s32 v5, v3  }
0xb7: {  	v3 =	vadd.s32 $0xFFFFFFFF, v3;
	_ =	sdelay $0x2  }
0xb8: {  	p0 =	seq.s32 s15, $0x1  }
.Ltmp8:
0xb9: {  	_ = 	snop;
	(pc) =	sbr.rel @p0 .LBB2_12-.Ltmp8, $4  }
0xba: {  	[tilespmem:v3+s6+$0x0] =	vst.idx.msk vm0, v1  }
0xbb: {  	s16 =	simm.s32 $0x4010;
	[tilespmem:v2+s30+$0x0] =	vst.idx.add.s32.msk vm0, v10  }
0xbc: {  	v1 =	vld [tilespmem:s16+$0x0]  }
0xbd: {  	s17 =	sadd.s32 $0xFFFFFFFF, s15;
	p6 =	por $0x1, $0x1;
	s15 =	simm.s32 $0x0  }
.LBB2_13:
0xbe: {  	p0 =	seq.s32 s17, $0x1  }
0xbf: {  	s15 =	sadd.s32 $0x10, s15  }
0xc0: {  	v2 =	vor.u32 s15, v4  }
0xc1: {  	vm0 =	vlt.s32 v2, v0;
	v2 =	vshrl.u32 v1, $0x15  }
0xc2: {  	v2 =	vnsel vm0, $0x0, v2  }
0xc3: {  	(xrf1) =	vunique.msk.u32 vm0, v2;
	_ =	sdelay $0x8  }
0xc4: {  	v3 =	vld.idx.msk [tilespmem:v2+s30+$0x0], vm0;
	_ =	sdelay $0x4  }
0xc5: {  	_, v5, _ =	vpop (xrf1)  }
0xc6: {  	v3 =	vadd.s32 v5, v3  }
0xc7: {  	v3 =	vadd.s32 $0xFFFFFFFF, v3;
	_ =	sdelay $0x3  }
.Ltmp9:
0xc8: {  	(pc) =	sbr.rel @!p0 .LBB2_13-.Ltmp9, $4  }
0xc9: {  	[tilespmem:v3+s6+$0x0] =	vst.idx.msk vm0, v1  }
0xca: {  	s16 =	sadd.s32 $0x10, s16;
	[tilespmem:v2+s30+$0x0] =	vst.idx.add.s32.msk vm0, v10  }
0xcb: {  	v1 =	vld [tilespmem:s16+$0x0]  }
0xcc: {  	s17 =	sadd.s32 $0xFFFFFFFF, s17  }
.LBB2_14:
0xcd: {  	s15 =	sadd.s32 @p6 $0x10, s15  }
0xce: {  	s14 =	smov.u32 @p6 s15  }
0xcf: {  	v2 =	vor.u32 s14, v4  }
0xd0: {  	vm0 =	vlt.s32 v2, v0;
	v63 =	vshrl.u32 v1, $0x15  }
0xd1: {  	v0 =	vnsel vm0, $0x0, v63  }
0xd2: {  	(xrf1) =	vunique.msk.u32 vm0, v0;
	_ =	sdelay $0x9  }
0xd3: {  	v2 =	vld.idx.msk [tilespmem:v0+s30+$0x0], vm0;
	_ =	sdelay $0x3  }
0xd4: {  	_, v3, _ =	vpop (xrf1)  }
0xd5: {  	v2 =	vadd.s32 v3, v2  }
0xd6: {  	v2 =	vadd.s32 $0xFFFFFFFF, v2;
	_ =	sdelay $0x4  }
0xd7: {  	[tilespmem:v2+s6+$0x0] =	vst.idx.msk vm0, v1  }
0xd8: {  	[tilespmem:v0+s30+$0x0] =	vst.idx.add.s32.msk vm0, v10  }
.LBB2_15:
0xd9: {  	s1 =	sld [smem:$0x7FA];
	_ =	sdelay $0x2  }
0xda: {  	p0 =	seq.s32 s1, $0x1  }
.Ltmp10:
0xdb: {  	_ = 	snop;
	(pc) =	sbr.rel @p0 .LBB2_16-.Ltmp10, $4  }
.Ltmp11:
0xdc: {  	_ = 	snop;
	(pc) =	sbr.rel @!p0 .LBB2_22-.Ltmp11, $4  }
0xdd: {  	_ = 	snop  }
0xde: {  	_ = 	snop  }
0xdf: {  	s22 =	simm.s32 $0x0;
	s14 =	simm.s32 $0x0;
	s16 =	simm.s32 $0x0  }
0xe0: {  	_ = 	snop  }
.LBB2_19:
0xe1: {  	p0 =	sge.s32 s16, s25  }
0xe2: {  	s1 =	sadd.s32 @!p0 s7, s16  }
0xe3: {  	p1 =	sgt.u32 @!p0 s1, $0x305  }
0xe4: {  	s15 =	simm.s32 @!p0 $0x3FFCFA;
	p1 =	por !p1, p0  }
0xe5: {  	s15 =	simm.s32 @p1 $0x8  }
0xe6: {  	s20 =	simm.s32 @!p0 $0xC3800;
	s1 =	sadd.s32 @!p0 s1, s15  }
0xe7: {  	s15 =	sshll.u32 @!p0 s18, $0xD;
	s18 =	smov.u32 s4;
	s1 =	sshll.u32 @!p0 s1, $0x7  }
0xe8: {  	s16 =	sadd.s32 $0x1, s16;
	s18 =	smov.u32 @p1 s2;
	s1 =	sand.u32 @!p0 $0x1FFFFF80, s1  }
0xe9: {  	s15 =	sadd.s32 @!p0 $0x8100, s15;
	s1 =	sadd.s32 @!p0 s18, s1;
	s18 =	simm.s32 @!p0 $0x400  }
0xea: {  	[tilespmem:s15], [sflag:s17] =	stream.strided.gather @!p0 [hbm4b:s1+s18], $0x2000, s20, s18, $0x38;
	[tilespmem:$0x1C500] =	vst v63  }
0xeb: {  	p0 =	slt.s32 s16, s8  }
.Ltmp12:
0xec: {  	_ = 	snop;
	(pc) =	sbr.rel @!p0 .LBB2_20-.Ltmp12, $2  }
0xed: {  	_ =	sdelay $0x2  }
0xee: {  	s22 =	sadd.s32 s22, s19  }
.LBB2_16:
0xef: {  	s18 =	sand.u32 $0x7, s16;
	v0 =	vmov s16  }
0xf0: {  	s17 =	sadd.s32 $0x1, s18  }
0xf1: {  	_ =	swait.ge [sflag:s17], $0x2000  }
0xf2: {  	[sflag:s17] =	ssyncset.done $0x0  }
0xf3: {  	[sflag:s17] =	ssyncadd.s32 $0xFFFFE000  }
0xf4: {  	v0 =	vld.idx.msk [tilespmem:v0+s0+$0x0], $0xffff;
	_ =	sdelay $0x4  }
0xf5: {  	v0 =	vxor.u32 $0x80000000, v0  }
0xf6: {  	(xrf0) =	vmax.scan.msk.u32 $0xffff, v0;
	_ =	sdelay $0x5  }
0xf7: {  	v0, _, _ =	vpop (xrf0)  }
0xf8: {  	(v2sf) =	vpush v0, $0xF;
	_ =	sdelay $0xe  }
0xf9: {  	s15 =	spop (v2sf)  }
0xfa: {  	s19 =	sadd.s32 $0x8000000F, s15  }
0xfb: {  	s20 =	sand.u32 $0xF, s19  }
0xfc: {  	s26 =	sshra.s32 s19, $0x1F;
	p1 =	slt.s32 s19, $0x1;
	p0 =	sne.s32 s20, $0x0  }
0xfd: {  	s20 =	sshrl.u32 s26, $0x1C;
	p0 =	por !p1, !p0  }
0xfe: {  	s19 =	sadd.s32 s20, s19;
	s20 =	simm.s32 $0x1;
	p0 =	por !p0, !p0  }
0xff: {  	s19 =	sshra.s32 s19, $0x4;
	s20 =	simm.s32 @!p0 $0x0  }
0x100: {  	s20 =	ssub.s32 s19, s20  }
0x101: {  	p0 =	slt.s32 s20, $0x1  }
.Ltmp13:
0x102: {  	_ = 	snop;
	(pc) =	sbr.rel @p0 .LBB2_19-.Ltmp13, $2  }
0x103: {  	_ =	sdelay $0x2  }
0x104: {  	s19 =	sxor.u32 $0x80000000, s15  }
0x105: {  	s15 =	sshll.u32 s18, $0xD  }
0x106: {  	v0 =	vmov s19;
	v8 =	vmov s15  }
0x107: {  	[tilespmem:$0x1FF30] =	vst v0;
	v0 =	vor.u32 $0x80, v8;
	v19 =	vor.u32 $0x580, v8;
	v20 =	vor.u32 $0x600, v8  }
0x108: {  	v21 =	vor.u32 $0x680, v8;
	v22 =	vor.u32 $0x700, v8;
	v23 =	vor.u32 $0x780, v8  }
0x109: {  	v24 =	vor.u32 $0x800, v8;
	v25 =	vor.u32 $0x880, v8;
	v26 =	vor.u32 $0x900, v8  }
0x10a: {  	v27 =	vor.u32 $0x980, v8;
	v28 =	vor.u32 $0xA00, v8;
	v29 =	vor.u32 $0xA80, v8  }
0x10b: {  	v30 =	vor.u32 $0xB00, v8;
	v31 =	vor.u32 $0xB80, v8;
	v32 =	vor.u32 $0xC00, v8  }
0x10c: {  	v33 =	vor.u32 $0xC80, v8;
	v34 =	vor.u32 $0xD00, v8;
	v35 =	vor.u32 $0xD80, v8  }
0x10d: {  	v36 =	vor.u32 $0xE00, v8;
	v37 =	vor.u32 $0xE80, v8;
	v38 =	vor.u32 $0xF00, v8  }
0x10e: {  	v39 =	vor.u32 $0xF80, v8;
	v40 =	vor.u32 $0x1000, v8;
	v41 =	vor.u32 $0x1080, v8  }
0x10f: {  	v42 =	vor.u32 $0x1100, v8;
	v43 =	vor.u32 $0x1180, v8;
	v44 =	vor.u32 $0x1200, v8  }
0x110: {  	v45 =	vor.u32 $0x1280, v8;
	v46 =	vor.u32 $0x1300, v8;
	v47 =	vor.u32 $0x1380, v8  }
0x111: {  	v48 =	vor.u32 $0x1400, v8;
	v49 =	vor.u32 $0x1480, v8;
	v50 =	vor.u32 $0x1500, v8  }
0x112: {  	v51 =	vor.u32 $0x1580, v8;
	v52 =	vor.u32 $0x1600, v8;
	[tilespmem:$0x1FF40] =	vst v0;
	v0 =	vor.u32 $0x100, v8  }
0x113: {  	v53 =	vor.u32 $0x1680, v8;
	v54 =	vor.u32 $0x1700, v8;
	[tilespmem:$0x1FF50] =	vst v0;
	v0 =	vor.u32 $0x180, v8  }
0x114: {  	v55 =	vor.u32 $0x1780, v8;
	v56 =	vor.u32 $0x1800, v8;
	[tilespmem:$0x1FF60] =	vst v0;
	v0 =	vor.u32 $0x200, v8  }
0x115: {  	v57 =	vor.u32 $0x1880, v8;
	v58 =	vor.u32 $0x1900, v8;
	[tilespmem:$0x1FF70] =	vst v0;
	v0 =	vor.u32 $0x280, v8  }
0x116: {  	v59 =	vor.u32 $0x1980, v8;
	v60 =	vor.u32 $0x1A00, v8;
	[tilespmem:$0x1FF80] =	vst v0;
	v0 =	vor.u32 $0x300, v8  }
0x117: {  	v61 =	vor.u32 $0x1A80, v8;
	v62 =	vor.u32 $0x1B00, v8;
	[tilespmem:$0x1FF90] =	vst v0;
	v0 =	vor.u32 $0x380, v8  }
0x118: {  	v63 =	vor.u32 $0x1B80, v8;
	v3 =	vor.u32 $0x1C00, v8;
	[tilespmem:$0x1FFA0] =	vst v0;
	v0 =	vor.u32 $0x400, v8  }
0x119: {  	v5 =	vor.u32 $0x1D00, v8;
	v2 =	vor.u32 $0x1D80, v8;
	[tilespmem:$0x1FFB0] =	vst v0;
	v0 =	vor.u32 $0x480, v8  }
0x11a: {  	v6 =	vor.u32 $0x1E00, v8;
	v1 =	vor.u32 $0x1E80, v8;
	[tilespmem:$0x1FFC0] =	vst v0;
	v0 =	vor.u32 $0x500, v8  }
0x11b: {  	s21 =	simm.s32 $0x0;
	s15 =	smov.u32 s22;
	v7 =	vor.u32 $0x1F00, v8;
	v9 =	vor.u32 $0x1F80, v8;
	[tilespmem:$0x1FFD0] =	vst v0;
	v0 =	vor.u32 $0x1C80, v8  }
.LBB2_18:
0x11c: {  	v10 =	vld [tilespmem:s15+$0x0]  }
0x11d: {  	v13 =	vld [tilespmem:$0x1FF30];
	_ =	sdelay $0x3  }
0x11e: {  	v11 =	vor.u32 s21, v4;
	v12 =	vshrl.u32 v10, $0xE  }
0x11f: {  	s23 =	sand.u32 $0x7, s14;
	p0 =	slt.s32 s14, $0x8;
	vm0 =	vlt.s32 v11, v13;
	v11 =	vand.u32 $0x7F, v12  }
0x120: {  	s1 =	sadd.s32 @!p0 $0x9, s23;
	v11 =	vnsel vm0, $0x0, v11  }
0x121: {  	_ =	swait.ge @!p0 [sflag:s1], $0x800;
	v15 =	vor.u32 v8, v11  }
0x122: {  	v17 =	vld [tilespmem:$0x1FF40];
	_ =	sdelay $0x1  }
0x123: {  	[sflag:s1] =	ssyncset.done @!p0 $0x0;
	v13 =	vmul.u32 $0x80, v4;
	v12 =	vmov s23  }
0x124: {  	[sflag:s1] =	ssyncadd.s32 @!p0 $0xFFFFF800;
	v14 =	vshll.u32 v12, $0xB  }
0x125: {  	v16 =	vor.u32 v13, v14;
	v15 =	vld.idx.msk [tilespmem:v15+s29+$0x0], $0xffff  }
0x126: {  	v17 =	vor.u32 v11, v17;
	_ =	sdelay $0x3  }
0x127: {  	[tilespmem:v16+s9+$0x0] =	vst.idx.msk $0xffff, v15  }
0x128: {  	v16 =	vld.idx.msk [tilespmem:v17+s29+$0x0], $0xffff  }
0x129: {  	v17 =	vld [tilespmem:$0x1FF50];
	_ =	sdelay $0x2  }
0x12a: {  	v15 =	vor.u32 $0x1, v13  }
0x12b: {  	v15 =	vor.u32 v15, v14  }
0x12c: {  	v17 =	vor.u32 v11, v17;
	_ =	sdelay $0x3  }
0x12d: {  	[tilespmem:v15+s9+$0x0] =	vst.idx.msk $0xffff, v16  }
0x12e: {  	v16 =	vld.idx.msk [tilespmem:v17+s29+$0x0], $0xffff  }
0x12f: {  	v17 =	vld [tilespmem:$0x1FF60];
	_ =	sdelay $0x2  }
0x130: {  	v15 =	vor.u32 $0x2, v13  }
0x131: {  	v15 =	vor.u32 v15, v14  }
0x132: {  	v17 =	vor.u32 v11, v17;
	_ =	sdelay $0x3  }
0x133: {  	[tilespmem:v15+s9+$0x0] =	vst.idx.msk $0xffff, v16  }
0x134: {  	v16 =	vld.idx.msk [tilespmem:v17+s29+$0x0], $0xffff  }
0x135: {  	v17 =	vld [tilespmem:$0x1FF70];
	_ =	sdelay $0x2  }
0x136: {  	v15 =	vor.u32 $0x3, v13  }
0x137: {  	v15 =	vor.u32 v15, v14  }
0x138: {  	v17 =	vor.u32 v11, v17;
	_ =	sdelay $0x3  }
0x139: {  	[tilespmem:v15+s9+$0x0] =	vst.idx.msk $0xffff, v16  }
0x13a: {  	v16 =	vld.idx.msk [tilespmem:v17+s29+$0x0], $0xffff  }
0x13b: {  	v17 =	vld [tilespmem:$0x1FF80];
	_ =	sdelay $0x2  }
0x13c: {  	v15 =	vor.u32 $0x4, v13  }
0x13d: {  	v15 =	vor.u32 v15, v14  }
0x13e: {  	v17 =	vor.u32 v11, v17;
	_ =	sdelay $0x3  }
0x13f: {  	[tilespmem:v15+s9+$0x0] =	vst.idx.msk $0xffff, v16  }
0x140: {  	v16 =	vld.idx.msk [tilespmem:v17+s29+$0x0], $0xffff  }
0x141: {  	v17 =	vld [tilespmem:$0x1FF90];
	_ =	sdelay $0x2  }
0x142: {  	v15 =	vor.u32 $0x5, v13  }
0x143: {  	v15 =	vor.u32 v15, v14  }
0x144: {  	v17 =	vor.u32 v11, v17;
	_ =	sdelay $0x3  }
0x145: {  	[tilespmem:v15+s9+$0x0] =	vst.idx.msk $0xffff, v16  }
0x146: {  	v16 =	vld.idx.msk [tilespmem:v17+s29+$0x0], $0xffff  }
0x147: {  	v17 =	vld [tilespmem:$0x1FFA0];
	_ =	sdelay $0x2  }
0x148: {  	v15 =	vor.u32 $0x6, v13  }
0x149: {  	v15 =	vor.u32 v15, v14  }
0x14a: {  	v17 =	vor.u32 v11, v17;
	_ =	sdelay $0x3  }
0x14b: {  	[tilespmem:v15+s9+$0x0] =	vst.idx.msk $0xffff, v16  }
0x14c: {  	v16 =	vld.idx.msk [tilespmem:v17+s29+$0x0], $0xffff  }
0x14d: {  	v17 =	vld [tilespmem:$0x1FFB0];
	_ =	sdelay $0x2  }
0x14e: {  	v15 =	vor.u32 $0x7, v13  }
0x14f: {  	v15 =	vor.u32 v15, v14  }
0x150: {  	v17 =	vor.u32 v11, v17;
	_ =	sdelay $0x3  }
0x151: {  	[tilespmem:v15+s9+$0x0] =	vst.idx.msk $0xffff, v16  }
0x152: {  	v16 =	vld.idx.msk [tilespmem:v17+s29+$0x0], $0xffff  }
0x153: {  	v17 =	vld [tilespmem:$0x1FFC0];
	_ =	sdelay $0x2  }
0x154: {  	v15 =	vor.u32 $0x8, v13  }
0x155: {  	v15 =	vor.u32 v15, v14  }
0x156: {  	v17 =	vor.u32 v11, v17;
	_ =	sdelay $0x3  }
0x157: {  	[tilespmem:v15+s9+$0x0] =	vst.idx.msk $0xffff, v16  }
0x158: {  	v16 =	vld.idx.msk [tilespmem:v17+s29+$0x0], $0xffff  }
0x159: {  	v17 =	vld [tilespmem:$0x1FFD0];
	_ =	sdelay $0x2  }
0x15a: {  	v15 =	vor.u32 $0x9, v13  }
0x15b: {  	v15 =	vor.u32 v15, v14  }
0x15c: {  	v17 =	vor.u32 v11, v17;
	_ =	sdelay $0x3  }
0x15d: {  	[tilespmem:v15+s9+$0x0] =	vst.idx.msk $0xffff, v16;
	v15 =	vor.u32 $0xA, v13  }
0x15e: {  	v15 =	vor.u32 v15, v14;
	v16 =	vld.idx.msk [tilespmem:v17+s29+$0x0], $0xffff  }
0x15f: {  	v17 =	vor.u32 v11, v19;
	_ =	sdelay $0x3  }
0x160: {  	[tilespmem:v15+s9+$0x0] =	vst.idx.msk $0xffff, v16;
	v15 =	vor.u32 $0xB, v13  }
0x161: {  	v16 =	vld.idx.msk [tilespmem:v17+s29+$0x0], $0xffff;
	v15 =	vor.u32 v15, v14  }
0x162: {  	v17 =	vor.u32 v11, v20;
	_ =	sdelay $0x3  }
0x163: {  	[tilespmem:v15+s9+$0x0] =	vst.idx.msk $0xffff, v16;
	v15 =	vor.u32 $0xC, v13  }
0x164: {  	v16 =	vld.idx.msk [tilespmem:v17+s29+$0x0], $0xffff;
	v15 =	vor.u32 v15, v14  }
0x165: {  	v17 =	vor.u32 v11, v21;
	_ =	sdelay $0x3  }
0x166: {  	[tilespmem:v15+s9+$0x0] =	vst.idx.msk $0xffff, v16;
	v15 =	vor.u32 $0xD, v13  }
0x167: {  	v16 =	vld.idx.msk [tilespmem:v17+s29+$0x0], $0xffff;
	v15 =	vor.u32 v15, v14  }
0x168: {  	v17 =	vor.u32 v11, v22;
	_ =	sdelay $0x3  }
0x169: {  	[tilespmem:v15+s9+$0x0] =	vst.idx.msk $0xffff, v16;
	v15 =	vor.u32 $0xE, v13  }
0x16a: {  	v16 =	vld.idx.msk [tilespmem:v17+s29+$0x0], $0xffff;
	v15 =	vor.u32 v15, v14  }
0x16b: {  	v17 =	vor.u32 v11, v23;
	_ =	sdelay $0x3  }
0x16c: {  	[tilespmem:v15+s9+$0x0] =	vst.idx.msk $0xffff, v16;
	v15 =	vor.u32 $0xF, v13  }
0x16d: {  	v16 =	vld.idx.msk [tilespmem:v17+s29+$0x0], $0xffff;
	v15 =	vor.u32 v15, v14  }
0x16e: {  	v17 =	vor.u32 v11, v24;
	_ =	sdelay $0x3  }
0x16f: {  	[tilespmem:v15+s9+$0x0] =	vst.idx.msk $0xffff, v16;
	v15 =	vor.u32 $0x10, v13  }
0x170: {  	v16 =	vld.idx.msk [tilespmem:v17+s29+$0x0], $0xffff;
	v15 =	vor.u32 v15, v14  }
0x171: {  	v17 =	vor.u32 v11, v25;
	_ =	sdelay $0x3  }
0x172: {  	[tilespmem:v15+s9+$0x0] =	vst.idx.msk $0xffff, v16;
	v15 =	vor.u32 $0x11, v13  }
0x173: {  	v16 =	vld.idx.msk [tilespmem:v17+s29+$0x0], $0xffff;
	v15 =	vor.u32 v15, v14  }
0x174: {  	v17 =	vor.u32 v11, v26;
	_ =	sdelay $0x3  }
0x175: {  	[tilespmem:v15+s9+$0x0] =	vst.idx.msk $0xffff, v16;
	v15 =	vor.u32 $0x12, v13  }
0x176: {  	v16 =	vld.idx.msk [tilespmem:v17+s29+$0x0], $0xffff;
	v15 =	vor.u32 v15, v14  }
0x177: {  	v17 =	vor.u32 v11, v27;
	_ =	sdelay $0x3  }
0x178: {  	[tilespmem:v15+s9+$0x0] =	vst.idx.msk $0xffff, v16;
	v15 =	vor.u32 $0x13, v13  }
0x179: {  	v16 =	vld.idx.msk [tilespmem:v17+s29+$0x0], $0xffff;
	v15 =	vor.u32 v15, v14  }
0x17a: {  	v17 =	vor.u32 v11, v28;
	_ =	sdelay $0x3  }
0x17b: {  	[tilespmem:v15+s9+$0x0] =	vst.idx.msk $0xffff, v16;
	v15 =	vor.u32 $0x14, v13  }
0x17c: {  	v16 =	vld.idx.msk [tilespmem:v17+s29+$0x0], $0xffff;
	v15 =	vor.u32 v15, v14  }
0x17d: {  	v17 =	vor.u32 v11, v29;
	_ =	sdelay $0x3  }
0x17e: {  	[tilespmem:v15+s9+$0x0] =	vst.idx.msk $0xffff, v16;
	v15 =	vor.u32 $0x15, v13  }
0x17f: {  	v16 =	vld.idx.msk [tilespmem:v17+s29+$0x0], $0xffff;
	v15 =	vor.u32 v15, v14  }
0x180: {  	v17 =	vor.u32 v11, v30;
	_ =	sdelay $0x3  }
0x181: {  	[tilespmem:v15+s9+$0x0] =	vst.idx.msk $0xffff, v16;
	v15 =	vor.u32 $0x16, v13  }
0x182: {  	v16 =	vld.idx.msk [tilespmem:v17+s29+$0x0], $0xffff;
	v15 =	vor.u32 v15, v14  }
0x183: {  	v17 =	vor.u32 v11, v31;
	_ =	sdelay $0x3  }
0x184: {  	[tilespmem:v15+s9+$0x0] =	vst.idx.msk $0xffff, v16;
	v15 =	vor.u32 $0x17, v13  }
0x185: {  	v16 =	vld.idx.msk [tilespmem:v17+s29+$0x0], $0xffff;
	v15 =	vor.u32 v15, v14  }
0x186: {  	v17 =	vor.u32 v11, v32;
	_ =	sdelay $0x3  }
0x187: {  	[tilespmem:v15+s9+$0x0] =	vst.idx.msk $0xffff, v16;
	v15 =	vor.u32 $0x18, v13  }
0x188: {  	v16 =	vld.idx.msk [tilespmem:v17+s29+$0x0], $0xffff;
	v15 =	vor.u32 v15, v14  }
0x189: {  	v17 =	vor.u32 v11, v33;
	_ =	sdelay $0x3  }
0x18a: {  	[tilespmem:v15+s9+$0x0] =	vst.idx.msk $0xffff, v16;
	v15 =	vor.u32 $0x19, v13  }
0x18b: {  	v16 =	vld.idx.msk [tilespmem:v17+s29+$0x0], $0xffff;
	v15 =	vor.u32 v15, v14  }
0x18c: {  	v17 =	vor.u32 v11, v34;
	_ =	sdelay $0x3  }
0x18d: {  	[tilespmem:v15+s9+$0x0] =	vst.idx.msk $0xffff, v16;
	v15 =	vor.u32 $0x1A, v13  }
0x18e: {  	v16 =	vld.idx.msk [tilespmem:v17+s29+$0x0], $0xffff;
	v15 =	vor.u32 v15, v14  }
0x18f: {  	v17 =	vor.u32 v11, v35;
	_ =	sdelay $0x3  }
0x190: {  	[tilespmem:v15+s9+$0x0] =	vst.idx.msk $0xffff, v16;
	v15 =	vor.u32 $0x1B, v13  }
0x191: {  	v16 =	vld.idx.msk [tilespmem:v17+s29+$0x0], $0xffff;
	v15 =	vor.u32 v15, v14  }
0x192: {  	v17 =	vor.u32 v11, v36;
	_ =	sdelay $0x3  }
0x193: {  	[tilespmem:v15+s9+$0x0] =	vst.idx.msk $0xffff, v16;
	v15 =	vor.u32 $0x1C, v13  }
0x194: {  	v16 =	vld.idx.msk [tilespmem:v17+s29+$0x0], $0xffff;
	v15 =	vor.u32 v15, v14  }
0x195: {  	v17 =	vor.u32 v11, v37;
	_ =	sdelay $0x3  }
0x196: {  	[tilespmem:v15+s9+$0x0] =	vst.idx.msk $0xffff, v16;
	v15 =	vor.u32 $0x1D, v13  }
0x197: {  	v16 =	vld.idx.msk [tilespmem:v17+s29+$0x0], $0xffff;
	v15 =	vor.u32 v15, v14  }
0x198: {  	v17 =	vor.u32 v11, v38;
	_ =	sdelay $0x3  }
0x199: {  	[tilespmem:v15+s9+$0x0] =	vst.idx.msk $0xffff, v16;
	v15 =	vor.u32 $0x1E, v13  }
0x19a: {  	v16 =	vld.idx.msk [tilespmem:v17+s29+$0x0], $0xffff;
	v15 =	vor.u32 v15, v14  }
0x19b: {  	v17 =	vor.u32 v11, v39;
	_ =	sdelay $0x3  }
0x19c: {  	[tilespmem:v15+s9+$0x0] =	vst.idx.msk $0xffff, v16;
	v15 =	vor.u32 $0x1F, v13  }
0x19d: {  	v16 =	vld.idx.msk [tilespmem:v17+s29+$0x0], $0xffff;
	v15 =	vor.u32 v15, v14  }
0x19e: {  	v17 =	vor.u32 v11, v40;
	_ =	sdelay $0x3  }
0x19f: {  	[tilespmem:v15+s9+$0x0] =	vst.idx.msk $0xffff, v16;
	v15 =	vor.u32 $0x20, v13  }
0x1a0: {  	v16 =	vld.idx.msk [tilespmem:v17+s29+$0x0], $0xffff;
	v15 =	vor.u32 v15, v14  }
0x1a1: {  	v17 =	vor.u32 v11, v41;
	_ =	sdelay $0x3  }
0x1a2: {  	[tilespmem:v15+s9+$0x0] =	vst.idx.msk $0xffff, v16;
	v15 =	vor.u32 $0x21, v13  }
0x1a3: {  	v16 =	vld.idx.msk [tilespmem:v17+s29+$0x0], $0xffff;
	v15 =	vor.u32 v15, v14  }
0x1a4: {  	v17 =	vor.u32 v11, v42;
	_ =	sdelay $0x3  }
0x1a5: {  	[tilespmem:v15+s9+$0x0] =	vst.idx.msk $0xffff, v16;
	v15 =	vor.u32 $0x22, v13  }
0x1a6: {  	v16 =	vld.idx.msk [tilespmem:v17+s29+$0x0], $0xffff;
	v15 =	vor.u32 v15, v14  }
0x1a7: {  	v17 =	vor.u32 v11, v43;
	_ =	sdelay $0x3  }
0x1a8: {  	[tilespmem:v15+s9+$0x0] =	vst.idx.msk $0xffff, v16;
	v15 =	vor.u32 $0x23, v13  }
0x1a9: {  	v16 =	vld.idx.msk [tilespmem:v17+s29+$0x0], $0xffff;
	v15 =	vor.u32 v15, v14  }
0x1aa: {  	v17 =	vor.u32 v11, v44;
	_ =	sdelay $0x3  }
0x1ab: {  	[tilespmem:v15+s9+$0x0] =	vst.idx.msk $0xffff, v16;
	v15 =	vor.u32 $0x24, v13  }
0x1ac: {  	v16 =	vld.idx.msk [tilespmem:v17+s29+$0x0], $0xffff;
	v15 =	vor.u32 v15, v14  }
0x1ad: {  	v17 =	vor.u32 v11, v45;
	_ =	sdelay $0x3  }
0x1ae: {  	[tilespmem:v15+s9+$0x0] =	vst.idx.msk $0xffff, v16;
	v15 =	vor.u32 $0x25, v13  }
0x1af: {  	v16 =	vld.idx.msk [tilespmem:v17+s29+$0x0], $0xffff;
	v15 =	vor.u32 v15, v14  }
0x1b0: {  	v17 =	vor.u32 v11, v46;
	_ =	sdelay $0x3  }
0x1b1: {  	[tilespmem:v15+s9+$0x0] =	vst.idx.msk $0xffff, v16;
	v15 =	vor.u32 $0x26, v13  }
0x1b2: {  	v16 =	vld.idx.msk [tilespmem:v17+s29+$0x0], $0xffff;
	v15 =	vor.u32 v15, v14  }
0x1b3: {  	v17 =	vor.u32 v11, v47;
	_ =	sdelay $0x3  }
0x1b4: {  	[tilespmem:v15+s9+$0x0] =	vst.idx.msk $0xffff, v16;
	v15 =	vor.u32 $0x27, v13  }
0x1b5: {  	v16 =	vld.idx.msk [tilespmem:v17+s29+$0x0], $0xffff;
	v15 =	vor.u32 v15, v14  }
0x1b6: {  	v17 =	vor.u32 v11, v48;
	_ =	sdelay $0x3  }
0x1b7: {  	[tilespmem:v15+s9+$0x0] =	vst.idx.msk $0xffff, v16;
	v15 =	vor.u32 $0x28, v13  }
0x1b8: {  	v16 =	vld.idx.msk [tilespmem:v17+s29+$0x0], $0xffff;
	v15 =	vor.u32 v15, v14  }
0x1b9: {  	v17 =	vor.u32 v11, v49;
	_ =	sdelay $0x3  }
0x1ba: {  	[tilespmem:v15+s9+$0x0] =	vst.idx.msk $0xffff, v16;
	v15 =	vor.u32 $0x29, v13  }
0x1bb: {  	v16 =	vld.idx.msk [tilespmem:v17+s29+$0x0], $0xffff;
	v15 =	vor.u32 v15, v14  }
0x1bc: {  	v17 =	vor.u32 v11, v50;
	_ =	sdelay $0x3  }
0x1bd: {  	[tilespmem:v15+s9+$0x0] =	vst.idx.msk $0xffff, v16;
	v15 =	vor.u32 $0x2A, v13  }
0x1be: {  	v16 =	vld.idx.msk [tilespmem:v17+s29+$0x0], $0xffff;
	v15 =	vor.u32 v15, v14  }
0x1bf: {  	v17 =	vor.u32 v11, v51;
	_ =	sdelay $0x3  }
0x1c0: {  	[tilespmem:v15+s9+$0x0] =	vst.idx.msk $0xffff, v16;
	v15 =	vor.u32 $0x2B, v13  }
0x1c1: {  	v16 =	vld.idx.msk [tilespmem:v17+s29+$0x0], $0xffff;
	v15 =	vor.u32 v15, v14  }
0x1c2: {  	v17 =	vor.u32 v11, v52;
	_ =	sdelay $0x3  }
0x1c3: {  	[tilespmem:v15+s9+$0x0] =	vst.idx.msk $0xffff, v16;
	v15 =	vor.u32 $0x2C, v13  }
0x1c4: {  	v16 =	vld.idx.msk [tilespmem:v17+s29+$0x0], $0xffff;
	v15 =	vor.u32 v15, v14  }
0x1c5: {  	v17 =	vor.u32 v11, v53;
	_ =	sdelay $0x3  }
0x1c6: {  	[tilespmem:v15+s9+$0x0] =	vst.idx.msk $0xffff, v16;
	v15 =	vor.u32 $0x2D, v13  }
0x1c7: {  	v16 =	vld.idx.msk [tilespmem:v17+s29+$0x0], $0xffff;
	v15 =	vor.u32 v15, v14  }
0x1c8: {  	v17 =	vor.u32 v11, v54;
	_ =	sdelay $0x3  }
0x1c9: {  	[tilespmem:v15+s9+$0x0] =	vst.idx.msk $0xffff, v16;
	v15 =	vor.u32 $0x2E, v13  }
0x1ca: {  	v16 =	vld.idx.msk [tilespmem:v17+s29+$0x0], $0xffff;
	v15 =	vor.u32 v15, v14  }
0x1cb: {  	v17 =	vor.u32 v11, v55;
	_ =	sdelay $0x3  }
0x1cc: {  	[tilespmem:v15+s9+$0x0] =	vst.idx.msk $0xffff, v16;
	v15 =	vor.u32 $0x2F, v13  }
0x1cd: {  	v16 =	vld.idx.msk [tilespmem:v17+s29+$0x0], $0xffff;
	v15 =	vor.u32 v15, v14  }
0x1ce: {  	v17 =	vor.u32 v11, v56;
	_ =	sdelay $0x3  }
0x1cf: {  	[tilespmem:v15+s9+$0x0] =	vst.idx.msk $0xffff, v16;
	v15 =	vor.u32 $0x30, v13  }
0x1d0: {  	v16 =	vld.idx.msk [tilespmem:v17+s29+$0x0], $0xffff;
	v15 =	vor.u32 v15, v14  }
0x1d1: {  	v17 =	vor.u32 v11, v57;
	_ =	sdelay $0x3  }
0x1d2: {  	[tilespmem:v15+s9+$0x0] =	vst.idx.msk $0xffff, v16;
	v15 =	vor.u32 $0x31, v13  }
0x1d3: {  	v16 =	vld.idx.msk [tilespmem:v17+s29+$0x0], $0xffff;
	v15 =	vor.u32 v15, v14  }
0x1d4: {  	v17 =	vor.u32 v11, v58;
	_ =	sdelay $0x3  }
0x1d5: {  	[tilespmem:v15+s9+$0x0] =	vst.idx.msk $0xffff, v16;
	v15 =	vor.u32 $0x32, v13  }
0x1d6: {  	v16 =	vld.idx.msk [tilespmem:v17+s29+$0x0], $0xffff;
	v15 =	vor.u32 v15, v14  }
0x1d7: {  	v17 =	vor.u32 v11, v59;
	_ =	sdelay $0x3  }
0x1d8: {  	[tilespmem:v15+s9+$0x0] =	vst.idx.msk $0xffff, v16;
	v15 =	vor.u32 $0x33, v13  }
0x1d9: {  	v16 =	vld.idx.msk [tilespmem:v17+s29+$0x0], $0xffff;
	v15 =	vor.u32 v15, v14  }
0x1da: {  	v17 =	vor.u32 v11, v60;
	_ =	sdelay $0x3  }
0x1db: {  	[tilespmem:v15+s9+$0x0] =	vst.idx.msk $0xffff, v16;
	v15 =	vor.u32 $0x34, v13  }
0x1dc: {  	v16 =	vld.idx.msk [tilespmem:v17+s29+$0x0], $0xffff;
	v15 =	vor.u32 v15, v14  }
0x1dd: {  	v17 =	vor.u32 v11, v61;
	_ =	sdelay $0x3  }
0x1de: {  	[tilespmem:v15+s9+$0x0] =	vst.idx.msk $0xffff, v16;
	v15 =	vor.u32 $0x35, v13  }
0x1df: {  	v16 =	vld.idx.msk [tilespmem:v17+s29+$0x0], $0xffff;
	v15 =	vor.u32 v15, v14  }
0x1e0: {  	v17 =	vor.u32 v11, v62;
	_ =	sdelay $0x3  }
0x1e1: {  	[tilespmem:v15+s9+$0x0] =	vst.idx.msk $0xffff, v16;
	v15 =	vor.u32 $0x36, v13  }
0x1e2: {  	v16 =	vld.idx.msk [tilespmem:v17+s29+$0x0], $0xffff;
	v15 =	vor.u32 v15, v14  }
0x1e3: {  	v17 =	vor.u32 v11, v63;
	_ =	sdelay $0x3  }
0x1e4: {  	[tilespmem:v15+s9+$0x0] =	vst.idx.msk $0xffff, v16;
	v15 =	vor.u32 $0x37, v13  }
0x1e5: {  	v16 =	vld.idx.msk [tilespmem:v17+s29+$0x0], $0xffff;
	v15 =	vor.u32 v15, v14  }
0x1e6: {  	v17 =	vor.u32 v11, v3;
	_ =	sdelay $0x3  }
0x1e7: {  	[tilespmem:v15+s9+$0x0] =	vst.idx.msk $0xffff, v16;
	v15 =	vor.u32 $0x38, v13  }
0x1e8: {  	v16 =	vld.idx.msk [tilespmem:v17+s29+$0x0], $0xffff;
	v15 =	vor.u32 v15, v14  }
0x1e9: {  	v17 =	vor.u32 v11, v0;
	_ =	sdelay $0x3  }
0x1ea: {  	[tilespmem:v15+s9+$0x0] =	vst.idx.msk $0xffff, v16;
	v15 =	vor.u32 $0x39, v13  }
0x1eb: {  	v16 =	vld.idx.msk [tilespmem:v17+s29+$0x0], $0xffff;
	v15 =	vor.u32 v15, v14  }
0x1ec: {  	v17 =	vor.u32 v11, v5;
	_ =	sdelay $0x3  }
0x1ed: {  	[tilespmem:v15+s9+$0x0] =	vst.idx.msk $0xffff, v16;
	v15 =	vor.u32 $0x3A, v13  }
0x1ee: {  	v16 =	vld.idx.msk [tilespmem:v17+s29+$0x0], $0xffff;
	v15 =	vor.u32 v15, v14  }
0x1ef: {  	v17 =	vor.u32 v11, v2;
	_ =	sdelay $0x3  }
0x1f0: {  	[tilespmem:v15+s9+$0x0] =	vst.idx.msk $0xffff, v16;
	v15 =	vor.u32 $0x3B, v13  }
0x1f1: {  	v16 =	vld.idx.msk [tilespmem:v17+s29+$0x0], $0xffff;
	v15 =	vor.u32 v15, v14  }
0x1f2: {  	v17 =	vor.u32 v11, v6;
	_ =	sdelay $0x3  }
0x1f3: {  	[tilespmem:v15+s9+$0x0] =	vst.idx.msk $0xffff, v16;
	v15 =	vor.u32 $0x3C, v13  }
0x1f4: {  	v16 =	vld.idx.msk [tilespmem:v17+s29+$0x0], $0xffff;
	v15 =	vor.u32 v15, v14  }
0x1f5: {  	v17 =	vor.u32 v11, v1;
	_ =	sdelay $0x3  }
0x1f6: {  	[tilespmem:v15+s9+$0x0] =	vst.idx.msk $0xffff, v16;
	v15 =	vor.u32 $0x3D, v13  }
0x1f7: {  	v16 =	vld.idx.msk [tilespmem:v17+s29+$0x0], $0xffff;
	v15 =	vor.u32 v15, v14  }
0x1f8: {  	v17 =	vor.u32 v11, v7;
	_ =	sdelay $0x3  }
0x1f9: {  	[tilespmem:v15+s9+$0x0] =	vst.idx.msk $0xffff, v16;
	v15 =	vor.u32 $0x3E, v13  }
0x1fa: {  	v16 =	vld.idx.msk [tilespmem:v17+s29+$0x0], $0xffff;
	v15 =	vor.u32 v15, v14  }
0x1fb: {  	v11 =	vor.u32 v11, v9;
	_ =	sdelay $0x3  }
0x1fc: {  	v13 =	vor.u32 $0x3F, v13;
	[tilespmem:v15+s9+$0x0] =	vst.idx.msk $0xffff, v16  }
0x1fd: {  	v12 =	vshll.u32 v12, $0x7;
	v13 =	vor.u32 v13, v14;
	v11 =	vld.idx.msk [tilespmem:v11+s29+$0x0], $0xffff  }
0x1fe: {  	s20 =	sadd.s32 $0xFFFFFFFF, s20;
	v12 =	vor.u32 v4, v12  }
0x1ff: {  	p0 =	sne.s32 s20, $0x0  }
.Ltmp14:
0x200: {  	_ = 	snop;
	(pc) =	sbr.rel @p0 .LBB2_18-.Ltmp14, $4  }
0x201: {  	s14 =	sadd.s32 $0x1, s14;
	s15 =	sadd.s32 $0x10, s15;
	v10 =	vand.u32 $0x3FFF, v10  }
0x202: {  	s21 =	sadd.s32 $0x10, s21;
	s26 =	sshll.u32 s23, $0x7;
	s1 =	sshll.u32 s23, $0xB;
	v10 =	vsel vm0, v10, v18;
	[tilespmem:v13+s9+$0x0] =	vst.idx.msk $0xffff, v11  }
0x203: {  	s26 =	sadd.s32 $0x1C100, s26;
	s1 =	sor.u32 $0x18100, s1;
	s23 =	sadd.s32 $0x9, s23;
	[tilespmem:v12+s10+$0x0] =	vst.idx.msk $0xffff, v10  }
0x204: {  	[hbm4b:s5+s11] =	stream.indirect.scatter [tilespmem:s1], [sflag:s23], $0x80, s26, s11, $0xb8;
	[tilespmem:$0x1C500] =	vst v63  }
.Ltmp15:
0x205: {  	_ = 	snop;
	(pc) =	sbr.rel .LBB2_19-.Ltmp15, $1  }
0x206: {  	_ =	sdelay $0x3  }
.LBB2_20:
0x207: {  	p0 =	sgt.s32 s14, $0x0  }
0x208: {  	s15 =	simm.s32 @p0 $0x9  }
0x209: {  	p1 =	seq.s32 @p0 s14, $0x1;
	_ =	swait.ge @p0 [sflag:s15], $0x800  }
0x20a: {  	p1 =	por !p0, p1;
	[sflag:s15] =	ssyncset.done @p0 $0x0  }
0x20b: {  	[sflag:s15] =	ssyncadd.s32 @p0 $0xFFFFF800;
	p0 =	slt.u32 @!p1 s14, $0x3  }
0x20c: {  	p0 =	por p1, p0  }
.Ltmp16:
0x20d: {  	_ = 	snop;
	(pc) =	sbr.rel @p0 .LBB2_22-.Ltmp16, $4  }
0x20e: {  	s15 =	simm.s32 @!p1 $0xA  }
0x20f: {  	_ =	swait.ge @!p1 [sflag:s15], $0x800  }
0x210: {  	[sflag:s15] =	ssyncset.done @!p1 $0x0  }
0x211: {  	[sflag:s15] =	ssyncadd.s32 @!p1 $0xFFFFF800  }
0x212: {  	p0 =	seq.s32 s14, $0x3  }
0x213: {  	p6 =	slt.u32 @!p0 s14, $0x5  }
0x214: {  	p1 =	por p6, p0  }
0x215: {  	_ =	swait.ge [sflag:s12], $0x800;
	p2 =	seq.s32 @!p1 s14, $0x5  }
0x216: {  	[sflag:s12] =	ssyncset.done $0x0;
	s15 =	simm.s32 @!p2 $0x0;
	p3 =	por @!p0 p2, p6  }
0x217: {  	s1 =	simm.s32 @!p0 $0xC;
	s15 =	simm.s32 @p2 $0x1;
	p3 =	por p3, p0  }
0x218: {  	[sflag:s12] =	ssyncadd.s32 $0xFFFFF800;
	[smem:$0x7F3] =	sst s15;
	p4 =	slt.u32 @!p3 s14, $0x7  }
0x219: {  	_ =	swait.ge @!p0 [sflag:s1], $0x800;
	s15 =	simm.s32 @!p4 $0x0  }
0x21a: {  	[sflag:s1] =	ssyncset.done @!p0 $0x0;
	s15 =	simm.s32 @p4 $0x1  }
0x21b: {  	[sflag:s1] =	ssyncadd.s32 @!p0 $0xFFFFF800;
	s1 =	simm.s32 @!p1 $0xD;
	[smem:$0x7F2] =	sst s15  }
0x21c: {  	_ =	swait.ge @!p1 [sflag:s1], $0x800  }
0x21d: {  	[sflag:s1] =	ssyncset.done @!p1 $0x0  }
0x21e: {  	[sflag:s1] =	ssyncadd.s32 @!p1 $0xFFFFF800;
	s1 =	simm.s32 @!p3 $0xE  }
0x21f: {  	_ =	swait.ge @!p3 [sflag:s1], $0x800  }
0x220: {  	p5 =	por @!p1 p4, p2;
	s20 =	sld [smem:$0x7F2]  }
0x221: {  	p5 =	por @!p0 p5, p6;
	s22 =	sld [smem:$0x7F3]  }
0x222: {  	p5 =	por p5, p0  }
0x223: {  	p4 =	seq.s32 @!p5 s14, $0x7;
	[sflag:s1] =	ssyncset.done @!p3 $0x0;
	p2 =	seq.s32 s20, $0x1  }
0x224: {  	s21 =	sld [smem:$0x7FC];
	p4 =	por @!p3 p4, p2;
	p2 =	seq.s32 s22, $0x1  }
0x225: {  	[sflag:s1] =	ssyncadd.s32 @!p3 $0xFFFFF800;
	s1 =	simm.s32 @!p5 $0xF;
	p1 =	por @!p1 p4, p2  }
0x226: {  	s23 =	sld [smem:$0x7FB];
	_ =	swait.ge @!p5 [sflag:s1], $0x800;
	p1 =	por @!p0 p1, p6  }
.Ltmp17:
0x227: {  	[sflag:s1] =	ssyncset.done @!p5 $0x0;
	p0 =	por p1, p0;
	(pc) =	sbr.rel .LBB2_22-.Ltmp17, $4  }
0x228: {  	s26 =	sld [smem:$0x7FD];
	[sflag:s1] =	ssyncadd.s32 @!p5 $0xFFFFF800;
	s1 =	simm.s32 @!p0 $0x10  }
0x229: {  	_ =	swait.ge @!p0 [sflag:s1], $0x800  }
0x22a: {  	p3 =	seq.s32 s21, $0x1;
	[sflag:s1] =	ssyncset.done @!p0 $0x0  }
0x22b: {  	p2 =	seq.s32 s23, $0x1;
	p5 =	seq.s32 s26, $0x1;
	[sflag:s1] =	ssyncadd.s32 @!p0 $0xFFFFF800  }
.LBB2_4:
0x22c: {  	s1 =	rddreg [dreg:$0x5]  }
0x22d: {  	s14 =	simm.s32 $0x400;
	s15 =	simm.s32 @!p2 $0xC3800;
	s21 =	sld [smem:$0x7F4]  }
0x22e: {  	[tilespmem:s29], [sflag:$0x1] =	stream.strided.gather [hbm4b:s1+s14], $0x2000, s28, s14, $0x38;
	[tilespmem:$0x1C500] =	vst v63  }
0x22f: {  	s16 =	simm.s32 @!p2 $0xA100;
	s14 =	simm.s32 @!p2 $0x400;
	s1 =	rddreg [dreg:$0x7]  }
0x230: {  	[tilespmem:s16], [sflag:$0x2] =	stream.strided.gather @!p2 [hbm4b:s1+s14], $0x2000, s15, s14, $0x38;
	[tilespmem:$0x1C500] =	vst v63  }
0x231: {  	s22 =	sld [smem:$0x7F5];
	s14 =	simm.s32 @!p3 $0x400  }
0x232: {  	s15 =	simm.s32 @!p3 $0xC3800;
	s16 =	simm.s32 @!p3 $0xC100;
	s1 =	rddreg [dreg:$0x9]  }
0x233: {  	[tilespmem:s16], [sflag:$0x3] =	stream.strided.gather @!p3 [hbm4b:s1+s14], $0x2000, s15, s14, $0x38;
	[tilespmem:$0x1C500] =	vst v63  }
0x234: {  	s23 =	sld [smem:$0x7F6];
	p0 =	seq.s32 s21, $0x1;
	s14 =	simm.s32 @!p5 $0x400  }
0x235: {  	s15 =	simm.s32 @!p5 $0xC3800;
	s16 =	simm.s32 @!p5 $0xE100;
	s1 =	rddreg [dreg:$0xb]  }
0x236: {  	[tilespmem:s16], [sflag:$0x4] =	stream.strided.gather @!p5 [hbm4b:s1+s14], $0x2000, s15, s14, $0x38;
	[tilespmem:$0x1C500] =	vst v63  }
0x237: {  	s26 =	sld [smem:$0x7F7];
	s14 =	simm.s32 @!p0 $0x400  }
0x238: {  	s15 =	simm.s32 @!p0 $0xC3800;
	s16 =	simm.s32 @!p0 $0x10100;
	s1 =	rddreg [dreg:$0xd]  }
0x239: {  	[tilespmem:s16], [sflag:$0x5] =	stream.strided.gather @!p0 [hbm4b:s1+s14], $0x2000, s15, s14, $0x38;
	[tilespmem:$0x1C500] =	vst v63  }
0x23a: {  	p0 =	seq.s32 s22, $0x1;
	s1 =	rddreg [dreg:$0xf]  }
0x23b: {  	s14 =	simm.s32 @!p0 $0x400;
	s15 =	simm.s32 @!p0 $0xC3800;
	s16 =	simm.s32 @!p0 $0x12100  }
0x23c: {  	[tilespmem:s16], [sflag:$0x6] =	stream.strided.gather @!p0 [hbm4b:s1+s14], $0x2000, s15, s14, $0x38;
	[tilespmem:$0x1C500] =	vst v63  }
0x23d: {  	p0 =	seq.s32 s23, $0x1;
	s1 =	rddreg [dreg:$0x11]  }
0x23e: {  	s14 =	simm.s32 @!p0 $0x400;
	s15 =	simm.s32 @!p0 $0xC3800;
	s16 =	simm.s32 @!p0 $0x14100  }
0x23f: {  	[tilespmem:s16], [sflag:$0x7] =	stream.strided.gather @!p0 [hbm4b:s1+s14], $0x2000, s15, s14, $0x38;
	[tilespmem:$0x1C500] =	vst v63  }
0x240: {  	p0 =	seq.s32 s26, $0x1  }
.Ltmp18:
0x241: {  	_ = 	snop;
	(pc) =	sbr.rel @p0 .LBB2_6-.Ltmp18, $4  }
.Ltmp19:
0x242: {  	_ = 	snop;
	(pc) =	sbr.rel @!p0 .LBB2_5-.Ltmp19, $4  }
0x243: {  	_ = 	snop  }
0x244: {  	_ = 	snop  }
0x245: {  	s14 =	smov.u32 s2  }
0x246: {  	_ = 	snop  }
.LBB2_10:
.Ltmp20:
0x247: {  	(pc) =	sbr.rel .LBB2_14-.Ltmp20, $2  }
0x248: {  	_ =	sdelay $0x2  }
0x249: {  	s15 =	simm.s32 $0x0  }
.LBB2_12:
.Ltmp21:
0x24a: {  	(pc) =	sbr.rel .LBB2_14-.Ltmp21, $2  }
0x24b: {  	_ =	sdelay $0x2  }
0x24c: {  	s15 =	simm.s32 $0x0  }
.LBB2_23:
0x24d: {  	_ =	sfence.sel $0x180000  }
0x24e: {  	[bflag:$0x0] =	sbarrier.arrive $0xFFFF  }
0x24f: {  	_ =	strace $0x90000047  }
0x250: {  	s0 =	stileid.u32;
	[bflag:$0x2] =	sbarrier.arrive $0xFFFF  }
0x251: {  	p0 =	sne.s32 s0, $0x0;
	s0 =	rddreg [dreg:$0x4]  }
0x252: {  	s0 =	sadd.s32 @!p0 $0x100000, s0  }
0x253: {  	[sflag:s0] =	ssyncadd.tile.s32 @!p0 $0x1;
	_ =	shalt  }
.Lfunc_end2:
_tile_overlayer_lowered:
.L_overlay_start_2:
0x254: {  	(tag) =	ssettag $0x2  }
0x255: {  	s0 =	rddreg [dreg:$0x0];
	s2 =	stileid.u32  }
0x256: {  	s1 =	rddreg [dreg:$0x1];
	p0 =	sne.s32 s2, $0x0  }
0x257: {  	s3 =	rddreg [dreg:$0x2];
	[bflag:$0x3] =	sbarrier.arrive $0xFFFF;
	s2 =	simm.s32 @!p0 $0x1C11  }
0x258: {  	[timem:s3], [sflag:s2] =	dma.local @!p0 [hbm:s0], s1  }
0x259: {  	s0 =	simm.s32 @!p0 $0x11  }
0x25a: {  	_ =	swait.ge @!p0 [sflag:s0], s1  }
0x25b: {  	s1 =	ssub.s32 @!p0 $0x0, s1;
	[sflag:s0] =	ssyncset.done @!p0 $0x0  }
0x25c: {  	[sflag:s0] =	ssyncadd.s32 @!p0 s1  }
0x25d: {  	[bflag:$0x3] =	sbarrier.arrive $0xFFFF  }
0x25e: {  	_ =	shalt  }

</sc_bundles>
